<compile_context>
chip_gen: v7x
topology: tpu7x:2x2x1
jax: 0.10.2.dev20260603
libtpu: 0.0.44.dev20260713+nightly
codegen_flags: <defaults>
</compile_context>

<pallas_src>
import functools
import jax
import jax.numpy as jnp
from jax import lax
from jax.experimental import pallas as pl
from jax.experimental.pallas import tpu as pltpu
from jax.experimental.pallas import tpu_sc as plsc

_NC = 2
_NS = 16
_NW = _NC * _NS
_L = 16
_CHUNK = 32
_NBUF = 2


def kernel(token_embeddings, pos_table):
    batch, seq, dim = token_embeddings.shape
    tok_flat = token_embeddings.reshape(batch * seq * dim)
    pos_flat = pos_table.reshape(seq * dim)

    seq_per_w = seq // _NW
    steps = seq_per_w // _CHUNK
    chunk_words = _CHUNK * dim
    n_items = steps * batch

    mesh = plsc.VectorSubcoreMesh(
        core_axis_name="c", subcore_axis_name="s",
        num_cores=_NC, num_subcores=_NS,
    )

    @functools.partial(
        pl.kernel,
        out_type=jax.ShapeDtypeStruct((batch * seq * dim,), jnp.float32),
        mesh=mesh,
        scratch_types=[
            pltpu.VMEM((chunk_words,), jnp.float32),
            pltpu.VMEM((_NBUF, chunk_words), jnp.float32),
            pltpu.SemaphoreType.DMA,
            pltpu.SemaphoreType.DMA,
            pltpu.SemaphoreType.DMA,
            pltpu.SemaphoreType.DMA,
            pltpu.SemaphoreType.DMA,
        ],
    )
    def sc_add(tok_hbm, pos_hbm, out_hbm, pbuf, obuf, psem,
               isem0, isem1, osem0, osem1):
        w = lax.axis_index("s") * _NC + lax.axis_index("c")
        seq0 = w * seq_per_w
        isems = (isem0, isem1)
        osems = (osem0, osem1)

        def hbm_off(k):
            t, b = divmod(k, batch)
            return (b * seq + seq0 + t * _CHUNK) * dim

        def start_in(k):
            return pltpu.async_copy(
                tok_hbm.at[pl.ds(hbm_off(k), chunk_words)],
                obuf.at[k % _NBUF], isems[k % _NBUF])

        def start_pos(t):
            return pltpu.async_copy(
                pos_hbm.at[pl.ds((seq0 + t * _CHUNK) * dim, chunk_words)],
                pbuf, psem)

        pos_dma = {0: start_pos(0)}
        in_dma = {0: start_in(0), 1: start_in(1)}
        out_dma = {}

        for k in range(n_items):
            t, b = divmod(k, batch)
            buf = k % _NBUF
            if b == 0:
                pos_dma.pop(t).wait()
            in_dma.pop(k).wait()

            @plsc.parallel_loop(0, chunk_words, step=_L, unroll=8)
            def vbody(i):
                plsc.addupdate(obuf.at[buf, pl.ds(i, _L)],
                               pbuf[pl.ds(i, _L)])

            out_dma[k] = pltpu.async_copy(
                obuf.at[buf], out_hbm.at[pl.ds(hbm_off(k), chunk_words)],
                osems[buf])
            if b == batch - 1 and t + 1 < steps:
                pos_dma[t + 1] = start_pos(t + 1)
            if k + 2 < n_items:
                out_dma.pop(k).wait()
                in_dma[k + 2] = start_in(k + 2)

        for d in out_dma.values():
            d.wait()

    out = sc_add(tok_flat, pos_flat)
    return out.reshape(batch, seq, dim)

# --- scband reference (transcript-rebuilt; emitter-appended) ---
"""Pipeline reference for scband-learned-positional-encoding-61297773248688 (READ-ONLY COPY).

The authoritative reference and input builder live on the scoring server;
editing this copy changes nothing except your own understanding.
"""

import jax, jax.numpy as jnp
import numpy as np

CONTEXT_LENGTH = 8192
EMBED_DIM = 1024

def setup_inputs(seed: int = 0) -> dict:
    key = jax.random.key(seed)
    k1, k2 = jax.random.split(key)
    token_embeddings = jax.random.normal(k1, (4, 8192, 1024), dtype=jnp.float32)
    # learned positional embedding table (nn.Embedding weight), init ~ N(0,1) like torch default
    pos_table = jax.random.normal(k2, (CONTEXT_LENGTH, EMBED_DIM), dtype=jnp.float32)
    return {"token_embeddings": token_embeddings, "pos_table": pos_table}

def reference(token_embeddings, pos_table):
    batch_size, sequence_length, embedding_dim = token_embeddings.shape
    positions = jnp.arange(sequence_length)
    # embedding lookup: gather rows of the learned table
    position_embeddings = jnp.take(pos_table, positions, axis=0).reshape(1, sequence_length, embedding_dim)
    return token_embeddings + jnp.broadcast_to(position_embeddings, (batch_size, sequence_length, embedding_dim))

if __name__ == "__main__":
    import jax
    _d = setup_inputs()
    print(jax.jit(kernel)(*tuple(_d.values())))

</pallas_src>

<mosaic_0001>
#map = affine_map<(d0, d1) -> (0)>
module attributes {stable_mosaic.version = 14 : i64} {
  func.func @sc_add(%arg0: i32, %arg1: i32, %arg2: memref<33554432xf32, #tpu.memory_space<hbm>>, %arg3: memref<8388608xf32, #tpu.memory_space<hbm>>, %arg4: memref<33554432xf32, #tpu.memory_space<hbm>>, %arg5: memref<32768xf32, #tpu.memory_space<vmem>>, %arg6: memref<2x32768xf32, #tpu.memory_space<vmem>>, %arg7: memref<!tpu.dma_semaphore, #tpu.memory_space<semaphore_mem>>, %arg8: memref<!tpu.dma_semaphore, #tpu.memory_space<semaphore_mem>>, %arg9: memref<!tpu.dma_semaphore, #tpu.memory_space<semaphore_mem>>, %arg10: memref<!tpu.dma_semaphore, #tpu.memory_space<semaphore_mem>>, %arg11: memref<!tpu.dma_semaphore, #tpu.memory_space<semaphore_mem>>) attributes {dimension_semantics = [#tpu.dimension_semantics<core_parallel>, #tpu.dimension_semantics<subcore_parallel>], iteration_bounds = array<i64: 2, 16>, scalar_prefetch = 0 : i64, scratch_operands = 7 : i64, tpu.core_type = #tpu.core_type<sc_vector_subcore>, window_params = [{transform_indices = #map}, {transform_indices = #map}, {transform_indices = #map}]} {
    %mul3A = arith.constant 2 : i32
    %mul3A_0 = arith.muli %arg1, %mul3A : i32
    %add3A = arith.addi %mul3A_0, %arg0 : i32
    %mul3A_1 = arith.constant 256 : i32
    %mul3A_2 = arith.muli %add3A, %mul3A_1 : i32
    %add3A_3 = arith.constant 0 : i32
    %add3A_4 = arith.addi %mul3A_2, %add3A_3 : i32
    %mul3A_5 = arith.constant 1024 : i32
    %mul3A_6 = arith.muli %add3A_4, %mul3A_5 : i32
    %dma_start3A = tpu.memref_slice %arg3[%mul3A_6] : memref<8388608xf32, #tpu.memory_space<hbm>> -> memref<32768xf32, #tpu.memory_space<hbm>>
    %dma_start3A_7 = tpu.memref_slice %arg3[%mul3A_6] : memref<8388608xf32, #tpu.memory_space<hbm>> -> memref<32768xf32, #tpu.memory_space<hbm>>
    tpu.enqueue_dma source(%dma_start3A_7 : memref<32768xf32, #tpu.memory_space<hbm>>) target(%arg5 : memref<32768xf32, #tpu.memory_space<vmem>>) target_semaphore(%arg7 : memref<!tpu.dma_semaphore, #tpu.memory_space<semaphore_mem>>)
    %add3A_8 = arith.constant 0 : i32
    %add3A_9 = arith.addi %add3A_8, %mul3A_2 : i32
    %add3A_10 = arith.constant 0 : i32
    %add3A_11 = arith.addi %add3A_9, %add3A_10 : i32
    %mul3A_12 = arith.constant 1024 : i32
    %mul3A_13 = arith.muli %add3A_11, %mul3A_12 : i32
    %dma_start3A_14 = arith.constant 0 : i32
    %dma_start3A_15 = arith.constant 0 : i32
    %dma_start3A_16 = tpu.memref_slice %arg6[%dma_start3A_14, %dma_start3A_15] : memref<2x32768xf32, #tpu.memory_space<vmem>> -> memref<1x32768xf32, #tpu.memory_space<vmem>>
    %dma_start3A_17 = tpu.memref_squeeze %dma_start3A_16 : memref<1x32768xf32, #tpu.memory_space<vmem>> -> memref<32768xf32, #tpu.memory_space<vmem>>
    %dma_start3A_18 = tpu.memref_slice %arg2[%mul3A_13] : memref<33554432xf32, #tpu.memory_space<hbm>> -> memref<32768xf32, #tpu.memory_space<hbm>>
    %dma_start3A_19 = arith.constant 0 : i32
    %dma_start3A_20 = tpu.memref_slice %arg6[%dma_start3A_14, %dma_start3A_19] : memref<2x32768xf32, #tpu.memory_space<vmem>> -> memref<1x32768xf32, #tpu.memory_space<vmem>>
    %dma_start3A_21 = tpu.memref_squeeze %dma_start3A_20 : memref<1x32768xf32, #tpu.memory_space<vmem>> -> memref<32768xf32, #tpu.memory_space<vmem>>
    %dma_start3A_22 = tpu.memref_slice %arg2[%mul3A_13] : memref<33554432xf32, #tpu.memory_space<hbm>> -> memref<32768xf32, #tpu.memory_space<hbm>>
    tpu.enqueue_dma source(%dma_start3A_22 : memref<32768xf32, #tpu.memory_space<hbm>>) target(%dma_start3A_21 : memref<32768xf32, #tpu.memory_space<vmem>>) target_semaphore(%arg8 : memref<!tpu.dma_semaphore, #tpu.memory_space<semaphore_mem>>)
    %add3A_23 = arith.constant 8192 : i32
    %add3A_24 = arith.addi %add3A_23, %mul3A_2 : i32
    %add3A_25 = arith.constant 0 : i32
    %add3A_26 = arith.addi %add3A_24, %add3A_25 : i32
    %mul3A_27 = arith.constant 1024 : i32
    %mul3A_28 = arith.muli %add3A_26, %mul3A_27 : i32
    %dma_start3A_29 = arith.constant 1 : i32
    %dma_start3A_30 = arith.constant 0 : i32
    %dma_start3A_31 = tpu.memref_slice %arg6[%dma_start3A_29, %dma_start3A_30] : memref<2x32768xf32, #tpu.memory_space<vmem>> -> memref<1x32768xf32, #tpu.memory_space<vmem>>
    %dma_start3A_32 = tpu.memref_squeeze %dma_start3A_31 : memref<1x32768xf32, #tpu.memory_space<vmem>> -> memref<32768xf32, #tpu.memory_space<vmem>>
    %dma_start3A_33 = tpu.memref_slice %arg2[%mul3A_28] : memref<33554432xf32, #tpu.memory_space<hbm>> -> memref<32768xf32, #tpu.memory_space<hbm>>
    %dma_start3A_34 = arith.constant 0 : i32
    %dma_start3A_35 = tpu.memref_slice %arg6[%dma_start3A_29, %dma_start3A_34] : memref<2x32768xf32, #tpu.memory_space<vmem>> -> memref<1x32768xf32, #tpu.memory_space<vmem>>
    %dma_start3A_36 = tpu.memref_squeeze %dma_start3A_35 : memref<1x32768xf32, #tpu.memory_space<vmem>> -> memref<32768xf32, #tpu.memory_space<vmem>>
    %dma_start3A_37 = tpu.memref_slice %arg2[%mul3A_28] : memref<33554432xf32, #tpu.memory_space<hbm>> -> memref<32768xf32, #tpu.memory_space<hbm>>
    tpu.enqueue_dma source(%dma_start3A_37 : memref<32768xf32, #tpu.memory_space<hbm>>) target(%dma_start3A_36 : memref<32768xf32, #tpu.memory_space<vmem>>) target_semaphore(%arg9 : memref<!tpu.dma_semaphore, #tpu.memory_space<semaphore_mem>>)
    %dma_wait3A = tpu.memref_slice %arg3[%mul3A_6] : memref<8388608xf32, #tpu.memory_space<hbm>> -> memref<32768xf32, #tpu.memory_space<hbm>>
    %dma_wait3A_38 = tpu.memref_slice %arg3[%mul3A_6] : memref<8388608xf32, #tpu.memory_space<hbm>> -> memref<32768xf32, #tpu.memory_space<hbm>>
    tpu.wait_dma2 semaphore(%arg7 : memref<!tpu.dma_semaphore, #tpu.memory_space<semaphore_mem>>) src(%dma_wait3A_38 : memref<32768xf32, #tpu.memory_space<hbm>>) dst(%arg5 : memref<32768xf32, #tpu.memory_space<vmem>>)
    %dma_wait3A_39 = arith.constant 0 : i32
    %dma_wait3A_40 = arith.constant 0 : i32
    %dma_wait3A_41 = tpu.memref_slice %arg6[%dma_wait3A_39, %dma_wait3A_40] : memref<2x32768xf32, #tpu.memory_space<vmem>> -> memref<1x32768xf32, #tpu.memory_space<vmem>>
    %dma_wait3A_42 = tpu.memref_squeeze %dma_wait3A_41 : memref<1x32768xf32, #tpu.memory_space<vmem>> -> memref<32768xf32, #tpu.memory_space<vmem>>
    %dma_wait3A_43 = tpu.memref_slice %arg2[%mul3A_13] : memref<33554432xf32, #tpu.memory_space<hbm>> -> memref<32768xf32, #tpu.memory_space<hbm>>
    %dma_wait3A_44 = arith.constant 0 : i32
    %dma_wait3A_45 = tpu.memref_slice %arg6[%dma_wait3A_39, %dma_wait3A_44] : memref<2x32768xf32, #tpu.memory_space<vmem>> -> memref<1x32768xf32, #tpu.memory_space<vmem>>
    %dma_wait3A_46 = tpu.memref_squeeze %dma_wait3A_45 : memref<1x32768xf32, #tpu.memory_space<vmem>> -> memref<32768xf32, #tpu.memory_space<vmem>>
    %dma_wait3A_47 = tpu.memref_slice %arg2[%mul3A_13] : memref<33554432xf32, #tpu.memory_space<hbm>> -> memref<32768xf32, #tpu.memory_space<hbm>>
    tpu.wait_dma2 semaphore(%arg8 : memref<!tpu.dma_semaphore, #tpu.memory_space<semaphore_mem>>) src(%dma_wait3A_47 : memref<32768xf32, #tpu.memory_space<hbm>>) dst(%dma_wait3A_46 : memref<32768xf32, #tpu.memory_space<vmem>>)
    %parallel_loop3A = arith.constant 0 : i32
    %parallel_loop3A_48 = arith.constant 32768 : i32
    %parallel_loop3A_49 = arith.constant 16 : i32
    scf.for %parallel_loop3A_1696 = %parallel_loop3A to %parallel_loop3A_48 step %parallel_loop3A_49  : i32 {
      %parallel_loop3A_1697 = arith.index_cast %parallel_loop3A_1696 : i32 to index
      %parallel_loop3A_1698 = tpu.vector_load %arg5[%parallel_loop3A_1697] {strides = array<i32>} : memref<32768xf32, #tpu.memory_space<vmem>>, vector<16xf32>,
      %parallel_loop3A_1699 = vector.shape_cast %parallel_loop3A_1698 : vector<16xf32> to vector<16xf32>
      %parallel_loop3A_1700 = arith.constant 0 : i32
      %parallel_loop3A_1701 = arith.index_cast %parallel_loop3A_1700 : i32 to index
      %parallel_loop3A_1702 = arith.index_cast %parallel_loop3A_1696 : i32 to index
      %parallel_loop3A_1703 = tpu.vector_load %arg6[%parallel_loop3A_1701, %parallel_loop3A_1702] {strides = array<i32>} : memref<2x32768xf32, #tpu.memory_space<vmem>>, vector<1x16xf32>,
      %parallel_loop3A_1704 = vector.shape_cast %parallel_loop3A_1703 : vector<1x16xf32> to vector<16xf32>
      %parallel_loop3A_1705 = vector.shape_cast %parallel_loop3A_1699 : vector<16xf32> to vector<1x16xf32>
      tpu.vector_store %arg6[%parallel_loop3A_1701, %parallel_loop3A_1702], %parallel_loop3A_1705 {add = true, strides = array<i32>} : memref<2x32768xf32, #tpu.memory_space<vmem>>, vector<1x16xf32>,
    } {sc.loop_unroll_factor = 8 : i64, sc.parallel_access}
    %add3A_50 = arith.constant 0 : i32
    %add3A_51 = arith.addi %add3A_50, %mul3A_2 : i32
    %add3A_52 = arith.constant 0 : i32
    %add3A_53 = arith.addi %add3A_51, %add3A_52 : i32
    %mul3A_54 = arith.constant 1024 : i32
    %mul3A_55 = arith.muli %add3A_53, %mul3A_54 : i32
    %dma_start3A_56 = arith.constant 0 : i32
    %dma_start3A_57 = arith.constant 0 : i32
    %dma_start3A_58 = tpu.memref_slice %arg6[%dma_start3A_56, %dma_start3A_57] : memref<2x32768xf32, #tpu.memory_space<vmem>> -> memref<1x32768xf32, #tpu.memory_space<vmem>>
    %dma_start3A_59 = tpu.memref_squeeze %dma_start3A_58 : memref<1x32768xf32, #tpu.memory_space<vmem>> -> memref<32768xf32, #tpu.memory_space<vmem>>
    %dma_start3A_60 = tpu.memref_slice %arg4[%mul3A_55] : memref<33554432xf32, #tpu.memory_space<hbm>> -> memref<32768xf32, #tpu.memory_space<hbm>>
    %dma_start3A_61 = tpu.memref_slice %arg4[%mul3A_55] : memref<33554432xf32, #tpu.memory_space<hbm>> -> memref<32768xf32, #tpu.memory_space<hbm>>
    %dma_start3A_62 = arith.constant 0 : i32
    %dma_start3A_63 = tpu.memref_slice %arg6[%dma_start3A_56, %dma_start3A_62] : memref<2x32768xf32, #tpu.memory_space<vmem>> -> memref<1x32768xf32, #tpu.memory_space<vmem>>
    %dma_start3A_64 = tpu.memref_squeeze %dma_start3A_63 : memref<1x32768xf32, #tpu.memory_space<vmem>> -> memref<32768xf32, #tpu.memory_space<vmem>>
    tpu.enqueue_dma source(%dma_start3A_64 : memref<32768xf32, #tpu.memory_space<vmem>>) target(%dma_start3A_61 : memref<32768xf32, #tpu.memory_space<hbm>>) target_semaphore(%arg10 : memref<!tpu.dma_semaphore, #tpu.memory_space<semaphore_mem>>)
    %dma_wait3A_65 = arith.constant 0 : i32
    %dma_wait3A_66 = arith.constant 0 : i32
    %dma_wait3A_67 = tpu.memref_slice %arg6[%dma_wait3A_65, %dma_wait3A_66] : memref<2x32768xf32, #tpu.memory_space<vmem>> -> memref<1x32768xf32, #tpu.memory_space<vmem>>
    %dma_wait3A_68 = tpu.memref_squeeze %dma_wait3A_67 : memref<1x32768xf32, #tpu.memory_space<vmem>> -> memref<32768xf32, #tpu.memory_space<vmem>>
    %dma_wait3A_69 = tpu.memref_slice %arg4[%mul3A_55] : memref<33554432xf32, #tpu.memory_space<hbm>> -> memref<32768xf32, #tpu.memory_space<hbm>>
    %dma_wait3A_70 = tpu.memref_slice %arg4[%mul3A_55] : memref<33554432xf32, #tpu.memory_space<hbm>> -> memref<32768xf32, #tpu.memory_space<hbm>>
    %dma_wait3A_71 = arith.constant 0 : i32
    %dma_wait3A_72 = tpu.memref_slice %arg6[%dma_wait3A_65, %dma_wait3A_71] : memref<2x32768xf32, #tpu.memory_space<vmem>> -> memref<1x32768xf32, #tpu.memory_space<vmem>>
    %dma_wait3A_73 = tpu.memref_squeeze %dma_wait3A_72 : memref<1x32768xf32, #tpu.memory_space<vmem>> -> memref<32768xf32, #tpu.memory_space<vmem>>
    tpu.wait_dma2 semaphore(%arg10 : memref<!tpu.dma_semaphore, #tpu.memory_space<semaphore_mem>>) src(%dma_wait3A_73 : memref<32768xf32, #tpu.memory_space<vmem>>) dst(%dma_wait3A_70 : memref<32768xf32, #tpu.memory_space<hbm>>)
    %add3A_74 = arith.constant 16384 : i32
    %add3A_75 = arith.addi %add3A_74, %mul3A_2 : i32
    %add3A_76 = arith.constant 0 : i32
    %add3A_77 = arith.addi %add3A_75, %add3A_76 : i32
    %mul3A_78 = arith.constant 1024 : i32
    %mul3A_79 = arith.muli %add3A_77, %mul3A_78 : i32
    %dma_start3A_80 = arith.constant 0 : i32
    %dma_start3A_81 = arith.constant 0 : i32
    %dma_start3A_82 = tpu.memref_slice %arg6[%dma_start3A_80, %dma_start3A_81] : memref<2x32768xf32, #tpu.memory_space<vmem>> -> memref<1x32768xf32, #tpu.memory_space<vmem>>
    %dma_start3A_83 = tpu.memref_squeeze %dma_start3A_82 : memref<1x32768xf32, #tpu.memory_space<vmem>> -> memref<32768xf32, #tpu.memory_space<vmem>>
    %dma_start3A_84 = tpu.memref_slice %arg2[%mul3A_79] : memref<33554432xf32, #tpu.memory_space<hbm>> -> memref<32768xf32, #tpu.memory_space<hbm>>
    %dma_start3A_85 = arith.constant 0 : i32
    %dma_start3A_86 = tpu.memref_slice %arg6[%dma_start3A_80, %dma_start3A_85] : memref<2x32768xf32, #tpu.memory_space<vmem>> -> memref<1x32768xf32, #tpu.memory_space<vmem>>
    %dma_start3A_87 = tpu.memref_squeeze %dma_start3A_86 : memref<1x32768xf32, #tpu.memory_space<vmem>> -> memref<32768xf32, #tpu.memory_space<vmem>>
    %dma_start3A_88 = tpu.memref_slice %arg2[%mul3A_79] : memref<33554432xf32, #tpu.memory_space<hbm>> -> memref<32768xf32, #tpu.memory_space<hbm>>
    tpu.enqueue_dma source(%dma_start3A_88 : memref<32768xf32, #tpu.memory_space<hbm>>) target(%dma_start3A_87 : memref<32768xf32, #tpu.memory_space<vmem>>) target_semaphore(%arg8 : memref<!tpu.dma_semaphore, #tpu.memory_space<semaphore_mem>>)
    %dma_wait3A_89 = arith.constant 1 : i32
    %dma_wait3A_90 = arith.constant 0 : i32
    %dma_wait3A_91 = tpu.memref_slice %arg6[%dma_wait3A_89, %dma_wait3A_90] : memref<2x32768xf32, #tpu.memory_space<vmem>> -> memref<1x32768xf32, #tpu.memory_space<vmem>>
    %dma_wait3A_92 = tpu.memref_squeeze %dma_wait3A_91 : memref<1x32768xf32, #tpu.memory_space<vmem>> -> memref<32768xf32, #tpu.memory_space<vmem>>
    %dma_wait3A_93 = tpu.memref_slice %arg2[%mul3A_28] : memref<33554432xf32, #tpu.memory_space<hbm>> -> memref<32768xf32, #tpu.memory_space<hbm>>
    %dma_wait3A_94 = arith.constant 0 : i32
    %dma_wait3A_95 = tpu.memref_slice %arg6[%dma_wait3A_89, %dma_wait3A_94] : memref<2x32768xf32, #tpu.memory_space<vmem>> -> memref<1x32768xf32, #tpu.memory_space<vmem>>
    %dma_wait3A_96 = tpu.memref_squeeze %dma_wait3A_95 : memref<1x32768xf32, #tpu.memory_space<vmem>> -> memref<32768xf32, #tpu.memory_space<vmem>>
    %dma_wait3A_97 = tpu.memref_slice %arg2[%mul3A_28] : memref<33554432xf32, #tpu.memory_space<hbm>> -> memref<32768xf32, #tpu.memory_space<hbm>>
    tpu.wait_dma2 semaphore(%arg9 : memref<!tpu.dma_semaphore, #tpu.memory_space<semaphore_mem>>) src(%dma_wait3A_97 : memref<32768xf32, #tpu.memory_space<hbm>>) dst(%dma_wait3A_96 : memref<32768xf32, #tpu.memory_space<vmem>>)
    %parallel_loop3A_98 = arith.constant 0 : i32
    %parallel_loop3A_99 = arith.constant 32768 : i32
    %parallel_loop3A_100 = arith.constant 16 : i32
    scf.for %parallel_loop3A_1696 = %parallel_loop3A_98 to %parallel_loop3A_99 step %parallel_loop3A_100  : i32 {
      %parallel_loop3A_1697 = arith.index_cast %parallel_loop3A_1696 : i32 to index
      %parallel_loop3A_1698 = tpu.vector_load %arg5[%parallel_loop3A_1697] {strides = array<i32>} : memref<32768xf32, #tpu.memory_space<vmem>>, vector<16xf32>,
      %parallel_loop3A_1699 = vector.shape_cast %parallel_loop3A_1698 : vector<16xf32> to vector<16xf32>
      %parallel_loop3A_1700 = arith.constant 1 : i32
      %parallel_loop3A_1701 = arith.index_cast %parallel_loop3A_1700 : i32 to index
      %parallel_loop3A_1702 = arith.index_cast %parallel_loop3A_1696 : i32 to index
      %parallel_loop3A_1703 = tpu.vector_load %arg6[%parallel_loop3A_1701, %parallel_loop3A_1702] {strides = array<i32>} : memref<2x32768xf32, #tpu.memory_space<vmem>>, vector<1x16xf32>,
      %parallel_loop3A_1704 = vector.shape_cast %parallel_loop3A_1703 : vector<1x16xf32> to vector<16xf32>
      %parallel_loop3A_1705 = vector.shape_cast %parallel_loop3A_1699 : vector<16xf32> to vector<1x16xf32>
      tpu.vector_store %arg6[%parallel_loop3A_1701, %parallel_loop3A_1702], %parallel_loop3A_1705 {add = true, strides = array<i32>} : memref<2x32768xf32, #tpu.memory_space<vmem>>, vector<1x16xf32>,
    } {sc.loop_unroll_factor = 8 : i64, sc.parallel_access}
    %add3A_101 = arith.constant 8192 : i32
    %add3A_102 = arith.addi %add3A_101, %mul3A_2 : i32
    %add3A_103 = arith.constant 0 : i32
    %add3A_104 = arith.addi %add3A_102, %add3A_103 : i32
    %mul3A_105 = arith.constant 1024 : i32
    %mul3A_106 = arith.muli %add3A_104, %mul3A_105 : i32
    %dma_start3A_107 = arith.constant 1 : i32
    %dma_start3A_108 = arith.constant 0 : i32
    %dma_start3A_109 = tpu.memref_slice %arg6[%dma_start3A_107, %dma_start3A_108] : memref<2x32768xf32, #tpu.memory_space<vmem>> -> memref<1x32768xf32, #tpu.memory_space<vmem>>
    %dma_start3A_110 = tpu.memref_squeeze %dma_start3A_109 : memref<1x32768xf32, #tpu.memory_space<vmem>> -> memref<32768xf32, #tpu.memory_space<vmem>>
    %dma_start3A_111 = tpu.memref_slice %arg4[%mul3A_106] : memref<33554432xf32, #tpu.memory_space<hbm>> -> memref<32768xf32, #tpu.memory_space<hbm>>
    %dma_start3A_112 = tpu.memref_slice %arg4[%mul3A_106] : memref<33554432xf32, #tpu.memory_space<hbm>> -> memref<32768xf32, #tpu.memory_space<hbm>>
    %dma_start3A_113 = arith.constant 0 : i32
    %dma_start3A_114 = tpu.memref_slice %arg6[%dma_start3A_107, %dma_start3A_113] : memref<2x32768xf32, #tpu.memory_space<vmem>> -> memref<1x32768xf32, #tpu.memory_space<vmem>>
    %dma_start3A_115 = tpu.memref_squeeze %dma_start3A_114 : memref<1x32768xf32, #tpu.memory_space<vmem>> -> memref<32768xf32, #tpu.memory_space<vmem>>
    tpu.enqueue_dma source(%dma_start3A_115 : memref<32768xf32, #tpu.memory_space<vmem>>) target(%dma_start3A_112 : memref<32768xf32, #tpu.memory_space<hbm>>) target_semaphore(%arg11 : memref<!tpu.dma_semaphore, #tpu.memory_space<semaphore_mem>>)
    %dma_wait3A_116 = arith.constant 1 : i32
    %dma_wait3A_117 = arith.constant 0 : i32
    %dma_wait3A_118 = tpu.memref_slice %arg6[%dma_wait3A_116, %dma_wait3A_117] : memref<2x32768xf32, #tpu.memory_space<vmem>> -> memref<1x32768xf32, #tpu.memory_space<vmem>>
    %dma_wait3A_119 = tpu.memref_squeeze %dma_wait3A_118 : memref<1x32768xf32, #tpu.memory_space<vmem>> -> memref<32768xf32, #tpu.memory_space<vmem>>
    %dma_wait3A_120 = tpu.memref_slice %arg4[%mul3A_106] : memref<33554432xf32, #tpu.memory_space<hbm>> -> memref<32768xf32, #tpu.memory_space<hbm>>
    %dma_wait3A_121 = tpu.memref_slice %arg4[%mul3A_106] : memref<33554432xf32, #tpu.memory_space<hbm>> -> memref<32768xf32, #tpu.memory_space<hbm>>
    %dma_wait3A_122 = arith.constant 0 : i32
    %dma_wait3A_123 = tpu.memref_slice %arg6[%dma_wait3A_116, %dma_wait3A_122] : memref<2x32768xf32, #tpu.memory_space<vmem>> -> memref<1x32768xf32, #tpu.memory_space<vmem>>
    %dma_wait3A_124 = tpu.memref_squeeze %dma_wait3A_123 : memref<1x32768xf32, #tpu.memory_space<vmem>> -> memref<32768xf32, #tpu.memory_space<vmem>>
    tpu.wait_dma2 semaphore(%arg11 : memref<!tpu.dma_semaphore, #tpu.memory_space<semaphore_mem>>) src(%dma_wait3A_124 : memref<32768xf32, #tpu.memory_space<vmem>>) dst(%dma_wait3A_121 : memref<32768xf32, #tpu.memory_space<hbm>>)
    %add3A_125 = arith.constant 24576 : i32
    %add3A_126 = arith.addi %add3A_125, %mul3A_2 : i32
    %add3A_127 = arith.constant 0 : i32
    %add3A_128 = arith.addi %add3A_126, %add3A_127 : i32
    %mul3A_129 = arith.constant 1024 : i32
    %mul3A_130 = arith.muli %add3A_128, %mul3A_129 : i32
    %dma_start3A_131 = arith.constant 1 : i32
    %dma_start3A_132 = arith.constant 0 : i32
    %dma_start3A_133 = tpu.memref_slice %arg6[%dma_start3A_131, %dma_start3A_132] : memref<2x32768xf32, #tpu.memory_space<vmem>> -> memref<1x32768xf32, #tpu.memory_space<vmem>>
    %dma_start3A_134 = tpu.memref_squeeze %dma_start3A_133 : memref<1x32768xf32, #tpu.memory_space<vmem>> -> memref<32768xf32, #tpu.memory_space<vmem>>
    %dma_start3A_135 = tpu.memref_slice %arg2[%mul3A_130] : memref<33554432xf32, #tpu.memory_space<hbm>> -> memref<32768xf32, #tpu.memory_space<hbm>>
    %dma_start3A_136 = arith.constant 0 : i32
    %dma_start3A_137 = tpu.memref_slice %arg6[%dma_start3A_131, %dma_start3A_136] : memref<2x32768xf32, #tpu.memory_space<vmem>> -> memref<1x32768xf32, #tpu.memory_space<vmem>>
    %dma_start3A_138 = tpu.memref_squeeze %dma_start3A_137 : memref<1x32768xf32, #tpu.memory_space<vmem>> -> memref<32768xf32, #tpu.memory_space<vmem>>
    %dma_start3A_139 = tpu.memref_slice %arg2[%mul3A_130] : memref<33554432xf32, #tpu.memory_space<hbm>> -> memref<32768xf32, #tpu.memory_space<hbm>>
    tpu.enqueue_dma source(%dma_start3A_139 : memref<32768xf32, #tpu.memory_space<hbm>>) target(%dma_start3A_138 : memref<32768xf32, #tpu.memory_space<vmem>>) target_semaphore(%arg9 : memref<!tpu.dma_semaphore, #tpu.memory_space<semaphore_mem>>)
    %dma_wait3A_140 = arith.constant 0 : i32
    %dma_wait3A_141 = arith.constant 0 : i32
    %dma_wait3A_142 = tpu.memref_slice %arg6[%dma_wait3A_140, %dma_wait3A_141] : memref<2x32768xf32, #tpu.memory_space<vmem>> -> memref<1x32768xf32, #tpu.memory_space<vmem>>
    %dma_wait3A_143 = tpu.memref_squeeze %dma_wait3A_142 : memref<1x32768xf32, #tpu.memory_space<vmem>> -> memref<32768xf32, #tpu.memory_space<vmem>>
    %dma_wait3A_144 = tpu.memref_slice %arg2[%mul3A_79] : memref<33554432xf32, #tpu.memory_space<hbm>> -> memref<32768xf32, #tpu.memory_space<hbm>>
    %dma_wait3A_145 = arith.constant 0 : i32
    %dma_wait3A_146 = tpu.memref_slice %arg6[%dma_wait3A_140, %dma_wait3A_145] : memref<2x32768xf32, #tpu.memory_space<vmem>> -> memref<1x32768xf32, #tpu.memory_space<vmem>>
    %dma_wait3A_147 = tpu.memref_squeeze %dma_wait3A_146 : memref<1x32768xf32, #tpu.memory_space<vmem>> -> memref<32768xf32, #tpu.memory_space<vmem>>
    %dma_wait3A_148 = tpu.memref_slice %arg2[%mul3A_79] : memref<33554432xf32, #tpu.memory_space<hbm>> -> memref<32768xf32, #tpu.memory_space<hbm>>
    tpu.wait_dma2 semaphore(%arg8 : memref<!tpu.dma_semaphore, #tpu.memory_space<semaphore_mem>>) src(%dma_wait3A_148 : memref<32768xf32, #tpu.memory_space<hbm>>) dst(%dma_wait3A_147 : memref<32768xf32, #tpu.memory_space<vmem>>)
    %parallel_loop3A_149 = arith.constant 0 : i32
    %parallel_loop3A_150 = arith.constant 32768 : i32
    %parallel_loop3A_151 = arith.constant 16 : i32
    scf.for %parallel_loop3A_1696 = %parallel_loop3A_149 to %parallel_loop3A_150 step %parallel_loop3A_151  : i32 {
      %parallel_loop3A_1697 = arith.index_cast %parallel_loop3A_1696 : i32 to index
      %parallel_loop3A_1698 = tpu.vector_load %arg5[%parallel_loop3A_1697] {strides = array<i32>} : memref<32768xf32, #tpu.memory_space<vmem>>, vector<16xf32>,
      %parallel_loop3A_1699 = vector.shape_cast %parallel_loop3A_1698 : vector<16xf32> to vector<16xf32>
      %parallel_loop3A_1700 = arith.constant 0 : i32
      %parallel_loop3A_1701 = arith.index_cast %parallel_loop3A_1700 : i32 to index
      %parallel_loop3A_1702 = arith.index_cast %parallel_loop3A_1696 : i32 to index
      %parallel_loop3A_1703 = tpu.vector_load %arg6[%parallel_loop3A_1701, %parallel_loop3A_1702] {strides = array<i32>} : memref<2x32768xf32, #tpu.memory_space<vmem>>, vector<1x16xf32>,
      %parallel_loop3A_1704 = vector.shape_cast %parallel_loop3A_1703 : vector<1x16xf32> to vector<16xf32>
      %parallel_loop3A_1705 = vector.shape_cast %parallel_loop3A_1699 : vector<16xf32> to vector<1x16xf32>
      tpu.vector_store %arg6[%parallel_loop3A_1701, %parallel_loop3A_1702], %parallel_loop3A_1705 {add = true, strides = array<i32>} : memref<2x32768xf32, #tpu.memory_space<vmem>>, vector<1x16xf32>,
    } {sc.loop_unroll_factor = 8 : i64, sc.parallel_access}
    %add3A_152 = arith.constant 16384 : i32
    %add3A_153 = arith.addi %add3A_152, %mul3A_2 : i32
    %add3A_154 = arith.constant 0 : i32
    %add3A_155 = arith.addi %add3A_153, %add3A_154 : i32
    %mul3A_156 = arith.constant 1024 : i32
    %mul3A_157 = arith.muli %add3A_155, %mul3A_156 : i32
    %dma_start3A_158 = arith.constant 0 : i32
    %dma_start3A_159 = arith.constant 0 : i32
    %dma_start3A_160 = tpu.memref_slice %arg6[%dma_start3A_158, %dma_start3A_159] : memref<2x32768xf32, #tpu.memory_space<vmem>> -> memref<1x32768xf32, #tpu.memory_space<vmem>>
    %dma_start3A_161 = tpu.memref_squeeze %dma_start3A_160 : memref<1x32768xf32, #tpu.memory_space<vmem>> -> memref<32768xf32, #tpu.memory_space<vmem>>
    %dma_start3A_162 = tpu.memref_slice %arg4[%mul3A_157] : memref<33554432xf32, #tpu.memory_space<hbm>> -> memref<32768xf32, #tpu.memory_space<hbm>>
    %dma_start3A_163 = tpu.memref_slice %arg4[%mul3A_157] : memref<33554432xf32, #tpu.memory_space<hbm>> -> memref<32768xf32, #tpu.memory_space<hbm>>
    %dma_start3A_164 = arith.constant 0 : i32
    %dma_start3A_165 = tpu.memref_slice %arg6[%dma_start3A_158, %dma_start3A_164] : memref<2x32768xf32, #tpu.memory_space<vmem>> -> memref<1x32768xf32, #tpu.memory_space<vmem>>
    %dma_start3A_166 = tpu.memref_squeeze %dma_start3A_165 : memref<1x32768xf32, #tpu.memory_space<vmem>> -> memref<32768xf32, #tpu.memory_space<vmem>>
    tpu.enqueue_dma source(%dma_start3A_166 : memref<32768xf32, #tpu.memory_space<vmem>>) target(%dma_start3A_163 : memref<32768xf32, #tpu.memory_space<hbm>>) target_semaphore(%arg10 : memref<!tpu.dma_semaphore, #tpu.memory_space<semaphore_mem>>)
    %dma_wait3A_167 = arith.constant 0 : i32
    %dma_wait3A_168 = arith.constant 0 : i32
    %dma_wait3A_169 = tpu.memref_slice %arg6[%dma_wait3A_167, %dma_wait3A_168] : memref<2x32768xf32, #tpu.memory_space<vmem>> -> memref<1x32768xf32, #tpu.memory_space<vmem>>
    %dma_wait3A_170 = tpu.memref_squeeze %dma_wait3A_169 : memref<1x32768xf32, #tpu.memory_space<vmem>> -> memref<32768xf32, #tpu.memory_space<vmem>>
    %dma_wait3A_171 = tpu.memref_slice %arg4[%mul3A_157] : memref<33554432xf32, #tpu.memory_space<hbm>> -> memref<32768xf32, #tpu.memory_space<hbm>>
    %dma_wait3A_172 = tpu.memref_slice %arg4[%mul3A_157] : memref<33554432xf32, #tpu.memory_space<hbm>> -> memref<32768xf32, #tpu.memory_space<hbm>>
    %dma_wait3A_173 = arith.constant 0 : i32
    %dma_wait3A_174 = tpu.memref_slice %arg6[%dma_wait3A_167, %dma_wait3A_173] : memref<2x32768xf32, #tpu.memory_space<vmem>> -> memref<1x32768xf32, #tpu.memory_space<vmem>>
    %dma_wait3A_175 = tpu.memref_squeeze %dma_wait3A_174 : memref<1x32768xf32, #tpu.memory_space<vmem>> -> memref<32768xf32, #tpu.memory_space<vmem>>
    tpu.wait_dma2 semaphore(%arg10 : memref<!tpu.dma_semaphore, #tpu.memory_space<semaphore_mem>>) src(%dma_wait3A_175 : memref<32768xf32, #tpu.memory_space<vmem>>) dst(%dma_wait3A_172 : memref<32768xf32, #tpu.memory_space<hbm>>)
    %add3A_176 = arith.constant 0 : i32
    %add3A_177 = arith.addi %add3A_176, %mul3A_2 : i32
    %add3A_178 = arith.constant 32 : i32
    %add3A_179 = arith.addi %add3A_177, %add3A_178 : i32
    %mul3A_180 = arith.constant 1024 : i32
    %mul3A_181 = arith.muli %add3A_179, %mul3A_180 : i32
    %dma_start3A_182 = arith.constant 0 : i32
    %dma_start3A_183 = arith.constant 0 : i32
    %dma_start3A_184 = tpu.memref_slice %arg6[%dma_start3A_182, %dma_start3A_183] : memref<2x32768xf32, #tpu.memory_space<vmem>> -> memref<1x32768xf32, #tpu.memory_space<vmem>>
    %dma_start3A_185 = tpu.memref_squeeze %dma_start3A_184 : memref<1x32768xf32, #tpu.memory_space<vmem>> -> memref<32768xf32, #tpu.memory_space<vmem>>
    %dma_start3A_186 = tpu.memref_slice %arg2[%mul3A_181] : memref<33554432xf32, #tpu.memory_space<hbm>> -> memref<32768xf32, #tpu.memory_space<hbm>>
    %dma_start3A_187 = arith.constant 0 : i32
    %dma_start3A_188 = tpu.memref_slice %arg6[%dma_start3A_182, %dma_start3A_187] : memref<2x32768xf32, #tpu.memory_space<vmem>> -> memref<1x32768xf32, #tpu.memory_space<vmem>>
    %dma_start3A_189 = tpu.memref_squeeze %dma_start3A_188 : memref<1x32768xf32, #tpu.memory_space<vmem>> -> memref<32768xf32, #tpu.memory_space<vmem>>
    %dma_start3A_190 = tpu.memref_slice %arg2[%mul3A_181] : memref<33554432xf32, #tpu.memory_space<hbm>> -> memref<32768xf32, #tpu.memory_space<hbm>>
    tpu.enqueue_dma source(%dma_start3A_190 : memref<32768xf32, #tpu.memory_space<hbm>>) target(%dma_start3A_189 : memref<32768xf32, #tpu.memory_space<vmem>>) target_semaphore(%arg8 : memref<!tpu.dma_semaphore, #tpu.memory_space<semaphore_mem>>)
    %dma_wait3A_191 = arith.constant 1 : i32
    %dma_wait3A_192 = arith.constant 0 : i32
    %dma_wait3A_193 = tpu.memref_slice %arg6[%dma_wait3A_191, %dma_wait3A_192] : memref<2x32768xf32, #tpu.memory_space<vmem>> -> memref<1x32768xf32, #tpu.memory_space<vmem>>
    %dma_wait3A_194 = tpu.memref_squeeze %dma_wait3A_193 : memref<1x32768xf32, #tpu.memory_space<vmem>> -> memref<32768xf32, #tpu.memory_space<vmem>>
    %dma_wait3A_195 = tpu.memref_slice %arg2[%mul3A_130] : memref<33554432xf32, #tpu.memory_space<hbm>> -> memref<32768xf32, #tpu.memory_space<hbm>>
    %dma_wait3A_196 = arith.constant 0 : i32
    %dma_wait3A_197 = tpu.memref_slice %arg6[%dma_wait3A_191, %dma_wait3A_196] : memref<2x32768xf32, #tpu.memory_space<vmem>> -> memref<1x32768xf32, #tpu.memory_space<vmem>>
    %dma_wait3A_198 = tpu.memref_squeeze %dma_wait3A_197 : memref<1x32768xf32, #tpu.memory_space<vmem>> -> memref<32768xf32, #tpu.memory_space<vmem>>
    %dma_wait3A_199 = tpu.memref_slice %arg2[%mul3A_130] : memref<33554432xf32, #tpu.memory_space<hbm>> -> memref<32768xf32, #tpu.memory_space<hbm>>
    tpu.wait_dma2 semaphore(%arg9 : memref<!tpu.dma_semaphore, #tpu.memory_space<semaphore_mem>>) src(%dma_wait3A_199 : memref<32768xf32, #tpu.memory_space<hbm>>) dst(%dma_wait3A_198 : memref<32768xf32, #tpu.memory_space<vmem>>)
    %parallel_loop3A_200 = arith.constant 0 : i32
    %parallel_loop3A_201 = arith.constant 32768 : i32
    %parallel_loop3A_202 = arith.constant 16 : i32
    scf.for %parallel_loop3A_1696 = %parallel_loop3A_200 to %parallel_loop3A_201 step %parallel_loop3A_202  : i32 {
      %parallel_loop3A_1697 = arith.index_cast %parallel_loop3A_1696 : i32 to index
      %parallel_loop3A_1698 = tpu.vector_load %arg5[%parallel_loop3A_1697] {strides = array<i32>} : memref<32768xf32, #tpu.memory_space<vmem>>, vector<16xf32>,
      %parallel_loop3A_1699 = vector.shape_cast %parallel_loop3A_1698 : vector<16xf32> to vector<16xf32>
      %parallel_loop3A_1700 = arith.constant 1 : i32
      %parallel_loop3A_1701 = arith.index_cast %parallel_loop3A_1700 : i32 to index
      %parallel_loop3A_1702 = arith.index_cast %parallel_loop3A_1696 : i32 to index
      %parallel_loop3A_1703 = tpu.vector_load %arg6[%parallel_loop3A_1701, %parallel_loop3A_1702] {strides = array<i32>} : memref<2x32768xf32, #tpu.memory_space<vmem>>, vector<1x16xf32>,
      %parallel_loop3A_1704 = vector.shape_cast %parallel_loop3A_1703 : vector<1x16xf32> to vector<16xf32>
      %parallel_loop3A_1705 = vector.shape_cast %parallel_loop3A_1699 : vector<16xf32> to vector<1x16xf32>
      tpu.vector_store %arg6[%parallel_loop3A_1701, %parallel_loop3A_1702], %parallel_loop3A_1705 {add = true, strides = array<i32>} : memref<2x32768xf32, #tpu.memory_space<vmem>>, vector<1x16xf32>,
    } {sc.loop_unroll_factor = 8 : i64, sc.parallel_access}
    %add3A_203 = arith.constant 24576 : i32
    %add3A_204 = arith.addi %add3A_203, %mul3A_2 : i32
    %add3A_205 = arith.constant 0 : i32
    %add3A_206 = arith.addi %add3A_204, %add3A_205 : i32
    %mul3A_207 = arith.constant 1024 : i32
    %mul3A_208 = arith.muli %add3A_206, %mul3A_207 : i32
    %dma_start3A_209 = arith.constant 1 : i32
    %dma_start3A_210 = arith.constant 0 : i32
    %dma_start3A_211 = tpu.memref_slice %arg6[%dma_start3A_209, %dma_start3A_210] : memref<2x32768xf32, #tpu.memory_space<vmem>> -> memref<1x32768xf32, #tpu.memory_space<vmem>>
    %dma_start3A_212 = tpu.memref_squeeze %dma_start3A_211 : memref<1x32768xf32, #tpu.memory_space<vmem>> -> memref<32768xf32, #tpu.memory_space<vmem>>
    %dma_start3A_213 = tpu.memref_slice %arg4[%mul3A_208] : memref<33554432xf32, #tpu.memory_space<hbm>> -> memref<32768xf32, #tpu.memory_space<hbm>>
    %dma_start3A_214 = tpu.memref_slice %arg4[%mul3A_208] : memref<33554432xf32, #tpu.memory_space<hbm>> -> memref<32768xf32, #tpu.memory_space<hbm>>
    %dma_start3A_215 = arith.constant 0 : i32
    %dma_start3A_216 = tpu.memref_slice %arg6[%dma_start3A_209, %dma_start3A_215] : memref<2x32768xf32, #tpu.memory_space<vmem>> -> memref<1x32768xf32, #tpu.memory_space<vmem>>
    %dma_start3A_217 = tpu.memref_squeeze %dma_start3A_216 : memref<1x32768xf32, #tpu.memory_space<vmem>> -> memref<32768xf32, #tpu.memory_space<vmem>>
    tpu.enqueue_dma source(%dma_start3A_217 : memref<32768xf32, #tpu.memory_space<vmem>>) target(%dma_start3A_214 : memref<32768xf32, #tpu.memory_space<hbm>>) target_semaphore(%arg11 : memref<!tpu.dma_semaphore, #tpu.memory_space<semaphore_mem>>)
    %add3A_218 = arith.constant 32 : i32
    %add3A_219 = arith.addi %mul3A_2, %add3A_218 : i32
    %mul3A_220 = arith.constant 1024 : i32
    %mul3A_221 = arith.muli %add3A_219, %mul3A_220 : i32
    %dma_start3A_222 = tpu.memref_slice %arg3[%mul3A_221] : memref<8388608xf32, #tpu.memory_space<hbm>> -> memref<32768xf32, #tpu.memory_space<hbm>>
    %dma_start3A_223 = tpu.memref_slice %arg3[%mul3A_221] : memref<8388608xf32, #tpu.memory_space<hbm>> -> memref<32768xf32, #tpu.memory_space<hbm>>
    tpu.enqueue_dma source(%dma_start3A_223 : memref<32768xf32, #tpu.memory_space<hbm>>) target(%arg5 : memref<32768xf32, #tpu.memory_space<vmem>>) target_semaphore(%arg7 : memref<!tpu.dma_semaphore, #tpu.memory_space<semaphore_mem>>)
    %dma_wait3A_224 = arith.constant 1 : i32
    %dma_wait3A_225 = arith.constant 0 : i32
    %dma_wait3A_226 = tpu.memref_slice %arg6[%dma_wait3A_224, %dma_wait3A_225] : memref<2x32768xf32, #tpu.memory_space<vmem>> -> memref<1x32768xf32, #tpu.memory_space<vmem>>
    %dma_wait3A_227 = tpu.memref_squeeze %dma_wait3A_226 : memref<1x32768xf32, #tpu.memory_space<vmem>> -> memref<32768xf32, #tpu.memory_space<vmem>>
    %dma_wait3A_228 = tpu.memref_slice %arg4[%mul3A_208] : memref<33554432xf32, #tpu.memory_space<hbm>> -> memref<32768xf32, #tpu.memory_space<hbm>>
    %dma_wait3A_229 = tpu.memref_slice %arg4[%mul3A_208] : memref<33554432xf32, #tpu.memory_space<hbm>> -> memref<32768xf32, #tpu.memory_space<hbm>>
    %dma_wait3A_230 = arith.constant 0 : i32
    %dma_wait3A_231 = tpu.memref_slice %arg6[%dma_wait3A_224, %dma_wait3A_230] : memref<2x32768xf32, #tpu.memory_space<vmem>> -> memref<1x32768xf32, #tpu.memory_space<vmem>>
    %dma_wait3A_232 = tpu.memref_squeeze %dma_wait3A_231 : memref<1x32768xf32, #tpu.memory_space<vmem>> -> memref<32768xf32, #tpu.memory_space<vmem>>
    tpu.wait_dma2 semaphore(%arg11 : memref<!tpu.dma_semaphore, #tpu.memory_space<semaphore_mem>>) src(%dma_wait3A_232 : memref<32768xf32, #tpu.memory_space<vmem>>) dst(%dma_wait3A_229 : memref<32768xf32, #tpu.memory_space<hbm>>)
    %add3A_233 = arith.constant 8192 : i32
    %add3A_234 = arith.addi %add3A_233, %mul3A_2 : i32
    %add3A_235 = arith.constant 32 : i32
    %add3A_236 = arith.addi %add3A_234, %add3A_235 : i32
    %mul3A_237 = arith.constant 1024 : i32
    %mul3A_238 = arith.muli %add3A_236, %mul3A_237 : i32
    %dma_start3A_239 = arith.constant 1 : i32
    %dma_start3A_240 = arith.constant 0 : i32
    %dma_start3A_241 = tpu.memref_slice %arg6[%dma_start3A_239, %dma_start3A_240] : memref<2x32768xf32, #tpu.memory_space<vmem>> -> memref<1x32768xf32, #tpu.memory_space<vmem>>
    %dma_start3A_242 = tpu.memref_squeeze %dma_start3A_241 : memref<1x32768xf32, #tpu.memory_space<vmem>> -> memref<32768xf32, #tpu.memory_space<vmem>>
    %dma_start3A_243 = tpu.memref_slice %arg2[%mul3A_238] : memref<33554432xf32, #tpu.memory_space<hbm>> -> memref<32768xf32, #tpu.memory_space<hbm>>
    %dma_start3A_244 = arith.constant 0 : i32
    %dma_start3A_245 = tpu.memref_slice %arg6[%dma_start3A_239, %dma_start3A_244] : memref<2x32768xf32, #tpu.memory_space<vmem>> -> memref<1x32768xf32, #tpu.memory_space<vmem>>
    %dma_start3A_246 = tpu.memref_squeeze %dma_start3A_245 : memref<1x32768xf32, #tpu.memory_space<vmem>> -> memref<32768xf32, #tpu.memory_space<vmem>>
    %dma_start3A_247 = tpu.memref_slice %arg2[%mul3A_238] : memref<33554432xf32, #tpu.memory_space<hbm>> -> memref<32768xf32, #tpu.memory_space<hbm>>
    tpu.enqueue_dma source(%dma_start3A_247 : memref<32768xf32, #tpu.memory_space<hbm>>) target(%dma_start3A_246 : memref<32768xf32, #tpu.memory_space<vmem>>) target_semaphore(%arg9 : memref<!tpu.dma_semaphore, #tpu.memory_space<semaphore_mem>>)
    %dma_wait3A_248 = tpu.memref_slice %arg3[%mul3A_221] : memref<8388608xf32, #tpu.memory_space<hbm>> -> memref<32768xf32, #tpu.memory_space<hbm>>
    %dma_wait3A_249 = tpu.memref_slice %arg3[%mul3A_221] : memref<8388608xf32, #tpu.memory_space<hbm>> -> memref<32768xf32, #tpu.memory_space<hbm>>
    tpu.wait_dma2 semaphore(%arg7 : memref<!tpu.dma_semaphore, #tpu.memory_space<semaphore_mem>>) src(%dma_wait3A_249 : memref<32768xf32, #tpu.memory_space<hbm>>) dst(%arg5 : memref<32768xf32, #tpu.memory_space<vmem>>)
    %dma_wait3A_250 = arith.constant 0 : i32
    %dma_wait3A_251 = arith.constant 0 : i32
    %dma_wait3A_252 = tpu.memref_slice %arg6[%dma_wait3A_250, %dma_wait3A_251] : memref<2x32768xf32, #tpu.memory_space<vmem>> -> memref<1x32768xf32, #tpu.memory_space<vmem>>
    %dma_wait3A_253 = tpu.memref_squeeze %dma_wait3A_252 : memref<1x32768xf32, #tpu.memory_space<vmem>> -> memref<32768xf32, #tpu.memory_space<vmem>>
    %dma_wait3A_254 = tpu.memref_slice %arg2[%mul3A_181] : memref<33554432xf32, #tpu.memory_space<hbm>> -> memref<32768xf32, #tpu.memory_space<hbm>>
    %dma_wait3A_255 = arith.constant 0 : i32
    %dma_wait3A_256 = tpu.memref_slice %arg6[%dma_wait3A_250, %dma_wait3A_255] : memref<2x32768xf32, #tpu.memory_space<vmem>> -> memref<1x32768xf32, #tpu.memory_space<vmem>>
    %dma_wait3A_257 = tpu.memref_squeeze %dma_wait3A_256 : memref<1x32768xf32, #tpu.memory_space<vmem>> -> memref<32768xf32, #tpu.memory_space<vmem>>
    %dma_wait3A_258 = tpu.memref_slice %arg2[%mul3A_181] : memref<33554432xf32, #tpu.memory_space<hbm>> -> memref<32768xf32, #tpu.memory_space<hbm>>
    tpu.wait_dma2 semaphore(%arg8 : memref<!tpu.dma_semaphore, #tpu.memory_space<semaphore_mem>>) src(%dma_wait3A_258 : memref<32768xf32, #tpu.memory_space<hbm>>) dst(%dma_wait3A_257 : memref<32768xf32, #tpu.memory_space<vmem>>)
    %parallel_loop3A_259 = arith.constant 0 : i32
    %parallel_loop3A_260 = arith.constant 32768 : i32
    %parallel_loop3A_261 = arith.constant 16 : i32
    scf.for %parallel_loop3A_1696 = %parallel_loop3A_259 to %parallel_loop3A_260 step %parallel_loop3A_261  : i32 {
      %parallel_loop3A_1697 = arith.index_cast %parallel_loop3A_1696 : i32 to index
      %parallel_loop3A_1698 = tpu.vector_load %arg5[%parallel_loop3A_1697] {strides = array<i32>} : memref<32768xf32, #tpu.memory_space<vmem>>, vector<16xf32>,
      %parallel_loop3A_1699 = vector.shape_cast %parallel_loop3A_1698 : vector<16xf32> to vector<16xf32>
      %parallel_loop3A_1700 = arith.constant 0 : i32
      %parallel_loop3A_1701 = arith.index_cast %parallel_loop3A_1700 : i32 to index
      %parallel_loop3A_1702 = arith.index_cast %parallel_loop3A_1696 : i32 to index
      %parallel_loop3A_1703 = tpu.vector_load %arg6[%parallel_loop3A_1701, %parallel_loop3A_1702] {strides = array<i32>} : memref<2x32768xf32, #tpu.memory_space<vmem>>, vector<1x16xf32>,
      %parallel_loop3A_1704 = vector.shape_cast %parallel_loop3A_1703 : vector<1x16xf32> to vector<16xf32>
      %parallel_loop3A_1705 = vector.shape_cast %parallel_loop3A_1699 : vector<16xf32> to vector<1x16xf32>
      tpu.vector_store %arg6[%parallel_loop3A_1701, %parallel_loop3A_1702], %parallel_loop3A_1705 {add = true, strides = array<i32>} : memref<2x32768xf32, #tpu.memory_space<vmem>>, vector<1x16xf32>,
    } {sc.loop_unroll_factor = 8 : i64, sc.parallel_access}
    %add3A_262 = arith.constant 0 : i32
    %add3A_263 = arith.addi %add3A_262, %mul3A_2 : i32
    %add3A_264 = arith.constant 32 : i32
    %add3A_265 = arith.addi %add3A_263, %add3A_264 : i32
    %mul3A_266 = arith.constant 1024 : i32
    %mul3A_267 = arith.muli %add3A_265, %mul3A_266 : i32
    %dma_start3A_268 = arith.constant 0 : i32
    %dma_start3A_269 = arith.constant 0 : i32
    %dma_start3A_270 = tpu.memref_slice %arg6[%dma_start3A_268, %dma_start3A_269] : memref<2x32768xf32, #tpu.memory_space<vmem>> -> memref<1x32768xf32, #tpu.memory_space<vmem>>
    %dma_start3A_271 = tpu.memref_squeeze %dma_start3A_270 : memref<1x32768xf32, #tpu.memory_space<vmem>> -> memref<32768xf32, #tpu.memory_space<vmem>>
    %dma_start3A_272 = tpu.memref_slice %arg4[%mul3A_267] : memref<33554432xf32, #tpu.memory_space<hbm>> -> memref<32768xf32, #tpu.memory_space<hbm>>
    %dma_start3A_273 = tpu.memref_slice %arg4[%mul3A_267] : memref<33554432xf32, #tpu.memory_space<hbm>> -> memref<32768xf32, #tpu.memory_space<hbm>>
    %dma_start3A_274 = arith.constant 0 : i32
    %dma_start3A_275 = tpu.memref_slice %arg6[%dma_start3A_268, %dma_start3A_274] : memref<2x32768xf32, #tpu.memory_space<vmem>> -> memref<1x32768xf32, #tpu.memory_space<vmem>>
    %dma_start3A_276 = tpu.memref_squeeze %dma_start3A_275 : memref<1x32768xf32, #tpu.memory_space<vmem>> -> memref<32768xf32, #tpu.memory_space<vmem>>
    tpu.enqueue_dma source(%dma_start3A_276 : memref<32768xf32, #tpu.memory_space<vmem>>) target(%dma_start3A_273 : memref<32768xf32, #tpu.memory_space<hbm>>) target_semaphore(%arg10 : memref<!tpu.dma_semaphore, #tpu.memory_space<semaphore_mem>>)
    %dma_wait3A_277 = arith.constant 0 : i32
    %dma_wait3A_278 = arith.constant 0 : i32
    %dma_wait3A_279 = tpu.memref_slice %arg6[%dma_wait3A_277, %dma_wait3A_278] : memref<2x32768xf32, #tpu.memory_space<vmem>> -> memref<1x32768xf32, #tpu.memory_space<vmem>>
    %dma_wait3A_280 = tpu.memref_squeeze %dma_wait3A_279 : memref<1x32768xf32, #tpu.memory_space<vmem>> -> memref<32768xf32, #tpu.memory_space<vmem>>
    %dma_wait3A_281 = tpu.memref_slice %arg4[%mul3A_267] : memref<33554432xf32, #tpu.memory_space<hbm>> -> memref<32768xf32, #tpu.memory_space<hbm>>
    %dma_wait3A_282 = tpu.memref_slice %arg4[%mul3A_267] : memref<33554432xf32, #tpu.memory_space<hbm>> -> memref<32768xf32, #tpu.memory_space<hbm>>
    %dma_wait3A_283 = arith.constant 0 : i32
    %dma_wait3A_284 = tpu.memref_slice %arg6[%dma_wait3A_277, %dma_wait3A_283] : memref<2x32768xf32, #tpu.memory_space<vmem>> -> memref<1x32768xf32, #tpu.memory_space<vmem>>
    %dma_wait3A_285 = tpu.memref_squeeze %dma_wait3A_284 : memref<1x32768xf32, #tpu.memory_space<vmem>> -> memref<32768xf32, #tpu.memory_space<vmem>>
    tpu.wait_dma2 semaphore(%arg10 : memref<!tpu.dma_semaphore, #tpu.memory_space<semaphore_mem>>) src(%dma_wait3A_285 : memref<32768xf32, #tpu.memory_space<vmem>>) dst(%dma_wait3A_282 : memref<32768xf32, #tpu.memory_space<hbm>>)
    %add3A_286 = arith.constant 16384 : i32
    %add3A_287 = arith.addi %add3A_286, %mul3A_2 : i32
    %add3A_288 = arith.constant 32 : i32
    %add3A_289 = arith.addi %add3A_287, %add3A_288 : i32
    %mul3A_290 = arith.constant 1024 : i32
    %mul3A_291 = arith.muli %add3A_289, %mul3A_290 : i32
    %dma_start3A_292 = arith.constant 0 : i32
    %dma_start3A_293 = arith.constant 0 : i32
    %dma_start3A_294 = tpu.memref_slice %arg6[%dma_start3A_292, %dma_start3A_293] : memref<2x32768xf32, #tpu.memory_space<vmem>> -> memref<1x32768xf32, #tpu.memory_space<vmem>>
    %dma_start3A_295 = tpu.memref_squeeze %dma_start3A_294 : memref<1x32768xf32, #tpu.memory_space<vmem>> -> memref<32768xf32, #tpu.memory_space<vmem>>
    %dma_start3A_296 = tpu.memref_slice %arg2[%mul3A_291] : memref<33554432xf32, #tpu.memory_space<hbm>> -> memref<32768xf32, #tpu.memory_space<hbm>>
    %dma_start3A_297 = arith.constant 0 : i32
    %dma_start3A_298 = tpu.memref_slice %arg6[%dma_start3A_292, %dma_start3A_297] : memref<2x32768xf32, #tpu.memory_space<vmem>> -> memref<1x32768xf32, #tpu.memory_space<vmem>>
    %dma_start3A_299 = tpu.memref_squeeze %dma_start3A_298 : memref<1x32768xf32, #tpu.memory_space<vmem>> -> memref<32768xf32, #tpu.memory_space<vmem>>
    %dma_start3A_300 = tpu.memref_slice %arg2[%mul3A_291] : memref<33554432xf32, #tpu.memory_space<hbm>> -> memref<32768xf32, #tpu.memory_space<hbm>>
    tpu.enqueue_dma source(%dma_start3A_300 : memref<32768xf32, #tpu.memory_space<hbm>>) target(%dma_start3A_299 : memref<32768xf32, #tpu.memory_space<vmem>>) target_semaphore(%arg8 : memref<!tpu.dma_semaphore, #tpu.memory_space<semaphore_mem>>)
    %dma_wait3A_301 = arith.constant 1 : i32
    %dma_wait3A_302 = arith.constant 0 : i32
    %dma_wait3A_303 = tpu.memref_slice %arg6[%dma_wait3A_301, %dma_wait3A_302] : memref<2x32768xf32, #tpu.memory_space<vmem>> -> memref<1x32768xf32, #tpu.memory_space<vmem>>
    %dma_wait3A_304 = tpu.memref_squeeze %dma_wait3A_303 : memref<1x32768xf32, #tpu.memory_space<vmem>> -> memref<32768xf32, #tpu.memory_space<vmem>>
    %dma_wait3A_305 = tpu.memref_slice %arg2[%mul3A_238] : memref<33554432xf32, #tpu.memory_space<hbm>> -> memref<32768xf32, #tpu.memory_space<hbm>>
    %dma_wait3A_306 = arith.constant 0 : i32
    %dma_wait3A_307 = tpu.memref_slice %arg6[%dma_wait3A_301, %dma_wait3A_306] : memref<2x32768xf32, #tpu.memory_space<vmem>> -> memref<1x32768xf32, #tpu.memory_space<vmem>>
    %dma_wait3A_308 = tpu.memref_squeeze %dma_wait3A_307 : memref<1x32768xf32, #tpu.memory_space<vmem>> -> memref<32768xf32, #tpu.memory_space<vmem>>
    %dma_wait3A_309 = tpu.memref_slice %arg2[%mul3A_238] : memref<33554432xf32, #tpu.memory_space<hbm>> -> memref<32768xf32, #tpu.memory_space<hbm>>
    tpu.wait_dma2 semaphore(%arg9 : memref<!tpu.dma_semaphore, #tpu.memory_space<semaphore_mem>>) src(%dma_wait3A_309 : memref<32768xf32, #tpu.memory_space<hbm>>) dst(%dma_wait3A_308 : memref<32768xf32, #tpu.memory_space<vmem>>)
    %parallel_loop3A_310 = arith.constant 0 : i32
    %parallel_loop3A_311 = arith.constant 32768 : i32
    %parallel_loop3A_312 = arith.constant 16 : i32
    scf.for %parallel_loop3A_1696 = %parallel_loop3A_310 to %parallel_loop3A_311 step %parallel_loop3A_312  : i32 {
      %parallel_loop3A_1697 = arith.index_cast %parallel_loop3A_1696 : i32 to index
      %parallel_loop3A_1698 = tpu.vector_load %arg5[%parallel_loop3A_1697] {strides = array<i32>} : memref<32768xf32, #tpu.memory_space<vmem>>, vector<16xf32>,
      %parallel_loop3A_1699 = vector.shape_cast %parallel_loop3A_1698 : vector<16xf32> to vector<16xf32>
      %parallel_loop3A_1700 = arith.constant 1 : i32
      %parallel_loop3A_1701 = arith.index_cast %parallel_loop3A_1700 : i32 to index
      %parallel_loop3A_1702 = arith.index_cast %parallel_loop3A_1696 : i32 to index
      %parallel_loop3A_1703 = tpu.vector_load %arg6[%parallel_loop3A_1701, %parallel_loop3A_1702] {strides = array<i32>} : memref<2x32768xf32, #tpu.memory_space<vmem>>, vector<1x16xf32>,
      %parallel_loop3A_1704 = vector.shape_cast %parallel_loop3A_1703 : vector<1x16xf32> to vector<16xf32>
      %parallel_loop3A_1705 = vector.shape_cast %parallel_loop3A_1699 : vector<16xf32> to vector<1x16xf32>
      tpu.vector_store %arg6[%parallel_loop3A_1701, %parallel_loop3A_1702], %parallel_loop3A_1705 {add = true, strides = array<i32>} : memref<2x32768xf32, #tpu.memory_space<vmem>>, vector<1x16xf32>,
    } {sc.loop_unroll_factor = 8 : i64, sc.parallel_access}
    %add3A_313 = arith.constant 8192 : i32
    %add3A_314 = arith.addi %add3A_313, %mul3A_2 : i32
    %add3A_315 = arith.constant 32 : i32
    %add3A_316 = arith.addi %add3A_314, %add3A_315 : i32
    %mul3A_317 = arith.constant 1024 : i32
    %mul3A_318 = arith.muli %add3A_316, %mul3A_317 : i32
    %dma_start3A_319 = arith.constant 1 : i32
    %dma_start3A_320 = arith.constant 0 : i32
    %dma_start3A_321 = tpu.memref_slice %arg6[%dma_start3A_319, %dma_start3A_320] : memref<2x32768xf32, #tpu.memory_space<vmem>> -> memref<1x32768xf32, #tpu.memory_space<vmem>>
    %dma_start3A_322 = tpu.memref_squeeze %dma_start3A_321 : memref<1x32768xf32, #tpu.memory_space<vmem>> -> memref<32768xf32, #tpu.memory_space<vmem>>
    %dma_start3A_323 = tpu.memref_slice %arg4[%mul3A_318] : memref<33554432xf32, #tpu.memory_space<hbm>> -> memref<32768xf32, #tpu.memory_space<hbm>>
    %dma_start3A_324 = tpu.memref_slice %arg4[%mul3A_318] : memref<33554432xf32, #tpu.memory_space<hbm>> -> memref<32768xf32, #tpu.memory_space<hbm>>
    %dma_start3A_325 = arith.constant 0 : i32
    %dma_start3A_326 = tpu.memref_slice %arg6[%dma_start3A_319, %dma_start3A_325] : memref<2x32768xf32, #tpu.memory_space<vmem>> -> memref<1x32768xf32, #tpu.memory_space<vmem>>
    %dma_start3A_327 = tpu.memref_squeeze %dma_start3A_326 : memref<1x32768xf32, #tpu.memory_space<vmem>> -> memref<32768xf32, #tpu.memory_space<vmem>>
    tpu.enqueue_dma source(%dma_start3A_327 : memref<32768xf32, #tpu.memory_space<vmem>>) target(%dma_start3A_324 : memref<32768xf32, #tpu.memory_space<hbm>>) target_semaphore(%arg11 : memref<!tpu.dma_semaphore, #tpu.memory_space<semaphore_mem>>)
    %dma_wait3A_328 = arith.constant 1 : i32
    %dma_wait3A_329 = arith.constant 0 : i32
    %dma_wait3A_330 = tpu.memref_slice %arg6[%dma_wait3A_328, %dma_wait3A_329] : memref<2x32768xf32, #tpu.memory_space<vmem>> -> memref<1x32768xf32, #tpu.memory_space<vmem>>
    %dma_wait3A_331 = tpu.memref_squeeze %dma_wait3A_330 : memref<1x32768xf32, #tpu.memory_space<vmem>> -> memref<32768xf32, #tpu.memory_space<vmem>>
    %dma_wait3A_332 = tpu.memref_slice %arg4[%mul3A_318] : memref<33554432xf32, #tpu.memory_space<hbm>> -> memref<32768xf32, #tpu.memory_space<hbm>>
    %dma_wait3A_333 = tpu.memref_slice %arg4[%mul3A_318] : memref<33554432xf32, #tpu.memory_space<hbm>> -> memref<32768xf32, #tpu.memory_space<hbm>>
    %dma_wait3A_334 = arith.constant 0 : i32
    %dma_wait3A_335 = tpu.memref_slice %arg6[%dma_wait3A_328, %dma_wait3A_334] : memref<2x32768xf32, #tpu.memory_space<vmem>> -> memref<1x32768xf32, #tpu.memory_space<vmem>>
    %dma_wait3A_336 = tpu.memref_squeeze %dma_wait3A_335 : memref<1x32768xf32, #tpu.memory_space<vmem>> -> memref<32768xf32, #tpu.memory_space<vmem>>
    tpu.wait_dma2 semaphore(%arg11 : memref<!tpu.dma_semaphore, #tpu.memory_space<semaphore_mem>>) src(%dma_wait3A_336 : memref<32768xf32, #tpu.memory_space<vmem>>) dst(%dma_wait3A_333 : memref<32768xf32, #tpu.memory_space<hbm>>)
    %add3A_337 = arith.constant 24576 : i32
    %add3A_338 = arith.addi %add3A_337, %mul3A_2 : i32
    %add3A_339 = arith.constant 32 : i32
    %add3A_340 = arith.addi %add3A_338, %add3A_339 : i32
    %mul3A_341 = arith.constant 1024 : i32
    %mul3A_342 = arith.muli %add3A_340, %mul3A_341 : i32
    %dma_start3A_343 = arith.constant 1 : i32
    %dma_start3A_344 = arith.constant 0 : i32
    %dma_start3A_345 = tpu.memref_slice %arg6[%dma_start3A_343, %dma_start3A_344] : memref<2x32768xf32, #tpu.memory_space<vmem>> -> memref<1x32768xf32, #tpu.memory_space<vmem>>
    %dma_start3A_346 = tpu.memref_squeeze %dma_start3A_345 : memref<1x32768xf32, #tpu.memory_space<vmem>> -> memref<32768xf32, #tpu.memory_space<vmem>>
    %dma_start3A_347 = tpu.memref_slice %arg2[%mul3A_342] : memref<33554432xf32, #tpu.memory_space<hbm>> -> memref<32768xf32, #tpu.memory_space<hbm>>
    %dma_start3A_348 = arith.constant 0 : i32
    %dma_start3A_349 = tpu.memref_slice %arg6[%dma_start3A_343, %dma_start3A_348] : memref<2x32768xf32, #tpu.memory_space<vmem>> -> memref<1x32768xf32, #tpu.memory_space<vmem>>
    %dma_start3A_350 = tpu.memref_squeeze %dma_start3A_349 : memref<1x32768xf32, #tpu.memory_space<vmem>> -> memref<32768xf32, #tpu.memory_space<vmem>>
    %dma_start3A_351 = tpu.memref_slice %arg2[%mul3A_342] : memref<33554432xf32, #tpu.memory_space<hbm>> -> memref<32768xf32, #tpu.memory_space<hbm>>
    tpu.enqueue_dma source(%dma_start3A_351 : memref<32768xf32, #tpu.memory_space<hbm>>) target(%dma_start3A_350 : memref<32768xf32, #tpu.memory_space<vmem>>) target_semaphore(%arg9 : memref<!tpu.dma_semaphore, #tpu.memory_space<semaphore_mem>>)
    %dma_wait3A_352 = arith.constant 0 : i32
    %dma_wait3A_353 = arith.constant 0 : i32
    %dma_wait3A_354 = tpu.memref_slice %arg6[%dma_wait3A_352, %dma_wait3A_353] : memref<2x32768xf32, #tpu.memory_space<vmem>> -> memref<1x32768xf32, #tpu.memory_space<vmem>>
    %dma_wait3A_355 = tpu.memref_squeeze %dma_wait3A_354 : memref<1x32768xf32, #tpu.memory_space<vmem>> -> memref<32768xf32, #tpu.memory_space<vmem>>
    %dma_wait3A_356 = tpu.memref_slice %arg2[%mul3A_291] : memref<33554432xf32, #tpu.memory_space<hbm>> -> memref<32768xf32, #tpu.memory_space<hbm>>
    %dma_wait3A_357 = arith.constant 0 : i32
    %dma_wait3A_358 = tpu.memref_slice %arg6[%dma_wait3A_352, %dma_wait3A_357] : memref<2x32768xf32, #tpu.memory_space<vmem>> -> memref<1x32768xf32, #tpu.memory_space<vmem>>
    %dma_wait3A_359 = tpu.memref_squeeze %dma_wait3A_358 : memref<1x32768xf32, #tpu.memory_space<vmem>> -> memref<32768xf32, #tpu.memory_space<vmem>>
    %dma_wait3A_360 = tpu.memref_slice %arg2[%mul3A_291] : memref<33554432xf32, #tpu.memory_space<hbm>> -> memref<32768xf32, #tpu.memory_space<hbm>>
    tpu.wait_dma2 semaphore(%arg8 : memref<!tpu.dma_semaphore, #tpu.memory_space<semaphore_mem>>) src(%dma_wait3A_360 : memref<32768xf32, #tpu.memory_space<hbm>>) dst(%dma_wait3A_359 : memref<32768xf32, #tpu.memory_space<vmem>>)
    %parallel_loop3A_361 = arith.constant 0 : i32
    %parallel_loop3A_362 = arith.constant 32768 : i32
    %parallel_loop3A_363 = arith.constant 16 : i32
    scf.for %parallel_loop3A_1696 = %parallel_loop3A_361 to %parallel_loop3A_362 step %parallel_loop3A_363  : i32 {
      %parallel_loop3A_1697 = arith.index_cast %parallel_loop3A_1696 : i32 to index
      %parallel_loop3A_1698 = tpu.vector_load %arg5[%parallel_loop3A_1697] {strides = array<i32>} : memref<32768xf32, #tpu.memory_space<vmem>>, vector<16xf32>,
      %parallel_loop3A_1699 = vector.shape_cast %parallel_loop3A_1698 : vector<16xf32> to vector<16xf32>
      %parallel_loop3A_1700 = arith.constant 0 : i32
      %parallel_loop3A_1701 = arith.index_cast %parallel_loop3A_1700 : i32 to index
      %parallel_loop3A_1702 = arith.index_cast %parallel_loop3A_1696 : i32 to index
      %parallel_loop3A_1703 = tpu.vector_load %arg6[%parallel_loop3A_1701, %parallel_loop3A_1702] {strides = array<i32>} : memref<2x32768xf32, #tpu.memory_space<vmem>>, vector<1x16xf32>,
      %parallel_loop3A_1704 = vector.shape_cast %parallel_loop3A_1703 : vector<1x16xf32> to vector<16xf32>
      %parallel_loop3A_1705 = vector.shape_cast %parallel_loop3A_1699 : vector<16xf32> to vector<1x16xf32>
      tpu.vector_store %arg6[%parallel_loop3A_1701, %parallel_loop3A_1702], %parallel_loop3A_1705 {add = true, strides = array<i32>} : memref<2x32768xf32, #tpu.memory_space<vmem>>, vector<1x16xf32>,
    } {sc.loop_unroll_factor = 8 : i64, sc.parallel_access}
    %add3A_364 = arith.constant 16384 : i32
    %add3A_365 = arith.addi %add3A_364, %mul3A_2 : i32
    %add3A_366 = arith.constant 32 : i32
    %add3A_367 = arith.addi %add3A_365, %add3A_366 : i32
    %mul3A_368 = arith.constant 1024 : i32
    %mul3A_369 = arith.muli %add3A_367, %mul3A_368 : i32
    %dma_start3A_370 = arith.constant 0 : i32
    %dma_start3A_371 = arith.constant 0 : i32
    %dma_start3A_372 = tpu.memref_slice %arg6[%dma_start3A_370, %dma_start3A_371] : memref<2x32768xf32, #tpu.memory_space<vmem>> -> memref<1x32768xf32, #tpu.memory_space<vmem>>
    %dma_start3A_373 = tpu.memref_squeeze %dma_start3A_372 : memref<1x32768xf32, #tpu.memory_space<vmem>> -> memref<32768xf32, #tpu.memory_space<vmem>>
    %dma_start3A_374 = tpu.memref_slice %arg4[%mul3A_369] : memref<33554432xf32, #tpu.memory_space<hbm>> -> memref<32768xf32, #tpu.memory_space<hbm>>
    %dma_start3A_375 = tpu.memref_slice %arg4[%mul3A_369] : memref<33554432xf32, #tpu.memory_space<hbm>> -> memref<32768xf32, #tpu.memory_space<hbm>>
    %dma_start3A_376 = arith.constant 0 : i32
    %dma_start3A_377 = tpu.memref_slice %arg6[%dma_start3A_370, %dma_start3A_376] : memref<2x32768xf32, #tpu.memory_space<vmem>> -> memref<1x32768xf32, #tpu.memory_space<vmem>>
    %dma_start3A_378 = tpu.memref_squeeze %dma_start3A_377 : memref<1x32768xf32, #tpu.memory_space<vmem>> -> memref<32768xf32, #tpu.memory_space<vmem>>
    tpu.enqueue_dma source(%dma_start3A_378 : memref<32768xf32, #tpu.memory_space<vmem>>) target(%dma_start3A_375 : memref<32768xf32, #tpu.memory_space<hbm>>) target_semaphore(%arg10 : memref<!tpu.dma_semaphore, #tpu.memory_space<semaphore_mem>>)
    %dma_wait3A_379 = arith.constant 0 : i32
    %dma_wait3A_380 = arith.constant 0 : i32
    %dma_wait3A_381 = tpu.memref_slice %arg6[%dma_wait3A_379, %dma_wait3A_380] : memref<2x32768xf32, #tpu.memory_space<vmem>> -> memref<1x32768xf32, #tpu.memory_space<vmem>>
    %dma_wait3A_382 = tpu.memref_squeeze %dma_wait3A_381 : memref<1x32768xf32, #tpu.memory_space<vmem>> -> memref<32768xf32, #tpu.memory_space<vmem>>
    %dma_wait3A_383 = tpu.memref_slice %arg4[%mul3A_369] : memref<33554432xf32, #tpu.memory_space<hbm>> -> memref<32768xf32, #tpu.memory_space<hbm>>
    %dma_wait3A_384 = tpu.memref_slice %arg4[%mul3A_369] : memref<33554432xf32, #tpu.memory_space<hbm>> -> memref<32768xf32, #tpu.memory_space<hbm>>
    %dma_wait3A_385 = arith.constant 0 : i32
    %dma_wait3A_386 = tpu.memref_slice %arg6[%dma_wait3A_379, %dma_wait3A_385] : memref<2x32768xf32, #tpu.memory_space<vmem>> -> memref<1x32768xf32, #tpu.memory_space<vmem>>
    %dma_wait3A_387 = tpu.memref_squeeze %dma_wait3A_386 : memref<1x32768xf32, #tpu.memory_space<vmem>> -> memref<32768xf32, #tpu.memory_space<vmem>>
    tpu.wait_dma2 semaphore(%arg10 : memref<!tpu.dma_semaphore, #tpu.memory_space<semaphore_mem>>) src(%dma_wait3A_387 : memref<32768xf32, #tpu.memory_space<vmem>>) dst(%dma_wait3A_384 : memref<32768xf32, #tpu.memory_space<hbm>>)
    %add3A_388 = arith.constant 0 : i32
    %add3A_389 = arith.addi %add3A_388, %mul3A_2 : i32
    %add3A_390 = arith.constant 64 : i32
    %add3A_391 = arith.addi %add3A_389, %add3A_390 : i32
    %mul3A_392 = arith.constant 1024 : i32
    %mul3A_393 = arith.muli %add3A_391, %mul3A_392 : i32
    %dma_start3A_394 = arith.constant 0 : i32
    %dma_start3A_395 = arith.constant 0 : i32
    %dma_start3A_396 = tpu.memref_slice %arg6[%dma_start3A_394, %dma_start3A_395] : memref<2x32768xf32, #tpu.memory_space<vmem>> -> memref<1x32768xf32, #tpu.memory_space<vmem>>
    %dma_start3A_397 = tpu.memref_squeeze %dma_start3A_396 : memref<1x32768xf32, #tpu.memory_space<vmem>> -> memref<32768xf32, #tpu.memory_space<vmem>>
    %dma_start3A_398 = tpu.memref_slice %arg2[%mul3A_393] : memref<33554432xf32, #tpu.memory_space<hbm>> -> memref<32768xf32, #tpu.memory_space<hbm>>
    %dma_start3A_399 = arith.constant 0 : i32
    %dma_start3A_400 = tpu.memref_slice %arg6[%dma_start3A_394, %dma_start3A_399] : memref<2x32768xf32, #tpu.memory_space<vmem>> -> memref<1x32768xf32, #tpu.memory_space<vmem>>
    %dma_start3A_401 = tpu.memref_squeeze %dma_start3A_400 : memref<1x32768xf32, #tpu.memory_space<vmem>> -> memref<32768xf32, #tpu.memory_space<vmem>>
    %dma_start3A_402 = tpu.memref_slice %arg2[%mul3A_393] : memref<33554432xf32, #tpu.memory_space<hbm>> -> memref<32768xf32, #tpu.memory_space<hbm>>
    tpu.enqueue_dma source(%dma_start3A_402 : memref<32768xf32, #tpu.memory_space<hbm>>) target(%dma_start3A_401 : memref<32768xf32, #tpu.memory_space<vmem>>) target_semaphore(%arg8 : memref<!tpu.dma_semaphore, #tpu.memory_space<semaphore_mem>>)
    %dma_wait3A_403 = arith.constant 1 : i32
    %dma_wait3A_404 = arith.constant 0 : i32
    %dma_wait3A_405 = tpu.memref_slice %arg6[%dma_wait3A_403, %dma_wait3A_404] : memref<2x32768xf32, #tpu.memory_space<vmem>> -> memref<1x32768xf32, #tpu.memory_space<vmem>>
    %dma_wait3A_406 = tpu.memref_squeeze %dma_wait3A_405 : memref<1x32768xf32, #tpu.memory_space<vmem>> -> memref<32768xf32, #tpu.memory_space<vmem>>
    %dma_wait3A_407 = tpu.memref_slice %arg2[%mul3A_342] : memref<33554432xf32, #tpu.memory_space<hbm>> -> memref<32768xf32, #tpu.memory_space<hbm>>
    %dma_wait3A_408 = arith.constant 0 : i32
    %dma_wait3A_409 = tpu.memref_slice %arg6[%dma_wait3A_403, %dma_wait3A_408] : memref<2x32768xf32, #tpu.memory_space<vmem>> -> memref<1x32768xf32, #tpu.memory_space<vmem>>
    %dma_wait3A_410 = tpu.memref_squeeze %dma_wait3A_409 : memref<1x32768xf32, #tpu.memory_space<vmem>> -> memref<32768xf32, #tpu.memory_space<vmem>>
    %dma_wait3A_411 = tpu.memref_slice %arg2[%mul3A_342] : memref<33554432xf32, #tpu.memory_space<hbm>> -> memref<32768xf32, #tpu.memory_space<hbm>>
    tpu.wait_dma2 semaphore(%arg9 : memref<!tpu.dma_semaphore, #tpu.memory_space<semaphore_mem>>) src(%dma_wait3A_411 : memref<32768xf32, #tpu.memory_space<hbm>>) dst(%dma_wait3A_410 : memref<32768xf32, #tpu.memory_space<vmem>>)
    %parallel_loop3A_412 = arith.constant 0 : i32
    %parallel_loop3A_413 = arith.constant 32768 : i32
    %parallel_loop3A_414 = arith.constant 16 : i32
    scf.for %parallel_loop3A_1696 = %parallel_loop3A_412 to %parallel_loop3A_413 step %parallel_loop3A_414  : i32 {
      %parallel_loop3A_1697 = arith.index_cast %parallel_loop3A_1696 : i32 to index
      %parallel_loop3A_1698 = tpu.vector_load %arg5[%parallel_loop3A_1697] {strides = array<i32>} : memref<32768xf32, #tpu.memory_space<vmem>>, vector<16xf32>,
      %parallel_loop3A_1699 = vector.shape_cast %parallel_loop3A_1698 : vector<16xf32> to vector<16xf32>
      %parallel_loop3A_1700 = arith.constant 1 : i32
      %parallel_loop3A_1701 = arith.index_cast %parallel_loop3A_1700 : i32 to index
      %parallel_loop3A_1702 = arith.index_cast %parallel_loop3A_1696 : i32 to index
      %parallel_loop3A_1703 = tpu.vector_load %arg6[%parallel_loop3A_1701, %parallel_loop3A_1702] {strides = array<i32>} : memref<2x32768xf32, #tpu.memory_space<vmem>>, vector<1x16xf32>,
      %parallel_loop3A_1704 = vector.shape_cast %parallel_loop3A_1703 : vector<1x16xf32> to vector<16xf32>
      %parallel_loop3A_1705 = vector.shape_cast %parallel_loop3A_1699 : vector<16xf32> to vector<1x16xf32>
      tpu.vector_store %arg6[%parallel_loop3A_1701, %parallel_loop3A_1702], %parallel_loop3A_1705 {add = true, strides = array<i32>} : memref<2x32768xf32, #tpu.memory_space<vmem>>, vector<1x16xf32>,
    } {sc.loop_unroll_factor = 8 : i64, sc.parallel_access}
    %add3A_415 = arith.constant 24576 : i32
    %add3A_416 = arith.addi %add3A_415, %mul3A_2 : i32
    %add3A_417 = arith.constant 32 : i32
    %add3A_418 = arith.addi %add3A_416, %add3A_417 : i32
    %mul3A_419 = arith.constant 1024 : i32
    %mul3A_420 = arith.muli %add3A_418, %mul3A_419 : i32
    %dma_start3A_421 = arith.constant 1 : i32
    %dma_start3A_422 = arith.constant 0 : i32
    %dma_start3A_423 = tpu.memref_slice %arg6[%dma_start3A_421, %dma_start3A_422] : memref<2x32768xf32, #tpu.memory_space<vmem>> -> memref<1x32768xf32, #tpu.memory_space<vmem>>
    %dma_start3A_424 = tpu.memref_squeeze %dma_start3A_423 : memref<1x32768xf32, #tpu.memory_space<vmem>> -> memref<32768xf32, #tpu.memory_space<vmem>>
    %dma_start3A_425 = tpu.memref_slice %arg4[%mul3A_420] : memref<33554432xf32, #tpu.memory_space<hbm>> -> memref<32768xf32, #tpu.memory_space<hbm>>
    %dma_start3A_426 = tpu.memref_slice %arg4[%mul3A_420] : memref<33554432xf32, #tpu.memory_space<hbm>> -> memref<32768xf32, #tpu.memory_space<hbm>>
    %dma_start3A_427 = arith.constant 0 : i32
    %dma_start3A_428 = tpu.memref_slice %arg6[%dma_start3A_421, %dma_start3A_427] : memref<2x32768xf32, #tpu.memory_space<vmem>> -> memref<1x32768xf32, #tpu.memory_space<vmem>>
    %dma_start3A_429 = tpu.memref_squeeze %dma_start3A_428 : memref<1x32768xf32, #tpu.memory_space<vmem>> -> memref<32768xf32, #tpu.memory_space<vmem>>
    tpu.enqueue_dma source(%dma_start3A_429 : memref<32768xf32, #tpu.memory_space<vmem>>) target(%dma_start3A_426 : memref<32768xf32, #tpu.memory_space<hbm>>) target_semaphore(%arg11 : memref<!tpu.dma_semaphore, #tpu.memory_space<semaphore_mem>>)
    %add3A_430 = arith.constant 64 : i32
    %add3A_431 = arith.addi %mul3A_2, %add3A_430 : i32
    %mul3A_432 = arith.constant 1024 : i32
    %mul3A_433 = arith.muli %add3A_431, %mul3A_432 : i32
    %dma_start3A_434 = tpu.memref_slice %arg3[%mul3A_433] : memref<8388608xf32, #tpu.memory_space<hbm>> -> memref<32768xf32, #tpu.memory_space<hbm>>
    %dma_start3A_435 = tpu.memref_slice %arg3[%mul3A_433] : memref<8388608xf32, #tpu.memory_space<hbm>> -> memref<32768xf32, #tpu.memory_space<hbm>>
    tpu.enqueue_dma source(%dma_start3A_435 : memref<32768xf32, #tpu.memory_space<hbm>>) target(%arg5 : memref<32768xf32, #tpu.memory_space<vmem>>) target_semaphore(%arg7 : memref<!tpu.dma_semaphore, #tpu.memory_space<semaphore_mem>>)
    %dma_wait3A_436 = arith.constant 1 : i32
    %dma_wait3A_437 = arith.constant 0 : i32
    %dma_wait3A_438 = tpu.memref_slice %arg6[%dma_wait3A_436, %dma_wait3A_437] : memref<2x32768xf32, #tpu.memory_space<vmem>> -> memref<1x32768xf32, #tpu.memory_space<vmem>>
    %dma_wait3A_439 = tpu.memref_squeeze %dma_wait3A_438 : memref<1x32768xf32, #tpu.memory_space<vmem>> -> memref<32768xf32, #tpu.memory_space<vmem>>
    %dma_wait3A_440 = tpu.memref_slice %arg4[%mul3A_420] : memref<33554432xf32, #tpu.memory_space<hbm>> -> memref<32768xf32, #tpu.memory_space<hbm>>
    %dma_wait3A_441 = tpu.memref_slice %arg4[%mul3A_420] : memref<33554432xf32, #tpu.memory_space<hbm>> -> memref<32768xf32, #tpu.memory_space<hbm>>
    %dma_wait3A_442 = arith.constant 0 : i32
    %dma_wait3A_443 = tpu.memref_slice %arg6[%dma_wait3A_436, %dma_wait3A_442] : memref<2x32768xf32, #tpu.memory_space<vmem>> -> memref<1x32768xf32, #tpu.memory_space<vmem>>
    %dma_wait3A_444 = tpu.memref_squeeze %dma_wait3A_443 : memref<1x32768xf32, #tpu.memory_space<vmem>> -> memref<32768xf32, #tpu.memory_space<vmem>>
    tpu.wait_dma2 semaphore(%arg11 : memref<!tpu.dma_semaphore, #tpu.memory_space<semaphore_mem>>) src(%dma_wait3A_444 : memref<32768xf32, #tpu.memory_space<vmem>>) dst(%dma_wait3A_441 : memref<32768xf32, #tpu.memory_space<hbm>>)
    %add3A_445 = arith.constant 8192 : i32
    %add3A_446 = arith.addi %add3A_445, %mul3A_2 : i32
    %add3A_447 = arith.constant 64 : i32
    %add3A_448 = arith.addi %add3A_446, %add3A_447 : i32
    %mul3A_449 = arith.constant 1024 : i32
    %mul3A_450 = arith.muli %add3A_448, %mul3A_449 : i32
    %dma_start3A_451 = arith.constant 1 : i32
    %dma_start3A_452 = arith.constant 0 : i32
    %dma_start3A_453 = tpu.memref_slice %arg6[%dma_start3A_451, %dma_start3A_452] : memref<2x32768xf32, #tpu.memory_space<vmem>> -> memref<1x32768xf32, #tpu.memory_space<vmem>>
    %dma_start3A_454 = tpu.memref_squeeze %dma_start3A_453 : memref<1x32768xf32, #tpu.memory_space<vmem>> -> memref<32768xf32, #tpu.memory_space<vmem>>
    %dma_start3A_455 = tpu.memref_slice %arg2[%mul3A_450] : memref<33554432xf32, #tpu.memory_space<hbm>> -> memref<32768xf32, #tpu.memory_space<hbm>>
    %dma_start3A_456 = arith.constant 0 : i32
    %dma_start3A_457 = tpu.memref_slice %arg6[%dma_start3A_451, %dma_start3A_456] : memref<2x32768xf32, #tpu.memory_space<vmem>> -> memref<1x32768xf32, #tpu.memory_space<vmem>>
    %dma_start3A_458 = tpu.memref_squeeze %dma_start3A_457 : memref<1x32768xf32, #tpu.memory_space<vmem>> -> memref<32768xf32, #tpu.memory_space<vmem>>
    %dma_start3A_459 = tpu.memref_slice %arg2[%mul3A_450] : memref<33554432xf32, #tpu.memory_space<hbm>> -> memref<32768xf32, #tpu.memory_space<hbm>>
    tpu.enqueue_dma source(%dma_start3A_459 : memref<32768xf32, #tpu.memory_space<hbm>>) target(%dma_start3A_458 : memref<32768xf32, #tpu.memory_space<vmem>>) target_semaphore(%arg9 : memref<!tpu.dma_semaphore, #tpu.memory_space<semaphore_mem>>)
    %dma_wait3A_460 = tpu.memref_slice %arg3[%mul3A_433] : memref<8388608xf32, #tpu.memory_space<hbm>> -> memref<32768xf32, #tpu.memory_space<hbm>>
    %dma_wait3A_461 = tpu.memref_slice %arg3[%mul3A_433] : memref<8388608xf32, #tpu.memory_space<hbm>> -> memref<32768xf32, #tpu.memory_space<hbm>>
    tpu.wait_dma2 semaphore(%arg7 : memref<!tpu.dma_semaphore, #tpu.memory_space<semaphore_mem>>) src(%dma_wait3A_461 : memref<32768xf32, #tpu.memory_space<hbm>>) dst(%arg5 : memref<32768xf32, #tpu.memory_space<vmem>>)
    %dma_wait3A_462 = arith.constant 0 : i32
    %dma_wait3A_463 = arith.constant 0 : i32
    %dma_wait3A_464 = tpu.memref_slice %arg6[%dma_wait3A_462, %dma_wait3A_463] : memref<2x32768xf32, #tpu.memory_space<vmem>> -> memref<1x32768xf32, #tpu.memory_space<vmem>>
    %dma_wait3A_465 = tpu.memref_squeeze %dma_wait3A_464 : memref<1x32768xf32, #tpu.memory_space<vmem>> -> memref<32768xf32, #tpu.memory_space<vmem>>
    %dma_wait3A_466 = tpu.memref_slice %arg2[%mul3A_393] : memref<33554432xf32, #tpu.memory_space<hbm>> -> memref<32768xf32, #tpu.memory_space<hbm>>
    %dma_wait3A_467 = arith.constant 0 : i32
    %dma_wait3A_468 = tpu.memref_slice %arg6[%dma_wait3A_462, %dma_wait3A_467] : memref<2x32768xf32, #tpu.memory_space<vmem>> -> memref<1x32768xf32, #tpu.memory_space<vmem>>
    %dma_wait3A_469 = tpu.memref_squeeze %dma_wait3A_468 : memref<1x32768xf32, #tpu.memory_space<vmem>> -> memref<32768xf32, #tpu.memory_space<vmem>>
    %dma_wait3A_470 = tpu.memref_slice %arg2[%mul3A_393] : memref<33554432xf32, #tpu.memory_space<hbm>> -> memref<32768xf32, #tpu.memory_space<hbm>>
    tpu.wait_dma2 semaphore(%arg8 : memref<!tpu.dma_semaphore, #tpu.memory_space<semaphore_mem>>) src(%dma_wait3A_470 : memref<32768xf32, #tpu.memory_space<hbm>>) dst(%dma_wait3A_469 : memref<32768xf32, #tpu.memory_space<vmem>>)
    %parallel_loop3A_471 = arith.constant 0 : i32
    %parallel_loop3A_472 = arith.constant 32768 : i32
    %parallel_loop3A_473 = arith.constant 16 : i32
    scf.for %parallel_loop3A_1696 = %parallel_loop3A_471 to %parallel_loop3A_472 step %parallel_loop3A_473  : i32 {
      %parallel_loop3A_1697 = arith.index_cast %parallel_loop3A_1696 : i32 to index
      %parallel_loop3A_1698 = tpu.vector_load %arg5[%parallel_loop3A_1697] {strides = array<i32>} : memref<32768xf32, #tpu.memory_space<vmem>>, vector<16xf32>,
      %parallel_loop3A_1699 = vector.shape_cast %parallel_loop3A_1698 : vector<16xf32> to vector<16xf32>
      %parallel_loop3A_1700 = arith.constant 0 : i32
      %parallel_loop3A_1701 = arith.index_cast %parallel_loop3A_1700 : i32 to index
      %parallel_loop3A_1702 = arith.index_cast %parallel_loop3A_1696 : i32 to index
      %parallel_loop3A_1703 = tpu.vector_load %arg6[%parallel_loop3A_1701, %parallel_loop3A_1702] {strides = array<i32>} : memref<2x32768xf32, #tpu.memory_space<vmem>>, vector<1x16xf32>,
      %parallel_loop3A_1704 = vector.shape_cast %parallel_loop3A_1703 : vector<1x16xf32> to vector<16xf32>
      %parallel_loop3A_1705 = vector.shape_cast %parallel_loop3A_1699 : vector<16xf32> to vector<1x16xf32>
      tpu.vector_store %arg6[%parallel_loop3A_1701, %parallel_loop3A_1702], %parallel_loop3A_1705 {add = true, strides = array<i32>} : memref<2x32768xf32, #tpu.memory_space<vmem>>, vector<1x16xf32>,
    } {sc.loop_unroll_factor = 8 : i64, sc.parallel_access}
    %add3A_474 = arith.constant 0 : i32
    %add3A_475 = arith.addi %add3A_474, %mul3A_2 : i32
    %add3A_476 = arith.constant 64 : i32
    %add3A_477 = arith.addi %add3A_475, %add3A_476 : i32
    %mul3A_478 = arith.constant 1024 : i32
    %mul3A_479 = arith.muli %add3A_477, %mul3A_478 : i32
    %dma_start3A_480 = arith.constant 0 : i32
    %dma_start3A_481 = arith.constant 0 : i32
    %dma_start3A_482 = tpu.memref_slice %arg6[%dma_start3A_480, %dma_start3A_481] : memref<2x32768xf32, #tpu.memory_space<vmem>> -> memref<1x32768xf32, #tpu.memory_space<vmem>>
    %dma_start3A_483 = tpu.memref_squeeze %dma_start3A_482 : memref<1x32768xf32, #tpu.memory_space<vmem>> -> memref<32768xf32, #tpu.memory_space<vmem>>
    %dma_start3A_484 = tpu.memref_slice %arg4[%mul3A_479] : memref<33554432xf32, #tpu.memory_space<hbm>> -> memref<32768xf32, #tpu.memory_space<hbm>>
    %dma_start3A_485 = tpu.memref_slice %arg4[%mul3A_479] : memref<33554432xf32, #tpu.memory_space<hbm>> -> memref<32768xf32, #tpu.memory_space<hbm>>
    %dma_start3A_486 = arith.constant 0 : i32
    %dma_start3A_487 = tpu.memref_slice %arg6[%dma_start3A_480, %dma_start3A_486] : memref<2x32768xf32, #tpu.memory_space<vmem>> -> memref<1x32768xf32, #tpu.memory_space<vmem>>
    %dma_start3A_488 = tpu.memref_squeeze %dma_start3A_487 : memref<1x32768xf32, #tpu.memory_space<vmem>> -> memref<32768xf32, #tpu.memory_space<vmem>>
    tpu.enqueue_dma source(%dma_start3A_488 : memref<32768xf32, #tpu.memory_space<vmem>>) target(%dma_start3A_485 : memref<32768xf32, #tpu.memory_space<hbm>>) target_semaphore(%arg10 : memref<!tpu.dma_semaphore, #tpu.memory_space<semaphore_mem>>)
    %dma_wait3A_489 = arith.constant 0 : i32
    %dma_wait3A_490 = arith.constant 0 : i32
    %dma_wait3A_491 = tpu.memref_slice %arg6[%dma_wait3A_489, %dma_wait3A_490] : memref<2x32768xf32, #tpu.memory_space<vmem>> -> memref<1x32768xf32, #tpu.memory_space<vmem>>
    %dma_wait3A_492 = tpu.memref_squeeze %dma_wait3A_491 : memref<1x32768xf32, #tpu.memory_space<vmem>> -> memref<32768xf32, #tpu.memory_space<vmem>>
    %dma_wait3A_493 = tpu.memref_slice %arg4[%mul3A_479] : memref<33554432xf32, #tpu.memory_space<hbm>> -> memref<32768xf32, #tpu.memory_space<hbm>>
    %dma_wait3A_494 = tpu.memref_slice %arg4[%mul3A_479] : memref<33554432xf32, #tpu.memory_space<hbm>> -> memref<32768xf32, #tpu.memory_space<hbm>>
    %dma_wait3A_495 = arith.constant 0 : i32
    %dma_wait3A_496 = tpu.memref_slice %arg6[%dma_wait3A_489, %dma_wait3A_495] : memref<2x32768xf32, #tpu.memory_space<vmem>> -> memref<1x32768xf32, #tpu.memory_space<vmem>>
    %dma_wait3A_497 = tpu.memref_squeeze %dma_wait3A_496 : memref<1x32768xf32, #tpu.memory_space<vmem>> -> memref<32768xf32, #tpu.memory_space<vmem>>
    tpu.wait_dma2 semaphore(%arg10 : memref<!tpu.dma_semaphore, #tpu.memory_space<semaphore_mem>>) src(%dma_wait3A_497 : memref<32768xf32, #tpu.memory_space<vmem>>) dst(%dma_wait3A_494 : memref<32768xf32, #tpu.memory_space<hbm>>)
    %add3A_498 = arith.constant 16384 : i32
    %add3A_499 = arith.addi %add3A_498, %mul3A_2 : i32
    %add3A_500 = arith.constant 64 : i32
    %add3A_501 = arith.addi %add3A_499, %add3A_500 : i32
    %mul3A_502 = arith.constant 1024 : i32
    %mul3A_503 = arith.muli %add3A_501, %mul3A_502 : i32
    %dma_start3A_504 = arith.constant 0 : i32
    %dma_start3A_505 = arith.constant 0 : i32
    %dma_start3A_506 = tpu.memref_slice %arg6[%dma_start3A_504, %dma_start3A_505] : memref<2x32768xf32, #tpu.memory_space<vmem>> -> memref<1x32768xf32, #tpu.memory_space<vmem>>
    %dma_start3A_507 = tpu.memref_squeeze %dma_start3A_506 : memref<1x32768xf32, #tpu.memory_space<vmem>> -> memref<32768xf32, #tpu.memory_space<vmem>>
    %dma_start3A_508 = tpu.memref_slice %arg2[%mul3A_503] : memref<33554432xf32, #tpu.memory_space<hbm>> -> memref<32768xf32, #tpu.memory_space<hbm>>
    %dma_start3A_509 = arith.constant 0 : i32
    %dma_start3A_510 = tpu.memref_slice %arg6[%dma_start3A_504, %dma_start3A_509] : memref<2x32768xf32, #tpu.memory_space<vmem>> -> memref<1x32768xf32, #tpu.memory_space<vmem>>
    %dma_start3A_511 = tpu.memref_squeeze %dma_start3A_510 : memref<1x32768xf32, #tpu.memory_space<vmem>> -> memref<32768xf32, #tpu.memory_space<vmem>>
    %dma_start3A_512 = tpu.memref_slice %arg2[%mul3A_503] : memref<33554432xf32, #tpu.memory_space<hbm>> -> memref<32768xf32, #tpu.memory_space<hbm>>
    tpu.enqueue_dma source(%dma_start3A_512 : memref<32768xf32, #tpu.memory_space<hbm>>) target(%dma_start3A_511 : memref<32768xf32, #tpu.memory_space<vmem>>) target_semaphore(%arg8 : memref<!tpu.dma_semaphore, #tpu.memory_space<semaphore_mem>>)
    %dma_wait3A_513 = arith.constant 1 : i32
    %dma_wait3A_514 = arith.constant 0 : i32
    %dma_wait3A_515 = tpu.memref_slice %arg6[%dma_wait3A_513, %dma_wait3A_514] : memref<2x32768xf32, #tpu.memory_space<vmem>> -> memref<1x32768xf32, #tpu.memory_space<vmem>>
    %dma_wait3A_516 = tpu.memref_squeeze %dma_wait3A_515 : memref<1x32768xf32, #tpu.memory_space<vmem>> -> memref<32768xf32, #tpu.memory_space<vmem>>
    %dma_wait3A_517 = tpu.memref_slice %arg2[%mul3A_450] : memref<33554432xf32, #tpu.memory_space<hbm>> -> memref<32768xf32, #tpu.memory_space<hbm>>
    %dma_wait3A_518 = arith.constant 0 : i32
    %dma_wait3A_519 = tpu.memref_slice %arg6[%dma_wait3A_513, %dma_wait3A_518] : memref<2x32768xf32, #tpu.memory_space<vmem>> -> memref<1x32768xf32, #tpu.memory_space<vmem>>
    %dma_wait3A_520 = tpu.memref_squeeze %dma_wait3A_519 : memref<1x32768xf32, #tpu.memory_space<vmem>> -> memref<32768xf32, #tpu.memory_space<vmem>>
    %dma_wait3A_521 = tpu.memref_slice %arg2[%mul3A_450] : memref<33554432xf32, #tpu.memory_space<hbm>> -> memref<32768xf32, #tpu.memory_space<hbm>>
    tpu.wait_dma2 semaphore(%arg9 : memref<!tpu.dma_semaphore, #tpu.memory_space<semaphore_mem>>) src(%dma_wait3A_521 : memref<32768xf32, #tpu.memory_space<hbm>>) dst(%dma_wait3A_520 : memref<32768xf32, #tpu.memory_space<vmem>>)
    %parallel_loop3A_522 = arith.constant 0 : i32
    %parallel_loop3A_523 = arith.constant 32768 : i32
    %parallel_loop3A_524 = arith.constant 16 : i32
    scf.for %parallel_loop3A_1696 = %parallel_loop3A_522 to %parallel_loop3A_523 step %parallel_loop3A_524  : i32 {
      %parallel_loop3A_1697 = arith.index_cast %parallel_loop3A_1696 : i32 to index
      %parallel_loop3A_1698 = tpu.vector_load %arg5[%parallel_loop3A_1697] {strides = array<i32>} : memref<32768xf32, #tpu.memory_space<vmem>>, vector<16xf32>,
      %parallel_loop3A_1699 = vector.shape_cast %parallel_loop3A_1698 : vector<16xf32> to vector<16xf32>
      %parallel_loop3A_1700 = arith.constant 1 : i32
      %parallel_loop3A_1701 = arith.index_cast %parallel_loop3A_1700 : i32 to index
      %parallel_loop3A_1702 = arith.index_cast %parallel_loop3A_1696 : i32 to index
      %parallel_loop3A_1703 = tpu.vector_load %arg6[%parallel_loop3A_1701, %parallel_loop3A_1702] {strides = array<i32>} : memref<2x32768xf32, #tpu.memory_space<vmem>>, vector<1x16xf32>,
      %parallel_loop3A_1704 = vector.shape_cast %parallel_loop3A_1703 : vector<1x16xf32> to vector<16xf32>
      %parallel_loop3A_1705 = vector.shape_cast %parallel_loop3A_1699 : vector<16xf32> to vector<1x16xf32>
      tpu.vector_store %arg6[%parallel_loop3A_1701, %parallel_loop3A_1702], %parallel_loop3A_1705 {add = true, strides = array<i32>} : memref<2x32768xf32, #tpu.memory_space<vmem>>, vector<1x16xf32>,
    } {sc.loop_unroll_factor = 8 : i64, sc.parallel_access}
    %add3A_525 = arith.constant 8192 : i32
    %add3A_526 = arith.addi %add3A_525, %mul3A_2 : i32
    %add3A_527 = arith.constant 64 : i32
    %add3A_528 = arith.addi %add3A_526, %add3A_527 : i32
    %mul3A_529 = arith.constant 1024 : i32
    %mul3A_530 = arith.muli %add3A_528, %mul3A_529 : i32
    %dma_start3A_531 = arith.constant 1 : i32
    %dma_start3A_532 = arith.constant 0 : i32
    %dma_start3A_533 = tpu.memref_slice %arg6[%dma_start3A_531, %dma_start3A_532] : memref<2x32768xf32, #tpu.memory_space<vmem>> -> memref<1x32768xf32, #tpu.memory_space<vmem>>
    %dma_start3A_534 = tpu.memref_squeeze %dma_start3A_533 : memref<1x32768xf32, #tpu.memory_space<vmem>> -> memref<32768xf32, #tpu.memory_space<vmem>>
    %dma_start3A_535 = tpu.memref_slice %arg4[%mul3A_530] : memref<33554432xf32, #tpu.memory_space<hbm>> -> memref<32768xf32, #tpu.memory_space<hbm>>
    %dma_start3A_536 = tpu.memref_slice %arg4[%mul3A_530] : memref<33554432xf32, #tpu.memory_space<hbm>> -> memref<32768xf32, #tpu.memory_space<hbm>>
    %dma_start3A_537 = arith.constant 0 : i32
    %dma_start3A_538 = tpu.memref_slice %arg6[%dma_start3A_531, %dma_start3A_537] : memref<2x32768xf32, #tpu.memory_space<vmem>> -> memref<1x32768xf32, #tpu.memory_space<vmem>>
    %dma_start3A_539 = tpu.memref_squeeze %dma_start3A_538 : memref<1x32768xf32, #tpu.memory_space<vmem>> -> memref<32768xf32, #tpu.memory_space<vmem>>
    tpu.enqueue_dma source(%dma_start3A_539 : memref<32768xf32, #tpu.memory_space<vmem>>) target(%dma_start3A_536 : memref<32768xf32, #tpu.memory_space<hbm>>) target_semaphore(%arg11 : memref<!tpu.dma_semaphore, #tpu.memory_space<semaphore_mem>>)
    %dma_wait3A_540 = arith.constant 1 : i32
    %dma_wait3A_541 = arith.constant 0 : i32
    %dma_wait3A_542 = tpu.memref_slice %arg6[%dma_wait3A_540, %dma_wait3A_541] : memref<2x32768xf32, #tpu.memory_space<vmem>> -> memref<1x32768xf32, #tpu.memory_space<vmem>>
    %dma_wait3A_543 = tpu.memref_squeeze %dma_wait3A_542 : memref<1x32768xf32, #tpu.memory_space<vmem>> -> memref<32768xf32, #tpu.memory_space<vmem>>
    %dma_wait3A_544 = tpu.memref_slice %arg4[%mul3A_530] : memref<33554432xf32, #tpu.memory_space<hbm>> -> memref<32768xf32, #tpu.memory_space<hbm>>
    %dma_wait3A_545 = tpu.memref_slice %arg4[%mul3A_530] : memref<33554432xf32, #tpu.memory_space<hbm>> -> memref<32768xf32, #tpu.memory_space<hbm>>
    %dma_wait3A_546 = arith.constant 0 : i32
    %dma_wait3A_547 = tpu.memref_slice %arg6[%dma_wait3A_540, %dma_wait3A_546] : memref<2x32768xf32, #tpu.memory_space<vmem>> -> memref<1x32768xf32, #tpu.memory_space<vmem>>
    %dma_wait3A_548 = tpu.memref_squeeze %dma_wait3A_547 : memref<1x32768xf32, #tpu.memory_space<vmem>> -> memref<32768xf32, #tpu.memory_space<vmem>>
    tpu.wait_dma2 semaphore(%arg11 : memref<!tpu.dma_semaphore, #tpu.memory_space<semaphore_mem>>) src(%dma_wait3A_548 : memref<32768xf32, #tpu.memory_space<vmem>>) dst(%dma_wait3A_545 : memref<32768xf32, #tpu.memory_space<hbm>>)
    %add3A_549 = arith.constant 24576 : i32
    %add3A_550 = arith.addi %add3A_549, %mul3A_2 : i32
    %add3A_551 = arith.constant 64 : i32
    %add3A_552 = arith.addi %add3A_550, %add3A_551 : i32
    %mul3A_553 = arith.constant 1024 : i32
    %mul3A_554 = arith.muli %add3A_552, %mul3A_553 : i32
    %dma_start3A_555 = arith.constant 1 : i32
    %dma_start3A_556 = arith.constant 0 : i32
    %dma_start3A_557 = tpu.memref_slice %arg6[%dma_start3A_555, %dma_start3A_556] : memref<2x32768xf32, #tpu.memory_space<vmem>> -> memref<1x32768xf32, #tpu.memory_space<vmem>>
    %dma_start3A_558 = tpu.memref_squeeze %dma_start3A_557 : memref<1x32768xf32, #tpu.memory_space<vmem>> -> memref<32768xf32, #tpu.memory_space<vmem>>
    %dma_start3A_559 = tpu.memref_slice %arg2[%mul3A_554] : memref<33554432xf32, #tpu.memory_space<hbm>> -> memref<32768xf32, #tpu.memory_space<hbm>>
    %dma_start3A_560 = arith.constant 0 : i32
    %dma_start3A_561 = tpu.memref_slice %arg6[%dma_start3A_555, %dma_start3A_560] : memref<2x32768xf32, #tpu.memory_space<vmem>> -> memref<1x32768xf32, #tpu.memory_space<vmem>>
    %dma_start3A_562 = tpu.memref_squeeze %dma_start3A_561 : memref<1x32768xf32, #tpu.memory_space<vmem>> -> memref<32768xf32, #tpu.memory_space<vmem>>
    %dma_start3A_563 = tpu.memref_slice %arg2[%mul3A_554] : memref<33554432xf32, #tpu.memory_space<hbm>> -> memref<32768xf32, #tpu.memory_space<hbm>>
    tpu.enqueue_dma source(%dma_start3A_563 : memref<32768xf32, #tpu.memory_space<hbm>>) target(%dma_start3A_562 : memref<32768xf32, #tpu.memory_space<vmem>>) target_semaphore(%arg9 : memref<!tpu.dma_semaphore, #tpu.memory_space<semaphore_mem>>)
    %dma_wait3A_564 = arith.constant 0 : i32
    %dma_wait3A_565 = arith.constant 0 : i32
    %dma_wait3A_566 = tpu.memref_slice %arg6[%dma_wait3A_564, %dma_wait3A_565] : memref<2x32768xf32, #tpu.memory_space<vmem>> -> memref<1x32768xf32, #tpu.memory_space<vmem>>
    %dma_wait3A_567 = tpu.memref_squeeze %dma_wait3A_566 : memref<1x32768xf32, #tpu.memory_space<vmem>> -> memref<32768xf32, #tpu.memory_space<vmem>>
    %dma_wait3A_568 = tpu.memref_slice %arg2[%mul3A_503] : memref<33554432xf32, #tpu.memory_space<hbm>> -> memref<32768xf32, #tpu.memory_space<hbm>>
    %dma_wait3A_569 = arith.constant 0 : i32
    %dma_wait3A_570 = tpu.memref_slice %arg6[%dma_wait3A_564, %dma_wait3A_569] : memref<2x32768xf32, #tpu.memory_space<vmem>> -> memref<1x32768xf32, #tpu.memory_space<vmem>>
    %dma_wait3A_571 = tpu.memref_squeeze %dma_wait3A_570 : memref<1x32768xf32, #tpu.memory_space<vmem>> -> memref<32768xf32, #tpu.memory_space<vmem>>
    %dma_wait3A_572 = tpu.memref_slice %arg2[%mul3A_503] : memref<33554432xf32, #tpu.memory_space<hbm>> -> memref<32768xf32, #tpu.memory_space<hbm>>
    tpu.wait_dma2 semaphore(%arg8 : memref<!tpu.dma_semaphore, #tpu.memory_space<semaphore_mem>>) src(%dma_wait3A_572 : memref<32768xf32, #tpu.memory_space<hbm>>) dst(%dma_wait3A_571 : memref<32768xf32, #tpu.memory_space<vmem>>)
    %parallel_loop3A_573 = arith.constant 0 : i32
    %parallel_loop3A_574 = arith.constant 32768 : i32
    %parallel_loop3A_575 = arith.constant 16 : i32
    scf.for %parallel_loop3A_1696 = %parallel_loop3A_573 to %parallel_loop3A_574 step %parallel_loop3A_575  : i32 {
      %parallel_loop3A_1697 = arith.index_cast %parallel_loop3A_1696 : i32 to index
      %parallel_loop3A_1698 = tpu.vector_load %arg5[%parallel_loop3A_1697] {strides = array<i32>} : memref<32768xf32, #tpu.memory_space<vmem>>, vector<16xf32>,
      %parallel_loop3A_1699 = vector.shape_cast %parallel_loop3A_1698 : vector<16xf32> to vector<16xf32>
      %parallel_loop3A_1700 = arith.constant 0 : i32
      %parallel_loop3A_1701 = arith.index_cast %parallel_loop3A_1700 : i32 to index
      %parallel_loop3A_1702 = arith.index_cast %parallel_loop3A_1696 : i32 to index
      %parallel_loop3A_1703 = tpu.vector_load %arg6[%parallel_loop3A_1701, %parallel_loop3A_1702] {strides = array<i32>} : memref<2x32768xf32, #tpu.memory_space<vmem>>, vector<1x16xf32>,
      %parallel_loop3A_1704 = vector.shape_cast %parallel_loop3A_1703 : vector<1x16xf32> to vector<16xf32>
      %parallel_loop3A_1705 = vector.shape_cast %parallel_loop3A_1699 : vector<16xf32> to vector<1x16xf32>
      tpu.vector_store %arg6[%parallel_loop3A_1701, %parallel_loop3A_1702], %parallel_loop3A_1705 {add = true, strides = array<i32>} : memref<2x32768xf32, #tpu.memory_space<vmem>>, vector<1x16xf32>,
    } {sc.loop_unroll_factor = 8 : i64, sc.parallel_access}
    %add3A_576 = arith.constant 16384 : i32
    %add3A_577 = arith.addi %add3A_576, %mul3A_2 : i32
    %add3A_578 = arith.constant 64 : i32
    %add3A_579 = arith.addi %add3A_577, %add3A_578 : i32
    %mul3A_580 = arith.constant 1024 : i32
    %mul3A_581 = arith.muli %add3A_579, %mul3A_580 : i32
    %dma_start3A_582 = arith.constant 0 : i32
    %dma_start3A_583 = arith.constant 0 : i32
    %dma_start3A_584 = tpu.memref_slice %arg6[%dma_start3A_582, %dma_start3A_583] : memref<2x32768xf32, #tpu.memory_space<vmem>> -> memref<1x32768xf32, #tpu.memory_space<vmem>>
    %dma_start3A_585 = tpu.memref_squeeze %dma_start3A_584 : memref<1x32768xf32, #tpu.memory_space<vmem>> -> memref<32768xf32, #tpu.memory_space<vmem>>
    %dma_start3A_586 = tpu.memref_slice %arg4[%mul3A_581] : memref<33554432xf32, #tpu.memory_space<hbm>> -> memref<32768xf32, #tpu.memory_space<hbm>>
    %dma_start3A_587 = tpu.memref_slice %arg4[%mul3A_581] : memref<33554432xf32, #tpu.memory_space<hbm>> -> memref<32768xf32, #tpu.memory_space<hbm>>
    %dma_start3A_588 = arith.constant 0 : i32
    %dma_start3A_589 = tpu.memref_slice %arg6[%dma_start3A_582, %dma_start3A_588] : memref<2x32768xf32, #tpu.memory_space<vmem>> -> memref<1x32768xf32, #tpu.memory_space<vmem>>
    %dma_start3A_590 = tpu.memref_squeeze %dma_start3A_589 : memref<1x32768xf32, #tpu.memory_space<vmem>> -> memref<32768xf32, #tpu.memory_space<vmem>>
    tpu.enqueue_dma source(%dma_start3A_590 : memref<32768xf32, #tpu.memory_space<vmem>>) target(%dma_start3A_587 : memref<32768xf32, #tpu.memory_space<hbm>>) target_semaphore(%arg10 : memref<!tpu.dma_semaphore, #tpu.memory_space<semaphore_mem>>)
    %dma_wait3A_591 = arith.constant 0 : i32
    %dma_wait3A_592 = arith.constant 0 : i32
    %dma_wait3A_593 = tpu.memref_slice %arg6[%dma_wait3A_591, %dma_wait3A_592] : memref<2x32768xf32, #tpu.memory_space<vmem>> -> memref<1x32768xf32, #tpu.memory_space<vmem>>
    %dma_wait3A_594 = tpu.memref_squeeze %dma_wait3A_593 : memref<1x32768xf32, #tpu.memory_space<vmem>> -> memref<32768xf32, #tpu.memory_space<vmem>>
    %dma_wait3A_595 = tpu.memref_slice %arg4[%mul3A_581] : memref<33554432xf32, #tpu.memory_space<hbm>> -> memref<32768xf32, #tpu.memory_space<hbm>>
    %dma_wait3A_596 = tpu.memref_slice %arg4[%mul3A_581] : memref<33554432xf32, #tpu.memory_space<hbm>> -> memref<32768xf32, #tpu.memory_space<hbm>>
    %dma_wait3A_597 = arith.constant 0 : i32
    %dma_wait3A_598 = tpu.memref_slice %arg6[%dma_wait3A_591, %dma_wait3A_597] : memref<2x32768xf32, #tpu.memory_space<vmem>> -> memref<1x32768xf32, #tpu.memory_space<vmem>>
    %dma_wait3A_599 = tpu.memref_squeeze %dma_wait3A_598 : memref<1x32768xf32, #tpu.memory_space<vmem>> -> memref<32768xf32, #tpu.memory_space<vmem>>
    tpu.wait_dma2 semaphore(%arg10 : memref<!tpu.dma_semaphore, #tpu.memory_space<semaphore_mem>>) src(%dma_wait3A_599 : memref<32768xf32, #tpu.memory_space<vmem>>) dst(%dma_wait3A_596 : memref<32768xf32, #tpu.memory_space<hbm>>)
    %add3A_600 = arith.constant 0 : i32
    %add3A_601 = arith.addi %add3A_600, %mul3A_2 : i32
    %add3A_602 = arith.constant 96 : i32
    %add3A_603 = arith.addi %add3A_601, %add3A_602 : i32
    %mul3A_604 = arith.constant 1024 : i32
    %mul3A_605 = arith.muli %add3A_603, %mul3A_604 : i32
    %dma_start3A_606 = arith.constant 0 : i32
    %dma_start3A_607 = arith.constant 0 : i32
    %dma_start3A_608 = tpu.memref_slice %arg6[%dma_start3A_606, %dma_start3A_607] : memref<2x32768xf32, #tpu.memory_space<vmem>> -> memref<1x32768xf32, #tpu.memory_space<vmem>>
    %dma_start3A_609 = tpu.memref_squeeze %dma_start3A_608 : memref<1x32768xf32, #tpu.memory_space<vmem>> -> memref<32768xf32, #tpu.memory_space<vmem>>
    %dma_start3A_610 = tpu.memref_slice %arg2[%mul3A_605] : memref<33554432xf32, #tpu.memory_space<hbm>> -> memref<32768xf32, #tpu.memory_space<hbm>>
    %dma_start3A_611 = arith.constant 0 : i32
    %dma_start3A_612 = tpu.memref_slice %arg6[%dma_start3A_606, %dma_start3A_611] : memref<2x32768xf32, #tpu.memory_space<vmem>> -> memref<1x32768xf32, #tpu.memory_space<vmem>>
    %dma_start3A_613 = tpu.memref_squeeze %dma_start3A_612 : memref<1x32768xf32, #tpu.memory_space<vmem>> -> memref<32768xf32, #tpu.memory_space<vmem>>
    %dma_start3A_614 = tpu.memref_slice %arg2[%mul3A_605] : memref<33554432xf32, #tpu.memory_space<hbm>> -> memref<32768xf32, #tpu.memory_space<hbm>>
    tpu.enqueue_dma source(%dma_start3A_614 : memref<32768xf32, #tpu.memory_space<hbm>>) target(%dma_start3A_613 : memref<32768xf32, #tpu.memory_space<vmem>>) target_semaphore(%arg8 : memref<!tpu.dma_semaphore, #tpu.memory_space<semaphore_mem>>)
    %dma_wait3A_615 = arith.constant 1 : i32
    %dma_wait3A_616 = arith.constant 0 : i32
    %dma_wait3A_617 = tpu.memref_slice %arg6[%dma_wait3A_615, %dma_wait3A_616] : memref<2x32768xf32, #tpu.memory_space<vmem>> -> memref<1x32768xf32, #tpu.memory_space<vmem>>
    %dma_wait3A_618 = tpu.memref_squeeze %dma_wait3A_617 : memref<1x32768xf32, #tpu.memory_space<vmem>> -> memref<32768xf32, #tpu.memory_space<vmem>>
    %dma_wait3A_619 = tpu.memref_slice %arg2[%mul3A_554] : memref<33554432xf32, #tpu.memory_space<hbm>> -> memref<32768xf32, #tpu.memory_space<hbm>>
    %dma_wait3A_620 = arith.constant 0 : i32
    %dma_wait3A_621 = tpu.memref_slice %arg6[%dma_wait3A_615, %dma_wait3A_620] : memref<2x32768xf32, #tpu.memory_space<vmem>> -> memref<1x32768xf32, #tpu.memory_space<vmem>>
    %dma_wait3A_622 = tpu.memref_squeeze %dma_wait3A_621 : memref<1x32768xf32, #tpu.memory_space<vmem>> -> memref<32768xf32, #tpu.memory_space<vmem>>
    %dma_wait3A_623 = tpu.memref_slice %arg2[%mul3A_554] : memref<33554432xf32, #tpu.memory_space<hbm>> -> memref<32768xf32, #tpu.memory_space<hbm>>
    tpu.wait_dma2 semaphore(%arg9 : memref<!tpu.dma_semaphore, #tpu.memory_space<semaphore_mem>>) src(%dma_wait3A_623 : memref<32768xf32, #tpu.memory_space<hbm>>) dst(%dma_wait3A_622 : memref<32768xf32, #tpu.memory_space<vmem>>)
    %parallel_loop3A_624 = arith.constant 0 : i32
    %parallel_loop3A_625 = arith.constant 32768 : i32
    %parallel_loop3A_626 = arith.constant 16 : i32
    scf.for %parallel_loop3A_1696 = %parallel_loop3A_624 to %parallel_loop3A_625 step %parallel_loop3A_626  : i32 {
      %parallel_loop3A_1697 = arith.index_cast %parallel_loop3A_1696 : i32 to index
      %parallel_loop3A_1698 = tpu.vector_load %arg5[%parallel_loop3A_1697] {strides = array<i32>} : memref<32768xf32, #tpu.memory_space<vmem>>, vector<16xf32>,
      %parallel_loop3A_1699 = vector.shape_cast %parallel_loop3A_1698 : vector<16xf32> to vector<16xf32>
      %parallel_loop3A_1700 = arith.constant 1 : i32
      %parallel_loop3A_1701 = arith.index_cast %parallel_loop3A_1700 : i32 to index
      %parallel_loop3A_1702 = arith.index_cast %parallel_loop3A_1696 : i32 to index
      %parallel_loop3A_1703 = tpu.vector_load %arg6[%parallel_loop3A_1701, %parallel_loop3A_1702] {strides = array<i32>} : memref<2x32768xf32, #tpu.memory_space<vmem>>, vector<1x16xf32>,
      %parallel_loop3A_1704 = vector.shape_cast %parallel_loop3A_1703 : vector<1x16xf32> to vector<16xf32>
      %parallel_loop3A_1705 = vector.shape_cast %parallel_loop3A_1699 : vector<16xf32> to vector<1x16xf32>
      tpu.vector_store %arg6[%parallel_loop3A_1701, %parallel_loop3A_1702], %parallel_loop3A_1705 {add = true, strides = array<i32>} : memref<2x32768xf32, #tpu.memory_space<vmem>>, vector<1x16xf32>,
    } {sc.loop_unroll_factor = 8 : i64, sc.parallel_access}
    %add3A_627 = arith.constant 24576 : i32
    %add3A_628 = arith.addi %add3A_627, %mul3A_2 : i32
    %add3A_629 = arith.constant 64 : i32
    %add3A_630 = arith.addi %add3A_628, %add3A_629 : i32
    %mul3A_631 = arith.constant 1024 : i32
    %mul3A_632 = arith.muli %add3A_630, %mul3A_631 : i32
    %dma_start3A_633 = arith.constant 1 : i32
    %dma_start3A_634 = arith.constant 0 : i32
    %dma_start3A_635 = tpu.memref_slice %arg6[%dma_start3A_633, %dma_start3A_634] : memref<2x32768xf32, #tpu.memory_space<vmem>> -> memref<1x32768xf32, #tpu.memory_space<vmem>>
    %dma_start3A_636 = tpu.memref_squeeze %dma_start3A_635 : memref<1x32768xf32, #tpu.memory_space<vmem>> -> memref<32768xf32, #tpu.memory_space<vmem>>
    %dma_start3A_637 = tpu.memref_slice %arg4[%mul3A_632] : memref<33554432xf32, #tpu.memory_space<hbm>> -> memref<32768xf32, #tpu.memory_space<hbm>>
    %dma_start3A_638 = tpu.memref_slice %arg4[%mul3A_632] : memref<33554432xf32, #tpu.memory_space<hbm>> -> memref<32768xf32, #tpu.memory_space<hbm>>
    %dma_start3A_639 = arith.constant 0 : i32
    %dma_start3A_640 = tpu.memref_slice %arg6[%dma_start3A_633, %dma_start3A_639] : memref<2x32768xf32, #tpu.memory_space<vmem>> -> memref<1x32768xf32, #tpu.memory_space<vmem>>
    %dma_start3A_641 = tpu.memref_squeeze %dma_start3A_640 : memref<1x32768xf32, #tpu.memory_space<vmem>> -> memref<32768xf32, #tpu.memory_space<vmem>>
    tpu.enqueue_dma source(%dma_start3A_641 : memref<32768xf32, #tpu.memory_space<vmem>>) target(%dma_start3A_638 : memref<32768xf32, #tpu.memory_space<hbm>>) target_semaphore(%arg11 : memref<!tpu.dma_semaphore, #tpu.memory_space<semaphore_mem>>)
    %add3A_642 = arith.constant 96 : i32
    %add3A_643 = arith.addi %mul3A_2, %add3A_642 : i32
    %mul3A_644 = arith.constant 1024 : i32
    %mul3A_645 = arith.muli %add3A_643, %mul3A_644 : i32
    %dma_start3A_646 = tpu.memref_slice %arg3[%mul3A_645] : memref<8388608xf32, #tpu.memory_space<hbm>> -> memref<32768xf32, #tpu.memory_space<hbm>>
    %dma_start3A_647 = tpu.memref_slice %arg3[%mul3A_645] : memref<8388608xf32, #tpu.memory_space<hbm>> -> memref<32768xf32, #tpu.memory_space<hbm>>
    tpu.enqueue_dma source(%dma_start3A_647 : memref<32768xf32, #tpu.memory_space<hbm>>) target(%arg5 : memref<32768xf32, #tpu.memory_space<vmem>>) target_semaphore(%arg7 : memref<!tpu.dma_semaphore, #tpu.memory_space<semaphore_mem>>)
    %dma_wait3A_648 = arith.constant 1 : i32
    %dma_wait3A_649 = arith.constant 0 : i32
    %dma_wait3A_650 = tpu.memref_slice %arg6[%dma_wait3A_648, %dma_wait3A_649] : memref<2x32768xf32, #tpu.memory_space<vmem>> -> memref<1x32768xf32, #tpu.memory_space<vmem>>
    %dma_wait3A_651 = tpu.memref_squeeze %dma_wait3A_650 : memref<1x32768xf32, #tpu.memory_space<vmem>> -> memref<32768xf32, #tpu.memory_space<vmem>>
    %dma_wait3A_652 = tpu.memref_slice %arg4[%mul3A_632] : memref<33554432xf32, #tpu.memory_space<hbm>> -> memref<32768xf32, #tpu.memory_space<hbm>>
    %dma_wait3A_653 = tpu.memref_slice %arg4[%mul3A_632] : memref<33554432xf32, #tpu.memory_space<hbm>> -> memref<32768xf32, #tpu.memory_space<hbm>>
    %dma_wait3A_654 = arith.constant 0 : i32
    %dma_wait3A_655 = tpu.memref_slice %arg6[%dma_wait3A_648, %dma_wait3A_654] : memref<2x32768xf32, #tpu.memory_space<vmem>> -> memref<1x32768xf32, #tpu.memory_space<vmem>>
    %dma_wait3A_656 = tpu.memref_squeeze %dma_wait3A_655 : memref<1x32768xf32, #tpu.memory_space<vmem>> -> memref<32768xf32, #tpu.memory_space<vmem>>
    tpu.wait_dma2 semaphore(%arg11 : memref<!tpu.dma_semaphore, #tpu.memory_space<semaphore_mem>>) src(%dma_wait3A_656 : memref<32768xf32, #tpu.memory_space<vmem>>) dst(%dma_wait3A_653 : memref<32768xf32, #tpu.memory_space<hbm>>)
    %add3A_657 = arith.constant 8192 : i32
    %add3A_658 = arith.addi %add3A_657, %mul3A_2 : i32
    %add3A_659 = arith.constant 96 : i32
    %add3A_660 = arith.addi %add3A_658, %add3A_659 : i32
    %mul3A_661 = arith.constant 1024 : i32
    %mul3A_662 = arith.muli %add3A_660, %mul3A_661 : i32
    %dma_start3A_663 = arith.constant 1 : i32
    %dma_start3A_664 = arith.constant 0 : i32
    %dma_start3A_665 = tpu.memref_slice %arg6[%dma_start3A_663, %dma_start3A_664] : memref<2x32768xf32, #tpu.memory_space<vmem>> -> memref<1x32768xf32, #tpu.memory_space<vmem>>
    %dma_start3A_666 = tpu.memref_squeeze %dma_start3A_665 : memref<1x32768xf32, #tpu.memory_space<vmem>> -> memref<32768xf32, #tpu.memory_space<vmem>>
    %dma_start3A_667 = tpu.memref_slice %arg2[%mul3A_662] : memref<33554432xf32, #tpu.memory_space<hbm>> -> memref<32768xf32, #tpu.memory_space<hbm>>
    %dma_start3A_668 = arith.constant 0 : i32
    %dma_start3A_669 = tpu.memref_slice %arg6[%dma_start3A_663, %dma_start3A_668] : memref<2x32768xf32, #tpu.memory_space<vmem>> -> memref<1x32768xf32, #tpu.memory_space<vmem>>
    %dma_start3A_670 = tpu.memref_squeeze %dma_start3A_669 : memref<1x32768xf32, #tpu.memory_space<vmem>> -> memref<32768xf32, #tpu.memory_space<vmem>>
    %dma_start3A_671 = tpu.memref_slice %arg2[%mul3A_662] : memref<33554432xf32, #tpu.memory_space<hbm>> -> memref<32768xf32, #tpu.memory_space<hbm>>
    tpu.enqueue_dma source(%dma_start3A_671 : memref<32768xf32, #tpu.memory_space<hbm>>) target(%dma_start3A_670 : memref<32768xf32, #tpu.memory_space<vmem>>) target_semaphore(%arg9 : memref<!tpu.dma_semaphore, #tpu.memory_space<semaphore_mem>>)
    %dma_wait3A_672 = tpu.memref_slice %arg3[%mul3A_645] : memref<8388608xf32, #tpu.memory_space<hbm>> -> memref<32768xf32, #tpu.memory_space<hbm>>
    %dma_wait3A_673 = tpu.memref_slice %arg3[%mul3A_645] : memref<8388608xf32, #tpu.memory_space<hbm>> -> memref<32768xf32, #tpu.memory_space<hbm>>
    tpu.wait_dma2 semaphore(%arg7 : memref<!tpu.dma_semaphore, #tpu.memory_space<semaphore_mem>>) src(%dma_wait3A_673 : memref<32768xf32, #tpu.memory_space<hbm>>) dst(%arg5 : memref<32768xf32, #tpu.memory_space<vmem>>)
    %dma_wait3A_674 = arith.constant 0 : i32
    %dma_wait3A_675 = arith.constant 0 : i32
    %dma_wait3A_676 = tpu.memref_slice %arg6[%dma_wait3A_674, %dma_wait3A_675] : memref<2x32768xf32, #tpu.memory_space<vmem>> -> memref<1x32768xf32, #tpu.memory_space<vmem>>
    %dma_wait3A_677 = tpu.memref_squeeze %dma_wait3A_676 : memref<1x32768xf32, #tpu.memory_space<vmem>> -> memref<32768xf32, #tpu.memory_space<vmem>>
    %dma_wait3A_678 = tpu.memref_slice %arg2[%mul3A_605] : memref<33554432xf32, #tpu.memory_space<hbm>> -> memref<32768xf32, #tpu.memory_space<hbm>>
    %dma_wait3A_679 = arith.constant 0 : i32
    %dma_wait3A_680 = tpu.memref_slice %arg6[%dma_wait3A_674, %dma_wait3A_679] : memref<2x32768xf32, #tpu.memory_space<vmem>> -> memref<1x32768xf32, #tpu.memory_space<vmem>>
    %dma_wait3A_681 = tpu.memref_squeeze %dma_wait3A_680 : memref<1x32768xf32, #tpu.memory_space<vmem>> -> memref<32768xf32, #tpu.memory_space<vmem>>
    %dma_wait3A_682 = tpu.memref_slice %arg2[%mul3A_605] : memref<33554432xf32, #tpu.memory_space<hbm>> -> memref<32768xf32, #tpu.memory_space<hbm>>
    tpu.wait_dma2 semaphore(%arg8 : memref<!tpu.dma_semaphore, #tpu.memory_space<semaphore_mem>>) src(%dma_wait3A_682 : memref<32768xf32, #tpu.memory_space<hbm>>) dst(%dma_wait3A_681 : memref<32768xf32, #tpu.memory_space<vmem>>)
    %parallel_loop3A_683 = arith.constant 0 : i32
    %parallel_loop3A_684 = arith.constant 32768 : i32
    %parallel_loop3A_685 = arith.constant 16 : i32
    scf.for %parallel_loop3A_1696 = %parallel_loop3A_683 to %parallel_loop3A_684 step %parallel_loop3A_685  : i32 {
      %parallel_loop3A_1697 = arith.index_cast %parallel_loop3A_1696 : i32 to index
      %parallel_loop3A_1698 = tpu.vector_load %arg5[%parallel_loop3A_1697] {strides = array<i32>} : memref<32768xf32, #tpu.memory_space<vmem>>, vector<16xf32>,
      %parallel_loop3A_1699 = vector.shape_cast %parallel_loop3A_1698 : vector<16xf32> to vector<16xf32>
      %parallel_loop3A_1700 = arith.constant 0 : i32
      %parallel_loop3A_1701 = arith.index_cast %parallel_loop3A_1700 : i32 to index
      %parallel_loop3A_1702 = arith.index_cast %parallel_loop3A_1696 : i32 to index
      %parallel_loop3A_1703 = tpu.vector_load %arg6[%parallel_loop3A_1701, %parallel_loop3A_1702] {strides = array<i32>} : memref<2x32768xf32, #tpu.memory_space<vmem>>, vector<1x16xf32>,
      %parallel_loop3A_1704 = vector.shape_cast %parallel_loop3A_1703 : vector<1x16xf32> to vector<16xf32>
      %parallel_loop3A_1705 = vector.shape_cast %parallel_loop3A_1699 : vector<16xf32> to vector<1x16xf32>
      tpu.vector_store %arg6[%parallel_loop3A_1701, %parallel_loop3A_1702], %parallel_loop3A_1705 {add = true, strides = array<i32>} : memref<2x32768xf32, #tpu.memory_space<vmem>>, vector<1x16xf32>,
    } {sc.loop_unroll_factor = 8 : i64, sc.parallel_access}
    %add3A_686 = arith.constant 0 : i32
    %add3A_687 = arith.addi %add3A_686, %mul3A_2 : i32
    %add3A_688 = arith.constant 96 : i32
    %add3A_689 = arith.addi %add3A_687, %add3A_688 : i32
    %mul3A_690 = arith.constant 1024 : i32
    %mul3A_691 = arith.muli %add3A_689, %mul3A_690 : i32
    %dma_start3A_692 = arith.constant 0 : i32
    %dma_start3A_693 = arith.constant 0 : i32
    %dma_start3A_694 = tpu.memref_slice %arg6[%dma_start3A_692, %dma_start3A_693] : memref<2x32768xf32, #tpu.memory_space<vmem>> -> memref<1x32768xf32, #tpu.memory_space<vmem>>
    %dma_start3A_695 = tpu.memref_squeeze %dma_start3A_694 : memref<1x32768xf32, #tpu.memory_space<vmem>> -> memref<32768xf32, #tpu.memory_space<vmem>>
    %dma_start3A_696 = tpu.memref_slice %arg4[%mul3A_691] : memref<33554432xf32, #tpu.memory_space<hbm>> -> memref<32768xf32, #tpu.memory_space<hbm>>
    %dma_start3A_697 = tpu.memref_slice %arg4[%mul3A_691] : memref<33554432xf32, #tpu.memory_space<hbm>> -> memref<32768xf32, #tpu.memory_space<hbm>>
    %dma_start3A_698 = arith.constant 0 : i32
    %dma_start3A_699 = tpu.memref_slice %arg6[%dma_start3A_692, %dma_start3A_698] : memref<2x32768xf32, #tpu.memory_space<vmem>> -> memref<1x32768xf32, #tpu.memory_space<vmem>>
    %dma_start3A_700 = tpu.memref_squeeze %dma_start3A_699 : memref<1x32768xf32, #tpu.memory_space<vmem>> -> memref<32768xf32, #tpu.memory_space<vmem>>
    tpu.enqueue_dma source(%dma_start3A_700 : memref<32768xf32, #tpu.memory_space<vmem>>) target(%dma_start3A_697 : memref<32768xf32, #tpu.memory_space<hbm>>) target_semaphore(%arg10 : memref<!tpu.dma_semaphore, #tpu.memory_space<semaphore_mem>>)
    %dma_wait3A_701 = arith.constant 0 : i32
    %dma_wait3A_702 = arith.constant 0 : i32
    %dma_wait3A_703 = tpu.memref_slice %arg6[%dma_wait3A_701, %dma_wait3A_702] : memref<2x32768xf32, #tpu.memory_space<vmem>> -> memref<1x32768xf32, #tpu.memory_space<vmem>>
    %dma_wait3A_704 = tpu.memref_squeeze %dma_wait3A_703 : memref<1x32768xf32, #tpu.memory_space<vmem>> -> memref<32768xf32, #tpu.memory_space<vmem>>
    %dma_wait3A_705 = tpu.memref_slice %arg4[%mul3A_691] : memref<33554432xf32, #tpu.memory_space<hbm>> -> memref<32768xf32, #tpu.memory_space<hbm>>
    %dma_wait3A_706 = tpu.memref_slice %arg4[%mul3A_691] : memref<33554432xf32, #tpu.memory_space<hbm>> -> memref<32768xf32, #tpu.memory_space<hbm>>
    %dma_wait3A_707 = arith.constant 0 : i32
    %dma_wait3A_708 = tpu.memref_slice %arg6[%dma_wait3A_701, %dma_wait3A_707] : memref<2x32768xf32, #tpu.memory_space<vmem>> -> memref<1x32768xf32, #tpu.memory_space<vmem>>
    %dma_wait3A_709 = tpu.memref_squeeze %dma_wait3A_708 : memref<1x32768xf32, #tpu.memory_space<vmem>> -> memref<32768xf32, #tpu.memory_space<vmem>>
    tpu.wait_dma2 semaphore(%arg10 : memref<!tpu.dma_semaphore, #tpu.memory_space<semaphore_mem>>) src(%dma_wait3A_709 : memref<32768xf32, #tpu.memory_space<vmem>>) dst(%dma_wait3A_706 : memref<32768xf32, #tpu.memory_space<hbm>>)
    %add3A_710 = arith.constant 16384 : i32
    %add3A_711 = arith.addi %add3A_710, %mul3A_2 : i32
    %add3A_712 = arith.constant 96 : i32
    %add3A_713 = arith.addi %add3A_711, %add3A_712 : i32
    %mul3A_714 = arith.constant 1024 : i32
    %mul3A_715 = arith.muli %add3A_713, %mul3A_714 : i32
    %dma_start3A_716 = arith.constant 0 : i32
    %dma_start3A_717 = arith.constant 0 : i32
    %dma_start3A_718 = tpu.memref_slice %arg6[%dma_start3A_716, %dma_start3A_717] : memref<2x32768xf32, #tpu.memory_space<vmem>> -> memref<1x32768xf32, #tpu.memory_space<vmem>>
    %dma_start3A_719 = tpu.memref_squeeze %dma_start3A_718 : memref<1x32768xf32, #tpu.memory_space<vmem>> -> memref<32768xf32, #tpu.memory_space<vmem>>
    %dma_start3A_720 = tpu.memref_slice %arg2[%mul3A_715] : memref<33554432xf32, #tpu.memory_space<hbm>> -> memref<32768xf32, #tpu.memory_space<hbm>>
    %dma_start3A_721 = arith.constant 0 : i32
    %dma_start3A_722 = tpu.memref_slice %arg6[%dma_start3A_716, %dma_start3A_721] : memref<2x32768xf32, #tpu.memory_space<vmem>> -> memref<1x32768xf32, #tpu.memory_space<vmem>>
    %dma_start3A_723 = tpu.memref_squeeze %dma_start3A_722 : memref<1x32768xf32, #tpu.memory_space<vmem>> -> memref<32768xf32, #tpu.memory_space<vmem>>
    %dma_start3A_724 = tpu.memref_slice %arg2[%mul3A_715] : memref<33554432xf32, #tpu.memory_space<hbm>> -> memref<32768xf32, #tpu.memory_space<hbm>>
    tpu.enqueue_dma source(%dma_start3A_724 : memref<32768xf32, #tpu.memory_space<hbm>>) target(%dma_start3A_723 : memref<32768xf32, #tpu.memory_space<vmem>>) target_semaphore(%arg8 : memref<!tpu.dma_semaphore, #tpu.memory_space<semaphore_mem>>)
    %dma_wait3A_725 = arith.constant 1 : i32
    %dma_wait3A_726 = arith.constant 0 : i32
    %dma_wait3A_727 = tpu.memref_slice %arg6[%dma_wait3A_725, %dma_wait3A_726] : memref<2x32768xf32, #tpu.memory_space<vmem>> -> memref<1x32768xf32, #tpu.memory_space<vmem>>
    %dma_wait3A_728 = tpu.memref_squeeze %dma_wait3A_727 : memref<1x32768xf32, #tpu.memory_space<vmem>> -> memref<32768xf32, #tpu.memory_space<vmem>>
    %dma_wait3A_729 = tpu.memref_slice %arg2[%mul3A_662] : memref<33554432xf32, #tpu.memory_space<hbm>> -> memref<32768xf32, #tpu.memory_space<hbm>>
    %dma_wait3A_730 = arith.constant 0 : i32
    %dma_wait3A_731 = tpu.memref_slice %arg6[%dma_wait3A_725, %dma_wait3A_730] : memref<2x32768xf32, #tpu.memory_space<vmem>> -> memref<1x32768xf32, #tpu.memory_space<vmem>>
    %dma_wait3A_732 = tpu.memref_squeeze %dma_wait3A_731 : memref<1x32768xf32, #tpu.memory_space<vmem>> -> memref<32768xf32, #tpu.memory_space<vmem>>
    %dma_wait3A_733 = tpu.memref_slice %arg2[%mul3A_662] : memref<33554432xf32, #tpu.memory_space<hbm>> -> memref<32768xf32, #tpu.memory_space<hbm>>
    tpu.wait_dma2 semaphore(%arg9 : memref<!tpu.dma_semaphore, #tpu.memory_space<semaphore_mem>>) src(%dma_wait3A_733 : memref<32768xf32, #tpu.memory_space<hbm>>) dst(%dma_wait3A_732 : memref<32768xf32, #tpu.memory_space<vmem>>)
    %parallel_loop3A_734 = arith.constant 0 : i32
    %parallel_loop3A_735 = arith.constant 32768 : i32
    %parallel_loop3A_736 = arith.constant 16 : i32
    scf.for %parallel_loop3A_1696 = %parallel_loop3A_734 to %parallel_loop3A_735 step %parallel_loop3A_736  : i32 {
      %parallel_loop3A_1697 = arith.index_cast %parallel_loop3A_1696 : i32 to index
      %parallel_loop3A_1698 = tpu.vector_load %arg5[%parallel_loop3A_1697] {strides = array<i32>} : memref<32768xf32, #tpu.memory_space<vmem>>, vector<16xf32>,
      %parallel_loop3A_1699 = vector.shape_cast %parallel_loop3A_1698 : vector<16xf32> to vector<16xf32>
      %parallel_loop3A_1700 = arith.constant 1 : i32
      %parallel_loop3A_1701 = arith.index_cast %parallel_loop3A_1700 : i32 to index
      %parallel_loop3A_1702 = arith.index_cast %parallel_loop3A_1696 : i32 to index
      %parallel_loop3A_1703 = tpu.vector_load %arg6[%parallel_loop3A_1701, %parallel_loop3A_1702] {strides = array<i32>} : memref<2x32768xf32, #tpu.memory_space<vmem>>, vector<1x16xf32>,
      %parallel_loop3A_1704 = vector.shape_cast %parallel_loop3A_1703 : vector<1x16xf32> to vector<16xf32>
      %parallel_loop3A_1705 = vector.shape_cast %parallel_loop3A_1699 : vector<16xf32> to vector<1x16xf32>
      tpu.vector_store %arg6[%parallel_loop3A_1701, %parallel_loop3A_1702], %parallel_loop3A_1705 {add = true, strides = array<i32>} : memref<2x32768xf32, #tpu.memory_space<vmem>>, vector<1x16xf32>,
    } {sc.loop_unroll_factor = 8 : i64, sc.parallel_access}
    %add3A_737 = arith.constant 8192 : i32
    %add3A_738 = arith.addi %add3A_737, %mul3A_2 : i32
    %add3A_739 = arith.constant 96 : i32
    %add3A_740 = arith.addi %add3A_738, %add3A_739 : i32
    %mul3A_741 = arith.constant 1024 : i32
    %mul3A_742 = arith.muli %add3A_740, %mul3A_741 : i32
    %dma_start3A_743 = arith.constant 1 : i32
    %dma_start3A_744 = arith.constant 0 : i32
    %dma_start3A_745 = tpu.memref_slice %arg6[%dma_start3A_743, %dma_start3A_744] : memref<2x32768xf32, #tpu.memory_space<vmem>> -> memref<1x32768xf32, #tpu.memory_space<vmem>>
    %dma_start3A_746 = tpu.memref_squeeze %dma_start3A_745 : memref<1x32768xf32, #tpu.memory_space<vmem>> -> memref<32768xf32, #tpu.memory_space<vmem>>
    %dma_start3A_747 = tpu.memref_slice %arg4[%mul3A_742] : memref<33554432xf32, #tpu.memory_space<hbm>> -> memref<32768xf32, #tpu.memory_space<hbm>>
    %dma_start3A_748 = tpu.memref_slice %arg4[%mul3A_742] : memref<33554432xf32, #tpu.memory_space<hbm>> -> memref<32768xf32, #tpu.memory_space<hbm>>
    %dma_start3A_749 = arith.constant 0 : i32
    %dma_start3A_750 = tpu.memref_slice %arg6[%dma_start3A_743, %dma_start3A_749] : memref<2x32768xf32, #tpu.memory_space<vmem>> -> memref<1x32768xf32, #tpu.memory_space<vmem>>
    %dma_start3A_751 = tpu.memref_squeeze %dma_start3A_750 : memref<1x32768xf32, #tpu.memory_space<vmem>> -> memref<32768xf32, #tpu.memory_space<vmem>>
    tpu.enqueue_dma source(%dma_start3A_751 : memref<32768xf32, #tpu.memory_space<vmem>>) target(%dma_start3A_748 : memref<32768xf32, #tpu.memory_space<hbm>>) target_semaphore(%arg11 : memref<!tpu.dma_semaphore, #tpu.memory_space<semaphore_mem>>)
    %dma_wait3A_752 = arith.constant 1 : i32
    %dma_wait3A_753 = arith.constant 0 : i32
    %dma_wait3A_754 = tpu.memref_slice %arg6[%dma_wait3A_752, %dma_wait3A_753] : memref<2x32768xf32, #tpu.memory_space<vmem>> -> memref<1x32768xf32, #tpu.memory_space<vmem>>
    %dma_wait3A_755 = tpu.memref_squeeze %dma_wait3A_754 : memref<1x32768xf32, #tpu.memory_space<vmem>> -> memref<32768xf32, #tpu.memory_space<vmem>>
    %dma_wait3A_756 = tpu.memref_slice %arg4[%mul3A_742] : memref<33554432xf32, #tpu.memory_space<hbm>> -> memref<32768xf32, #tpu.memory_space<hbm>>
    %dma_wait3A_757 = tpu.memref_slice %arg4[%mul3A_742] : memref<33554432xf32, #tpu.memory_space<hbm>> -> memref<32768xf32, #tpu.memory_space<hbm>>
    %dma_wait3A_758 = arith.constant 0 : i32
    %dma_wait3A_759 = tpu.memref_slice %arg6[%dma_wait3A_752, %dma_wait3A_758] : memref<2x32768xf32, #tpu.memory_space<vmem>> -> memref<1x32768xf32, #tpu.memory_space<vmem>>
    %dma_wait3A_760 = tpu.memref_squeeze %dma_wait3A_759 : memref<1x32768xf32, #tpu.memory_space<vmem>> -> memref<32768xf32, #tpu.memory_space<vmem>>
    tpu.wait_dma2 semaphore(%arg11 : memref<!tpu.dma_semaphore, #tpu.memory_space<semaphore_mem>>) src(%dma_wait3A_760 : memref<32768xf32, #tpu.memory_space<vmem>>) dst(%dma_wait3A_757 : memref<32768xf32, #tpu.memory_space<hbm>>)
    %add3A_761 = arith.constant 24576 : i32
    %add3A_762 = arith.addi %add3A_761, %mul3A_2 : i32
    %add3A_763 = arith.constant 96 : i32
    %add3A_764 = arith.addi %add3A_762, %add3A_763 : i32
    %mul3A_765 = arith.constant 1024 : i32
    %mul3A_766 = arith.muli %add3A_764, %mul3A_765 : i32
    %dma_start3A_767 = arith.constant 1 : i32
    %dma_start3A_768 = arith.constant 0 : i32
    %dma_start3A_769 = tpu.memref_slice %arg6[%dma_start3A_767, %dma_start3A_768] : memref<2x32768xf32, #tpu.memory_space<vmem>> -> memref<1x32768xf32, #tpu.memory_space<vmem>>
    %dma_start3A_770 = tpu.memref_squeeze %dma_start3A_769 : memref<1x32768xf32, #tpu.memory_space<vmem>> -> memref<32768xf32, #tpu.memory_space<vmem>>
    %dma_start3A_771 = tpu.memref_slice %arg2[%mul3A_766] : memref<33554432xf32, #tpu.memory_space<hbm>> -> memref<32768xf32, #tpu.memory_space<hbm>>
    %dma_start3A_772 = arith.constant 0 : i32
    %dma_start3A_773 = tpu.memref_slice %arg6[%dma_start3A_767, %dma_start3A_772] : memref<2x32768xf32, #tpu.memory_space<vmem>> -> memref<1x32768xf32, #tpu.memory_space<vmem>>
    %dma_start3A_774 = tpu.memref_squeeze %dma_start3A_773 : memref<1x32768xf32, #tpu.memory_space<vmem>> -> memref<32768xf32, #tpu.memory_space<vmem>>
    %dma_start3A_775 = tpu.memref_slice %arg2[%mul3A_766] : memref<33554432xf32, #tpu.memory_space<hbm>> -> memref<32768xf32, #tpu.memory_space<hbm>>
    tpu.enqueue_dma source(%dma_start3A_775 : memref<32768xf32, #tpu.memory_space<hbm>>) target(%dma_start3A_774 : memref<32768xf32, #tpu.memory_space<vmem>>) target_semaphore(%arg9 : memref<!tpu.dma_semaphore, #tpu.memory_space<semaphore_mem>>)
    %dma_wait3A_776 = arith.constant 0 : i32
    %dma_wait3A_777 = arith.constant 0 : i32
    %dma_wait3A_778 = tpu.memref_slice %arg6[%dma_wait3A_776, %dma_wait3A_777] : memref<2x32768xf32, #tpu.memory_space<vmem>> -> memref<1x32768xf32, #tpu.memory_space<vmem>>
    %dma_wait3A_779 = tpu.memref_squeeze %dma_wait3A_778 : memref<1x32768xf32, #tpu.memory_space<vmem>> -> memref<32768xf32, #tpu.memory_space<vmem>>
    %dma_wait3A_780 = tpu.memref_slice %arg2[%mul3A_715] : memref<33554432xf32, #tpu.memory_space<hbm>> -> memref<32768xf32, #tpu.memory_space<hbm>>
    %dma_wait3A_781 = arith.constant 0 : i32
    %dma_wait3A_782 = tpu.memref_slice %arg6[%dma_wait3A_776, %dma_wait3A_781] : memref<2x32768xf32, #tpu.memory_space<vmem>> -> memref<1x32768xf32, #tpu.memory_space<vmem>>
    %dma_wait3A_783 = tpu.memref_squeeze %dma_wait3A_782 : memref<1x32768xf32, #tpu.memory_space<vmem>> -> memref<32768xf32, #tpu.memory_space<vmem>>
    %dma_wait3A_784 = tpu.memref_slice %arg2[%mul3A_715] : memref<33554432xf32, #tpu.memory_space<hbm>> -> memref<32768xf32, #tpu.memory_space<hbm>>
    tpu.wait_dma2 semaphore(%arg8 : memref<!tpu.dma_semaphore, #tpu.memory_space<semaphore_mem>>) src(%dma_wait3A_784 : memref<32768xf32, #tpu.memory_space<hbm>>) dst(%dma_wait3A_783 : memref<32768xf32, #tpu.memory_space<vmem>>)
    %parallel_loop3A_785 = arith.constant 0 : i32
    %parallel_loop3A_786 = arith.constant 32768 : i32
    %parallel_loop3A_787 = arith.constant 16 : i32
    scf.for %parallel_loop3A_1696 = %parallel_loop3A_785 to %parallel_loop3A_786 step %parallel_loop3A_787  : i32 {
      %parallel_loop3A_1697 = arith.index_cast %parallel_loop3A_1696 : i32 to index
      %parallel_loop3A_1698 = tpu.vector_load %arg5[%parallel_loop3A_1697] {strides = array<i32>} : memref<32768xf32, #tpu.memory_space<vmem>>, vector<16xf32>,
      %parallel_loop3A_1699 = vector.shape_cast %parallel_loop3A_1698 : vector<16xf32> to vector<16xf32>
      %parallel_loop3A_1700 = arith.constant 0 : i32
      %parallel_loop3A_1701 = arith.index_cast %parallel_loop3A_1700 : i32 to index
      %parallel_loop3A_1702 = arith.index_cast %parallel_loop3A_1696 : i32 to index
      %parallel_loop3A_1703 = tpu.vector_load %arg6[%parallel_loop3A_1701, %parallel_loop3A_1702] {strides = array<i32>} : memref<2x32768xf32, #tpu.memory_space<vmem>>, vector<1x16xf32>,
      %parallel_loop3A_1704 = vector.shape_cast %parallel_loop3A_1703 : vector<1x16xf32> to vector<16xf32>
      %parallel_loop3A_1705 = vector.shape_cast %parallel_loop3A_1699 : vector<16xf32> to vector<1x16xf32>
      tpu.vector_store %arg6[%parallel_loop3A_1701, %parallel_loop3A_1702], %parallel_loop3A_1705 {add = true, strides = array<i32>} : memref<2x32768xf32, #tpu.memory_space<vmem>>, vector<1x16xf32>,
    } {sc.loop_unroll_factor = 8 : i64, sc.parallel_access}
    %add3A_788 = arith.constant 16384 : i32
    %add3A_789 = arith.addi %add3A_788, %mul3A_2 : i32
    %add3A_790 = arith.constant 96 : i32
    %add3A_791 = arith.addi %add3A_789, %add3A_790 : i32
    %mul3A_792 = arith.constant 1024 : i32
    %mul3A_793 = arith.muli %add3A_791, %mul3A_792 : i32
    %dma_start3A_794 = arith.constant 0 : i32
    %dma_start3A_795 = arith.constant 0 : i32
    %dma_start3A_796 = tpu.memref_slice %arg6[%dma_start3A_794, %dma_start3A_795] : memref<2x32768xf32, #tpu.memory_space<vmem>> -> memref<1x32768xf32, #tpu.memory_space<vmem>>
    %dma_start3A_797 = tpu.memref_squeeze %dma_start3A_796 : memref<1x32768xf32, #tpu.memory_space<vmem>> -> memref<32768xf32, #tpu.memory_space<vmem>>
    %dma_start3A_798 = tpu.memref_slice %arg4[%mul3A_793] : memref<33554432xf32, #tpu.memory_space<hbm>> -> memref<32768xf32, #tpu.memory_space<hbm>>
    %dma_start3A_799 = tpu.memref_slice %arg4[%mul3A_793] : memref<33554432xf32, #tpu.memory_space<hbm>> -> memref<32768xf32, #tpu.memory_space<hbm>>
    %dma_start3A_800 = arith.constant 0 : i32
    %dma_start3A_801 = tpu.memref_slice %arg6[%dma_start3A_794, %dma_start3A_800] : memref<2x32768xf32, #tpu.memory_space<vmem>> -> memref<1x32768xf32, #tpu.memory_space<vmem>>
    %dma_start3A_802 = tpu.memref_squeeze %dma_start3A_801 : memref<1x32768xf32, #tpu.memory_space<vmem>> -> memref<32768xf32, #tpu.memory_space<vmem>>
    tpu.enqueue_dma source(%dma_start3A_802 : memref<32768xf32, #tpu.memory_space<vmem>>) target(%dma_start3A_799 : memref<32768xf32, #tpu.memory_space<hbm>>) target_semaphore(%arg10 : memref<!tpu.dma_semaphore, #tpu.memory_space<semaphore_mem>>)
    %dma_wait3A_803 = arith.constant 0 : i32
    %dma_wait3A_804 = arith.constant 0 : i32
    %dma_wait3A_805 = tpu.memref_slice %arg6[%dma_wait3A_803, %dma_wait3A_804] : memref<2x32768xf32, #tpu.memory_space<vmem>> -> memref<1x32768xf32, #tpu.memory_space<vmem>>
    %dma_wait3A_806 = tpu.memref_squeeze %dma_wait3A_805 : memref<1x32768xf32, #tpu.memory_space<vmem>> -> memref<32768xf32, #tpu.memory_space<vmem>>
    %dma_wait3A_807 = tpu.memref_slice %arg4[%mul3A_793] : memref<33554432xf32, #tpu.memory_space<hbm>> -> memref<32768xf32, #tpu.memory_space<hbm>>
    %dma_wait3A_808 = tpu.memref_slice %arg4[%mul3A_793] : memref<33554432xf32, #tpu.memory_space<hbm>> -> memref<32768xf32, #tpu.memory_space<hbm>>
    %dma_wait3A_809 = arith.constant 0 : i32
    %dma_wait3A_810 = tpu.memref_slice %arg6[%dma_wait3A_803, %dma_wait3A_809] : memref<2x32768xf32, #tpu.memory_space<vmem>> -> memref<1x32768xf32, #tpu.memory_space<vmem>>
    %dma_wait3A_811 = tpu.memref_squeeze %dma_wait3A_810 : memref<1x32768xf32, #tpu.memory_space<vmem>> -> memref<32768xf32, #tpu.memory_space<vmem>>
    tpu.wait_dma2 semaphore(%arg10 : memref<!tpu.dma_semaphore, #tpu.memory_space<semaphore_mem>>) src(%dma_wait3A_811 : memref<32768xf32, #tpu.memory_space<vmem>>) dst(%dma_wait3A_808 : memref<32768xf32, #tpu.memory_space<hbm>>)
    %add3A_812 = arith.constant 0 : i32
    %add3A_813 = arith.addi %add3A_812, %mul3A_2 : i32
    %add3A_814 = arith.constant 128 : i32
    %add3A_815 = arith.addi %add3A_813, %add3A_814 : i32
    %mul3A_816 = arith.constant 1024 : i32
    %mul3A_817 = arith.muli %add3A_815, %mul3A_816 : i32
    %dma_start3A_818 = arith.constant 0 : i32
    %dma_start3A_819 = arith.constant 0 : i32
    %dma_start3A_820 = tpu.memref_slice %arg6[%dma_start3A_818, %dma_start3A_819] : memref<2x32768xf32, #tpu.memory_space<vmem>> -> memref<1x32768xf32, #tpu.memory_space<vmem>>
    %dma_start3A_821 = tpu.memref_squeeze %dma_start3A_820 : memref<1x32768xf32, #tpu.memory_space<vmem>> -> memref<32768xf32, #tpu.memory_space<vmem>>
    %dma_start3A_822 = tpu.memref_slice %arg2[%mul3A_817] : memref<33554432xf32, #tpu.memory_space<hbm>> -> memref<32768xf32, #tpu.memory_space<hbm>>
    %dma_start3A_823 = arith.constant 0 : i32
    %dma_start3A_824 = tpu.memref_slice %arg6[%dma_start3A_818, %dma_start3A_823] : memref<2x32768xf32, #tpu.memory_space<vmem>> -> memref<1x32768xf32, #tpu.memory_space<vmem>>
    %dma_start3A_825 = tpu.memref_squeeze %dma_start3A_824 : memref<1x32768xf32, #tpu.memory_space<vmem>> -> memref<32768xf32, #tpu.memory_space<vmem>>
    %dma_start3A_826 = tpu.memref_slice %arg2[%mul3A_817] : memref<33554432xf32, #tpu.memory_space<hbm>> -> memref<32768xf32, #tpu.memory_space<hbm>>
    tpu.enqueue_dma source(%dma_start3A_826 : memref<32768xf32, #tpu.memory_space<hbm>>) target(%dma_start3A_825 : memref<32768xf32, #tpu.memory_space<vmem>>) target_semaphore(%arg8 : memref<!tpu.dma_semaphore, #tpu.memory_space<semaphore_mem>>)
    %dma_wait3A_827 = arith.constant 1 : i32
    %dma_wait3A_828 = arith.constant 0 : i32
    %dma_wait3A_829 = tpu.memref_slice %arg6[%dma_wait3A_827, %dma_wait3A_828] : memref<2x32768xf32, #tpu.memory_space<vmem>> -> memref<1x32768xf32, #tpu.memory_space<vmem>>
    %dma_wait3A_830 = tpu.memref_squeeze %dma_wait3A_829 : memref<1x32768xf32, #tpu.memory_space<vmem>> -> memref<32768xf32, #tpu.memory_space<vmem>>
    %dma_wait3A_831 = tpu.memref_slice %arg2[%mul3A_766] : memref<33554432xf32, #tpu.memory_space<hbm>> -> memref<32768xf32, #tpu.memory_space<hbm>>
    %dma_wait3A_832 = arith.constant 0 : i32
    %dma_wait3A_833 = tpu.memref_slice %arg6[%dma_wait3A_827, %dma_wait3A_832] : memref<2x32768xf32, #tpu.memory_space<vmem>> -> memref<1x32768xf32, #tpu.memory_space<vmem>>
    %dma_wait3A_834 = tpu.memref_squeeze %dma_wait3A_833 : memref<1x32768xf32, #tpu.memory_space<vmem>> -> memref<32768xf32, #tpu.memory_space<vmem>>
    %dma_wait3A_835 = tpu.memref_slice %arg2[%mul3A_766] : memref<33554432xf32, #tpu.memory_space<hbm>> -> memref<32768xf32, #tpu.memory_space<hbm>>
    tpu.wait_dma2 semaphore(%arg9 : memref<!tpu.dma_semaphore, #tpu.memory_space<semaphore_mem>>) src(%dma_wait3A_835 : memref<32768xf32, #tpu.memory_space<hbm>>) dst(%dma_wait3A_834 : memref<32768xf32, #tpu.memory_space<vmem>>)
    %parallel_loop3A_836 = arith.constant 0 : i32
    %parallel_loop3A_837 = arith.constant 32768 : i32
    %parallel_loop3A_838 = arith.constant 16 : i32
    scf.for %parallel_loop3A_1696 = %parallel_loop3A_836 to %parallel_loop3A_837 step %parallel_loop3A_838  : i32 {
      %parallel_loop3A_1697 = arith.index_cast %parallel_loop3A_1696 : i32 to index
      %parallel_loop3A_1698 = tpu.vector_load %arg5[%parallel_loop3A_1697] {strides = array<i32>} : memref<32768xf32, #tpu.memory_space<vmem>>, vector<16xf32>,
      %parallel_loop3A_1699 = vector.shape_cast %parallel_loop3A_1698 : vector<16xf32> to vector<16xf32>
      %parallel_loop3A_1700 = arith.constant 1 : i32
      %parallel_loop3A_1701 = arith.index_cast %parallel_loop3A_1700 : i32 to index
      %parallel_loop3A_1702 = arith.index_cast %parallel_loop3A_1696 : i32 to index
      %parallel_loop3A_1703 = tpu.vector_load %arg6[%parallel_loop3A_1701, %parallel_loop3A_1702] {strides = array<i32>} : memref<2x32768xf32, #tpu.memory_space<vmem>>, vector<1x16xf32>,
      %parallel_loop3A_1704 = vector.shape_cast %parallel_loop3A_1703 : vector<1x16xf32> to vector<16xf32>
      %parallel_loop3A_1705 = vector.shape_cast %parallel_loop3A_1699 : vector<16xf32> to vector<1x16xf32>
      tpu.vector_store %arg6[%parallel_loop3A_1701, %parallel_loop3A_1702], %parallel_loop3A_1705 {add = true, strides = array<i32>} : memref<2x32768xf32, #tpu.memory_space<vmem>>, vector<1x16xf32>,
    } {sc.loop_unroll_factor = 8 : i64, sc.parallel_access}
    %add3A_839 = arith.constant 24576 : i32
    %add3A_840 = arith.addi %add3A_839, %mul3A_2 : i32
    %add3A_841 = arith.constant 96 : i32
    %add3A_842 = arith.addi %add3A_840, %add3A_841 : i32
    %mul3A_843 = arith.constant 1024 : i32
    %mul3A_844 = arith.muli %add3A_842, %mul3A_843 : i32
    %dma_start3A_845 = arith.constant 1 : i32
    %dma_start3A_846 = arith.constant 0 : i32
    %dma_start3A_847 = tpu.memref_slice %arg6[%dma_start3A_845, %dma_start3A_846] : memref<2x32768xf32, #tpu.memory_space<vmem>> -> memref<1x32768xf32, #tpu.memory_space<vmem>>
    %dma_start3A_848 = tpu.memref_squeeze %dma_start3A_847 : memref<1x32768xf32, #tpu.memory_space<vmem>> -> memref<32768xf32, #tpu.memory_space<vmem>>
    %dma_start3A_849 = tpu.memref_slice %arg4[%mul3A_844] : memref<33554432xf32, #tpu.memory_space<hbm>> -> memref<32768xf32, #tpu.memory_space<hbm>>
    %dma_start3A_850 = tpu.memref_slice %arg4[%mul3A_844] : memref<33554432xf32, #tpu.memory_space<hbm>> -> memref<32768xf32, #tpu.memory_space<hbm>>
    %dma_start3A_851 = arith.constant 0 : i32
    %dma_start3A_852 = tpu.memref_slice %arg6[%dma_start3A_845, %dma_start3A_851] : memref<2x32768xf32, #tpu.memory_space<vmem>> -> memref<1x32768xf32, #tpu.memory_space<vmem>>
    %dma_start3A_853 = tpu.memref_squeeze %dma_start3A_852 : memref<1x32768xf32, #tpu.memory_space<vmem>> -> memref<32768xf32, #tpu.memory_space<vmem>>
    tpu.enqueue_dma source(%dma_start3A_853 : memref<32768xf32, #tpu.memory_space<vmem>>) target(%dma_start3A_850 : memref<32768xf32, #tpu.memory_space<hbm>>) target_semaphore(%arg11 : memref<!tpu.dma_semaphore, #tpu.memory_space<semaphore_mem>>)
    %add3A_854 = arith.constant 128 : i32
    %add3A_855 = arith.addi %mul3A_2, %add3A_854 : i32
    %mul3A_856 = arith.constant 1024 : i32
    %mul3A_857 = arith.muli %add3A_855, %mul3A_856 : i32
    %dma_start3A_858 = tpu.memref_slice %arg3[%mul3A_857] : memref<8388608xf32, #tpu.memory_space<hbm>> -> memref<32768xf32, #tpu.memory_space<hbm>>
    %dma_start3A_859 = tpu.memref_slice %arg3[%mul3A_857] : memref<8388608xf32, #tpu.memory_space<hbm>> -> memref<32768xf32, #tpu.memory_space<hbm>>
    tpu.enqueue_dma source(%dma_start3A_859 : memref<32768xf32, #tpu.memory_space<hbm>>) target(%arg5 : memref<32768xf32, #tpu.memory_space<vmem>>) target_semaphore(%arg7 : memref<!tpu.dma_semaphore, #tpu.memory_space<semaphore_mem>>)
    %dma_wait3A_860 = arith.constant 1 : i32
    %dma_wait3A_861 = arith.constant 0 : i32
    %dma_wait3A_862 = tpu.memref_slice %arg6[%dma_wait3A_860, %dma_wait3A_861] : memref<2x32768xf32, #tpu.memory_space<vmem>> -> memref<1x32768xf32, #tpu.memory_space<vmem>>
    %dma_wait3A_863 = tpu.memref_squeeze %dma_wait3A_862 : memref<1x32768xf32, #tpu.memory_space<vmem>> -> memref<32768xf32, #tpu.memory_space<vmem>>
    %dma_wait3A_864 = tpu.memref_slice %arg4[%mul3A_844] : memref<33554432xf32, #tpu.memory_space<hbm>> -> memref<32768xf32, #tpu.memory_space<hbm>>
    %dma_wait3A_865 = tpu.memref_slice %arg4[%mul3A_844] : memref<33554432xf32, #tpu.memory_space<hbm>> -> memref<32768xf32, #tpu.memory_space<hbm>>
    %dma_wait3A_866 = arith.constant 0 : i32
    %dma_wait3A_867 = tpu.memref_slice %arg6[%dma_wait3A_860, %dma_wait3A_866] : memref<2x32768xf32, #tpu.memory_space<vmem>> -> memref<1x32768xf32, #tpu.memory_space<vmem>>
    %dma_wait3A_868 = tpu.memref_squeeze %dma_wait3A_867 : memref<1x32768xf32, #tpu.memory_space<vmem>> -> memref<32768xf32, #tpu.memory_space<vmem>>
    tpu.wait_dma2 semaphore(%arg11 : memref<!tpu.dma_semaphore, #tpu.memory_space<semaphore_mem>>) src(%dma_wait3A_868 : memref<32768xf32, #tpu.memory_space<vmem>>) dst(%dma_wait3A_865 : memref<32768xf32, #tpu.memory_space<hbm>>)
    %add3A_869 = arith.constant 8192 : i32
    %add3A_870 = arith.addi %add3A_869, %mul3A_2 : i32
    %add3A_871 = arith.constant 128 : i32
    %add3A_872 = arith.addi %add3A_870, %add3A_871 : i32
    %mul3A_873 = arith.constant 1024 : i32
    %mul3A_874 = arith.muli %add3A_872, %mul3A_873 : i32
    %dma_start3A_875 = arith.constant 1 : i32
    %dma_start3A_876 = arith.constant 0 : i32
    %dma_start3A_877 = tpu.memref_slice %arg6[%dma_start3A_875, %dma_start3A_876] : memref<2x32768xf32, #tpu.memory_space<vmem>> -> memref<1x32768xf32, #tpu.memory_space<vmem>>
    %dma_start3A_878 = tpu.memref_squeeze %dma_start3A_877 : memref<1x32768xf32, #tpu.memory_space<vmem>> -> memref<32768xf32, #tpu.memory_space<vmem>>
    %dma_start3A_879 = tpu.memref_slice %arg2[%mul3A_874] : memref<33554432xf32, #tpu.memory_space<hbm>> -> memref<32768xf32, #tpu.memory_space<hbm>>
    %dma_start3A_880 = arith.constant 0 : i32
    %dma_start3A_881 = tpu.memref_slice %arg6[%dma_start3A_875, %dma_start3A_880] : memref<2x32768xf32, #tpu.memory_space<vmem>> -> memref<1x32768xf32, #tpu.memory_space<vmem>>
    %dma_start3A_882 = tpu.memref_squeeze %dma_start3A_881 : memref<1x32768xf32, #tpu.memory_space<vmem>> -> memref<32768xf32, #tpu.memory_space<vmem>>
    %dma_start3A_883 = tpu.memref_slice %arg2[%mul3A_874] : memref<33554432xf32, #tpu.memory_space<hbm>> -> memref<32768xf32, #tpu.memory_space<hbm>>
    tpu.enqueue_dma source(%dma_start3A_883 : memref<32768xf32, #tpu.memory_space<hbm>>) target(%dma_start3A_882 : memref<32768xf32, #tpu.memory_space<vmem>>) target_semaphore(%arg9 : memref<!tpu.dma_semaphore, #tpu.memory_space<semaphore_mem>>)
    %dma_wait3A_884 = tpu.memref_slice %arg3[%mul3A_857] : memref<8388608xf32, #tpu.memory_space<hbm>> -> memref<32768xf32, #tpu.memory_space<hbm>>
    %dma_wait3A_885 = tpu.memref_slice %arg3[%mul3A_857] : memref<8388608xf32, #tpu.memory_space<hbm>> -> memref<32768xf32, #tpu.memory_space<hbm>>
    tpu.wait_dma2 semaphore(%arg7 : memref<!tpu.dma_semaphore, #tpu.memory_space<semaphore_mem>>) src(%dma_wait3A_885 : memref<32768xf32, #tpu.memory_space<hbm>>) dst(%arg5 : memref<32768xf32, #tpu.memory_space<vmem>>)
    %dma_wait3A_886 = arith.constant 0 : i32
    %dma_wait3A_887 = arith.constant 0 : i32
    %dma_wait3A_888 = tpu.memref_slice %arg6[%dma_wait3A_886, %dma_wait3A_887] : memref<2x32768xf32, #tpu.memory_space<vmem>> -> memref<1x32768xf32, #tpu.memory_space<vmem>>
    %dma_wait3A_889 = tpu.memref_squeeze %dma_wait3A_888 : memref<1x32768xf32, #tpu.memory_space<vmem>> -> memref<32768xf32, #tpu.memory_space<vmem>>
    %dma_wait3A_890 = tpu.memref_slice %arg2[%mul3A_817] : memref<33554432xf32, #tpu.memory_space<hbm>> -> memref<32768xf32, #tpu.memory_space<hbm>>
    %dma_wait3A_891 = arith.constant 0 : i32
    %dma_wait3A_892 = tpu.memref_slice %arg6[%dma_wait3A_886, %dma_wait3A_891] : memref<2x32768xf32, #tpu.memory_space<vmem>> -> memref<1x32768xf32, #tpu.memory_space<vmem>>
    %dma_wait3A_893 = tpu.memref_squeeze %dma_wait3A_892 : memref<1x32768xf32, #tpu.memory_space<vmem>> -> memref<32768xf32, #tpu.memory_space<vmem>>
    %dma_wait3A_894 = tpu.memref_slice %arg2[%mul3A_817] : memref<33554432xf32, #tpu.memory_space<hbm>> -> memref<32768xf32, #tpu.memory_space<hbm>>
    tpu.wait_dma2 semaphore(%arg8 : memref<!tpu.dma_semaphore, #tpu.memory_space<semaphore_mem>>) src(%dma_wait3A_894 : memref<32768xf32, #tpu.memory_space<hbm>>) dst(%dma_wait3A_893 : memref<32768xf32, #tpu.memory_space<vmem>>)
    %parallel_loop3A_895 = arith.constant 0 : i32
    %parallel_loop3A_896 = arith.constant 32768 : i32
    %parallel_loop3A_897 = arith.constant 16 : i32
    scf.for %parallel_loop3A_1696 = %parallel_loop3A_895 to %parallel_loop3A_896 step %parallel_loop3A_897  : i32 {
      %parallel_loop3A_1697 = arith.index_cast %parallel_loop3A_1696 : i32 to index
      %parallel_loop3A_1698 = tpu.vector_load %arg5[%parallel_loop3A_1697] {strides = array<i32>} : memref<32768xf32, #tpu.memory_space<vmem>>, vector<16xf32>,
      %parallel_loop3A_1699 = vector.shape_cast %parallel_loop3A_1698 : vector<16xf32> to vector<16xf32>
      %parallel_loop3A_1700 = arith.constant 0 : i32
      %parallel_loop3A_1701 = arith.index_cast %parallel_loop3A_1700 : i32 to index
      %parallel_loop3A_1702 = arith.index_cast %parallel_loop3A_1696 : i32 to index
      %parallel_loop3A_1703 = tpu.vector_load %arg6[%parallel_loop3A_1701, %parallel_loop3A_1702] {strides = array<i32>} : memref<2x32768xf32, #tpu.memory_space<vmem>>, vector<1x16xf32>,
      %parallel_loop3A_1704 = vector.shape_cast %parallel_loop3A_1703 : vector<1x16xf32> to vector<16xf32>
      %parallel_loop3A_1705 = vector.shape_cast %parallel_loop3A_1699 : vector<16xf32> to vector<1x16xf32>
      tpu.vector_store %arg6[%parallel_loop3A_1701, %parallel_loop3A_1702], %parallel_loop3A_1705 {add = true, strides = array<i32>} : memref<2x32768xf32, #tpu.memory_space<vmem>>, vector<1x16xf32>,
    } {sc.loop_unroll_factor = 8 : i64, sc.parallel_access}
    %add3A_898 = arith.constant 0 : i32
    %add3A_899 = arith.addi %add3A_898, %mul3A_2 : i32
    %add3A_900 = arith.constant 128 : i32
    %add3A_901 = arith.addi %add3A_899, %add3A_900 : i32
    %mul3A_902 = arith.constant 1024 : i32
    %mul3A_903 = arith.muli %add3A_901, %mul3A_902 : i32
    %dma_start3A_904 = arith.constant 0 : i32
    %dma_start3A_905 = arith.constant 0 : i32
    %dma_start3A_906 = tpu.memref_slice %arg6[%dma_start3A_904, %dma_start3A_905] : memref<2x32768xf32, #tpu.memory_space<vmem>> -> memref<1x32768xf32, #tpu.memory_space<vmem>>
    %dma_start3A_907 = tpu.memref_squeeze %dma_start3A_906 : memref<1x32768xf32, #tpu.memory_space<vmem>> -> memref<32768xf32, #tpu.memory_space<vmem>>
    %dma_start3A_908 = tpu.memref_slice %arg4[%mul3A_903] : memref<33554432xf32, #tpu.memory_space<hbm>> -> memref<32768xf32, #tpu.memory_space<hbm>>
    %dma_start3A_909 = tpu.memref_slice %arg4[%mul3A_903] : memref<33554432xf32, #tpu.memory_space<hbm>> -> memref<32768xf32, #tpu.memory_space<hbm>>
    %dma_start3A_910 = arith.constant 0 : i32
    %dma_start3A_911 = tpu.memref_slice %arg6[%dma_start3A_904, %dma_start3A_910] : memref<2x32768xf32, #tpu.memory_space<vmem>> -> memref<1x32768xf32, #tpu.memory_space<vmem>>
    %dma_start3A_912 = tpu.memref_squeeze %dma_start3A_911 : memref<1x32768xf32, #tpu.memory_space<vmem>> -> memref<32768xf32, #tpu.memory_space<vmem>>
    tpu.enqueue_dma source(%dma_start3A_912 : memref<32768xf32, #tpu.memory_space<vmem>>) target(%dma_start3A_909 : memref<32768xf32, #tpu.memory_space<hbm>>) target_semaphore(%arg10 : memref<!tpu.dma_semaphore, #tpu.memory_space<semaphore_mem>>)
    %dma_wait3A_913 = arith.constant 0 : i32
    %dma_wait3A_914 = arith.constant 0 : i32
    %dma_wait3A_915 = tpu.memref_slice %arg6[%dma_wait3A_913, %dma_wait3A_914] : memref<2x32768xf32, #tpu.memory_space<vmem>> -> memref<1x32768xf32, #tpu.memory_space<vmem>>
    %dma_wait3A_916 = tpu.memref_squeeze %dma_wait3A_915 : memref<1x32768xf32, #tpu.memory_space<vmem>> -> memref<32768xf32, #tpu.memory_space<vmem>>
    %dma_wait3A_917 = tpu.memref_slice %arg4[%mul3A_903] : memref<33554432xf32, #tpu.memory_space<hbm>> -> memref<32768xf32, #tpu.memory_space<hbm>>
    %dma_wait3A_918 = tpu.memref_slice %arg4[%mul3A_903] : memref<33554432xf32, #tpu.memory_space<hbm>> -> memref<32768xf32, #tpu.memory_space<hbm>>
    %dma_wait3A_919 = arith.constant 0 : i32
    %dma_wait3A_920 = tpu.memref_slice %arg6[%dma_wait3A_913, %dma_wait3A_919] : memref<2x32768xf32, #tpu.memory_space<vmem>> -> memref<1x32768xf32, #tpu.memory_space<vmem>>
    %dma_wait3A_921 = tpu.memref_squeeze %dma_wait3A_920 : memref<1x32768xf32, #tpu.memory_space<vmem>> -> memref<32768xf32, #tpu.memory_space<vmem>>
    tpu.wait_dma2 semaphore(%arg10 : memref<!tpu.dma_semaphore, #tpu.memory_space<semaphore_mem>>) src(%dma_wait3A_921 : memref<32768xf32, #tpu.memory_space<vmem>>) dst(%dma_wait3A_918 : memref<32768xf32, #tpu.memory_space<hbm>>)
    %add3A_922 = arith.constant 16384 : i32
    %add3A_923 = arith.addi %add3A_922, %mul3A_2 : i32
    %add3A_924 = arith.constant 128 : i32
    %add3A_925 = arith.addi %add3A_923, %add3A_924 : i32
    %mul3A_926 = arith.constant 1024 : i32
    %mul3A_927 = arith.muli %add3A_925, %mul3A_926 : i32
    %dma_start3A_928 = arith.constant 0 : i32
    %dma_start3A_929 = arith.constant 0 : i32
    %dma_start3A_930 = tpu.memref_slice %arg6[%dma_start3A_928, %dma_start3A_929] : memref<2x32768xf32, #tpu.memory_space<vmem>> -> memref<1x32768xf32, #tpu.memory_space<vmem>>
    %dma_start3A_931 = tpu.memref_squeeze %dma_start3A_930 : memref<1x32768xf32, #tpu.memory_space<vmem>> -> memref<32768xf32, #tpu.memory_space<vmem>>
    %dma_start3A_932 = tpu.memref_slice %arg2[%mul3A_927] : memref<33554432xf32, #tpu.memory_space<hbm>> -> memref<32768xf32, #tpu.memory_space<hbm>>
    %dma_start3A_933 = arith.constant 0 : i32
    %dma_start3A_934 = tpu.memref_slice %arg6[%dma_start3A_928, %dma_start3A_933] : memref<2x32768xf32, #tpu.memory_space<vmem>> -> memref<1x32768xf32, #tpu.memory_space<vmem>>
    %dma_start3A_935 = tpu.memref_squeeze %dma_start3A_934 : memref<1x32768xf32, #tpu.memory_space<vmem>> -> memref<32768xf32, #tpu.memory_space<vmem>>
    %dma_start3A_936 = tpu.memref_slice %arg2[%mul3A_927] : memref<33554432xf32, #tpu.memory_space<hbm>> -> memref<32768xf32, #tpu.memory_space<hbm>>
    tpu.enqueue_dma source(%dma_start3A_936 : memref<32768xf32, #tpu.memory_space<hbm>>) target(%dma_start3A_935 : memref<32768xf32, #tpu.memory_space<vmem>>) target_semaphore(%arg8 : memref<!tpu.dma_semaphore, #tpu.memory_space<semaphore_mem>>)
    %dma_wait3A_937 = arith.constant 1 : i32
    %dma_wait3A_938 = arith.constant 0 : i32
    %dma_wait3A_939 = tpu.memref_slice %arg6[%dma_wait3A_937, %dma_wait3A_938] : memref<2x32768xf32, #tpu.memory_space<vmem>> -> memref<1x32768xf32, #tpu.memory_space<vmem>>
    %dma_wait3A_940 = tpu.memref_squeeze %dma_wait3A_939 : memref<1x32768xf32, #tpu.memory_space<vmem>> -> memref<32768xf32, #tpu.memory_space<vmem>>
    %dma_wait3A_941 = tpu.memref_slice %arg2[%mul3A_874] : memref<33554432xf32, #tpu.memory_space<hbm>> -> memref<32768xf32, #tpu.memory_space<hbm>>
    %dma_wait3A_942 = arith.constant 0 : i32
    %dma_wait3A_943 = tpu.memref_slice %arg6[%dma_wait3A_937, %dma_wait3A_942] : memref<2x32768xf32, #tpu.memory_space<vmem>> -> memref<1x32768xf32, #tpu.memory_space<vmem>>
    %dma_wait3A_944 = tpu.memref_squeeze %dma_wait3A_943 : memref<1x32768xf32, #tpu.memory_space<vmem>> -> memref<32768xf32, #tpu.memory_space<vmem>>
    %dma_wait3A_945 = tpu.memref_slice %arg2[%mul3A_874] : memref<33554432xf32, #tpu.memory_space<hbm>> -> memref<32768xf32, #tpu.memory_space<hbm>>
    tpu.wait_dma2 semaphore(%arg9 : memref<!tpu.dma_semaphore, #tpu.memory_space<semaphore_mem>>) src(%dma_wait3A_945 : memref<32768xf32, #tpu.memory_space<hbm>>) dst(%dma_wait3A_944 : memref<32768xf32, #tpu.memory_space<vmem>>)
    %parallel_loop3A_946 = arith.constant 0 : i32
    %parallel_loop3A_947 = arith.constant 32768 : i32
    %parallel_loop3A_948 = arith.constant 16 : i32
    scf.for %parallel_loop3A_1696 = %parallel_loop3A_946 to %parallel_loop3A_947 step %parallel_loop3A_948  : i32 {
      %parallel_loop3A_1697 = arith.index_cast %parallel_loop3A_1696 : i32 to index
      %parallel_loop3A_1698 = tpu.vector_load %arg5[%parallel_loop3A_1697] {strides = array<i32>} : memref<32768xf32, #tpu.memory_space<vmem>>, vector<16xf32>,
      %parallel_loop3A_1699 = vector.shape_cast %parallel_loop3A_1698 : vector<16xf32> to vector<16xf32>
      %parallel_loop3A_1700 = arith.constant 1 : i32
      %parallel_loop3A_1701 = arith.index_cast %parallel_loop3A_1700 : i32 to index
      %parallel_loop3A_1702 = arith.index_cast %parallel_loop3A_1696 : i32 to index
      %parallel_loop3A_1703 = tpu.vector_load %arg6[%parallel_loop3A_1701, %parallel_loop3A_1702] {strides = array<i32>} : memref<2x32768xf32, #tpu.memory_space<vmem>>, vector<1x16xf32>,
      %parallel_loop3A_1704 = vector.shape_cast %parallel_loop3A_1703 : vector<1x16xf32> to vector<16xf32>
      %parallel_loop3A_1705 = vector.shape_cast %parallel_loop3A_1699 : vector<16xf32> to vector<1x16xf32>
      tpu.vector_store %arg6[%parallel_loop3A_1701, %parallel_loop3A_1702], %parallel_loop3A_1705 {add = true, strides = array<i32>} : memref<2x32768xf32, #tpu.memory_space<vmem>>, vector<1x16xf32>,
    } {sc.loop_unroll_factor = 8 : i64, sc.parallel_access}
    %add3A_949 = arith.constant 8192 : i32
    %add3A_950 = arith.addi %add3A_949, %mul3A_2 : i32
    %add3A_951 = arith.constant 128 : i32
    %add3A_952 = arith.addi %add3A_950, %add3A_951 : i32
    %mul3A_953 = arith.constant 1024 : i32
    %mul3A_954 = arith.muli %add3A_952, %mul3A_953 : i32
    %dma_start3A_955 = arith.constant 1 : i32
    %dma_start3A_956 = arith.constant 0 : i32
    %dma_start3A_957 = tpu.memref_slice %arg6[%dma_start3A_955, %dma_start3A_956] : memref<2x32768xf32, #tpu.memory_space<vmem>> -> memref<1x32768xf32, #tpu.memory_space<vmem>>
    %dma_start3A_958 = tpu.memref_squeeze %dma_start3A_957 : memref<1x32768xf32, #tpu.memory_space<vmem>> -> memref<32768xf32, #tpu.memory_space<vmem>>
    %dma_start3A_959 = tpu.memref_slice %arg4[%mul3A_954] : memref<33554432xf32, #tpu.memory_space<hbm>> -> memref<32768xf32, #tpu.memory_space<hbm>>
    %dma_start3A_960 = tpu.memref_slice %arg4[%mul3A_954] : memref<33554432xf32, #tpu.memory_space<hbm>> -> memref<32768xf32, #tpu.memory_space<hbm>>
    %dma_start3A_961 = arith.constant 0 : i32
    %dma_start3A_962 = tpu.memref_slice %arg6[%dma_start3A_955, %dma_start3A_961] : memref<2x32768xf32, #tpu.memory_space<vmem>> -> memref<1x32768xf32, #tpu.memory_space<vmem>>
    %dma_start3A_963 = tpu.memref_squeeze %dma_start3A_962 : memref<1x32768xf32, #tpu.memory_space<vmem>> -> memref<32768xf32, #tpu.memory_space<vmem>>
    tpu.enqueue_dma source(%dma_start3A_963 : memref<32768xf32, #tpu.memory_space<vmem>>) target(%dma_start3A_960 : memref<32768xf32, #tpu.memory_space<hbm>>) target_semaphore(%arg11 : memref<!tpu.dma_semaphore, #tpu.memory_space<semaphore_mem>>)
    %dma_wait3A_964 = arith.constant 1 : i32
    %dma_wait3A_965 = arith.constant 0 : i32
    %dma_wait3A_966 = tpu.memref_slice %arg6[%dma_wait3A_964, %dma_wait3A_965] : memref<2x32768xf32, #tpu.memory_space<vmem>> -> memref<1x32768xf32, #tpu.memory_space<vmem>>
    %dma_wait3A_967 = tpu.memref_squeeze %dma_wait3A_966 : memref<1x32768xf32, #tpu.memory_space<vmem>> -> memref<32768xf32, #tpu.memory_space<vmem>>
    %dma_wait3A_968 = tpu.memref_slice %arg4[%mul3A_954] : memref<33554432xf32, #tpu.memory_space<hbm>> -> memref<32768xf32, #tpu.memory_space<hbm>>
    %dma_wait3A_969 = tpu.memref_slice %arg4[%mul3A_954] : memref<33554432xf32, #tpu.memory_space<hbm>> -> memref<32768xf32, #tpu.memory_space<hbm>>
    %dma_wait3A_970 = arith.constant 0 : i32
    %dma_wait3A_971 = tpu.memref_slice %arg6[%dma_wait3A_964, %dma_wait3A_970] : memref<2x32768xf32, #tpu.memory_space<vmem>> -> memref<1x32768xf32, #tpu.memory_space<vmem>>
    %dma_wait3A_972 = tpu.memref_squeeze %dma_wait3A_971 : memref<1x32768xf32, #tpu.memory_space<vmem>> -> memref<32768xf32, #tpu.memory_space<vmem>>
    tpu.wait_dma2 semaphore(%arg11 : memref<!tpu.dma_semaphore, #tpu.memory_space<semaphore_mem>>) src(%dma_wait3A_972 : memref<32768xf32, #tpu.memory_space<vmem>>) dst(%dma_wait3A_969 : memref<32768xf32, #tpu.memory_space<hbm>>)
    %add3A_973 = arith.constant 24576 : i32
    %add3A_974 = arith.addi %add3A_973, %mul3A_2 : i32
    %add3A_975 = arith.constant 128 : i32
    %add3A_976 = arith.addi %add3A_974, %add3A_975 : i32
    %mul3A_977 = arith.constant 1024 : i32
    %mul3A_978 = arith.muli %add3A_976, %mul3A_977 : i32
    %dma_start3A_979 = arith.constant 1 : i32
    %dma_start3A_980 = arith.constant 0 : i32
    %dma_start3A_981 = tpu.memref_slice %arg6[%dma_start3A_979, %dma_start3A_980] : memref<2x32768xf32, #tpu.memory_space<vmem>> -> memref<1x32768xf32, #tpu.memory_space<vmem>>
    %dma_start3A_982 = tpu.memref_squeeze %dma_start3A_981 : memref<1x32768xf32, #tpu.memory_space<vmem>> -> memref<32768xf32, #tpu.memory_space<vmem>>
    %dma_start3A_983 = tpu.memref_slice %arg2[%mul3A_978] : memref<33554432xf32, #tpu.memory_space<hbm>> -> memref<32768xf32, #tpu.memory_space<hbm>>
    %dma_start3A_984 = arith.constant 0 : i32
    %dma_start3A_985 = tpu.memref_slice %arg6[%dma_start3A_979, %dma_start3A_984] : memref<2x32768xf32, #tpu.memory_space<vmem>> -> memref<1x32768xf32, #tpu.memory_space<vmem>>
    %dma_start3A_986 = tpu.memref_squeeze %dma_start3A_985 : memref<1x32768xf32, #tpu.memory_space<vmem>> -> memref<32768xf32, #tpu.memory_space<vmem>>
    %dma_start3A_987 = tpu.memref_slice %arg2[%mul3A_978] : memref<33554432xf32, #tpu.memory_space<hbm>> -> memref<32768xf32, #tpu.memory_space<hbm>>
    tpu.enqueue_dma source(%dma_start3A_987 : memref<32768xf32, #tpu.memory_space<hbm>>) target(%dma_start3A_986 : memref<32768xf32, #tpu.memory_space<vmem>>) target_semaphore(%arg9 : memref<!tpu.dma_semaphore, #tpu.memory_space<semaphore_mem>>)
    %dma_wait3A_988 = arith.constant 0 : i32
    %dma_wait3A_989 = arith.constant 0 : i32
    %dma_wait3A_990 = tpu.memref_slice %arg6[%dma_wait3A_988, %dma_wait3A_989] : memref<2x32768xf32, #tpu.memory_space<vmem>> -> memref<1x32768xf32, #tpu.memory_space<vmem>>
    %dma_wait3A_991 = tpu.memref_squeeze %dma_wait3A_990 : memref<1x32768xf32, #tpu.memory_space<vmem>> -> memref<32768xf32, #tpu.memory_space<vmem>>
    %dma_wait3A_992 = tpu.memref_slice %arg2[%mul3A_927] : memref<33554432xf32, #tpu.memory_space<hbm>> -> memref<32768xf32, #tpu.memory_space<hbm>>
    %dma_wait3A_993 = arith.constant 0 : i32
    %dma_wait3A_994 = tpu.memref_slice %arg6[%dma_wait3A_988, %dma_wait3A_993] : memref<2x32768xf32, #tpu.memory_space<vmem>> -> memref<1x32768xf32, #tpu.memory_space<vmem>>
    %dma_wait3A_995 = tpu.memref_squeeze %dma_wait3A_994 : memref<1x32768xf32, #tpu.memory_space<vmem>> -> memref<32768xf32, #tpu.memory_space<vmem>>
    %dma_wait3A_996 = tpu.memref_slice %arg2[%mul3A_927] : memref<33554432xf32, #tpu.memory_space<hbm>> -> memref<32768xf32, #tpu.memory_space<hbm>>
    tpu.wait_dma2 semaphore(%arg8 : memref<!tpu.dma_semaphore, #tpu.memory_space<semaphore_mem>>) src(%dma_wait3A_996 : memref<32768xf32, #tpu.memory_space<hbm>>) dst(%dma_wait3A_995 : memref<32768xf32, #tpu.memory_space<vmem>>)
    %parallel_loop3A_997 = arith.constant 0 : i32
    %parallel_loop3A_998 = arith.constant 32768 : i32
    %parallel_loop3A_999 = arith.constant 16 : i32
    scf.for %parallel_loop3A_1696 = %parallel_loop3A_997 to %parallel_loop3A_998 step %parallel_loop3A_999  : i32 {
      %parallel_loop3A_1697 = arith.index_cast %parallel_loop3A_1696 : i32 to index
      %parallel_loop3A_1698 = tpu.vector_load %arg5[%parallel_loop3A_1697] {strides = array<i32>} : memref<32768xf32, #tpu.memory_space<vmem>>, vector<16xf32>,
      %parallel_loop3A_1699 = vector.shape_cast %parallel_loop3A_1698 : vector<16xf32> to vector<16xf32>
      %parallel_loop3A_1700 = arith.constant 0 : i32
      %parallel_loop3A_1701 = arith.index_cast %parallel_loop3A_1700 : i32 to index
      %parallel_loop3A_1702 = arith.index_cast %parallel_loop3A_1696 : i32 to index
      %parallel_loop3A_1703 = tpu.vector_load %arg6[%parallel_loop3A_1701, %parallel_loop3A_1702] {strides = array<i32>} : memref<2x32768xf32, #tpu.memory_space<vmem>>, vector<1x16xf32>,
      %parallel_loop3A_1704 = vector.shape_cast %parallel_loop3A_1703 : vector<1x16xf32> to vector<16xf32>
      %parallel_loop3A_1705 = vector.shape_cast %parallel_loop3A_1699 : vector<16xf32> to vector<1x16xf32>
      tpu.vector_store %arg6[%parallel_loop3A_1701, %parallel_loop3A_1702], %parallel_loop3A_1705 {add = true, strides = array<i32>} : memref<2x32768xf32, #tpu.memory_space<vmem>>, vector<1x16xf32>,
    } {sc.loop_unroll_factor = 8 : i64, sc.parallel_access}
    %add3A_1000 = arith.constant 16384 : i32
    %add3A_1001 = arith.addi %add3A_1000, %mul3A_2 : i32
    %add3A_1002 = arith.constant 128 : i32
    %add3A_1003 = arith.addi %add3A_1001, %add3A_1002 : i32
    %mul3A_1004 = arith.constant 1024 : i32
    %mul3A_1005 = arith.muli %add3A_1003, %mul3A_1004 : i32
    %dma_start3A_1006 = arith.constant 0 : i32
    %dma_start3A_1007 = arith.constant 0 : i32
    %dma_start3A_1008 = tpu.memref_slice %arg6[%dma_start3A_1006, %dma_start3A_1007] : memref<2x32768xf32, #tpu.memory_space<vmem>> -> memref<1x32768xf32, #tpu.memory_space<vmem>>
    %dma_start3A_1009 = tpu.memref_squeeze %dma_start3A_1008 : memref<1x32768xf32, #tpu.memory_space<vmem>> -> memref<32768xf32, #tpu.memory_space<vmem>>
    %dma_start3A_1010 = tpu.memref_slice %arg4[%mul3A_1005] : memref<33554432xf32, #tpu.memory_space<hbm>> -> memref<32768xf32, #tpu.memory_space<hbm>>
    %dma_start3A_1011 = tpu.memref_slice %arg4[%mul3A_1005] : memref<33554432xf32, #tpu.memory_space<hbm>> -> memref<32768xf32, #tpu.memory_space<hbm>>
    %dma_start3A_1012 = arith.constant 0 : i32
    %dma_start3A_1013 = tpu.memref_slice %arg6[%dma_start3A_1006, %dma_start3A_1012] : memref<2x32768xf32, #tpu.memory_space<vmem>> -> memref<1x32768xf32, #tpu.memory_space<vmem>>
    %dma_start3A_1014 = tpu.memref_squeeze %dma_start3A_1013 : memref<1x32768xf32, #tpu.memory_space<vmem>> -> memref<32768xf32, #tpu.memory_space<vmem>>
    tpu.enqueue_dma source(%dma_start3A_1014 : memref<32768xf32, #tpu.memory_space<vmem>>) target(%dma_start3A_1011 : memref<32768xf32, #tpu.memory_space<hbm>>) target_semaphore(%arg10 : memref<!tpu.dma_semaphore, #tpu.memory_space<semaphore_mem>>)
    %dma_wait3A_1015 = arith.constant 0 : i32
    %dma_wait3A_1016 = arith.constant 0 : i32
    %dma_wait3A_1017 = tpu.memref_slice %arg6[%dma_wait3A_1015, %dma_wait3A_1016] : memref<2x32768xf32, #tpu.memory_space<vmem>> -> memref<1x32768xf32, #tpu.memory_space<vmem>>
    %dma_wait3A_1018 = tpu.memref_squeeze %dma_wait3A_1017 : memref<1x32768xf32, #tpu.memory_space<vmem>> -> memref<32768xf32, #tpu.memory_space<vmem>>
    %dma_wait3A_1019 = tpu.memref_slice %arg4[%mul3A_1005] : memref<33554432xf32, #tpu.memory_space<hbm>> -> memref<32768xf32, #tpu.memory_space<hbm>>
    %dma_wait3A_1020 = tpu.memref_slice %arg4[%mul3A_1005] : memref<33554432xf32, #tpu.memory_space<hbm>> -> memref<32768xf32, #tpu.memory_space<hbm>>
    %dma_wait3A_1021 = arith.constant 0 : i32
    %dma_wait3A_1022 = tpu.memref_slice %arg6[%dma_wait3A_1015, %dma_wait3A_1021] : memref<2x32768xf32, #tpu.memory_space<vmem>> -> memref<1x32768xf32, #tpu.memory_space<vmem>>
    %dma_wait3A_1023 = tpu.memref_squeeze %dma_wait3A_1022 : memref<1x32768xf32, #tpu.memory_space<vmem>> -> memref<32768xf32, #tpu.memory_space<vmem>>
    tpu.wait_dma2 semaphore(%arg10 : memref<!tpu.dma_semaphore, #tpu.memory_space<semaphore_mem>>) src(%dma_wait3A_1023 : memref<32768xf32, #tpu.memory_space<vmem>>) dst(%dma_wait3A_1020 : memref<32768xf32, #tpu.memory_space<hbm>>)
    %add3A_1024 = arith.constant 0 : i32
    %add3A_1025 = arith.addi %add3A_1024, %mul3A_2 : i32
    %add3A_1026 = arith.constant 160 : i32
    %add3A_1027 = arith.addi %add3A_1025, %add3A_1026 : i32
    %mul3A_1028 = arith.constant 1024 : i32
    %mul3A_1029 = arith.muli %add3A_1027, %mul3A_1028 : i32
    %dma_start3A_1030 = arith.constant 0 : i32
    %dma_start3A_1031 = arith.constant 0 : i32
    %dma_start3A_1032 = tpu.memref_slice %arg6[%dma_start3A_1030, %dma_start3A_1031] : memref<2x32768xf32, #tpu.memory_space<vmem>> -> memref<1x32768xf32, #tpu.memory_space<vmem>>
    %dma_start3A_1033 = tpu.memref_squeeze %dma_start3A_1032 : memref<1x32768xf32, #tpu.memory_space<vmem>> -> memref<32768xf32, #tpu.memory_space<vmem>>
    %dma_start3A_1034 = tpu.memref_slice %arg2[%mul3A_1029] : memref<33554432xf32, #tpu.memory_space<hbm>> -> memref<32768xf32, #tpu.memory_space<hbm>>
    %dma_start3A_1035 = arith.constant 0 : i32
    %dma_start3A_1036 = tpu.memref_slice %arg6[%dma_start3A_1030, %dma_start3A_1035] : memref<2x32768xf32, #tpu.memory_space<vmem>> -> memref<1x32768xf32, #tpu.memory_space<vmem>>
    %dma_start3A_1037 = tpu.memref_squeeze %dma_start3A_1036 : memref<1x32768xf32, #tpu.memory_space<vmem>> -> memref<32768xf32, #tpu.memory_space<vmem>>
    %dma_start3A_1038 = tpu.memref_slice %arg2[%mul3A_1029] : memref<33554432xf32, #tpu.memory_space<hbm>> -> memref<32768xf32, #tpu.memory_space<hbm>>
    tpu.enqueue_dma source(%dma_start3A_1038 : memref<32768xf32, #tpu.memory_space<hbm>>) target(%dma_start3A_1037 : memref<32768xf32, #tpu.memory_space<vmem>>) target_semaphore(%arg8 : memref<!tpu.dma_semaphore, #tpu.memory_space<semaphore_mem>>)
    %dma_wait3A_1039 = arith.constant 1 : i32
    %dma_wait3A_1040 = arith.constant 0 : i32
    %dma_wait3A_1041 = tpu.memref_slice %arg6[%dma_wait3A_1039, %dma_wait3A_1040] : memref<2x32768xf32, #tpu.memory_space<vmem>> -> memref<1x32768xf32, #tpu.memory_space<vmem>>
    %dma_wait3A_1042 = tpu.memref_squeeze %dma_wait3A_1041 : memref<1x32768xf32, #tpu.memory_space<vmem>> -> memref<32768xf32, #tpu.memory_space<vmem>>
    %dma_wait3A_1043 = tpu.memref_slice %arg2[%mul3A_978] : memref<33554432xf32, #tpu.memory_space<hbm>> -> memref<32768xf32, #tpu.memory_space<hbm>>
    %dma_wait3A_1044 = arith.constant 0 : i32
    %dma_wait3A_1045 = tpu.memref_slice %arg6[%dma_wait3A_1039, %dma_wait3A_1044] : memref<2x32768xf32, #tpu.memory_space<vmem>> -> memref<1x32768xf32, #tpu.memory_space<vmem>>
    %dma_wait3A_1046 = tpu.memref_squeeze %dma_wait3A_1045 : memref<1x32768xf32, #tpu.memory_space<vmem>> -> memref<32768xf32, #tpu.memory_space<vmem>>
    %dma_wait3A_1047 = tpu.memref_slice %arg2[%mul3A_978] : memref<33554432xf32, #tpu.memory_space<hbm>> -> memref<32768xf32, #tpu.memory_space<hbm>>
    tpu.wait_dma2 semaphore(%arg9 : memref<!tpu.dma_semaphore, #tpu.memory_space<semaphore_mem>>) src(%dma_wait3A_1047 : memref<32768xf32, #tpu.memory_space<hbm>>) dst(%dma_wait3A_1046 : memref<32768xf32, #tpu.memory_space<vmem>>)
    %parallel_loop3A_1048 = arith.constant 0 : i32
    %parallel_loop3A_1049 = arith.constant 32768 : i32
    %parallel_loop3A_1050 = arith.constant 16 : i32
    scf.for %parallel_loop3A_1696 = %parallel_loop3A_1048 to %parallel_loop3A_1049 step %parallel_loop3A_1050  : i32 {
      %parallel_loop3A_1697 = arith.index_cast %parallel_loop3A_1696 : i32 to index
      %parallel_loop3A_1698 = tpu.vector_load %arg5[%parallel_loop3A_1697] {strides = array<i32>} : memref<32768xf32, #tpu.memory_space<vmem>>, vector<16xf32>,
      %parallel_loop3A_1699 = vector.shape_cast %parallel_loop3A_1698 : vector<16xf32> to vector<16xf32>
      %parallel_loop3A_1700 = arith.constant 1 : i32
      %parallel_loop3A_1701 = arith.index_cast %parallel_loop3A_1700 : i32 to index
      %parallel_loop3A_1702 = arith.index_cast %parallel_loop3A_1696 : i32 to index
      %parallel_loop3A_1703 = tpu.vector_load %arg6[%parallel_loop3A_1701, %parallel_loop3A_1702] {strides = array<i32>} : memref<2x32768xf32, #tpu.memory_space<vmem>>, vector<1x16xf32>,
      %parallel_loop3A_1704 = vector.shape_cast %parallel_loop3A_1703 : vector<1x16xf32> to vector<16xf32>
      %parallel_loop3A_1705 = vector.shape_cast %parallel_loop3A_1699 : vector<16xf32> to vector<1x16xf32>
      tpu.vector_store %arg6[%parallel_loop3A_1701, %parallel_loop3A_1702], %parallel_loop3A_1705 {add = true, strides = array<i32>} : memref<2x32768xf32, #tpu.memory_space<vmem>>, vector<1x16xf32>,
    } {sc.loop_unroll_factor = 8 : i64, sc.parallel_access}
    %add3A_1051 = arith.constant 24576 : i32
    %add3A_1052 = arith.addi %add3A_1051, %mul3A_2 : i32
    %add3A_1053 = arith.constant 128 : i32
    %add3A_1054 = arith.addi %add3A_1052, %add3A_1053 : i32
    %mul3A_1055 = arith.constant 1024 : i32
    %mul3A_1056 = arith.muli %add3A_1054, %mul3A_1055 : i32
    %dma_start3A_1057 = arith.constant 1 : i32
    %dma_start3A_1058 = arith.constant 0 : i32
    %dma_start3A_1059 = tpu.memref_slice %arg6[%dma_start3A_1057, %dma_start3A_1058] : memref<2x32768xf32, #tpu.memory_space<vmem>> -> memref<1x32768xf32, #tpu.memory_space<vmem>>
    %dma_start3A_1060 = tpu.memref_squeeze %dma_start3A_1059 : memref<1x32768xf32, #tpu.memory_space<vmem>> -> memref<32768xf32, #tpu.memory_space<vmem>>
    %dma_start3A_1061 = tpu.memref_slice %arg4[%mul3A_1056] : memref<33554432xf32, #tpu.memory_space<hbm>> -> memref<32768xf32, #tpu.memory_space<hbm>>
    %dma_start3A_1062 = tpu.memref_slice %arg4[%mul3A_1056] : memref<33554432xf32, #tpu.memory_space<hbm>> -> memref<32768xf32, #tpu.memory_space<hbm>>
    %dma_start3A_1063 = arith.constant 0 : i32
    %dma_start3A_1064 = tpu.memref_slice %arg6[%dma_start3A_1057, %dma_start3A_1063] : memref<2x32768xf32, #tpu.memory_space<vmem>> -> memref<1x32768xf32, #tpu.memory_space<vmem>>
    %dma_start3A_1065 = tpu.memref_squeeze %dma_start3A_1064 : memref<1x32768xf32, #tpu.memory_space<vmem>> -> memref<32768xf32, #tpu.memory_space<vmem>>
    tpu.enqueue_dma source(%dma_start3A_1065 : memref<32768xf32, #tpu.memory_space<vmem>>) target(%dma_start3A_1062 : memref<32768xf32, #tpu.memory_space<hbm>>) target_semaphore(%arg11 : memref<!tpu.dma_semaphore, #tpu.memory_space<semaphore_mem>>)
    %add3A_1066 = arith.constant 160 : i32
    %add3A_1067 = arith.addi %mul3A_2, %add3A_1066 : i32
    %mul3A_1068 = arith.constant 1024 : i32
    %mul3A_1069 = arith.muli %add3A_1067, %mul3A_1068 : i32
    %dma_start3A_1070 = tpu.memref_slice %arg3[%mul3A_1069] : memref<8388608xf32, #tpu.memory_space<hbm>> -> memref<32768xf32, #tpu.memory_space<hbm>>
    %dma_start3A_1071 = tpu.memref_slice %arg3[%mul3A_1069] : memref<8388608xf32, #tpu.memory_space<hbm>> -> memref<32768xf32, #tpu.memory_space<hbm>>
    tpu.enqueue_dma source(%dma_start3A_1071 : memref<32768xf32, #tpu.memory_space<hbm>>) target(%arg5 : memref<32768xf32, #tpu.memory_space<vmem>>) target_semaphore(%arg7 : memref<!tpu.dma_semaphore, #tpu.memory_space<semaphore_mem>>)
    %dma_wait3A_1072 = arith.constant 1 : i32
    %dma_wait3A_1073 = arith.constant 0 : i32
    %dma_wait3A_1074 = tpu.memref_slice %arg6[%dma_wait3A_1072, %dma_wait3A_1073] : memref<2x32768xf32, #tpu.memory_space<vmem>> -> memref<1x32768xf32, #tpu.memory_space<vmem>>
    %dma_wait3A_1075 = tpu.memref_squeeze %dma_wait3A_1074 : memref<1x32768xf32, #tpu.memory_space<vmem>> -> memref<32768xf32, #tpu.memory_space<vmem>>
    %dma_wait3A_1076 = tpu.memref_slice %arg4[%mul3A_1056] : memref<33554432xf32, #tpu.memory_space<hbm>> -> memref<32768xf32, #tpu.memory_space<hbm>>
    %dma_wait3A_1077 = tpu.memref_slice %arg4[%mul3A_1056] : memref<33554432xf32, #tpu.memory_space<hbm>> -> memref<32768xf32, #tpu.memory_space<hbm>>
    %dma_wait3A_1078 = arith.constant 0 : i32
    %dma_wait3A_1079 = tpu.memref_slice %arg6[%dma_wait3A_1072, %dma_wait3A_1078] : memref<2x32768xf32, #tpu.memory_space<vmem>> -> memref<1x32768xf32, #tpu.memory_space<vmem>>
    %dma_wait3A_1080 = tpu.memref_squeeze %dma_wait3A_1079 : memref<1x32768xf32, #tpu.memory_space<vmem>> -> memref<32768xf32, #tpu.memory_space<vmem>>
    tpu.wait_dma2 semaphore(%arg11 : memref<!tpu.dma_semaphore, #tpu.memory_space<semaphore_mem>>) src(%dma_wait3A_1080 : memref<32768xf32, #tpu.memory_space<vmem>>) dst(%dma_wait3A_1077 : memref<32768xf32, #tpu.memory_space<hbm>>)
    %add3A_1081 = arith.constant 8192 : i32
    %add3A_1082 = arith.addi %add3A_1081, %mul3A_2 : i32
    %add3A_1083 = arith.constant 160 : i32
    %add3A_1084 = arith.addi %add3A_1082, %add3A_1083 : i32
    %mul3A_1085 = arith.constant 1024 : i32
    %mul3A_1086 = arith.muli %add3A_1084, %mul3A_1085 : i32
    %dma_start3A_1087 = arith.constant 1 : i32
    %dma_start3A_1088 = arith.constant 0 : i32
    %dma_start3A_1089 = tpu.memref_slice %arg6[%dma_start3A_1087, %dma_start3A_1088] : memref<2x32768xf32, #tpu.memory_space<vmem>> -> memref<1x32768xf32, #tpu.memory_space<vmem>>
    %dma_start3A_1090 = tpu.memref_squeeze %dma_start3A_1089 : memref<1x32768xf32, #tpu.memory_space<vmem>> -> memref<32768xf32, #tpu.memory_space<vmem>>
    %dma_start3A_1091 = tpu.memref_slice %arg2[%mul3A_1086] : memref<33554432xf32, #tpu.memory_space<hbm>> -> memref<32768xf32, #tpu.memory_space<hbm>>
    %dma_start3A_1092 = arith.constant 0 : i32
    %dma_start3A_1093 = tpu.memref_slice %arg6[%dma_start3A_1087, %dma_start3A_1092] : memref<2x32768xf32, #tpu.memory_space<vmem>> -> memref<1x32768xf32, #tpu.memory_space<vmem>>
    %dma_start3A_1094 = tpu.memref_squeeze %dma_start3A_1093 : memref<1x32768xf32, #tpu.memory_space<vmem>> -> memref<32768xf32, #tpu.memory_space<vmem>>
    %dma_start3A_1095 = tpu.memref_slice %arg2[%mul3A_1086] : memref<33554432xf32, #tpu.memory_space<hbm>> -> memref<32768xf32, #tpu.memory_space<hbm>>
    tpu.enqueue_dma source(%dma_start3A_1095 : memref<32768xf32, #tpu.memory_space<hbm>>) target(%dma_start3A_1094 : memref<32768xf32, #tpu.memory_space<vmem>>) target_semaphore(%arg9 : memref<!tpu.dma_semaphore, #tpu.memory_space<semaphore_mem>>)
    %dma_wait3A_1096 = tpu.memref_slice %arg3[%mul3A_1069] : memref<8388608xf32, #tpu.memory_space<hbm>> -> memref<32768xf32, #tpu.memory_space<hbm>>
    %dma_wait3A_1097 = tpu.memref_slice %arg3[%mul3A_1069] : memref<8388608xf32, #tpu.memory_space<hbm>> -> memref<32768xf32, #tpu.memory_space<hbm>>
    tpu.wait_dma2 semaphore(%arg7 : memref<!tpu.dma_semaphore, #tpu.memory_space<semaphore_mem>>) src(%dma_wait3A_1097 : memref<32768xf32, #tpu.memory_space<hbm>>) dst(%arg5 : memref<32768xf32, #tpu.memory_space<vmem>>)
    %dma_wait3A_1098 = arith.constant 0 : i32
    %dma_wait3A_1099 = arith.constant 0 : i32
    %dma_wait3A_1100 = tpu.memref_slice %arg6[%dma_wait3A_1098, %dma_wait3A_1099] : memref<2x32768xf32, #tpu.memory_space<vmem>> -> memref<1x32768xf32, #tpu.memory_space<vmem>>
    %dma_wait3A_1101 = tpu.memref_squeeze %dma_wait3A_1100 : memref<1x32768xf32, #tpu.memory_space<vmem>> -> memref<32768xf32, #tpu.memory_space<vmem>>
    %dma_wait3A_1102 = tpu.memref_slice %arg2[%mul3A_1029] : memref<33554432xf32, #tpu.memory_space<hbm>> -> memref<32768xf32, #tpu.memory_space<hbm>>
    %dma_wait3A_1103 = arith.constant 0 : i32
    %dma_wait3A_1104 = tpu.memref_slice %arg6[%dma_wait3A_1098, %dma_wait3A_1103] : memref<2x32768xf32, #tpu.memory_space<vmem>> -> memref<1x32768xf32, #tpu.memory_space<vmem>>
    %dma_wait3A_1105 = tpu.memref_squeeze %dma_wait3A_1104 : memref<1x32768xf32, #tpu.memory_space<vmem>> -> memref<32768xf32, #tpu.memory_space<vmem>>
    %dma_wait3A_1106 = tpu.memref_slice %arg2[%mul3A_1029] : memref<33554432xf32, #tpu.memory_space<hbm>> -> memref<32768xf32, #tpu.memory_space<hbm>>
    tpu.wait_dma2 semaphore(%arg8 : memref<!tpu.dma_semaphore, #tpu.memory_space<semaphore_mem>>) src(%dma_wait3A_1106 : memref<32768xf32, #tpu.memory_space<hbm>>) dst(%dma_wait3A_1105 : memref<32768xf32, #tpu.memory_space<vmem>>)
    %parallel_loop3A_1107 = arith.constant 0 : i32
    %parallel_loop3A_1108 = arith.constant 32768 : i32
    %parallel_loop3A_1109 = arith.constant 16 : i32
    scf.for %parallel_loop3A_1696 = %parallel_loop3A_1107 to %parallel_loop3A_1108 step %parallel_loop3A_1109  : i32 {
      %parallel_loop3A_1697 = arith.index_cast %parallel_loop3A_1696 : i32 to index
      %parallel_loop3A_1698 = tpu.vector_load %arg5[%parallel_loop3A_1697] {strides = array<i32>} : memref<32768xf32, #tpu.memory_space<vmem>>, vector<16xf32>,
      %parallel_loop3A_1699 = vector.shape_cast %parallel_loop3A_1698 : vector<16xf32> to vector<16xf32>
      %parallel_loop3A_1700 = arith.constant 0 : i32
      %parallel_loop3A_1701 = arith.index_cast %parallel_loop3A_1700 : i32 to index
      %parallel_loop3A_1702 = arith.index_cast %parallel_loop3A_1696 : i32 to index
      %parallel_loop3A_1703 = tpu.vector_load %arg6[%parallel_loop3A_1701, %parallel_loop3A_1702] {strides = array<i32>} : memref<2x32768xf32, #tpu.memory_space<vmem>>, vector<1x16xf32>,
      %parallel_loop3A_1704 = vector.shape_cast %parallel_loop3A_1703 : vector<1x16xf32> to vector<16xf32>
      %parallel_loop3A_1705 = vector.shape_cast %parallel_loop3A_1699 : vector<16xf32> to vector<1x16xf32>
      tpu.vector_store %arg6[%parallel_loop3A_1701, %parallel_loop3A_1702], %parallel_loop3A_1705 {add = true, strides = array<i32>} : memref<2x32768xf32, #tpu.memory_space<vmem>>, vector<1x16xf32>,
    } {sc.loop_unroll_factor = 8 : i64, sc.parallel_access}
    %add3A_1110 = arith.constant 0 : i32
    %add3A_1111 = arith.addi %add3A_1110, %mul3A_2 : i32
    %add3A_1112 = arith.constant 160 : i32
    %add3A_1113 = arith.addi %add3A_1111, %add3A_1112 : i32
    %mul3A_1114 = arith.constant 1024 : i32
    %mul3A_1115 = arith.muli %add3A_1113, %mul3A_1114 : i32
    %dma_start3A_1116 = arith.constant 0 : i32
    %dma_start3A_1117 = arith.constant 0 : i32
    %dma_start3A_1118 = tpu.memref_slice %arg6[%dma_start3A_1116, %dma_start3A_1117] : memref<2x32768xf32, #tpu.memory_space<vmem>> -> memref<1x32768xf32, #tpu.memory_space<vmem>>
    %dma_start3A_1119 = tpu.memref_squeeze %dma_start3A_1118 : memref<1x32768xf32, #tpu.memory_space<vmem>> -> memref<32768xf32, #tpu.memory_space<vmem>>
    %dma_start3A_1120 = tpu.memref_slice %arg4[%mul3A_1115] : memref<33554432xf32, #tpu.memory_space<hbm>> -> memref<32768xf32, #tpu.memory_space<hbm>>
    %dma_start3A_1121 = tpu.memref_slice %arg4[%mul3A_1115] : memref<33554432xf32, #tpu.memory_space<hbm>> -> memref<32768xf32, #tpu.memory_space<hbm>>
    %dma_start3A_1122 = arith.constant 0 : i32
    %dma_start3A_1123 = tpu.memref_slice %arg6[%dma_start3A_1116, %dma_start3A_1122] : memref<2x32768xf32, #tpu.memory_space<vmem>> -> memref<1x32768xf32, #tpu.memory_space<vmem>>
    %dma_start3A_1124 = tpu.memref_squeeze %dma_start3A_1123 : memref<1x32768xf32, #tpu.memory_space<vmem>> -> memref<32768xf32, #tpu.memory_space<vmem>>
    tpu.enqueue_dma source(%dma_start3A_1124 : memref<32768xf32, #tpu.memory_space<vmem>>) target(%dma_start3A_1121 : memref<32768xf32, #tpu.memory_space<hbm>>) target_semaphore(%arg10 : memref<!tpu.dma_semaphore, #tpu.memory_space<semaphore_mem>>)
    %dma_wait3A_1125 = arith.constant 0 : i32
    %dma_wait3A_1126 = arith.constant 0 : i32
    %dma_wait3A_1127 = tpu.memref_slice %arg6[%dma_wait3A_1125, %dma_wait3A_1126] : memref<2x32768xf32, #tpu.memory_space<vmem>> -> memref<1x32768xf32, #tpu.memory_space<vmem>>
    %dma_wait3A_1128 = tpu.memref_squeeze %dma_wait3A_1127 : memref<1x32768xf32, #tpu.memory_space<vmem>> -> memref<32768xf32, #tpu.memory_space<vmem>>
    %dma_wait3A_1129 = tpu.memref_slice %arg4[%mul3A_1115] : memref<33554432xf32, #tpu.memory_space<hbm>> -> memref<32768xf32, #tpu.memory_space<hbm>>
    %dma_wait3A_1130 = tpu.memref_slice %arg4[%mul3A_1115] : memref<33554432xf32, #tpu.memory_space<hbm>> -> memref<32768xf32, #tpu.memory_space<hbm>>
    %dma_wait3A_1131 = arith.constant 0 : i32
    %dma_wait3A_1132 = tpu.memref_slice %arg6[%dma_wait3A_1125, %dma_wait3A_1131] : memref<2x32768xf32, #tpu.memory_space<vmem>> -> memref<1x32768xf32, #tpu.memory_space<vmem>>
    %dma_wait3A_1133 = tpu.memref_squeeze %dma_wait3A_1132 : memref<1x32768xf32, #tpu.memory_space<vmem>> -> memref<32768xf32, #tpu.memory_space<vmem>>
    tpu.wait_dma2 semaphore(%arg10 : memref<!tpu.dma_semaphore, #tpu.memory_space<semaphore_mem>>) src(%dma_wait3A_1133 : memref<32768xf32, #tpu.memory_space<vmem>>) dst(%dma_wait3A_1130 : memref<32768xf32, #tpu.memory_space<hbm>>)
    %add3A_1134 = arith.constant 16384 : i32
    %add3A_1135 = arith.addi %add3A_1134, %mul3A_2 : i32
    %add3A_1136 = arith.constant 160 : i32
    %add3A_1137 = arith.addi %add3A_1135, %add3A_1136 : i32
    %mul3A_1138 = arith.constant 1024 : i32
    %mul3A_1139 = arith.muli %add3A_1137, %mul3A_1138 : i32
    %dma_start3A_1140 = arith.constant 0 : i32
    %dma_start3A_1141 = arith.constant 0 : i32
    %dma_start3A_1142 = tpu.memref_slice %arg6[%dma_start3A_1140, %dma_start3A_1141] : memref<2x32768xf32, #tpu.memory_space<vmem>> -> memref<1x32768xf32, #tpu.memory_space<vmem>>
    %dma_start3A_1143 = tpu.memref_squeeze %dma_start3A_1142 : memref<1x32768xf32, #tpu.memory_space<vmem>> -> memref<32768xf32, #tpu.memory_space<vmem>>
    %dma_start3A_1144 = tpu.memref_slice %arg2[%mul3A_1139] : memref<33554432xf32, #tpu.memory_space<hbm>> -> memref<32768xf32, #tpu.memory_space<hbm>>
    %dma_start3A_1145 = arith.constant 0 : i32
    %dma_start3A_1146 = tpu.memref_slice %arg6[%dma_start3A_1140, %dma_start3A_1145] : memref<2x32768xf32, #tpu.memory_space<vmem>> -> memref<1x32768xf32, #tpu.memory_space<vmem>>
    %dma_start3A_1147 = tpu.memref_squeeze %dma_start3A_1146 : memref<1x32768xf32, #tpu.memory_space<vmem>> -> memref<32768xf32, #tpu.memory_space<vmem>>
    %dma_start3A_1148 = tpu.memref_slice %arg2[%mul3A_1139] : memref<33554432xf32, #tpu.memory_space<hbm>> -> memref<32768xf32, #tpu.memory_space<hbm>>
    tpu.enqueue_dma source(%dma_start3A_1148 : memref<32768xf32, #tpu.memory_space<hbm>>) target(%dma_start3A_1147 : memref<32768xf32, #tpu.memory_space<vmem>>) target_semaphore(%arg8 : memref<!tpu.dma_semaphore, #tpu.memory_space<semaphore_mem>>)
    %dma_wait3A_1149 = arith.constant 1 : i32
    %dma_wait3A_1150 = arith.constant 0 : i32
    %dma_wait3A_1151 = tpu.memref_slice %arg6[%dma_wait3A_1149, %dma_wait3A_1150] : memref<2x32768xf32, #tpu.memory_space<vmem>> -> memref<1x32768xf32, #tpu.memory_space<vmem>>
    %dma_wait3A_1152 = tpu.memref_squeeze %dma_wait3A_1151 : memref<1x32768xf32, #tpu.memory_space<vmem>> -> memref<32768xf32, #tpu.memory_space<vmem>>
    %dma_wait3A_1153 = tpu.memref_slice %arg2[%mul3A_1086] : memref<33554432xf32, #tpu.memory_space<hbm>> -> memref<32768xf32, #tpu.memory_space<hbm>>
    %dma_wait3A_1154 = arith.constant 0 : i32
    %dma_wait3A_1155 = tpu.memref_slice %arg6[%dma_wait3A_1149, %dma_wait3A_1154] : memref<2x32768xf32, #tpu.memory_space<vmem>> -> memref<1x32768xf32, #tpu.memory_space<vmem>>
    %dma_wait3A_1156 = tpu.memref_squeeze %dma_wait3A_1155 : memref<1x32768xf32, #tpu.memory_space<vmem>> -> memref<32768xf32, #tpu.memory_space<vmem>>
    %dma_wait3A_1157 = tpu.memref_slice %arg2[%mul3A_1086] : memref<33554432xf32, #tpu.memory_space<hbm>> -> memref<32768xf32, #tpu.memory_space<hbm>>
    tpu.wait_dma2 semaphore(%arg9 : memref<!tpu.dma_semaphore, #tpu.memory_space<semaphore_mem>>) src(%dma_wait3A_1157 : memref<32768xf32, #tpu.memory_space<hbm>>) dst(%dma_wait3A_1156 : memref<32768xf32, #tpu.memory_space<vmem>>)
    %parallel_loop3A_1158 = arith.constant 0 : i32
    %parallel_loop3A_1159 = arith.constant 32768 : i32
    %parallel_loop3A_1160 = arith.constant 16 : i32
    scf.for %parallel_loop3A_1696 = %parallel_loop3A_1158 to %parallel_loop3A_1159 step %parallel_loop3A_1160  : i32 {
      %parallel_loop3A_1697 = arith.index_cast %parallel_loop3A_1696 : i32 to index
      %parallel_loop3A_1698 = tpu.vector_load %arg5[%parallel_loop3A_1697] {strides = array<i32>} : memref<32768xf32, #tpu.memory_space<vmem>>, vector<16xf32>,
      %parallel_loop3A_1699 = vector.shape_cast %parallel_loop3A_1698 : vector<16xf32> to vector<16xf32>
      %parallel_loop3A_1700 = arith.constant 1 : i32
      %parallel_loop3A_1701 = arith.index_cast %parallel_loop3A_1700 : i32 to index
      %parallel_loop3A_1702 = arith.index_cast %parallel_loop3A_1696 : i32 to index
      %parallel_loop3A_1703 = tpu.vector_load %arg6[%parallel_loop3A_1701, %parallel_loop3A_1702] {strides = array<i32>} : memref<2x32768xf32, #tpu.memory_space<vmem>>, vector<1x16xf32>,
      %parallel_loop3A_1704 = vector.shape_cast %parallel_loop3A_1703 : vector<1x16xf32> to vector<16xf32>
      %parallel_loop3A_1705 = vector.shape_cast %parallel_loop3A_1699 : vector<16xf32> to vector<1x16xf32>
      tpu.vector_store %arg6[%parallel_loop3A_1701, %parallel_loop3A_1702], %parallel_loop3A_1705 {add = true, strides = array<i32>} : memref<2x32768xf32, #tpu.memory_space<vmem>>, vector<1x16xf32>,
    } {sc.loop_unroll_factor = 8 : i64, sc.parallel_access}
    %add3A_1161 = arith.constant 8192 : i32
    %add3A_1162 = arith.addi %add3A_1161, %mul3A_2 : i32
    %add3A_1163 = arith.constant 160 : i32
    %add3A_1164 = arith.addi %add3A_1162, %add3A_1163 : i32
    %mul3A_1165 = arith.constant 1024 : i32
    %mul3A_1166 = arith.muli %add3A_1164, %mul3A_1165 : i32
    %dma_start3A_1167 = arith.constant 1 : i32
    %dma_start3A_1168 = arith.constant 0 : i32
    %dma_start3A_1169 = tpu.memref_slice %arg6[%dma_start3A_1167, %dma_start3A_1168] : memref<2x32768xf32, #tpu.memory_space<vmem>> -> memref<1x32768xf32, #tpu.memory_space<vmem>>
    %dma_start3A_1170 = tpu.memref_squeeze %dma_start3A_1169 : memref<1x32768xf32, #tpu.memory_space<vmem>> -> memref<32768xf32, #tpu.memory_space<vmem>>
    %dma_start3A_1171 = tpu.memref_slice %arg4[%mul3A_1166] : memref<33554432xf32, #tpu.memory_space<hbm>> -> memref<32768xf32, #tpu.memory_space<hbm>>
    %dma_start3A_1172 = tpu.memref_slice %arg4[%mul3A_1166] : memref<33554432xf32, #tpu.memory_space<hbm>> -> memref<32768xf32, #tpu.memory_space<hbm>>
    %dma_start3A_1173 = arith.constant 0 : i32
    %dma_start3A_1174 = tpu.memref_slice %arg6[%dma_start3A_1167, %dma_start3A_1173] : memref<2x32768xf32, #tpu.memory_space<vmem>> -> memref<1x32768xf32, #tpu.memory_space<vmem>>
    %dma_start3A_1175 = tpu.memref_squeeze %dma_start3A_1174 : memref<1x32768xf32, #tpu.memory_space<vmem>> -> memref<32768xf32, #tpu.memory_space<vmem>>
    tpu.enqueue_dma source(%dma_start3A_1175 : memref<32768xf32, #tpu.memory_space<vmem>>) target(%dma_start3A_1172 : memref<32768xf32, #tpu.memory_space<hbm>>) target_semaphore(%arg11 : memref<!tpu.dma_semaphore, #tpu.memory_space<semaphore_mem>>)
    %dma_wait3A_1176 = arith.constant 1 : i32
    %dma_wait3A_1177 = arith.constant 0 : i32
    %dma_wait3A_1178 = tpu.memref_slice %arg6[%dma_wait3A_1176, %dma_wait3A_1177] : memref<2x32768xf32, #tpu.memory_space<vmem>> -> memref<1x32768xf32, #tpu.memory_space<vmem>>
    %dma_wait3A_1179 = tpu.memref_squeeze %dma_wait3A_1178 : memref<1x32768xf32, #tpu.memory_space<vmem>> -> memref<32768xf32, #tpu.memory_space<vmem>>
    %dma_wait3A_1180 = tpu.memref_slice %arg4[%mul3A_1166] : memref<33554432xf32, #tpu.memory_space<hbm>> -> memref<32768xf32, #tpu.memory_space<hbm>>
    %dma_wait3A_1181 = tpu.memref_slice %arg4[%mul3A_1166] : memref<33554432xf32, #tpu.memory_space<hbm>> -> memref<32768xf32, #tpu.memory_space<hbm>>
    %dma_wait3A_1182 = arith.constant 0 : i32
    %dma_wait3A_1183 = tpu.memref_slice %arg6[%dma_wait3A_1176, %dma_wait3A_1182] : memref<2x32768xf32, #tpu.memory_space<vmem>> -> memref<1x32768xf32, #tpu.memory_space<vmem>>
    %dma_wait3A_1184 = tpu.memref_squeeze %dma_wait3A_1183 : memref<1x32768xf32, #tpu.memory_space<vmem>> -> memref<32768xf32, #tpu.memory_space<vmem>>
    tpu.wait_dma2 semaphore(%arg11 : memref<!tpu.dma_semaphore, #tpu.memory_space<semaphore_mem>>) src(%dma_wait3A_1184 : memref<32768xf32, #tpu.memory_space<vmem>>) dst(%dma_wait3A_1181 : memref<32768xf32, #tpu.memory_space<hbm>>)
    %add3A_1185 = arith.constant 24576 : i32
    %add3A_1186 = arith.addi %add3A_1185, %mul3A_2 : i32
    %add3A_1187 = arith.constant 160 : i32
    %add3A_1188 = arith.addi %add3A_1186, %add3A_1187 : i32
    %mul3A_1189 = arith.constant 1024 : i32
    %mul3A_1190 = arith.muli %add3A_1188, %mul3A_1189 : i32
    %dma_start3A_1191 = arith.constant 1 : i32
    %dma_start3A_1192 = arith.constant 0 : i32
    %dma_start3A_1193 = tpu.memref_slice %arg6[%dma_start3A_1191, %dma_start3A_1192] : memref<2x32768xf32, #tpu.memory_space<vmem>> -> memref<1x32768xf32, #tpu.memory_space<vmem>>
    %dma_start3A_1194 = tpu.memref_squeeze %dma_start3A_1193 : memref<1x32768xf32, #tpu.memory_space<vmem>> -> memref<32768xf32, #tpu.memory_space<vmem>>
    %dma_start3A_1195 = tpu.memref_slice %arg2[%mul3A_1190] : memref<33554432xf32, #tpu.memory_space<hbm>> -> memref<32768xf32, #tpu.memory_space<hbm>>
    %dma_start3A_1196 = arith.constant 0 : i32
    %dma_start3A_1197 = tpu.memref_slice %arg6[%dma_start3A_1191, %dma_start3A_1196] : memref<2x32768xf32, #tpu.memory_space<vmem>> -> memref<1x32768xf32, #tpu.memory_space<vmem>>
    %dma_start3A_1198 = tpu.memref_squeeze %dma_start3A_1197 : memref<1x32768xf32, #tpu.memory_space<vmem>> -> memref<32768xf32, #tpu.memory_space<vmem>>
    %dma_start3A_1199 = tpu.memref_slice %arg2[%mul3A_1190] : memref<33554432xf32, #tpu.memory_space<hbm>> -> memref<32768xf32, #tpu.memory_space<hbm>>
    tpu.enqueue_dma source(%dma_start3A_1199 : memref<32768xf32, #tpu.memory_space<hbm>>) target(%dma_start3A_1198 : memref<32768xf32, #tpu.memory_space<vmem>>) target_semaphore(%arg9 : memref<!tpu.dma_semaphore, #tpu.memory_space<semaphore_mem>>)
    %dma_wait3A_1200 = arith.constant 0 : i32
    %dma_wait3A_1201 = arith.constant 0 : i32
    %dma_wait3A_1202 = tpu.memref_slice %arg6[%dma_wait3A_1200, %dma_wait3A_1201] : memref<2x32768xf32, #tpu.memory_space<vmem>> -> memref<1x32768xf32, #tpu.memory_space<vmem>>
    %dma_wait3A_1203 = tpu.memref_squeeze %dma_wait3A_1202 : memref<1x32768xf32, #tpu.memory_space<vmem>> -> memref<32768xf32, #tpu.memory_space<vmem>>
    %dma_wait3A_1204 = tpu.memref_slice %arg2[%mul3A_1139] : memref<33554432xf32, #tpu.memory_space<hbm>> -> memref<32768xf32, #tpu.memory_space<hbm>>
    %dma_wait3A_1205 = arith.constant 0 : i32
    %dma_wait3A_1206 = tpu.memref_slice %arg6[%dma_wait3A_1200, %dma_wait3A_1205] : memref<2x32768xf32, #tpu.memory_space<vmem>> -> memref<1x32768xf32, #tpu.memory_space<vmem>>
    %dma_wait3A_1207 = tpu.memref_squeeze %dma_wait3A_1206 : memref<1x32768xf32, #tpu.memory_space<vmem>> -> memref<32768xf32, #tpu.memory_space<vmem>>
    %dma_wait3A_1208 = tpu.memref_slice %arg2[%mul3A_1139] : memref<33554432xf32, #tpu.memory_space<hbm>> -> memref<32768xf32, #tpu.memory_space<hbm>>
    tpu.wait_dma2 semaphore(%arg8 : memref<!tpu.dma_semaphore, #tpu.memory_space<semaphore_mem>>) src(%dma_wait3A_1208 : memref<32768xf32, #tpu.memory_space<hbm>>) dst(%dma_wait3A_1207 : memref<32768xf32, #tpu.memory_space<vmem>>)
    %parallel_loop3A_1209 = arith.constant 0 : i32
    %parallel_loop3A_1210 = arith.constant 32768 : i32
    %parallel_loop3A_1211 = arith.constant 16 : i32
    scf.for %parallel_loop3A_1696 = %parallel_loop3A_1209 to %parallel_loop3A_1210 step %parallel_loop3A_1211  : i32 {
      %parallel_loop3A_1697 = arith.index_cast %parallel_loop3A_1696 : i32 to index
      %parallel_loop3A_1698 = tpu.vector_load %arg5[%parallel_loop3A_1697] {strides = array<i32>} : memref<32768xf32, #tpu.memory_space<vmem>>, vector<16xf32>,
      %parallel_loop3A_1699 = vector.shape_cast %parallel_loop3A_1698 : vector<16xf32> to vector<16xf32>
      %parallel_loop3A_1700 = arith.constant 0 : i32
      %parallel_loop3A_1701 = arith.index_cast %parallel_loop3A_1700 : i32 to index
      %parallel_loop3A_1702 = arith.index_cast %parallel_loop3A_1696 : i32 to index
      %parallel_loop3A_1703 = tpu.vector_load %arg6[%parallel_loop3A_1701, %parallel_loop3A_1702] {strides = array<i32>} : memref<2x32768xf32, #tpu.memory_space<vmem>>, vector<1x16xf32>,
      %parallel_loop3A_1704 = vector.shape_cast %parallel_loop3A_1703 : vector<1x16xf32> to vector<16xf32>
      %parallel_loop3A_1705 = vector.shape_cast %parallel_loop3A_1699 : vector<16xf32> to vector<1x16xf32>
      tpu.vector_store %arg6[%parallel_loop3A_1701, %parallel_loop3A_1702], %parallel_loop3A_1705 {add = true, strides = array<i32>} : memref<2x32768xf32, #tpu.memory_space<vmem>>, vector<1x16xf32>,
    } {sc.loop_unroll_factor = 8 : i64, sc.parallel_access}
    %add3A_1212 = arith.constant 16384 : i32
    %add3A_1213 = arith.addi %add3A_1212, %mul3A_2 : i32
    %add3A_1214 = arith.constant 160 : i32
    %add3A_1215 = arith.addi %add3A_1213, %add3A_1214 : i32
    %mul3A_1216 = arith.constant 1024 : i32
    %mul3A_1217 = arith.muli %add3A_1215, %mul3A_1216 : i32
    %dma_start3A_1218 = arith.constant 0 : i32
    %dma_start3A_1219 = arith.constant 0 : i32
    %dma_start3A_1220 = tpu.memref_slice %arg6[%dma_start3A_1218, %dma_start3A_1219] : memref<2x32768xf32, #tpu.memory_space<vmem>> -> memref<1x32768xf32, #tpu.memory_space<vmem>>
    %dma_start3A_1221 = tpu.memref_squeeze %dma_start3A_1220 : memref<1x32768xf32, #tpu.memory_space<vmem>> -> memref<32768xf32, #tpu.memory_space<vmem>>
    %dma_start3A_1222 = tpu.memref_slice %arg4[%mul3A_1217] : memref<33554432xf32, #tpu.memory_space<hbm>> -> memref<32768xf32, #tpu.memory_space<hbm>>
    %dma_start3A_1223 = tpu.memref_slice %arg4[%mul3A_1217] : memref<33554432xf32, #tpu.memory_space<hbm>> -> memref<32768xf32, #tpu.memory_space<hbm>>
    %dma_start3A_1224 = arith.constant 0 : i32
    %dma_start3A_1225 = tpu.memref_slice %arg6[%dma_start3A_1218, %dma_start3A_1224] : memref<2x32768xf32, #tpu.memory_space<vmem>> -> memref<1x32768xf32, #tpu.memory_space<vmem>>
    %dma_start3A_1226 = tpu.memref_squeeze %dma_start3A_1225 : memref<1x32768xf32, #tpu.memory_space<vmem>> -> memref<32768xf32, #tpu.memory_space<vmem>>
    tpu.enqueue_dma source(%dma_start3A_1226 : memref<32768xf32, #tpu.memory_space<vmem>>) target(%dma_start3A_1223 : memref<32768xf32, #tpu.memory_space<hbm>>) target_semaphore(%arg10 : memref<!tpu.dma_semaphore, #tpu.memory_space<semaphore_mem>>)
    %dma_wait3A_1227 = arith.constant 0 : i32
    %dma_wait3A_1228 = arith.constant 0 : i32
    %dma_wait3A_1229 = tpu.memref_slice %arg6[%dma_wait3A_1227, %dma_wait3A_1228] : memref<2x32768xf32, #tpu.memory_space<vmem>> -> memref<1x32768xf32, #tpu.memory_space<vmem>>
    %dma_wait3A_1230 = tpu.memref_squeeze %dma_wait3A_1229 : memref<1x32768xf32, #tpu.memory_space<vmem>> -> memref<32768xf32, #tpu.memory_space<vmem>>
    %dma_wait3A_1231 = tpu.memref_slice %arg4[%mul3A_1217] : memref<33554432xf32, #tpu.memory_space<hbm>> -> memref<32768xf32, #tpu.memory_space<hbm>>
    %dma_wait3A_1232 = tpu.memref_slice %arg4[%mul3A_1217] : memref<33554432xf32, #tpu.memory_space<hbm>> -> memref<32768xf32, #tpu.memory_space<hbm>>
    %dma_wait3A_1233 = arith.constant 0 : i32
    %dma_wait3A_1234 = tpu.memref_slice %arg6[%dma_wait3A_1227, %dma_wait3A_1233] : memref<2x32768xf32, #tpu.memory_space<vmem>> -> memref<1x32768xf32, #tpu.memory_space<vmem>>
    %dma_wait3A_1235 = tpu.memref_squeeze %dma_wait3A_1234 : memref<1x32768xf32, #tpu.memory_space<vmem>> -> memref<32768xf32, #tpu.memory_space<vmem>>
    tpu.wait_dma2 semaphore(%arg10 : memref<!tpu.dma_semaphore, #tpu.memory_space<semaphore_mem>>) src(%dma_wait3A_1235 : memref<32768xf32, #tpu.memory_space<vmem>>) dst(%dma_wait3A_1232 : memref<32768xf32, #tpu.memory_space<hbm>>)
    %add3A_1236 = arith.constant 0 : i32
    %add3A_1237 = arith.addi %add3A_1236, %mul3A_2 : i32
    %add3A_1238 = arith.constant 192 : i32
    %add3A_1239 = arith.addi %add3A_1237, %add3A_1238 : i32
    %mul3A_1240 = arith.constant 1024 : i32
    %mul3A_1241 = arith.muli %add3A_1239, %mul3A_1240 : i32
    %dma_start3A_1242 = arith.constant 0 : i32
    %dma_start3A_1243 = arith.constant 0 : i32
    %dma_start3A_1244 = tpu.memref_slice %arg6[%dma_start3A_1242, %dma_start3A_1243] : memref<2x32768xf32, #tpu.memory_space<vmem>> -> memref<1x32768xf32, #tpu.memory_space<vmem>>
    %dma_start3A_1245 = tpu.memref_squeeze %dma_start3A_1244 : memref<1x32768xf32, #tpu.memory_space<vmem>> -> memref<32768xf32, #tpu.memory_space<vmem>>
    %dma_start3A_1246 = tpu.memref_slice %arg2[%mul3A_1241] : memref<33554432xf32, #tpu.memory_space<hbm>> -> memref<32768xf32, #tpu.memory_space<hbm>>
    %dma_start3A_1247 = arith.constant 0 : i32
    %dma_start3A_1248 = tpu.memref_slice %arg6[%dma_start3A_1242, %dma_start3A_1247] : memref<2x32768xf32, #tpu.memory_space<vmem>> -> memref<1x32768xf32, #tpu.memory_space<vmem>>
    %dma_start3A_1249 = tpu.memref_squeeze %dma_start3A_1248 : memref<1x32768xf32, #tpu.memory_space<vmem>> -> memref<32768xf32, #tpu.memory_space<vmem>>
    %dma_start3A_1250 = tpu.memref_slice %arg2[%mul3A_1241] : memref<33554432xf32, #tpu.memory_space<hbm>> -> memref<32768xf32, #tpu.memory_space<hbm>>
    tpu.enqueue_dma source(%dma_start3A_1250 : memref<32768xf32, #tpu.memory_space<hbm>>) target(%dma_start3A_1249 : memref<32768xf32, #tpu.memory_space<vmem>>) target_semaphore(%arg8 : memref<!tpu.dma_semaphore, #tpu.memory_space<semaphore_mem>>)
    %dma_wait3A_1251 = arith.constant 1 : i32
    %dma_wait3A_1252 = arith.constant 0 : i32
    %dma_wait3A_1253 = tpu.memref_slice %arg6[%dma_wait3A_1251, %dma_wait3A_1252] : memref<2x32768xf32, #tpu.memory_space<vmem>> -> memref<1x32768xf32, #tpu.memory_space<vmem>>
    %dma_wait3A_1254 = tpu.memref_squeeze %dma_wait3A_1253 : memref<1x32768xf32, #tpu.memory_space<vmem>> -> memref<32768xf32, #tpu.memory_space<vmem>>
    %dma_wait3A_1255 = tpu.memref_slice %arg2[%mul3A_1190] : memref<33554432xf32, #tpu.memory_space<hbm>> -> memref<32768xf32, #tpu.memory_space<hbm>>
    %dma_wait3A_1256 = arith.constant 0 : i32
    %dma_wait3A_1257 = tpu.memref_slice %arg6[%dma_wait3A_1251, %dma_wait3A_1256] : memref<2x32768xf32, #tpu.memory_space<vmem>> -> memref<1x32768xf32, #tpu.memory_space<vmem>>
    %dma_wait3A_1258 = tpu.memref_squeeze %dma_wait3A_1257 : memref<1x32768xf32, #tpu.memory_space<vmem>> -> memref<32768xf32, #tpu.memory_space<vmem>>
    %dma_wait3A_1259 = tpu.memref_slice %arg2[%mul3A_1190] : memref<33554432xf32, #tpu.memory_space<hbm>> -> memref<32768xf32, #tpu.memory_space<hbm>>
    tpu.wait_dma2 semaphore(%arg9 : memref<!tpu.dma_semaphore, #tpu.memory_space<semaphore_mem>>) src(%dma_wait3A_1259 : memref<32768xf32, #tpu.memory_space<hbm>>) dst(%dma_wait3A_1258 : memref<32768xf32, #tpu.memory_space<vmem>>)
    %parallel_loop3A_1260 = arith.constant 0 : i32
    %parallel_loop3A_1261 = arith.constant 32768 : i32
    %parallel_loop3A_1262 = arith.constant 16 : i32
    scf.for %parallel_loop3A_1696 = %parallel_loop3A_1260 to %parallel_loop3A_1261 step %parallel_loop3A_1262  : i32 {
      %parallel_loop3A_1697 = arith.index_cast %parallel_loop3A_1696 : i32 to index
      %parallel_loop3A_1698 = tpu.vector_load %arg5[%parallel_loop3A_1697] {strides = array<i32>} : memref<32768xf32, #tpu.memory_space<vmem>>, vector<16xf32>,
      %parallel_loop3A_1699 = vector.shape_cast %parallel_loop3A_1698 : vector<16xf32> to vector<16xf32>
      %parallel_loop3A_1700 = arith.constant 1 : i32
      %parallel_loop3A_1701 = arith.index_cast %parallel_loop3A_1700 : i32 to index
      %parallel_loop3A_1702 = arith.index_cast %parallel_loop3A_1696 : i32 to index
      %parallel_loop3A_1703 = tpu.vector_load %arg6[%parallel_loop3A_1701, %parallel_loop3A_1702] {strides = array<i32>} : memref<2x32768xf32, #tpu.memory_space<vmem>>, vector<1x16xf32>,
      %parallel_loop3A_1704 = vector.shape_cast %parallel_loop3A_1703 : vector<1x16xf32> to vector<16xf32>
      %parallel_loop3A_1705 = vector.shape_cast %parallel_loop3A_1699 : vector<16xf32> to vector<1x16xf32>
      tpu.vector_store %arg6[%parallel_loop3A_1701, %parallel_loop3A_1702], %parallel_loop3A_1705 {add = true, strides = array<i32>} : memref<2x32768xf32, #tpu.memory_space<vmem>>, vector<1x16xf32>,
    } {sc.loop_unroll_factor = 8 : i64, sc.parallel_access}
    %add3A_1263 = arith.constant 24576 : i32
    %add3A_1264 = arith.addi %add3A_1263, %mul3A_2 : i32
    %add3A_1265 = arith.constant 160 : i32
    %add3A_1266 = arith.addi %add3A_1264, %add3A_1265 : i32
    %mul3A_1267 = arith.constant 1024 : i32
    %mul3A_1268 = arith.muli %add3A_1266, %mul3A_1267 : i32
    %dma_start3A_1269 = arith.constant 1 : i32
    %dma_start3A_1270 = arith.constant 0 : i32
    %dma_start3A_1271 = tpu.memref_slice %arg6[%dma_start3A_1269, %dma_start3A_1270] : memref<2x32768xf32, #tpu.memory_space<vmem>> -> memref<1x32768xf32, #tpu.memory_space<vmem>>
    %dma_start3A_1272 = tpu.memref_squeeze %dma_start3A_1271 : memref<1x32768xf32, #tpu.memory_space<vmem>> -> memref<32768xf32, #tpu.memory_space<vmem>>
    %dma_start3A_1273 = tpu.memref_slice %arg4[%mul3A_1268] : memref<33554432xf32, #tpu.memory_space<hbm>> -> memref<32768xf32, #tpu.memory_space<hbm>>
    %dma_start3A_1274 = tpu.memref_slice %arg4[%mul3A_1268] : memref<33554432xf32, #tpu.memory_space<hbm>> -> memref<32768xf32, #tpu.memory_space<hbm>>
    %dma_start3A_1275 = arith.constant 0 : i32
    %dma_start3A_1276 = tpu.memref_slice %arg6[%dma_start3A_1269, %dma_start3A_1275] : memref<2x32768xf32, #tpu.memory_space<vmem>> -> memref<1x32768xf32, #tpu.memory_space<vmem>>
    %dma_start3A_1277 = tpu.memref_squeeze %dma_start3A_1276 : memref<1x32768xf32, #tpu.memory_space<vmem>> -> memref<32768xf32, #tpu.memory_space<vmem>>
    tpu.enqueue_dma source(%dma_start3A_1277 : memref<32768xf32, #tpu.memory_space<vmem>>) target(%dma_start3A_1274 : memref<32768xf32, #tpu.memory_space<hbm>>) target_semaphore(%arg11 : memref<!tpu.dma_semaphore, #tpu.memory_space<semaphore_mem>>)
    %add3A_1278 = arith.constant 192 : i32
    %add3A_1279 = arith.addi %mul3A_2, %add3A_1278 : i32
    %mul3A_1280 = arith.constant 1024 : i32
    %mul3A_1281 = arith.muli %add3A_1279, %mul3A_1280 : i32
    %dma_start3A_1282 = tpu.memref_slice %arg3[%mul3A_1281] : memref<8388608xf32, #tpu.memory_space<hbm>> -> memref<32768xf32, #tpu.memory_space<hbm>>
    %dma_start3A_1283 = tpu.memref_slice %arg3[%mul3A_1281] : memref<8388608xf32, #tpu.memory_space<hbm>> -> memref<32768xf32, #tpu.memory_space<hbm>>
    tpu.enqueue_dma source(%dma_start3A_1283 : memref<32768xf32, #tpu.memory_space<hbm>>) target(%arg5 : memref<32768xf32, #tpu.memory_space<vmem>>) target_semaphore(%arg7 : memref<!tpu.dma_semaphore, #tpu.memory_space<semaphore_mem>>)
    %dma_wait3A_1284 = arith.constant 1 : i32
    %dma_wait3A_1285 = arith.constant 0 : i32
    %dma_wait3A_1286 = tpu.memref_slice %arg6[%dma_wait3A_1284, %dma_wait3A_1285] : memref<2x32768xf32, #tpu.memory_space<vmem>> -> memref<1x32768xf32, #tpu.memory_space<vmem>>
    %dma_wait3A_1287 = tpu.memref_squeeze %dma_wait3A_1286 : memref<1x32768xf32, #tpu.memory_space<vmem>> -> memref<32768xf32, #tpu.memory_space<vmem>>
    %dma_wait3A_1288 = tpu.memref_slice %arg4[%mul3A_1268] : memref<33554432xf32, #tpu.memory_space<hbm>> -> memref<32768xf32, #tpu.memory_space<hbm>>
    %dma_wait3A_1289 = tpu.memref_slice %arg4[%mul3A_1268] : memref<33554432xf32, #tpu.memory_space<hbm>> -> memref<32768xf32, #tpu.memory_space<hbm>>
    %dma_wait3A_1290 = arith.constant 0 : i32
    %dma_wait3A_1291 = tpu.memref_slice %arg6[%dma_wait3A_1284, %dma_wait3A_1290] : memref<2x32768xf32, #tpu.memory_space<vmem>> -> memref<1x32768xf32, #tpu.memory_space<vmem>>
    %dma_wait3A_1292 = tpu.memref_squeeze %dma_wait3A_1291 : memref<1x32768xf32, #tpu.memory_space<vmem>> -> memref<32768xf32, #tpu.memory_space<vmem>>
    tpu.wait_dma2 semaphore(%arg11 : memref<!tpu.dma_semaphore, #tpu.memory_space<semaphore_mem>>) src(%dma_wait3A_1292 : memref<32768xf32, #tpu.memory_space<vmem>>) dst(%dma_wait3A_1289 : memref<32768xf32, #tpu.memory_space<hbm>>)
    %add3A_1293 = arith.constant 8192 : i32
    %add3A_1294 = arith.addi %add3A_1293, %mul3A_2 : i32
    %add3A_1295 = arith.constant 192 : i32
    %add3A_1296 = arith.addi %add3A_1294, %add3A_1295 : i32
    %mul3A_1297 = arith.constant 1024 : i32
    %mul3A_1298 = arith.muli %add3A_1296, %mul3A_1297 : i32
    %dma_start3A_1299 = arith.constant 1 : i32
    %dma_start3A_1300 = arith.constant 0 : i32
    %dma_start3A_1301 = tpu.memref_slice %arg6[%dma_start3A_1299, %dma_start3A_1300] : memref<2x32768xf32, #tpu.memory_space<vmem>> -> memref<1x32768xf32, #tpu.memory_space<vmem>>
    %dma_start3A_1302 = tpu.memref_squeeze %dma_start3A_1301 : memref<1x32768xf32, #tpu.memory_space<vmem>> -> memref<32768xf32, #tpu.memory_space<vmem>>
    %dma_start3A_1303 = tpu.memref_slice %arg2[%mul3A_1298] : memref<33554432xf32, #tpu.memory_space<hbm>> -> memref<32768xf32, #tpu.memory_space<hbm>>
    %dma_start3A_1304 = arith.constant 0 : i32
    %dma_start3A_1305 = tpu.memref_slice %arg6[%dma_start3A_1299, %dma_start3A_1304] : memref<2x32768xf32, #tpu.memory_space<vmem>> -> memref<1x32768xf32, #tpu.memory_space<vmem>>
    %dma_start3A_1306 = tpu.memref_squeeze %dma_start3A_1305 : memref<1x32768xf32, #tpu.memory_space<vmem>> -> memref<32768xf32, #tpu.memory_space<vmem>>
    %dma_start3A_1307 = tpu.memref_slice %arg2[%mul3A_1298] : memref<33554432xf32, #tpu.memory_space<hbm>> -> memref<32768xf32, #tpu.memory_space<hbm>>
    tpu.enqueue_dma source(%dma_start3A_1307 : memref<32768xf32, #tpu.memory_space<hbm>>) target(%dma_start3A_1306 : memref<32768xf32, #tpu.memory_space<vmem>>) target_semaphore(%arg9 : memref<!tpu.dma_semaphore, #tpu.memory_space<semaphore_mem>>)
    %dma_wait3A_1308 = tpu.memref_slice %arg3[%mul3A_1281] : memref<8388608xf32, #tpu.memory_space<hbm>> -> memref<32768xf32, #tpu.memory_space<hbm>>
    %dma_wait3A_1309 = tpu.memref_slice %arg3[%mul3A_1281] : memref<8388608xf32, #tpu.memory_space<hbm>> -> memref<32768xf32, #tpu.memory_space<hbm>>
    tpu.wait_dma2 semaphore(%arg7 : memref<!tpu.dma_semaphore, #tpu.memory_space<semaphore_mem>>) src(%dma_wait3A_1309 : memref<32768xf32, #tpu.memory_space<hbm>>) dst(%arg5 : memref<32768xf32, #tpu.memory_space<vmem>>)
    %dma_wait3A_1310 = arith.constant 0 : i32
    %dma_wait3A_1311 = arith.constant 0 : i32
    %dma_wait3A_1312 = tpu.memref_slice %arg6[%dma_wait3A_1310, %dma_wait3A_1311] : memref<2x32768xf32, #tpu.memory_space<vmem>> -> memref<1x32768xf32, #tpu.memory_space<vmem>>
    %dma_wait3A_1313 = tpu.memref_squeeze %dma_wait3A_1312 : memref<1x32768xf32, #tpu.memory_space<vmem>> -> memref<32768xf32, #tpu.memory_space<vmem>>
    %dma_wait3A_1314 = tpu.memref_slice %arg2[%mul3A_1241] : memref<33554432xf32, #tpu.memory_space<hbm>> -> memref<32768xf32, #tpu.memory_space<hbm>>
    %dma_wait3A_1315 = arith.constant 0 : i32
    %dma_wait3A_1316 = tpu.memref_slice %arg6[%dma_wait3A_1310, %dma_wait3A_1315] : memref<2x32768xf32, #tpu.memory_space<vmem>> -> memref<1x32768xf32, #tpu.memory_space<vmem>>
    %dma_wait3A_1317 = tpu.memref_squeeze %dma_wait3A_1316 : memref<1x32768xf32, #tpu.memory_space<vmem>> -> memref<32768xf32, #tpu.memory_space<vmem>>
    %dma_wait3A_1318 = tpu.memref_slice %arg2[%mul3A_1241] : memref<33554432xf32, #tpu.memory_space<hbm>> -> memref<32768xf32, #tpu.memory_space<hbm>>
    tpu.wait_dma2 semaphore(%arg8 : memref<!tpu.dma_semaphore, #tpu.memory_space<semaphore_mem>>) src(%dma_wait3A_1318 : memref<32768xf32, #tpu.memory_space<hbm>>) dst(%dma_wait3A_1317 : memref<32768xf32, #tpu.memory_space<vmem>>)
    %parallel_loop3A_1319 = arith.constant 0 : i32
    %parallel_loop3A_1320 = arith.constant 32768 : i32
    %parallel_loop3A_1321 = arith.constant 16 : i32
    scf.for %parallel_loop3A_1696 = %parallel_loop3A_1319 to %parallel_loop3A_1320 step %parallel_loop3A_1321  : i32 {
      %parallel_loop3A_1697 = arith.index_cast %parallel_loop3A_1696 : i32 to index
      %parallel_loop3A_1698 = tpu.vector_load %arg5[%parallel_loop3A_1697] {strides = array<i32>} : memref<32768xf32, #tpu.memory_space<vmem>>, vector<16xf32>,
      %parallel_loop3A_1699 = vector.shape_cast %parallel_loop3A_1698 : vector<16xf32> to vector<16xf32>
      %parallel_loop3A_1700 = arith.constant 0 : i32
      %parallel_loop3A_1701 = arith.index_cast %parallel_loop3A_1700 : i32 to index
      %parallel_loop3A_1702 = arith.index_cast %parallel_loop3A_1696 : i32 to index
      %parallel_loop3A_1703 = tpu.vector_load %arg6[%parallel_loop3A_1701, %parallel_loop3A_1702] {strides = array<i32>} : memref<2x32768xf32, #tpu.memory_space<vmem>>, vector<1x16xf32>,
      %parallel_loop3A_1704 = vector.shape_cast %parallel_loop3A_1703 : vector<1x16xf32> to vector<16xf32>
      %parallel_loop3A_1705 = vector.shape_cast %parallel_loop3A_1699 : vector<16xf32> to vector<1x16xf32>
      tpu.vector_store %arg6[%parallel_loop3A_1701, %parallel_loop3A_1702], %parallel_loop3A_1705 {add = true, strides = array<i32>} : memref<2x32768xf32, #tpu.memory_space<vmem>>, vector<1x16xf32>,
    } {sc.loop_unroll_factor = 8 : i64, sc.parallel_access}
    %add3A_1322 = arith.constant 0 : i32
    %add3A_1323 = arith.addi %add3A_1322, %mul3A_2 : i32
    %add3A_1324 = arith.constant 192 : i32
    %add3A_1325 = arith.addi %add3A_1323, %add3A_1324 : i32
    %mul3A_1326 = arith.constant 1024 : i32
    %mul3A_1327 = arith.muli %add3A_1325, %mul3A_1326 : i32
    %dma_start3A_1328 = arith.constant 0 : i32
    %dma_start3A_1329 = arith.constant 0 : i32
    %dma_start3A_1330 = tpu.memref_slice %arg6[%dma_start3A_1328, %dma_start3A_1329] : memref<2x32768xf32, #tpu.memory_space<vmem>> -> memref<1x32768xf32, #tpu.memory_space<vmem>>
    %dma_start3A_1331 = tpu.memref_squeeze %dma_start3A_1330 : memref<1x32768xf32, #tpu.memory_space<vmem>> -> memref<32768xf32, #tpu.memory_space<vmem>>
    %dma_start3A_1332 = tpu.memref_slice %arg4[%mul3A_1327] : memref<33554432xf32, #tpu.memory_space<hbm>> -> memref<32768xf32, #tpu.memory_space<hbm>>
    %dma_start3A_1333 = tpu.memref_slice %arg4[%mul3A_1327] : memref<33554432xf32, #tpu.memory_space<hbm>> -> memref<32768xf32, #tpu.memory_space<hbm>>
    %dma_start3A_1334 = arith.constant 0 : i32
    %dma_start3A_1335 = tpu.memref_slice %arg6[%dma_start3A_1328, %dma_start3A_1334] : memref<2x32768xf32, #tpu.memory_space<vmem>> -> memref<1x32768xf32, #tpu.memory_space<vmem>>
    %dma_start3A_1336 = tpu.memref_squeeze %dma_start3A_1335 : memref<1x32768xf32, #tpu.memory_space<vmem>> -> memref<32768xf32, #tpu.memory_space<vmem>>
    tpu.enqueue_dma source(%dma_start3A_1336 : memref<32768xf32, #tpu.memory_space<vmem>>) target(%dma_start3A_1333 : memref<32768xf32, #tpu.memory_space<hbm>>) target_semaphore(%arg10 : memref<!tpu.dma_semaphore, #tpu.memory_space<semaphore_mem>>)
    %dma_wait3A_1337 = arith.constant 0 : i32
    %dma_wait3A_1338 = arith.constant 0 : i32
    %dma_wait3A_1339 = tpu.memref_slice %arg6[%dma_wait3A_1337, %dma_wait3A_1338] : memref<2x32768xf32, #tpu.memory_space<vmem>> -> memref<1x32768xf32, #tpu.memory_space<vmem>>
    %dma_wait3A_1340 = tpu.memref_squeeze %dma_wait3A_1339 : memref<1x32768xf32, #tpu.memory_space<vmem>> -> memref<32768xf32, #tpu.memory_space<vmem>>
    %dma_wait3A_1341 = tpu.memref_slice %arg4[%mul3A_1327] : memref<33554432xf32, #tpu.memory_space<hbm>> -> memref<32768xf32, #tpu.memory_space<hbm>>
    %dma_wait3A_1342 = tpu.memref_slice %arg4[%mul3A_1327] : memref<33554432xf32, #tpu.memory_space<hbm>> -> memref<32768xf32, #tpu.memory_space<hbm>>
    %dma_wait3A_1343 = arith.constant 0 : i32
    %dma_wait3A_1344 = tpu.memref_slice %arg6[%dma_wait3A_1337, %dma_wait3A_1343] : memref<2x32768xf32, #tpu.memory_space<vmem>> -> memref<1x32768xf32, #tpu.memory_space<vmem>>
    %dma_wait3A_1345 = tpu.memref_squeeze %dma_wait3A_1344 : memref<1x32768xf32, #tpu.memory_space<vmem>> -> memref<32768xf32, #tpu.memory_space<vmem>>
    tpu.wait_dma2 semaphore(%arg10 : memref<!tpu.dma_semaphore, #tpu.memory_space<semaphore_mem>>) src(%dma_wait3A_1345 : memref<32768xf32, #tpu.memory_space<vmem>>) dst(%dma_wait3A_1342 : memref<32768xf32, #tpu.memory_space<hbm>>)
    %add3A_1346 = arith.constant 16384 : i32
    %add3A_1347 = arith.addi %add3A_1346, %mul3A_2 : i32
    %add3A_1348 = arith.constant 192 : i32
    %add3A_1349 = arith.addi %add3A_1347, %add3A_1348 : i32
    %mul3A_1350 = arith.constant 1024 : i32
    %mul3A_1351 = arith.muli %add3A_1349, %mul3A_1350 : i32
    %dma_start3A_1352 = arith.constant 0 : i32
    %dma_start3A_1353 = arith.constant 0 : i32
    %dma_start3A_1354 = tpu.memref_slice %arg6[%dma_start3A_1352, %dma_start3A_1353] : memref<2x32768xf32, #tpu.memory_space<vmem>> -> memref<1x32768xf32, #tpu.memory_space<vmem>>
    %dma_start3A_1355 = tpu.memref_squeeze %dma_start3A_1354 : memref<1x32768xf32, #tpu.memory_space<vmem>> -> memref<32768xf32, #tpu.memory_space<vmem>>
    %dma_start3A_1356 = tpu.memref_slice %arg2[%mul3A_1351] : memref<33554432xf32, #tpu.memory_space<hbm>> -> memref<32768xf32, #tpu.memory_space<hbm>>
    %dma_start3A_1357 = arith.constant 0 : i32
    %dma_start3A_1358 = tpu.memref_slice %arg6[%dma_start3A_1352, %dma_start3A_1357] : memref<2x32768xf32, #tpu.memory_space<vmem>> -> memref<1x32768xf32, #tpu.memory_space<vmem>>
    %dma_start3A_1359 = tpu.memref_squeeze %dma_start3A_1358 : memref<1x32768xf32, #tpu.memory_space<vmem>> -> memref<32768xf32, #tpu.memory_space<vmem>>
    %dma_start3A_1360 = tpu.memref_slice %arg2[%mul3A_1351] : memref<33554432xf32, #tpu.memory_space<hbm>> -> memref<32768xf32, #tpu.memory_space<hbm>>
    tpu.enqueue_dma source(%dma_start3A_1360 : memref<32768xf32, #tpu.memory_space<hbm>>) target(%dma_start3A_1359 : memref<32768xf32, #tpu.memory_space<vmem>>) target_semaphore(%arg8 : memref<!tpu.dma_semaphore, #tpu.memory_space<semaphore_mem>>)
    %dma_wait3A_1361 = arith.constant 1 : i32
    %dma_wait3A_1362 = arith.constant 0 : i32
    %dma_wait3A_1363 = tpu.memref_slice %arg6[%dma_wait3A_1361, %dma_wait3A_1362] : memref<2x32768xf32, #tpu.memory_space<vmem>> -> memref<1x32768xf32, #tpu.memory_space<vmem>>
    %dma_wait3A_1364 = tpu.memref_squeeze %dma_wait3A_1363 : memref<1x32768xf32, #tpu.memory_space<vmem>> -> memref<32768xf32, #tpu.memory_space<vmem>>
    %dma_wait3A_1365 = tpu.memref_slice %arg2[%mul3A_1298] : memref<33554432xf32, #tpu.memory_space<hbm>> -> memref<32768xf32, #tpu.memory_space<hbm>>
    %dma_wait3A_1366 = arith.constant 0 : i32
    %dma_wait3A_1367 = tpu.memref_slice %arg6[%dma_wait3A_1361, %dma_wait3A_1366] : memref<2x32768xf32, #tpu.memory_space<vmem>> -> memref<1x32768xf32, #tpu.memory_space<vmem>>
    %dma_wait3A_1368 = tpu.memref_squeeze %dma_wait3A_1367 : memref<1x32768xf32, #tpu.memory_space<vmem>> -> memref<32768xf32, #tpu.memory_space<vmem>>
    %dma_wait3A_1369 = tpu.memref_slice %arg2[%mul3A_1298] : memref<33554432xf32, #tpu.memory_space<hbm>> -> memref<32768xf32, #tpu.memory_space<hbm>>
    tpu.wait_dma2 semaphore(%arg9 : memref<!tpu.dma_semaphore, #tpu.memory_space<semaphore_mem>>) src(%dma_wait3A_1369 : memref<32768xf32, #tpu.memory_space<hbm>>) dst(%dma_wait3A_1368 : memref<32768xf32, #tpu.memory_space<vmem>>)
    %parallel_loop3A_1370 = arith.constant 0 : i32
    %parallel_loop3A_1371 = arith.constant 32768 : i32
    %parallel_loop3A_1372 = arith.constant 16 : i32
    scf.for %parallel_loop3A_1696 = %parallel_loop3A_1370 to %parallel_loop3A_1371 step %parallel_loop3A_1372  : i32 {
      %parallel_loop3A_1697 = arith.index_cast %parallel_loop3A_1696 : i32 to index
      %parallel_loop3A_1698 = tpu.vector_load %arg5[%parallel_loop3A_1697] {strides = array<i32>} : memref<32768xf32, #tpu.memory_space<vmem>>, vector<16xf32>,
      %parallel_loop3A_1699 = vector.shape_cast %parallel_loop3A_1698 : vector<16xf32> to vector<16xf32>
      %parallel_loop3A_1700 = arith.constant 1 : i32
      %parallel_loop3A_1701 = arith.index_cast %parallel_loop3A_1700 : i32 to index
      %parallel_loop3A_1702 = arith.index_cast %parallel_loop3A_1696 : i32 to index
      %parallel_loop3A_1703 = tpu.vector_load %arg6[%parallel_loop3A_1701, %parallel_loop3A_1702] {strides = array<i32>} : memref<2x32768xf32, #tpu.memory_space<vmem>>, vector<1x16xf32>,
      %parallel_loop3A_1704 = vector.shape_cast %parallel_loop3A_1703 : vector<1x16xf32> to vector<16xf32>
      %parallel_loop3A_1705 = vector.shape_cast %parallel_loop3A_1699 : vector<16xf32> to vector<1x16xf32>
      tpu.vector_store %arg6[%parallel_loop3A_1701, %parallel_loop3A_1702], %parallel_loop3A_1705 {add = true, strides = array<i32>} : memref<2x32768xf32, #tpu.memory_space<vmem>>, vector<1x16xf32>,
    } {sc.loop_unroll_factor = 8 : i64, sc.parallel_access}
    %add3A_1373 = arith.constant 8192 : i32
    %add3A_1374 = arith.addi %add3A_1373, %mul3A_2 : i32
    %add3A_1375 = arith.constant 192 : i32
    %add3A_1376 = arith.addi %add3A_1374, %add3A_1375 : i32
    %mul3A_1377 = arith.constant 1024 : i32
    %mul3A_1378 = arith.muli %add3A_1376, %mul3A_1377 : i32
    %dma_start3A_1379 = arith.constant 1 : i32
    %dma_start3A_1380 = arith.constant 0 : i32
    %dma_start3A_1381 = tpu.memref_slice %arg6[%dma_start3A_1379, %dma_start3A_1380] : memref<2x32768xf32, #tpu.memory_space<vmem>> -> memref<1x32768xf32, #tpu.memory_space<vmem>>
    %dma_start3A_1382 = tpu.memref_squeeze %dma_start3A_1381 : memref<1x32768xf32, #tpu.memory_space<vmem>> -> memref<32768xf32, #tpu.memory_space<vmem>>
    %dma_start3A_1383 = tpu.memref_slice %arg4[%mul3A_1378] : memref<33554432xf32, #tpu.memory_space<hbm>> -> memref<32768xf32, #tpu.memory_space<hbm>>
    %dma_start3A_1384 = tpu.memref_slice %arg4[%mul3A_1378] : memref<33554432xf32, #tpu.memory_space<hbm>> -> memref<32768xf32, #tpu.memory_space<hbm>>
    %dma_start3A_1385 = arith.constant 0 : i32
    %dma_start3A_1386 = tpu.memref_slice %arg6[%dma_start3A_1379, %dma_start3A_1385] : memref<2x32768xf32, #tpu.memory_space<vmem>> -> memref<1x32768xf32, #tpu.memory_space<vmem>>
    %dma_start3A_1387 = tpu.memref_squeeze %dma_start3A_1386 : memref<1x32768xf32, #tpu.memory_space<vmem>> -> memref<32768xf32, #tpu.memory_space<vmem>>
    tpu.enqueue_dma source(%dma_start3A_1387 : memref<32768xf32, #tpu.memory_space<vmem>>) target(%dma_start3A_1384 : memref<32768xf32, #tpu.memory_space<hbm>>) target_semaphore(%arg11 : memref<!tpu.dma_semaphore, #tpu.memory_space<semaphore_mem>>)
    %dma_wait3A_1388 = arith.constant 1 : i32
    %dma_wait3A_1389 = arith.constant 0 : i32
    %dma_wait3A_1390 = tpu.memref_slice %arg6[%dma_wait3A_1388, %dma_wait3A_1389] : memref<2x32768xf32, #tpu.memory_space<vmem>> -> memref<1x32768xf32, #tpu.memory_space<vmem>>
    %dma_wait3A_1391 = tpu.memref_squeeze %dma_wait3A_1390 : memref<1x32768xf32, #tpu.memory_space<vmem>> -> memref<32768xf32, #tpu.memory_space<vmem>>
    %dma_wait3A_1392 = tpu.memref_slice %arg4[%mul3A_1378] : memref<33554432xf32, #tpu.memory_space<hbm>> -> memref<32768xf32, #tpu.memory_space<hbm>>
    %dma_wait3A_1393 = tpu.memref_slice %arg4[%mul3A_1378] : memref<33554432xf32, #tpu.memory_space<hbm>> -> memref<32768xf32, #tpu.memory_space<hbm>>
    %dma_wait3A_1394 = arith.constant 0 : i32
    %dma_wait3A_1395 = tpu.memref_slice %arg6[%dma_wait3A_1388, %dma_wait3A_1394] : memref<2x32768xf32, #tpu.memory_space<vmem>> -> memref<1x32768xf32, #tpu.memory_space<vmem>>
    %dma_wait3A_1396 = tpu.memref_squeeze %dma_wait3A_1395 : memref<1x32768xf32, #tpu.memory_space<vmem>> -> memref<32768xf32, #tpu.memory_space<vmem>>
    tpu.wait_dma2 semaphore(%arg11 : memref<!tpu.dma_semaphore, #tpu.memory_space<semaphore_mem>>) src(%dma_wait3A_1396 : memref<32768xf32, #tpu.memory_space<vmem>>) dst(%dma_wait3A_1393 : memref<32768xf32, #tpu.memory_space<hbm>>)
    %add3A_1397 = arith.constant 24576 : i32
    %add3A_1398 = arith.addi %add3A_1397, %mul3A_2 : i32
    %add3A_1399 = arith.constant 192 : i32
    %add3A_1400 = arith.addi %add3A_1398, %add3A_1399 : i32
    %mul3A_1401 = arith.constant 1024 : i32
    %mul3A_1402 = arith.muli %add3A_1400, %mul3A_1401 : i32
    %dma_start3A_1403 = arith.constant 1 : i32
    %dma_start3A_1404 = arith.constant 0 : i32
    %dma_start3A_1405 = tpu.memref_slice %arg6[%dma_start3A_1403, %dma_start3A_1404] : memref<2x32768xf32, #tpu.memory_space<vmem>> -> memref<1x32768xf32, #tpu.memory_space<vmem>>
    %dma_start3A_1406 = tpu.memref_squeeze %dma_start3A_1405 : memref<1x32768xf32, #tpu.memory_space<vmem>> -> memref<32768xf32, #tpu.memory_space<vmem>>
    %dma_start3A_1407 = tpu.memref_slice %arg2[%mul3A_1402] : memref<33554432xf32, #tpu.memory_space<hbm>> -> memref<32768xf32, #tpu.memory_space<hbm>>
    %dma_start3A_1408 = arith.constant 0 : i32
    %dma_start3A_1409 = tpu.memref_slice %arg6[%dma_start3A_1403, %dma_start3A_1408] : memref<2x32768xf32, #tpu.memory_space<vmem>> -> memref<1x32768xf32, #tpu.memory_space<vmem>>
    %dma_start3A_1410 = tpu.memref_squeeze %dma_start3A_1409 : memref<1x32768xf32, #tpu.memory_space<vmem>> -> memref<32768xf32, #tpu.memory_space<vmem>>
    %dma_start3A_1411 = tpu.memref_slice %arg2[%mul3A_1402] : memref<33554432xf32, #tpu.memory_space<hbm>> -> memref<32768xf32, #tpu.memory_space<hbm>>
    tpu.enqueue_dma source(%dma_start3A_1411 : memref<32768xf32, #tpu.memory_space<hbm>>) target(%dma_start3A_1410 : memref<32768xf32, #tpu.memory_space<vmem>>) target_semaphore(%arg9 : memref<!tpu.dma_semaphore, #tpu.memory_space<semaphore_mem>>)
    %dma_wait3A_1412 = arith.constant 0 : i32
    %dma_wait3A_1413 = arith.constant 0 : i32
    %dma_wait3A_1414 = tpu.memref_slice %arg6[%dma_wait3A_1412, %dma_wait3A_1413] : memref<2x32768xf32, #tpu.memory_space<vmem>> -> memref<1x32768xf32, #tpu.memory_space<vmem>>
    %dma_wait3A_1415 = tpu.memref_squeeze %dma_wait3A_1414 : memref<1x32768xf32, #tpu.memory_space<vmem>> -> memref<32768xf32, #tpu.memory_space<vmem>>
    %dma_wait3A_1416 = tpu.memref_slice %arg2[%mul3A_1351] : memref<33554432xf32, #tpu.memory_space<hbm>> -> memref<32768xf32, #tpu.memory_space<hbm>>
    %dma_wait3A_1417 = arith.constant 0 : i32
    %dma_wait3A_1418 = tpu.memref_slice %arg6[%dma_wait3A_1412, %dma_wait3A_1417] : memref<2x32768xf32, #tpu.memory_space<vmem>> -> memref<1x32768xf32, #tpu.memory_space<vmem>>
    %dma_wait3A_1419 = tpu.memref_squeeze %dma_wait3A_1418 : memref<1x32768xf32, #tpu.memory_space<vmem>> -> memref<32768xf32, #tpu.memory_space<vmem>>
    %dma_wait3A_1420 = tpu.memref_slice %arg2[%mul3A_1351] : memref<33554432xf32, #tpu.memory_space<hbm>> -> memref<32768xf32, #tpu.memory_space<hbm>>
    tpu.wait_dma2 semaphore(%arg8 : memref<!tpu.dma_semaphore, #tpu.memory_space<semaphore_mem>>) src(%dma_wait3A_1420 : memref<32768xf32, #tpu.memory_space<hbm>>) dst(%dma_wait3A_1419 : memref<32768xf32, #tpu.memory_space<vmem>>)
    %parallel_loop3A_1421 = arith.constant 0 : i32
    %parallel_loop3A_1422 = arith.constant 32768 : i32
    %parallel_loop3A_1423 = arith.constant 16 : i32
    scf.for %parallel_loop3A_1696 = %parallel_loop3A_1421 to %parallel_loop3A_1422 step %parallel_loop3A_1423  : i32 {
      %parallel_loop3A_1697 = arith.index_cast %parallel_loop3A_1696 : i32 to index
      %parallel_loop3A_1698 = tpu.vector_load %arg5[%parallel_loop3A_1697] {strides = array<i32>} : memref<32768xf32, #tpu.memory_space<vmem>>, vector<16xf32>,
      %parallel_loop3A_1699 = vector.shape_cast %parallel_loop3A_1698 : vector<16xf32> to vector<16xf32>
      %parallel_loop3A_1700 = arith.constant 0 : i32
      %parallel_loop3A_1701 = arith.index_cast %parallel_loop3A_1700 : i32 to index
      %parallel_loop3A_1702 = arith.index_cast %parallel_loop3A_1696 : i32 to index
      %parallel_loop3A_1703 = tpu.vector_load %arg6[%parallel_loop3A_1701, %parallel_loop3A_1702] {strides = array<i32>} : memref<2x32768xf32, #tpu.memory_space<vmem>>, vector<1x16xf32>,
      %parallel_loop3A_1704 = vector.shape_cast %parallel_loop3A_1703 : vector<1x16xf32> to vector<16xf32>
      %parallel_loop3A_1705 = vector.shape_cast %parallel_loop3A_1699 : vector<16xf32> to vector<1x16xf32>
      tpu.vector_store %arg6[%parallel_loop3A_1701, %parallel_loop3A_1702], %parallel_loop3A_1705 {add = true, strides = array<i32>} : memref<2x32768xf32, #tpu.memory_space<vmem>>, vector<1x16xf32>,
    } {sc.loop_unroll_factor = 8 : i64, sc.parallel_access}
    %add3A_1424 = arith.constant 16384 : i32
    %add3A_1425 = arith.addi %add3A_1424, %mul3A_2 : i32
    %add3A_1426 = arith.constant 192 : i32
    %add3A_1427 = arith.addi %add3A_1425, %add3A_1426 : i32
    %mul3A_1428 = arith.constant 1024 : i32
    %mul3A_1429 = arith.muli %add3A_1427, %mul3A_1428 : i32
    %dma_start3A_1430 = arith.constant 0 : i32
    %dma_start3A_1431 = arith.constant 0 : i32
    %dma_start3A_1432 = tpu.memref_slice %arg6[%dma_start3A_1430, %dma_start3A_1431] : memref<2x32768xf32, #tpu.memory_space<vmem>> -> memref<1x32768xf32, #tpu.memory_space<vmem>>
    %dma_start3A_1433 = tpu.memref_squeeze %dma_start3A_1432 : memref<1x32768xf32, #tpu.memory_space<vmem>> -> memref<32768xf32, #tpu.memory_space<vmem>>
    %dma_start3A_1434 = tpu.memref_slice %arg4[%mul3A_1429] : memref<33554432xf32, #tpu.memory_space<hbm>> -> memref<32768xf32, #tpu.memory_space<hbm>>
    %dma_start3A_1435 = tpu.memref_slice %arg4[%mul3A_1429] : memref<33554432xf32, #tpu.memory_space<hbm>> -> memref<32768xf32, #tpu.memory_space<hbm>>
    %dma_start3A_1436 = arith.constant 0 : i32
    %dma_start3A_1437 = tpu.memref_slice %arg6[%dma_start3A_1430, %dma_start3A_1436] : memref<2x32768xf32, #tpu.memory_space<vmem>> -> memref<1x32768xf32, #tpu.memory_space<vmem>>
    %dma_start3A_1438 = tpu.memref_squeeze %dma_start3A_1437 : memref<1x32768xf32, #tpu.memory_space<vmem>> -> memref<32768xf32, #tpu.memory_space<vmem>>
    tpu.enqueue_dma source(%dma_start3A_1438 : memref<32768xf32, #tpu.memory_space<vmem>>) target(%dma_start3A_1435 : memref<32768xf32, #tpu.memory_space<hbm>>) target_semaphore(%arg10 : memref<!tpu.dma_semaphore, #tpu.memory_space<semaphore_mem>>)
    %dma_wait3A_1439 = arith.constant 0 : i32
    %dma_wait3A_1440 = arith.constant 0 : i32
    %dma_wait3A_1441 = tpu.memref_slice %arg6[%dma_wait3A_1439, %dma_wait3A_1440] : memref<2x32768xf32, #tpu.memory_space<vmem>> -> memref<1x32768xf32, #tpu.memory_space<vmem>>
    %dma_wait3A_1442 = tpu.memref_squeeze %dma_wait3A_1441 : memref<1x32768xf32, #tpu.memory_space<vmem>> -> memref<32768xf32, #tpu.memory_space<vmem>>
    %dma_wait3A_1443 = tpu.memref_slice %arg4[%mul3A_1429] : memref<33554432xf32, #tpu.memory_space<hbm>> -> memref<32768xf32, #tpu.memory_space<hbm>>
    %dma_wait3A_1444 = tpu.memref_slice %arg4[%mul3A_1429] : memref<33554432xf32, #tpu.memory_space<hbm>> -> memref<32768xf32, #tpu.memory_space<hbm>>
    %dma_wait3A_1445 = arith.constant 0 : i32
    %dma_wait3A_1446 = tpu.memref_slice %arg6[%dma_wait3A_1439, %dma_wait3A_1445] : memref<2x32768xf32, #tpu.memory_space<vmem>> -> memref<1x32768xf32, #tpu.memory_space<vmem>>
    %dma_wait3A_1447 = tpu.memref_squeeze %dma_wait3A_1446 : memref<1x32768xf32, #tpu.memory_space<vmem>> -> memref<32768xf32, #tpu.memory_space<vmem>>
    tpu.wait_dma2 semaphore(%arg10 : memref<!tpu.dma_semaphore, #tpu.memory_space<semaphore_mem>>) src(%dma_wait3A_1447 : memref<32768xf32, #tpu.memory_space<vmem>>) dst(%dma_wait3A_1444 : memref<32768xf32, #tpu.memory_space<hbm>>)
    %add3A_1448 = arith.constant 0 : i32
    %add3A_1449 = arith.addi %add3A_1448, %mul3A_2 : i32
    %add3A_1450 = arith.constant 224 : i32
    %add3A_1451 = arith.addi %add3A_1449, %add3A_1450 : i32
    %mul3A_1452 = arith.constant 1024 : i32
    %mul3A_1453 = arith.muli %add3A_1451, %mul3A_1452 : i32
    %dma_start3A_1454 = arith.constant 0 : i32
    %dma_start3A_1455 = arith.constant 0 : i32
    %dma_start3A_1456 = tpu.memref_slice %arg6[%dma_start3A_1454, %dma_start3A_1455] : memref<2x32768xf32, #tpu.memory_space<vmem>> -> memref<1x32768xf32, #tpu.memory_space<vmem>>
    %dma_start3A_1457 = tpu.memref_squeeze %dma_start3A_1456 : memref<1x32768xf32, #tpu.memory_space<vmem>> -> memref<32768xf32, #tpu.memory_space<vmem>>
    %dma_start3A_1458 = tpu.memref_slice %arg2[%mul3A_1453] : memref<33554432xf32, #tpu.memory_space<hbm>> -> memref<32768xf32, #tpu.memory_space<hbm>>
    %dma_start3A_1459 = arith.constant 0 : i32
    %dma_start3A_1460 = tpu.memref_slice %arg6[%dma_start3A_1454, %dma_start3A_1459] : memref<2x32768xf32, #tpu.memory_space<vmem>> -> memref<1x32768xf32, #tpu.memory_space<vmem>>
    %dma_start3A_1461 = tpu.memref_squeeze %dma_start3A_1460 : memref<1x32768xf32, #tpu.memory_space<vmem>> -> memref<32768xf32, #tpu.memory_space<vmem>>
    %dma_start3A_1462 = tpu.memref_slice %arg2[%mul3A_1453] : memref<33554432xf32, #tpu.memory_space<hbm>> -> memref<32768xf32, #tpu.memory_space<hbm>>
    tpu.enqueue_dma source(%dma_start3A_1462 : memref<32768xf32, #tpu.memory_space<hbm>>) target(%dma_start3A_1461 : memref<32768xf32, #tpu.memory_space<vmem>>) target_semaphore(%arg8 : memref<!tpu.dma_semaphore, #tpu.memory_space<semaphore_mem>>)
    %dma_wait3A_1463 = arith.constant 1 : i32
    %dma_wait3A_1464 = arith.constant 0 : i32
    %dma_wait3A_1465 = tpu.memref_slice %arg6[%dma_wait3A_1463, %dma_wait3A_1464] : memref<2x32768xf32, #tpu.memory_space<vmem>> -> memref<1x32768xf32, #tpu.memory_space<vmem>>
    %dma_wait3A_1466 = tpu.memref_squeeze %dma_wait3A_1465 : memref<1x32768xf32, #tpu.memory_space<vmem>> -> memref<32768xf32, #tpu.memory_space<vmem>>
    %dma_wait3A_1467 = tpu.memref_slice %arg2[%mul3A_1402] : memref<33554432xf32, #tpu.memory_space<hbm>> -> memref<32768xf32, #tpu.memory_space<hbm>>
    %dma_wait3A_1468 = arith.constant 0 : i32
    %dma_wait3A_1469 = tpu.memref_slice %arg6[%dma_wait3A_1463, %dma_wait3A_1468] : memref<2x32768xf32, #tpu.memory_space<vmem>> -> memref<1x32768xf32, #tpu.memory_space<vmem>>
    %dma_wait3A_1470 = tpu.memref_squeeze %dma_wait3A_1469 : memref<1x32768xf32, #tpu.memory_space<vmem>> -> memref<32768xf32, #tpu.memory_space<vmem>>
    %dma_wait3A_1471 = tpu.memref_slice %arg2[%mul3A_1402] : memref<33554432xf32, #tpu.memory_space<hbm>> -> memref<32768xf32, #tpu.memory_space<hbm>>
    tpu.wait_dma2 semaphore(%arg9 : memref<!tpu.dma_semaphore, #tpu.memory_space<semaphore_mem>>) src(%dma_wait3A_1471 : memref<32768xf32, #tpu.memory_space<hbm>>) dst(%dma_wait3A_1470 : memref<32768xf32, #tpu.memory_space<vmem>>)
    %parallel_loop3A_1472 = arith.constant 0 : i32
    %parallel_loop3A_1473 = arith.constant 32768 : i32
    %parallel_loop3A_1474 = arith.constant 16 : i32
    scf.for %parallel_loop3A_1696 = %parallel_loop3A_1472 to %parallel_loop3A_1473 step %parallel_loop3A_1474  : i32 {
      %parallel_loop3A_1697 = arith.index_cast %parallel_loop3A_1696 : i32 to index
      %parallel_loop3A_1698 = tpu.vector_load %arg5[%parallel_loop3A_1697] {strides = array<i32>} : memref<32768xf32, #tpu.memory_space<vmem>>, vector<16xf32>,
      %parallel_loop3A_1699 = vector.shape_cast %parallel_loop3A_1698 : vector<16xf32> to vector<16xf32>
      %parallel_loop3A_1700 = arith.constant 1 : i32
      %parallel_loop3A_1701 = arith.index_cast %parallel_loop3A_1700 : i32 to index
      %parallel_loop3A_1702 = arith.index_cast %parallel_loop3A_1696 : i32 to index
      %parallel_loop3A_1703 = tpu.vector_load %arg6[%parallel_loop3A_1701, %parallel_loop3A_1702] {strides = array<i32>} : memref<2x32768xf32, #tpu.memory_space<vmem>>, vector<1x16xf32>,
      %parallel_loop3A_1704 = vector.shape_cast %parallel_loop3A_1703 : vector<1x16xf32> to vector<16xf32>
      %parallel_loop3A_1705 = vector.shape_cast %parallel_loop3A_1699 : vector<16xf32> to vector<1x16xf32>
      tpu.vector_store %arg6[%parallel_loop3A_1701, %parallel_loop3A_1702], %parallel_loop3A_1705 {add = true, strides = array<i32>} : memref<2x32768xf32, #tpu.memory_space<vmem>>, vector<1x16xf32>,
    } {sc.loop_unroll_factor = 8 : i64, sc.parallel_access}
    %add3A_1475 = arith.constant 24576 : i32
    %add3A_1476 = arith.addi %add3A_1475, %mul3A_2 : i32
    %add3A_1477 = arith.constant 192 : i32
    %add3A_1478 = arith.addi %add3A_1476, %add3A_1477 : i32
    %mul3A_1479 = arith.constant 1024 : i32
    %mul3A_1480 = arith.muli %add3A_1478, %mul3A_1479 : i32
    %dma_start3A_1481 = arith.constant 1 : i32
    %dma_start3A_1482 = arith.constant 0 : i32
    %dma_start3A_1483 = tpu.memref_slice %arg6[%dma_start3A_1481, %dma_start3A_1482] : memref<2x32768xf32, #tpu.memory_space<vmem>> -> memref<1x32768xf32, #tpu.memory_space<vmem>>
    %dma_start3A_1484 = tpu.memref_squeeze %dma_start3A_1483 : memref<1x32768xf32, #tpu.memory_space<vmem>> -> memref<32768xf32, #tpu.memory_space<vmem>>
    %dma_start3A_1485 = tpu.memref_slice %arg4[%mul3A_1480] : memref<33554432xf32, #tpu.memory_space<hbm>> -> memref<32768xf32, #tpu.memory_space<hbm>>
    %dma_start3A_1486 = tpu.memref_slice %arg4[%mul3A_1480] : memref<33554432xf32, #tpu.memory_space<hbm>> -> memref<32768xf32, #tpu.memory_space<hbm>>
    %dma_start3A_1487 = arith.constant 0 : i32
    %dma_start3A_1488 = tpu.memref_slice %arg6[%dma_start3A_1481, %dma_start3A_1487] : memref<2x32768xf32, #tpu.memory_space<vmem>> -> memref<1x32768xf32, #tpu.memory_space<vmem>>
    %dma_start3A_1489 = tpu.memref_squeeze %dma_start3A_1488 : memref<1x32768xf32, #tpu.memory_space<vmem>> -> memref<32768xf32, #tpu.memory_space<vmem>>
    tpu.enqueue_dma source(%dma_start3A_1489 : memref<32768xf32, #tpu.memory_space<vmem>>) target(%dma_start3A_1486 : memref<32768xf32, #tpu.memory_space<hbm>>) target_semaphore(%arg11 : memref<!tpu.dma_semaphore, #tpu.memory_space<semaphore_mem>>)
    %add3A_1490 = arith.constant 224 : i32
    %add3A_1491 = arith.addi %mul3A_2, %add3A_1490 : i32
    %mul3A_1492 = arith.constant 1024 : i32
    %mul3A_1493 = arith.muli %add3A_1491, %mul3A_1492 : i32
    %dma_start3A_1494 = tpu.memref_slice %arg3[%mul3A_1493] : memref<8388608xf32, #tpu.memory_space<hbm>> -> memref<32768xf32, #tpu.memory_space<hbm>>
    %dma_start3A_1495 = tpu.memref_slice %arg3[%mul3A_1493] : memref<8388608xf32, #tpu.memory_space<hbm>> -> memref<32768xf32, #tpu.memory_space<hbm>>
    tpu.enqueue_dma source(%dma_start3A_1495 : memref<32768xf32, #tpu.memory_space<hbm>>) target(%arg5 : memref<32768xf32, #tpu.memory_space<vmem>>) target_semaphore(%arg7 : memref<!tpu.dma_semaphore, #tpu.memory_space<semaphore_mem>>)
    %dma_wait3A_1496 = arith.constant 1 : i32
    %dma_wait3A_1497 = arith.constant 0 : i32
    %dma_wait3A_1498 = tpu.memref_slice %arg6[%dma_wait3A_1496, %dma_wait3A_1497] : memref<2x32768xf32, #tpu.memory_space<vmem>> -> memref<1x32768xf32, #tpu.memory_space<vmem>>
    %dma_wait3A_1499 = tpu.memref_squeeze %dma_wait3A_1498 : memref<1x32768xf32, #tpu.memory_space<vmem>> -> memref<32768xf32, #tpu.memory_space<vmem>>
    %dma_wait3A_1500 = tpu.memref_slice %arg4[%mul3A_1480] : memref<33554432xf32, #tpu.memory_space<hbm>> -> memref<32768xf32, #tpu.memory_space<hbm>>
    %dma_wait3A_1501 = tpu.memref_slice %arg4[%mul3A_1480] : memref<33554432xf32, #tpu.memory_space<hbm>> -> memref<32768xf32, #tpu.memory_space<hbm>>
    %dma_wait3A_1502 = arith.constant 0 : i32
    %dma_wait3A_1503 = tpu.memref_slice %arg6[%dma_wait3A_1496, %dma_wait3A_1502] : memref<2x32768xf32, #tpu.memory_space<vmem>> -> memref<1x32768xf32, #tpu.memory_space<vmem>>
    %dma_wait3A_1504 = tpu.memref_squeeze %dma_wait3A_1503 : memref<1x32768xf32, #tpu.memory_space<vmem>> -> memref<32768xf32, #tpu.memory_space<vmem>>
    tpu.wait_dma2 semaphore(%arg11 : memref<!tpu.dma_semaphore, #tpu.memory_space<semaphore_mem>>) src(%dma_wait3A_1504 : memref<32768xf32, #tpu.memory_space<vmem>>) dst(%dma_wait3A_1501 : memref<32768xf32, #tpu.memory_space<hbm>>)
    %add3A_1505 = arith.constant 8192 : i32
    %add3A_1506 = arith.addi %add3A_1505, %mul3A_2 : i32
    %add3A_1507 = arith.constant 224 : i32
    %add3A_1508 = arith.addi %add3A_1506, %add3A_1507 : i32
    %mul3A_1509 = arith.constant 1024 : i32
    %mul3A_1510 = arith.muli %add3A_1508, %mul3A_1509 : i32
    %dma_start3A_1511 = arith.constant 1 : i32
    %dma_start3A_1512 = arith.constant 0 : i32
    %dma_start3A_1513 = tpu.memref_slice %arg6[%dma_start3A_1511, %dma_start3A_1512] : memref<2x32768xf32, #tpu.memory_space<vmem>> -> memref<1x32768xf32, #tpu.memory_space<vmem>>
    %dma_start3A_1514 = tpu.memref_squeeze %dma_start3A_1513 : memref<1x32768xf32, #tpu.memory_space<vmem>> -> memref<32768xf32, #tpu.memory_space<vmem>>
    %dma_start3A_1515 = tpu.memref_slice %arg2[%mul3A_1510] : memref<33554432xf32, #tpu.memory_space<hbm>> -> memref<32768xf32, #tpu.memory_space<hbm>>
    %dma_start3A_1516 = arith.constant 0 : i32
    %dma_start3A_1517 = tpu.memref_slice %arg6[%dma_start3A_1511, %dma_start3A_1516] : memref<2x32768xf32, #tpu.memory_space<vmem>> -> memref<1x32768xf32, #tpu.memory_space<vmem>>
    %dma_start3A_1518 = tpu.memref_squeeze %dma_start3A_1517 : memref<1x32768xf32, #tpu.memory_space<vmem>> -> memref<32768xf32, #tpu.memory_space<vmem>>
    %dma_start3A_1519 = tpu.memref_slice %arg2[%mul3A_1510] : memref<33554432xf32, #tpu.memory_space<hbm>> -> memref<32768xf32, #tpu.memory_space<hbm>>
    tpu.enqueue_dma source(%dma_start3A_1519 : memref<32768xf32, #tpu.memory_space<hbm>>) target(%dma_start3A_1518 : memref<32768xf32, #tpu.memory_space<vmem>>) target_semaphore(%arg9 : memref<!tpu.dma_semaphore, #tpu.memory_space<semaphore_mem>>)
    %dma_wait3A_1520 = tpu.memref_slice %arg3[%mul3A_1493] : memref<8388608xf32, #tpu.memory_space<hbm>> -> memref<32768xf32, #tpu.memory_space<hbm>>
    %dma_wait3A_1521 = tpu.memref_slice %arg3[%mul3A_1493] : memref<8388608xf32, #tpu.memory_space<hbm>> -> memref<32768xf32, #tpu.memory_space<hbm>>
    tpu.wait_dma2 semaphore(%arg7 : memref<!tpu.dma_semaphore, #tpu.memory_space<semaphore_mem>>) src(%dma_wait3A_1521 : memref<32768xf32, #tpu.memory_space<hbm>>) dst(%arg5 : memref<32768xf32, #tpu.memory_space<vmem>>)
    %dma_wait3A_1522 = arith.constant 0 : i32
    %dma_wait3A_1523 = arith.constant 0 : i32
    %dma_wait3A_1524 = tpu.memref_slice %arg6[%dma_wait3A_1522, %dma_wait3A_1523] : memref<2x32768xf32, #tpu.memory_space<vmem>> -> memref<1x32768xf32, #tpu.memory_space<vmem>>
    %dma_wait3A_1525 = tpu.memref_squeeze %dma_wait3A_1524 : memref<1x32768xf32, #tpu.memory_space<vmem>> -> memref<32768xf32, #tpu.memory_space<vmem>>
    %dma_wait3A_1526 = tpu.memref_slice %arg2[%mul3A_1453] : memref<33554432xf32, #tpu.memory_space<hbm>> -> memref<32768xf32, #tpu.memory_space<hbm>>
    %dma_wait3A_1527 = arith.constant 0 : i32
    %dma_wait3A_1528 = tpu.memref_slice %arg6[%dma_wait3A_1522, %dma_wait3A_1527] : memref<2x32768xf32, #tpu.memory_space<vmem>> -> memref<1x32768xf32, #tpu.memory_space<vmem>>
    %dma_wait3A_1529 = tpu.memref_squeeze %dma_wait3A_1528 : memref<1x32768xf32, #tpu.memory_space<vmem>> -> memref<32768xf32, #tpu.memory_space<vmem>>
    %dma_wait3A_1530 = tpu.memref_slice %arg2[%mul3A_1453] : memref<33554432xf32, #tpu.memory_space<hbm>> -> memref<32768xf32, #tpu.memory_space<hbm>>
    tpu.wait_dma2 semaphore(%arg8 : memref<!tpu.dma_semaphore, #tpu.memory_space<semaphore_mem>>) src(%dma_wait3A_1530 : memref<32768xf32, #tpu.memory_space<hbm>>) dst(%dma_wait3A_1529 : memref<32768xf32, #tpu.memory_space<vmem>>)
    %parallel_loop3A_1531 = arith.constant 0 : i32
    %parallel_loop3A_1532 = arith.constant 32768 : i32
    %parallel_loop3A_1533 = arith.constant 16 : i32
    scf.for %parallel_loop3A_1696 = %parallel_loop3A_1531 to %parallel_loop3A_1532 step %parallel_loop3A_1533  : i32 {
      %parallel_loop3A_1697 = arith.index_cast %parallel_loop3A_1696 : i32 to index
      %parallel_loop3A_1698 = tpu.vector_load %arg5[%parallel_loop3A_1697] {strides = array<i32>} : memref<32768xf32, #tpu.memory_space<vmem>>, vector<16xf32>,
      %parallel_loop3A_1699 = vector.shape_cast %parallel_loop3A_1698 : vector<16xf32> to vector<16xf32>
      %parallel_loop3A_1700 = arith.constant 0 : i32
      %parallel_loop3A_1701 = arith.index_cast %parallel_loop3A_1700 : i32 to index
      %parallel_loop3A_1702 = arith.index_cast %parallel_loop3A_1696 : i32 to index
      %parallel_loop3A_1703 = tpu.vector_load %arg6[%parallel_loop3A_1701, %parallel_loop3A_1702] {strides = array<i32>} : memref<2x32768xf32, #tpu.memory_space<vmem>>, vector<1x16xf32>,
      %parallel_loop3A_1704 = vector.shape_cast %parallel_loop3A_1703 : vector<1x16xf32> to vector<16xf32>
      %parallel_loop3A_1705 = vector.shape_cast %parallel_loop3A_1699 : vector<16xf32> to vector<1x16xf32>
      tpu.vector_store %arg6[%parallel_loop3A_1701, %parallel_loop3A_1702], %parallel_loop3A_1705 {add = true, strides = array<i32>} : memref<2x32768xf32, #tpu.memory_space<vmem>>, vector<1x16xf32>,
    } {sc.loop_unroll_factor = 8 : i64, sc.parallel_access}
    %add3A_1534 = arith.constant 0 : i32
    %add3A_1535 = arith.addi %add3A_1534, %mul3A_2 : i32
    %add3A_1536 = arith.constant 224 : i32
    %add3A_1537 = arith.addi %add3A_1535, %add3A_1536 : i32
    %mul3A_1538 = arith.constant 1024 : i32
    %mul3A_1539 = arith.muli %add3A_1537, %mul3A_1538 : i32
    %dma_start3A_1540 = arith.constant 0 : i32
    %dma_start3A_1541 = arith.constant 0 : i32
    %dma_start3A_1542 = tpu.memref_slice %arg6[%dma_start3A_1540, %dma_start3A_1541] : memref<2x32768xf32, #tpu.memory_space<vmem>> -> memref<1x32768xf32, #tpu.memory_space<vmem>>
    %dma_start3A_1543 = tpu.memref_squeeze %dma_start3A_1542 : memref<1x32768xf32, #tpu.memory_space<vmem>> -> memref<32768xf32, #tpu.memory_space<vmem>>
    %dma_start3A_1544 = tpu.memref_slice %arg4[%mul3A_1539] : memref<33554432xf32, #tpu.memory_space<hbm>> -> memref<32768xf32, #tpu.memory_space<hbm>>
    %dma_start3A_1545 = tpu.memref_slice %arg4[%mul3A_1539] : memref<33554432xf32, #tpu.memory_space<hbm>> -> memref<32768xf32, #tpu.memory_space<hbm>>
    %dma_start3A_1546 = arith.constant 0 : i32
    %dma_start3A_1547 = tpu.memref_slice %arg6[%dma_start3A_1540, %dma_start3A_1546] : memref<2x32768xf32, #tpu.memory_space<vmem>> -> memref<1x32768xf32, #tpu.memory_space<vmem>>
    %dma_start3A_1548 = tpu.memref_squeeze %dma_start3A_1547 : memref<1x32768xf32, #tpu.memory_space<vmem>> -> memref<32768xf32, #tpu.memory_space<vmem>>
    tpu.enqueue_dma source(%dma_start3A_1548 : memref<32768xf32, #tpu.memory_space<vmem>>) target(%dma_start3A_1545 : memref<32768xf32, #tpu.memory_space<hbm>>) target_semaphore(%arg10 : memref<!tpu.dma_semaphore, #tpu.memory_space<semaphore_mem>>)
    %dma_wait3A_1549 = arith.constant 0 : i32
    %dma_wait3A_1550 = arith.constant 0 : i32
    %dma_wait3A_1551 = tpu.memref_slice %arg6[%dma_wait3A_1549, %dma_wait3A_1550] : memref<2x32768xf32, #tpu.memory_space<vmem>> -> memref<1x32768xf32, #tpu.memory_space<vmem>>
    %dma_wait3A_1552 = tpu.memref_squeeze %dma_wait3A_1551 : memref<1x32768xf32, #tpu.memory_space<vmem>> -> memref<32768xf32, #tpu.memory_space<vmem>>
    %dma_wait3A_1553 = tpu.memref_slice %arg4[%mul3A_1539] : memref<33554432xf32, #tpu.memory_space<hbm>> -> memref<32768xf32, #tpu.memory_space<hbm>>
    %dma_wait3A_1554 = tpu.memref_slice %arg4[%mul3A_1539] : memref<33554432xf32, #tpu.memory_space<hbm>> -> memref<32768xf32, #tpu.memory_space<hbm>>
    %dma_wait3A_1555 = arith.constant 0 : i32
    %dma_wait3A_1556 = tpu.memref_slice %arg6[%dma_wait3A_1549, %dma_wait3A_1555] : memref<2x32768xf32, #tpu.memory_space<vmem>> -> memref<1x32768xf32, #tpu.memory_space<vmem>>
    %dma_wait3A_1557 = tpu.memref_squeeze %dma_wait3A_1556 : memref<1x32768xf32, #tpu.memory_space<vmem>> -> memref<32768xf32, #tpu.memory_space<vmem>>
    tpu.wait_dma2 semaphore(%arg10 : memref<!tpu.dma_semaphore, #tpu.memory_space<semaphore_mem>>) src(%dma_wait3A_1557 : memref<32768xf32, #tpu.memory_space<vmem>>) dst(%dma_wait3A_1554 : memref<32768xf32, #tpu.memory_space<hbm>>)
    %add3A_1558 = arith.constant 16384 : i32
    %add3A_1559 = arith.addi %add3A_1558, %mul3A_2 : i32
    %add3A_1560 = arith.constant 224 : i32
    %add3A_1561 = arith.addi %add3A_1559, %add3A_1560 : i32
    %mul3A_1562 = arith.constant 1024 : i32
    %mul3A_1563 = arith.muli %add3A_1561, %mul3A_1562 : i32
    %dma_start3A_1564 = arith.constant 0 : i32
    %dma_start3A_1565 = arith.constant 0 : i32
    %dma_start3A_1566 = tpu.memref_slice %arg6[%dma_start3A_1564, %dma_start3A_1565] : memref<2x32768xf32, #tpu.memory_space<vmem>> -> memref<1x32768xf32, #tpu.memory_space<vmem>>
    %dma_start3A_1567 = tpu.memref_squeeze %dma_start3A_1566 : memref<1x32768xf32, #tpu.memory_space<vmem>> -> memref<32768xf32, #tpu.memory_space<vmem>>
    %dma_start3A_1568 = tpu.memref_slice %arg2[%mul3A_1563] : memref<33554432xf32, #tpu.memory_space<hbm>> -> memref<32768xf32, #tpu.memory_space<hbm>>
    %dma_start3A_1569 = arith.constant 0 : i32
    %dma_start3A_1570 = tpu.memref_slice %arg6[%dma_start3A_1564, %dma_start3A_1569] : memref<2x32768xf32, #tpu.memory_space<vmem>> -> memref<1x32768xf32, #tpu.memory_space<vmem>>
    %dma_start3A_1571 = tpu.memref_squeeze %dma_start3A_1570 : memref<1x32768xf32, #tpu.memory_space<vmem>> -> memref<32768xf32, #tpu.memory_space<vmem>>
    %dma_start3A_1572 = tpu.memref_slice %arg2[%mul3A_1563] : memref<33554432xf32, #tpu.memory_space<hbm>> -> memref<32768xf32, #tpu.memory_space<hbm>>
    tpu.enqueue_dma source(%dma_start3A_1572 : memref<32768xf32, #tpu.memory_space<hbm>>) target(%dma_start3A_1571 : memref<32768xf32, #tpu.memory_space<vmem>>) target_semaphore(%arg8 : memref<!tpu.dma_semaphore, #tpu.memory_space<semaphore_mem>>)
    %dma_wait3A_1573 = arith.constant 1 : i32
    %dma_wait3A_1574 = arith.constant 0 : i32
    %dma_wait3A_1575 = tpu.memref_slice %arg6[%dma_wait3A_1573, %dma_wait3A_1574] : memref<2x32768xf32, #tpu.memory_space<vmem>> -> memref<1x32768xf32, #tpu.memory_space<vmem>>
    %dma_wait3A_1576 = tpu.memref_squeeze %dma_wait3A_1575 : memref<1x32768xf32, #tpu.memory_space<vmem>> -> memref<32768xf32, #tpu.memory_space<vmem>>
    %dma_wait3A_1577 = tpu.memref_slice %arg2[%mul3A_1510] : memref<33554432xf32, #tpu.memory_space<hbm>> -> memref<32768xf32, #tpu.memory_space<hbm>>
    %dma_wait3A_1578 = arith.constant 0 : i32
    %dma_wait3A_1579 = tpu.memref_slice %arg6[%dma_wait3A_1573, %dma_wait3A_1578] : memref<2x32768xf32, #tpu.memory_space<vmem>> -> memref<1x32768xf32, #tpu.memory_space<vmem>>
    %dma_wait3A_1580 = tpu.memref_squeeze %dma_wait3A_1579 : memref<1x32768xf32, #tpu.memory_space<vmem>> -> memref<32768xf32, #tpu.memory_space<vmem>>
    %dma_wait3A_1581 = tpu.memref_slice %arg2[%mul3A_1510] : memref<33554432xf32, #tpu.memory_space<hbm>> -> memref<32768xf32, #tpu.memory_space<hbm>>
    tpu.wait_dma2 semaphore(%arg9 : memref<!tpu.dma_semaphore, #tpu.memory_space<semaphore_mem>>) src(%dma_wait3A_1581 : memref<32768xf32, #tpu.memory_space<hbm>>) dst(%dma_wait3A_1580 : memref<32768xf32, #tpu.memory_space<vmem>>)
    %parallel_loop3A_1582 = arith.constant 0 : i32
    %parallel_loop3A_1583 = arith.constant 32768 : i32
    %parallel_loop3A_1584 = arith.constant 16 : i32
    scf.for %parallel_loop3A_1696 = %parallel_loop3A_1582 to %parallel_loop3A_1583 step %parallel_loop3A_1584  : i32 {
      %parallel_loop3A_1697 = arith.index_cast %parallel_loop3A_1696 : i32 to index
      %parallel_loop3A_1698 = tpu.vector_load %arg5[%parallel_loop3A_1697] {strides = array<i32>} : memref<32768xf32, #tpu.memory_space<vmem>>, vector<16xf32>,
      %parallel_loop3A_1699 = vector.shape_cast %parallel_loop3A_1698 : vector<16xf32> to vector<16xf32>
      %parallel_loop3A_1700 = arith.constant 1 : i32
      %parallel_loop3A_1701 = arith.index_cast %parallel_loop3A_1700 : i32 to index
      %parallel_loop3A_1702 = arith.index_cast %parallel_loop3A_1696 : i32 to index
      %parallel_loop3A_1703 = tpu.vector_load %arg6[%parallel_loop3A_1701, %parallel_loop3A_1702] {strides = array<i32>} : memref<2x32768xf32, #tpu.memory_space<vmem>>, vector<1x16xf32>,
      %parallel_loop3A_1704 = vector.shape_cast %parallel_loop3A_1703 : vector<1x16xf32> to vector<16xf32>
      %parallel_loop3A_1705 = vector.shape_cast %parallel_loop3A_1699 : vector<16xf32> to vector<1x16xf32>
      tpu.vector_store %arg6[%parallel_loop3A_1701, %parallel_loop3A_1702], %parallel_loop3A_1705 {add = true, strides = array<i32>} : memref<2x32768xf32, #tpu.memory_space<vmem>>, vector<1x16xf32>,
    } {sc.loop_unroll_factor = 8 : i64, sc.parallel_access}
    %add3A_1585 = arith.constant 8192 : i32
    %add3A_1586 = arith.addi %add3A_1585, %mul3A_2 : i32
    %add3A_1587 = arith.constant 224 : i32
    %add3A_1588 = arith.addi %add3A_1586, %add3A_1587 : i32
    %mul3A_1589 = arith.constant 1024 : i32
    %mul3A_1590 = arith.muli %add3A_1588, %mul3A_1589 : i32
    %dma_start3A_1591 = arith.constant 1 : i32
    %dma_start3A_1592 = arith.constant 0 : i32
    %dma_start3A_1593 = tpu.memref_slice %arg6[%dma_start3A_1591, %dma_start3A_1592] : memref<2x32768xf32, #tpu.memory_space<vmem>> -> memref<1x32768xf32, #tpu.memory_space<vmem>>
    %dma_start3A_1594 = tpu.memref_squeeze %dma_start3A_1593 : memref<1x32768xf32, #tpu.memory_space<vmem>> -> memref<32768xf32, #tpu.memory_space<vmem>>
    %dma_start3A_1595 = tpu.memref_slice %arg4[%mul3A_1590] : memref<33554432xf32, #tpu.memory_space<hbm>> -> memref<32768xf32, #tpu.memory_space<hbm>>
    %dma_start3A_1596 = tpu.memref_slice %arg4[%mul3A_1590] : memref<33554432xf32, #tpu.memory_space<hbm>> -> memref<32768xf32, #tpu.memory_space<hbm>>
    %dma_start3A_1597 = arith.constant 0 : i32
    %dma_start3A_1598 = tpu.memref_slice %arg6[%dma_start3A_1591, %dma_start3A_1597] : memref<2x32768xf32, #tpu.memory_space<vmem>> -> memref<1x32768xf32, #tpu.memory_space<vmem>>
    %dma_start3A_1599 = tpu.memref_squeeze %dma_start3A_1598 : memref<1x32768xf32, #tpu.memory_space<vmem>> -> memref<32768xf32, #tpu.memory_space<vmem>>
    tpu.enqueue_dma source(%dma_start3A_1599 : memref<32768xf32, #tpu.memory_space<vmem>>) target(%dma_start3A_1596 : memref<32768xf32, #tpu.memory_space<hbm>>) target_semaphore(%arg11 : memref<!tpu.dma_semaphore, #tpu.memory_space<semaphore_mem>>)
    %dma_wait3A_1600 = arith.constant 1 : i32
    %dma_wait3A_1601 = arith.constant 0 : i32
    %dma_wait3A_1602 = tpu.memref_slice %arg6[%dma_wait3A_1600, %dma_wait3A_1601] : memref<2x32768xf32, #tpu.memory_space<vmem>> -> memref<1x32768xf32, #tpu.memory_space<vmem>>
    %dma_wait3A_1603 = tpu.memref_squeeze %dma_wait3A_1602 : memref<1x32768xf32, #tpu.memory_space<vmem>> -> memref<32768xf32, #tpu.memory_space<vmem>>
    %dma_wait3A_1604 = tpu.memref_slice %arg4[%mul3A_1590] : memref<33554432xf32, #tpu.memory_space<hbm>> -> memref<32768xf32, #tpu.memory_space<hbm>>
    %dma_wait3A_1605 = tpu.memref_slice %arg4[%mul3A_1590] : memref<33554432xf32, #tpu.memory_space<hbm>> -> memref<32768xf32, #tpu.memory_space<hbm>>
    %dma_wait3A_1606 = arith.constant 0 : i32
    %dma_wait3A_1607 = tpu.memref_slice %arg6[%dma_wait3A_1600, %dma_wait3A_1606] : memref<2x32768xf32, #tpu.memory_space<vmem>> -> memref<1x32768xf32, #tpu.memory_space<vmem>>
    %dma_wait3A_1608 = tpu.memref_squeeze %dma_wait3A_1607 : memref<1x32768xf32, #tpu.memory_space<vmem>> -> memref<32768xf32, #tpu.memory_space<vmem>>
    tpu.wait_dma2 semaphore(%arg11 : memref<!tpu.dma_semaphore, #tpu.memory_space<semaphore_mem>>) src(%dma_wait3A_1608 : memref<32768xf32, #tpu.memory_space<vmem>>) dst(%dma_wait3A_1605 : memref<32768xf32, #tpu.memory_space<hbm>>)
    %add3A_1609 = arith.constant 24576 : i32
    %add3A_1610 = arith.addi %add3A_1609, %mul3A_2 : i32
    %add3A_1611 = arith.constant 224 : i32
    %add3A_1612 = arith.addi %add3A_1610, %add3A_1611 : i32
    %mul3A_1613 = arith.constant 1024 : i32
    %mul3A_1614 = arith.muli %add3A_1612, %mul3A_1613 : i32
    %dma_start3A_1615 = arith.constant 1 : i32
    %dma_start3A_1616 = arith.constant 0 : i32
    %dma_start3A_1617 = tpu.memref_slice %arg6[%dma_start3A_1615, %dma_start3A_1616] : memref<2x32768xf32, #tpu.memory_space<vmem>> -> memref<1x32768xf32, #tpu.memory_space<vmem>>
    %dma_start3A_1618 = tpu.memref_squeeze %dma_start3A_1617 : memref<1x32768xf32, #tpu.memory_space<vmem>> -> memref<32768xf32, #tpu.memory_space<vmem>>
    %dma_start3A_1619 = tpu.memref_slice %arg2[%mul3A_1614] : memref<33554432xf32, #tpu.memory_space<hbm>> -> memref<32768xf32, #tpu.memory_space<hbm>>
    %dma_start3A_1620 = arith.constant 0 : i32
    %dma_start3A_1621 = tpu.memref_slice %arg6[%dma_start3A_1615, %dma_start3A_1620] : memref<2x32768xf32, #tpu.memory_space<vmem>> -> memref<1x32768xf32, #tpu.memory_space<vmem>>
    %dma_start3A_1622 = tpu.memref_squeeze %dma_start3A_1621 : memref<1x32768xf32, #tpu.memory_space<vmem>> -> memref<32768xf32, #tpu.memory_space<vmem>>
    %dma_start3A_1623 = tpu.memref_slice %arg2[%mul3A_1614] : memref<33554432xf32, #tpu.memory_space<hbm>> -> memref<32768xf32, #tpu.memory_space<hbm>>
    tpu.enqueue_dma source(%dma_start3A_1623 : memref<32768xf32, #tpu.memory_space<hbm>>) target(%dma_start3A_1622 : memref<32768xf32, #tpu.memory_space<vmem>>) target_semaphore(%arg9 : memref<!tpu.dma_semaphore, #tpu.memory_space<semaphore_mem>>)
    %dma_wait3A_1624 = arith.constant 0 : i32
    %dma_wait3A_1625 = arith.constant 0 : i32
    %dma_wait3A_1626 = tpu.memref_slice %arg6[%dma_wait3A_1624, %dma_wait3A_1625] : memref<2x32768xf32, #tpu.memory_space<vmem>> -> memref<1x32768xf32, #tpu.memory_space<vmem>>
    %dma_wait3A_1627 = tpu.memref_squeeze %dma_wait3A_1626 : memref<1x32768xf32, #tpu.memory_space<vmem>> -> memref<32768xf32, #tpu.memory_space<vmem>>
    %dma_wait3A_1628 = tpu.memref_slice %arg2[%mul3A_1563] : memref<33554432xf32, #tpu.memory_space<hbm>> -> memref<32768xf32, #tpu.memory_space<hbm>>
    %dma_wait3A_1629 = arith.constant 0 : i32
    %dma_wait3A_1630 = tpu.memref_slice %arg6[%dma_wait3A_1624, %dma_wait3A_1629] : memref<2x32768xf32, #tpu.memory_space<vmem>> -> memref<1x32768xf32, #tpu.memory_space<vmem>>
    %dma_wait3A_1631 = tpu.memref_squeeze %dma_wait3A_1630 : memref<1x32768xf32, #tpu.memory_space<vmem>> -> memref<32768xf32, #tpu.memory_space<vmem>>
    %dma_wait3A_1632 = tpu.memref_slice %arg2[%mul3A_1563] : memref<33554432xf32, #tpu.memory_space<hbm>> -> memref<32768xf32, #tpu.memory_space<hbm>>
    tpu.wait_dma2 semaphore(%arg8 : memref<!tpu.dma_semaphore, #tpu.memory_space<semaphore_mem>>) src(%dma_wait3A_1632 : memref<32768xf32, #tpu.memory_space<hbm>>) dst(%dma_wait3A_1631 : memref<32768xf32, #tpu.memory_space<vmem>>)
    %parallel_loop3A_1633 = arith.constant 0 : i32
    %parallel_loop3A_1634 = arith.constant 32768 : i32
    %parallel_loop3A_1635 = arith.constant 16 : i32
    scf.for %parallel_loop3A_1696 = %parallel_loop3A_1633 to %parallel_loop3A_1634 step %parallel_loop3A_1635  : i32 {
      %parallel_loop3A_1697 = arith.index_cast %parallel_loop3A_1696 : i32 to index
      %parallel_loop3A_1698 = tpu.vector_load %arg5[%parallel_loop3A_1697] {strides = array<i32>} : memref<32768xf32, #tpu.memory_space<vmem>>, vector<16xf32>,
      %parallel_loop3A_1699 = vector.shape_cast %parallel_loop3A_1698 : vector<16xf32> to vector<16xf32>
      %parallel_loop3A_1700 = arith.constant 0 : i32
      %parallel_loop3A_1701 = arith.index_cast %parallel_loop3A_1700 : i32 to index
      %parallel_loop3A_1702 = arith.index_cast %parallel_loop3A_1696 : i32 to index
      %parallel_loop3A_1703 = tpu.vector_load %arg6[%parallel_loop3A_1701, %parallel_loop3A_1702] {strides = array<i32>} : memref<2x32768xf32, #tpu.memory_space<vmem>>, vector<1x16xf32>,
      %parallel_loop3A_1704 = vector.shape_cast %parallel_loop3A_1703 : vector<1x16xf32> to vector<16xf32>
      %parallel_loop3A_1705 = vector.shape_cast %parallel_loop3A_1699 : vector<16xf32> to vector<1x16xf32>
      tpu.vector_store %arg6[%parallel_loop3A_1701, %parallel_loop3A_1702], %parallel_loop3A_1705 {add = true, strides = array<i32>} : memref<2x32768xf32, #tpu.memory_space<vmem>>, vector<1x16xf32>,
    } {sc.loop_unroll_factor = 8 : i64, sc.parallel_access}
    %add3A_1636 = arith.constant 16384 : i32
    %add3A_1637 = arith.addi %add3A_1636, %mul3A_2 : i32
    %add3A_1638 = arith.constant 224 : i32
    %add3A_1639 = arith.addi %add3A_1637, %add3A_1638 : i32
    %mul3A_1640 = arith.constant 1024 : i32
    %mul3A_1641 = arith.muli %add3A_1639, %mul3A_1640 : i32
    %dma_start3A_1642 = arith.constant 0 : i32
    %dma_start3A_1643 = arith.constant 0 : i32
    %dma_start3A_1644 = tpu.memref_slice %arg6[%dma_start3A_1642, %dma_start3A_1643] : memref<2x32768xf32, #tpu.memory_space<vmem>> -> memref<1x32768xf32, #tpu.memory_space<vmem>>
    %dma_start3A_1645 = tpu.memref_squeeze %dma_start3A_1644 : memref<1x32768xf32, #tpu.memory_space<vmem>> -> memref<32768xf32, #tpu.memory_space<vmem>>
    %dma_start3A_1646 = tpu.memref_slice %arg4[%mul3A_1641] : memref<33554432xf32, #tpu.memory_space<hbm>> -> memref<32768xf32, #tpu.memory_space<hbm>>
    %dma_start3A_1647 = tpu.memref_slice %arg4[%mul3A_1641] : memref<33554432xf32, #tpu.memory_space<hbm>> -> memref<32768xf32, #tpu.memory_space<hbm>>
    %dma_start3A_1648 = arith.constant 0 : i32
    %dma_start3A_1649 = tpu.memref_slice %arg6[%dma_start3A_1642, %dma_start3A_1648] : memref<2x32768xf32, #tpu.memory_space<vmem>> -> memref<1x32768xf32, #tpu.memory_space<vmem>>
    %dma_start3A_1650 = tpu.memref_squeeze %dma_start3A_1649 : memref<1x32768xf32, #tpu.memory_space<vmem>> -> memref<32768xf32, #tpu.memory_space<vmem>>
    tpu.enqueue_dma source(%dma_start3A_1650 : memref<32768xf32, #tpu.memory_space<vmem>>) target(%dma_start3A_1647 : memref<32768xf32, #tpu.memory_space<hbm>>) target_semaphore(%arg10 : memref<!tpu.dma_semaphore, #tpu.memory_space<semaphore_mem>>)
    %dma_wait3A_1651 = arith.constant 1 : i32
    %dma_wait3A_1652 = arith.constant 0 : i32
    %dma_wait3A_1653 = tpu.memref_slice %arg6[%dma_wait3A_1651, %dma_wait3A_1652] : memref<2x32768xf32, #tpu.memory_space<vmem>> -> memref<1x32768xf32, #tpu.memory_space<vmem>>
    %dma_wait3A_1654 = tpu.memref_squeeze %dma_wait3A_1653 : memref<1x32768xf32, #tpu.memory_space<vmem>> -> memref<32768xf32, #tpu.memory_space<vmem>>
    %dma_wait3A_1655 = tpu.memref_slice %arg2[%mul3A_1614] : memref<33554432xf32, #tpu.memory_space<hbm>> -> memref<32768xf32, #tpu.memory_space<hbm>>
    %dma_wait3A_1656 = arith.constant 0 : i32
    %dma_wait3A_1657 = tpu.memref_slice %arg6[%dma_wait3A_1651, %dma_wait3A_1656] : memref<2x32768xf32, #tpu.memory_space<vmem>> -> memref<1x32768xf32, #tpu.memory_space<vmem>>
    %dma_wait3A_1658 = tpu.memref_squeeze %dma_wait3A_1657 : memref<1x32768xf32, #tpu.memory_space<vmem>> -> memref<32768xf32, #tpu.memory_space<vmem>>
    %dma_wait3A_1659 = tpu.memref_slice %arg2[%mul3A_1614] : memref<33554432xf32, #tpu.memory_space<hbm>> -> memref<32768xf32, #tpu.memory_space<hbm>>
    tpu.wait_dma2 semaphore(%arg9 : memref<!tpu.dma_semaphore, #tpu.memory_space<semaphore_mem>>) src(%dma_wait3A_1659 : memref<32768xf32, #tpu.memory_space<hbm>>) dst(%dma_wait3A_1658 : memref<32768xf32, #tpu.memory_space<vmem>>)
    %parallel_loop3A_1660 = arith.constant 0 : i32
    %parallel_loop3A_1661 = arith.constant 32768 : i32
    %parallel_loop3A_1662 = arith.constant 16 : i32
    scf.for %parallel_loop3A_1696 = %parallel_loop3A_1660 to %parallel_loop3A_1661 step %parallel_loop3A_1662  : i32 {
      %parallel_loop3A_1697 = arith.index_cast %parallel_loop3A_1696 : i32 to index
      %parallel_loop3A_1698 = tpu.vector_load %arg5[%parallel_loop3A_1697] {strides = array<i32>} : memref<32768xf32, #tpu.memory_space<vmem>>, vector<16xf32>,
      %parallel_loop3A_1699 = vector.shape_cast %parallel_loop3A_1698 : vector<16xf32> to vector<16xf32>
      %parallel_loop3A_1700 = arith.constant 1 : i32
      %parallel_loop3A_1701 = arith.index_cast %parallel_loop3A_1700 : i32 to index
      %parallel_loop3A_1702 = arith.index_cast %parallel_loop3A_1696 : i32 to index
      %parallel_loop3A_1703 = tpu.vector_load %arg6[%parallel_loop3A_1701, %parallel_loop3A_1702] {strides = array<i32>} : memref<2x32768xf32, #tpu.memory_space<vmem>>, vector<1x16xf32>,
      %parallel_loop3A_1704 = vector.shape_cast %parallel_loop3A_1703 : vector<1x16xf32> to vector<16xf32>
      %parallel_loop3A_1705 = vector.shape_cast %parallel_loop3A_1699 : vector<16xf32> to vector<1x16xf32>
      tpu.vector_store %arg6[%parallel_loop3A_1701, %parallel_loop3A_1702], %parallel_loop3A_1705 {add = true, strides = array<i32>} : memref<2x32768xf32, #tpu.memory_space<vmem>>, vector<1x16xf32>,
    } {sc.loop_unroll_factor = 8 : i64, sc.parallel_access}
    %add3A_1663 = arith.constant 24576 : i32
    %add3A_1664 = arith.addi %add3A_1663, %mul3A_2 : i32
    %add3A_1665 = arith.constant 224 : i32
    %add3A_1666 = arith.addi %add3A_1664, %add3A_1665 : i32
    %mul3A_1667 = arith.constant 1024 : i32
    %mul3A_1668 = arith.muli %add3A_1666, %mul3A_1667 : i32
    %dma_start3A_1669 = arith.constant 1 : i32
    %dma_start3A_1670 = arith.constant 0 : i32
    %dma_start3A_1671 = tpu.memref_slice %arg6[%dma_start3A_1669, %dma_start3A_1670] : memref<2x32768xf32, #tpu.memory_space<vmem>> -> memref<1x32768xf32, #tpu.memory_space<vmem>>
    %dma_start3A_1672 = tpu.memref_squeeze %dma_start3A_1671 : memref<1x32768xf32, #tpu.memory_space<vmem>> -> memref<32768xf32, #tpu.memory_space<vmem>>
    %dma_start3A_1673 = tpu.memref_slice %arg4[%mul3A_1668] : memref<33554432xf32, #tpu.memory_space<hbm>> -> memref<32768xf32, #tpu.memory_space<hbm>>
    %dma_start3A_1674 = tpu.memref_slice %arg4[%mul3A_1668] : memref<33554432xf32, #tpu.memory_space<hbm>> -> memref<32768xf32, #tpu.memory_space<hbm>>
    %dma_start3A_1675 = arith.constant 0 : i32
    %dma_start3A_1676 = tpu.memref_slice %arg6[%dma_start3A_1669, %dma_start3A_1675] : memref<2x32768xf32, #tpu.memory_space<vmem>> -> memref<1x32768xf32, #tpu.memory_space<vmem>>
    %dma_start3A_1677 = tpu.memref_squeeze %dma_start3A_1676 : memref<1x32768xf32, #tpu.memory_space<vmem>> -> memref<32768xf32, #tpu.memory_space<vmem>>
    tpu.enqueue_dma source(%dma_start3A_1677 : memref<32768xf32, #tpu.memory_space<vmem>>) target(%dma_start3A_1674 : memref<32768xf32, #tpu.memory_space<hbm>>) target_semaphore(%arg11 : memref<!tpu.dma_semaphore, #tpu.memory_space<semaphore_mem>>)
    %dma_wait3A_1678 = arith.constant 0 : i32
    %dma_wait3A_1679 = arith.constant 0 : i32
    %dma_wait3A_1680 = tpu.memref_slice %arg6[%dma_wait3A_1678, %dma_wait3A_1679] : memref<2x32768xf32, #tpu.memory_space<vmem>> -> memref<1x32768xf32, #tpu.memory_space<vmem>>
    %dma_wait3A_1681 = tpu.memref_squeeze %dma_wait3A_1680 : memref<1x32768xf32, #tpu.memory_space<vmem>> -> memref<32768xf32, #tpu.memory_space<vmem>>
    %dma_wait3A_1682 = tpu.memref_slice %arg4[%mul3A_1641] : memref<33554432xf32, #tpu.memory_space<hbm>> -> memref<32768xf32, #tpu.memory_space<hbm>>
    %dma_wait3A_1683 = tpu.memref_slice %arg4[%mul3A_1641] : memref<33554432xf32, #tpu.memory_space<hbm>> -> memref<32768xf32, #tpu.memory_space<hbm>>
    %dma_wait3A_1684 = arith.constant 0 : i32
    %dma_wait3A_1685 = tpu.memref_slice %arg6[%dma_wait3A_1678, %dma_wait3A_1684] : memref<2x32768xf32, #tpu.memory_space<vmem>> -> memref<1x32768xf32, #tpu.memory_space<vmem>>
    %dma_wait3A_1686 = tpu.memref_squeeze %dma_wait3A_1685 : memref<1x32768xf32, #tpu.memory_space<vmem>> -> memref<32768xf32, #tpu.memory_space<vmem>>
    tpu.wait_dma2 semaphore(%arg10 : memref<!tpu.dma_semaphore, #tpu.memory_space<semaphore_mem>>) src(%dma_wait3A_1686 : memref<32768xf32, #tpu.memory_space<vmem>>) dst(%dma_wait3A_1683 : memref<32768xf32, #tpu.memory_space<hbm>>)
    %dma_wait3A_1687 = arith.constant 1 : i32
    %dma_wait3A_1688 = arith.constant 0 : i32
    %dma_wait3A_1689 = tpu.memref_slice %arg6[%dma_wait3A_1687, %dma_wait3A_1688] : memref<2x32768xf32, #tpu.memory_space<vmem>> -> memref<1x32768xf32, #tpu.memory_space<vmem>>
    %dma_wait3A_1690 = tpu.memref_squeeze %dma_wait3A_1689 : memref<1x32768xf32, #tpu.memory_space<vmem>> -> memref<32768xf32, #tpu.memory_space<vmem>>
    %dma_wait3A_1691 = tpu.memref_slice %arg4[%mul3A_1668] : memref<33554432xf32, #tpu.memory_space<hbm>> -> memref<32768xf32, #tpu.memory_space<hbm>>
    %dma_wait3A_1692 = tpu.memref_slice %arg4[%mul3A_1668] : memref<33554432xf32, #tpu.memory_space<hbm>> -> memref<32768xf32, #tpu.memory_space<hbm>>
    %dma_wait3A_1693 = arith.constant 0 : i32
    %dma_wait3A_1694 = tpu.memref_slice %arg6[%dma_wait3A_1687, %dma_wait3A_1693] : memref<2x32768xf32, #tpu.memory_space<vmem>> -> memref<1x32768xf32, #tpu.memory_space<vmem>>
    %dma_wait3A_1695 = tpu.memref_squeeze %dma_wait3A_1694 : memref<1x32768xf32, #tpu.memory_space<vmem>> -> memref<32768xf32, #tpu.memory_space<vmem>>
    tpu.wait_dma2 semaphore(%arg11 : memref<!tpu.dma_semaphore, #tpu.memory_space<semaphore_mem>>) src(%dma_wait3A_1695 : memref<32768xf32, #tpu.memory_space<vmem>>) dst(%dma_wait3A_1692 : memref<32768xf32, #tpu.memory_space<hbm>>)
    return
  }
}

</mosaic_0001>

<sc_bundles>
// kernel: kernel.3.cloned.1.call-start
scs
__scs_entry_jumppad:
0x0: {  	(pc) =	sbr.rel $0x88, $3  }
0x1: {  	(tag) =	ssettag $0x0;
	lr =	simm.s32 $0x1  }
0x2: {  	[smem:$0x3F9F] =	sst lr;
	_ =	strace $0xD0000000  }
0x3: {  	_ = 	snop  }
0x4: {  	_ = 	snop  }
0x5: {  	_ = 	snop  }
0x6: {  	_ = 	snop  }
0x7: {  	_ = 	snop  }
__scs_overlays_trampoline_lowered:
0x8: {  	[smem:$0x3FAE] =	sst s0  }
0x9: {  	[smem:$0x3FAF] =	sst s1  }
0xa: {  	[smem:$0x3FB0] =	sst s2  }
0xb: {  	[smem:$0x3FB1] =	sst s3  }
0xc: {  	[smem:$0x3FB2] =	sst s4  }
0xd: {  	[smem:$0x3FB3] =	sst s5  }
0xe: {  	[smem:$0x3FB4] =	sst s6  }
0xf: {  	[smem:$0x3FB5] =	sst s7  }
0x10: {  	[smem:$0x3FB6] =	sst s8  }
0x11: {  	[smem:$0x3FB7] =	sst s9;
	s0 =	simm.s32 @!p0 $0x0  }
0x12: {  	s1 =	sld [smem:$0x3F9D];
	s0 =	simm.s32 @p0 $0x1  }
0x13: {  	[smem:$0x3FB8] =	sst s0;
	s0 =	simm.s32 @!p1 $0x0  }
0x14: {  	s2 =	sld [smem:$0x3F9C];
	s0 =	simm.s32 @p1 $0x1  }
0x15: {  	[smem:$0x3FB9] =	sst s0;
	s0 =	simm.s32 @!p2 $0x0  }
0x16: {  	s3 =	sld [smem:$0x3FDB];
	s0 =	simm.s32 @p2 $0x1  }
0x17: {  	s4 =	simm.s32 $0x1BF5;
	[smem:$0x3FBB] =	sst s0  }
0x18: {  	s0 =	sld [smem:$0x3F9E];
	_ =	swait.ge [sflag:s4], $0x0  }
0x19: {  	s7 =	sld [smem:$0x3F9F]  }
0x1a: {  	s8 =	sadd.s32 $0xFFFFE003, lr  }
0x1b: {  	s9 =	sadd.s32 $0xFFFFFEF7, lr;
	s5 =	simm.s32 $0xFFFFFFFF;
	p2 =	slt.u32 s8, $0xFFFFF086  }
0x1c: {  	p1 =	slt.u32 s9, $0xF7A;
	s5 =	simm.s32 @!p2 $0x0  }
0x1d: {  	s5 =	simm.s32 @p1 $0x1;
	p0 =	seq.s32 s7, s2  }
0x1e: {  	s7 =	smul.u32 @!p0 $0xF7A, s2;
	p2 =	seq.s32 @!p0 s5, $0x0  }
0x1f: {  	s9 =	smul.u32 $0xF7A, s1;
	s8 =	simm.s32 @!p0 $0x1BF5;
	p2 =	por !p2, p0  }
0x20: {  	[sflag:s8] =	ssyncset.s32 @!p0 $0xFFFFF086;
	s6 =	sadd.s32 @!p0 s3, s7;
	s7 =	simm.s32 @!p0 $0x108  }
0x21: {  	s3 =	sadd.s32 s3, s9;
	s6 =	sadd.s32 @!p0 $0x88, s6;
	s7 =	simm.s32 @p2 $0x1082  }
0x22: {  	[simem:s7], [sflag:s8] =	dma.local @!p0 [hbm:s6], $0xF7A  }
0x23: {  	s9 =	sor.u32 $0xD0000000, s2;
	s6 =	simm.s32 $0x108;
	_ =	swait.ge @!p0 [sflag:s8], $0x0  }
0x24: {  	s3 =	sadd.s32 $0x88, s3;
	s6 =	simm.s32 @!p1 $0x1082;
	[sflag:s4] =	ssyncset.s32 $0xFFFFF086  }
0x25: {  	[simem:s6], [sflag:s4] =	dma.local [hbm:s3], $0xF7A  }
0x26: {  	[smem:$0x3F9F] =	sst s1;
	(tag) =	ssettag s2;
	_ =	strace s9  }
0x27: {  	s1 =	sld [smem:$0x3FAF]  }
0x28: {  	s2 =	sld [smem:$0x3FB0]  }
0x29: {  	s4 =	sld [smem:$0x3FB2]  }
0x2a: {  	p0 =	seq.s32 s5, $0x0;
	s5 =	sld [smem:$0x3FB3]  }
0x2b: {  	s6 =	sld [smem:$0x3FB4]  }
0x2c: {  	s7 =	sld [smem:$0x3FB5]  }
0x2d: {  	s3 =	simm.s32 $0x108;
	s8 =	sld [smem:$0x3FB6]  }
0x2e: {  	s3 =	simm.s32 @!p0 $0x1082;
	s9 =	sld [smem:$0x3FB7]  }
0x2f: {  	lr =	sadd.s32 s0, s3;
	s0 =	sld [smem:$0x3FAE]  }
0x30: {  	s3 =	sld [smem:$0x3FB1]  }
0x31: {  	[smem:$0x3FBA] =	sst s10  }
0x32: {  	s10 =	sld [smem:$0x3FB8];
	_ =	sdelay $0x3  }
0x33: {  	p0 =	seq.s32 s10, $0x1;
	s10 =	sld [smem:$0x3FBA];
	_ =	sdelay $0x3  }
0x34: {  	[smem:$0x3FBA] =	sst s10  }
0x35: {  	s10 =	sld [smem:$0x3FB9];
	_ =	sdelay $0x3  }
0x36: {  	p1 =	seq.s32 s10, $0x1;
	s10 =	sld [smem:$0x3FBA];
	_ =	sdelay $0x3  }
0x37: {  	[smem:$0x3FBA] =	sst s10  }
0x38: {  	s10 =	sld [smem:$0x3FBB]  }
0x39: {  	_ = 	snop;
	(pc) =	sbr.ind lr, $3  }
0x3a: {  	_ = 	snop  }
0x3b: {  	_ = 	snop  }
0x3c: {  	p2 =	seq.s32 s10, $0x1;
	s10 =	sld [smem:$0x3FBA]  }
0x3d: {  	_ =	shalt  }
0x3e: {  	_ =	shalt  }
0x3f: {  	_ =	shalt  }
0x40: {  	_ =	shalt  }
0x41: {  	_ =	shalt  }
0x42: {  	_ =	shalt  }
0x43: {  	_ =	shalt  }
0x44: {  	_ =	shalt  }
0x45: {  	_ =	shalt  }
0x46: {  	_ =	shalt  }
0x47: {  	_ =	shalt  }
0x48: {  	_ =	shalt  }
0x49: {  	_ =	shalt  }
0x4a: {  	_ =	shalt  }
0x4b: {  	_ =	shalt  }
0x4c: {  	_ =	shalt  }
0x4d: {  	_ =	shalt  }
0x4e: {  	_ =	shalt  }
0x4f: {  	_ =	shalt  }
0x50: {  	_ =	shalt  }
0x51: {  	_ =	shalt  }
0x52: {  	_ =	shalt  }
0x53: {  	_ =	shalt  }
0x54: {  	_ =	shalt  }
0x55: {  	_ =	shalt  }
0x56: {  	_ =	shalt  }
0x57: {  	_ =	shalt  }
0x58: {  	_ =	shalt  }
0x59: {  	_ =	shalt  }
0x5a: {  	_ =	shalt  }
0x5b: {  	_ =	shalt  }
0x5c: {  	_ =	shalt  }
0x5d: {  	_ =	shalt  }
0x5e: {  	_ =	shalt  }
0x5f: {  	_ =	shalt  }
0x60: {  	_ =	shalt  }
0x61: {  	_ =	shalt  }
0x62: {  	_ =	shalt  }
0x63: {  	_ =	shalt  }
0x64: {  	_ =	shalt  }
0x65: {  	_ =	shalt  }
0x66: {  	_ =	shalt  }
0x67: {  	_ =	shalt  }
0x68: {  	_ =	shalt  }
0x69: {  	_ =	shalt  }
0x6a: {  	_ =	shalt  }
0x6b: {  	_ =	shalt  }
0x6c: {  	_ =	shalt  }
0x6d: {  	_ =	shalt  }
0x6e: {  	_ =	shalt  }
0x6f: {  	_ =	shalt  }
0x70: {  	_ =	shalt  }
0x71: {  	_ =	shalt  }
0x72: {  	_ =	shalt  }
0x73: {  	_ =	shalt  }
0x74: {  	_ =	shalt  }
0x75: {  	_ =	shalt  }
0x76: {  	_ =	shalt  }
0x77: {  	_ =	shalt  }
0x78: {  	_ =	shalt  }
0x79: {  	_ =	shalt  }
0x7a: {  	_ =	shalt  }
0x7b: {  	_ =	shalt  }
0x7c: {  	_ =	shalt  }
0x7d: {  	_ =	shalt  }
0x7e: {  	_ =	shalt  }
0x7f: {  	_ =	shalt  }
0x80: {  	_ =	shalt  }
0x81: {  	_ =	shalt  }
0x82: {  	_ =	shalt  }
0x83: {  	_ =	shalt  }
0x84: {  	_ =	shalt  }
0x85: {  	_ =	shalt  }
0x86: {  	_ =	shalt  }
0x87: {  	_ =	shalt  }
.Lfunc_end0:
.L_simem_size_0:
called_computation.2_lowered:
.L_overlay_start_0:
0x88: {  	s2 =	sld [smem:$0x3FD9]  }
0x89: {  	s3 =	sld [smem:$0x3FFE];
	_ =	sdelay $0x1  }
0x8a: {  	s1 =	srdreg.scid  }
0x8b: {  	s0 =	sand.u32 $0x1, s1  }
0x8c: {  	s17 =	sshll.u32 s0, $0xA;
	s2 =	sadd.s32 s3, s2  }
0x8d: {  	s2 =	sadd.s32 s2, s17  }
0x8e: {  	[smem:$0x3FC6] =	sst s2  }
0x8f: {  	_ = 	snop  }
0x90: {  	s2 =	sld [smem:$0x3FD0];
	(tm) =	ssettm $0x1  }
0x91: {  	s18 =	sld [smem:$0x3FFB];
	_ =	sdelay $0x3  }
0x92: {  	_ =	strace s18  }
0x93: {  	s3 =	sld [smem:$0x3FFC];
	_ =	sdelay $0x3  }
0x94: {  	_ =	strace s3  }
0x95: {  	s3 =	sld [smem:$0x3FFD];
	_ =	sdelay $0x3  }
0x96: {  	_ =	strace s3  }
0x97: {  	_ =	strace $0x8FFFFFFF  }
0x98: {  	s19 =	sld [smem:$0x3FDB];
	_ =	sdelay $0x1  }
0x99: {  	s4 =	simm.s32 $_scs_section_size  }
0x9a: {  	s5 =	simm.s32 $_size__tile_overlayer_lowered;
	s6 =	simm.s32 $_tile_overlayer_lowered  }
0x9b: {  	s22 =	simm.s32 $0x1BFF;
	s21 =	sshll.u32 s6, $0x1;
	s3 =	sadd.s32 s4, s19  }
0x9c: {  	s7 =	simm.s32 $0x0;
	s20 =	sshll.u32 s5, $0x1;
	s5 =	sadd.s32 s21, s3  }
0x9d: {  	[timem:s7], [sflag:s22] =	dma.local [hbm:s5], s20  }
0x9e: {  	_ =	swait.ge [sflag:s22], s20  }
0x9f: {  	s4 =	ssub.s32 $0x0, s20;
	[sflag:s22] =	ssyncset.done $0x0  }
0xa0: {  	[sflag:s22] =	ssyncadd.s32 s4;
	_ =	sdelay $0x1  }
0xa1: {  	s23 =	simm.s32 $0x1B8B  }
0xa2: {  	_ =	swait.ge [sflag:s23], $0x1  }
0xa3: {  	[sflag:s23] =	ssyncset.done $0x0  }
0xa4: {  	s25 =	simm.s32 $0x1B8E;
	s24 =	sld [smem:$0x3FFE];
	[sflag:s23] =	ssyncadd.s32 $0xFFFFFFFF  }
0xa5: {  	s26 =	simm.s32 $execute0_lowered;
	[smem:$0x3FD2] =	sst s25  }
0xa6: {  	s5 =	sshll.u32 s26, $0x1;
	_ =	strace $0x8000004C;
	[dreg:$0x1] =	wrdreg $0xFFFFFFFF  }
0xa7: {  	s28 =	simm.s32 $_size_execute0_lowered;
	s3 =	sadd.s32 s3, s5;
	[dreg:$0x0] =	wrdreg $0x0  }
0xa8: {  	s5 =	sshll.u32 s28, $0x1;
	[dreg:$0x2] =	wrdreg s3  }
0xa9: {  	[dreg:$0x3] =	wrdreg s5  }
0xaa: {  	[dreg:$0x4] =	wrdreg $0xC0  }
0xab: {  	_ =	task [dreg:s7], $0x5FFFF  }
0xac: {  	[dreg:$0x1] =	wrdreg $0xFFFFFFFF  }
0xad: {  	[dreg:$0x0] =	wrdreg $0x60  }
0xae: {  	[dreg:$0x2] =	wrdreg s2  }
0xaf: {  	[dreg:$0x3] =	wrdreg s24  }
0xb0: {  	[dreg:$0x4] =	wrdreg $0x9  }
0xb1: {  	_ =	task.clear_ibuf [dreg:s7], $0x5FFFF;
	_ =	strace $0x9000004C  }
0xb2: {  	s29 =	simm.s32 $0x9;
	_ =	strace $0x8000004E  }
0xb3: {  	_ =	swait.ge [sflag:s29], $0x1  }
0xb4: {  	[sflag:s29] =	ssyncadd.s32 $0xFFFFFFFF  }
0xb5: {  	_ =	strace $0x9000004E  }
0xb6: {  	_ =	sfence  }
0xb7: {  	s30 =	sld [smem:$0x0];
	_ =	sdelay $0x2  }
0xb8: {  	s31 =	sshll.u32 s1, $0xD;
	s1 =	sshrl.u32 s1, $0x2  }
0xb9: {  	s3 =	sand.u32 $0x4000, s31;
	s1 =	sadd.s32 s1, s30  }
0xba: {  	s0 =	sor.u32 s3, s0;
	s1 =	sshll.u32 s1, $0x11  }
0xbb: {  	s0 =	sor.u32 s1, s0  }
0xbc: {  	s0 =	sadd.s32 $0x8F2B, s0  }
0xbd: {  	[sflag:s0] =	ssyncadd.remote.s32 $0x1  }
0xbe: {  	_ =	sfence.sel $0xFFFF  }
0xbf: {  	[dreg:$0x0] =	wrdreg $0xFFFFFFFF;
	(pc) =	sbr.abs _section_cstart, $3  }
0xc0: {  	[dreg:$0x1] =	wrdreg $0xFFFFFFFF  }
0xc1: {  	_ =	task.clear_ibuf [dreg:s7], $0x2FFFF;
	_ =	strace $0x9FFFFFFF  }
0xc2: {  	(tm) =	ssettm $0x7FFFFFFF  }
0xc3: {  	_ =	shalt  }
tec
execute0_lowered:
.L_overlay_start_1:
0x0: {  	(tag) =	ssettag $0x1  }
0x1: {  	s3 =	rddreg [dreg:$0x0]  }
0x2: {  	s2 =	rddreg [dreg:$0x1]  }
0x3: {  	s1 =	simm.s32 $0x0;
	s0 =	srdreg.scid;
	s5 =	stileid.u32  }
0x4: {  	[smem:$0x7FF] =	sst s1;
	s4 =	sand.u32 $0x1, s0;
	s0 =	sadd.s32 $0xC00, s2  }
0x5: {  	s6 =	sshll.u32 s5, $0x10;
	s7 =	sshll.u32 s4, $0xF;
	s4 =	ssub.s32 $0x2, s4  }
0x6: {  	s5 =	sadd.s32 $0x100C00, s2;
	s2 =	sor.u32 s7, s6;
	s21 =	sshrl.u32 s4, $0x1  }
0x7: {  	s7 =	sor.u32 $0x100000, s2;
	s8 =	sor.u32 $0x200000, s2;
	s4 =	ssub.s32 s4, s21  }
0x8: {  	s24 =	sor.u32 $0x300000, s2;
	s25 =	sor.u32 $0x1000, s2;
	s9 =	sor.u32 $0x201000, s2  }
0x9: {  	s10 =	sor.u32 $0x301000, s2;
	s18 =	sor.u32 $0x2000, s2;
	s20 =	sor.u32 $0x102000, s2  }
0xa: {  	s21 =	sor.u32 $0x202000, s2;
	[smem:$0x7EE] =	sst s4;
	s22 =	sadd.s32 s3, s7  }
0xb: {  	s11 =	sadd.s32 s3, s8;
	s23 =	sadd.s32 s5, s7;
	s12 =	sadd.s32 s3, s24  }
0xc: {  	s26 =	sadd.s32 s5, s8;
	s13 =	sadd.s32 s3, s25;
	[dreg:$0x3] =	wrdreg s22  }
0xd: {  	s4 =	sadd.s32 s5, s24;
	s7 =	sadd.s32 s0, s25;
	[dreg:$0x5] =	wrdreg s23  }
0xe: {  	s8 =	sor.u32 $0x101000, s2;
	s6 =	sadd.s32 s5, s25;
	[dreg:$0x7] =	wrdreg s26  }
0xf: {  	s15 =	sadd.s32 s3, s9;
	s16 =	sadd.s32 s3, s10;
	[dreg:$0x9] =	wrdreg s4  }
0x10: {  	s17 =	sadd.s32 s3, s18;
	s19 =	sadd.s32 s0, s18;
	[dreg:$0xa] =	wrdreg s7  }
0x11: {  	s24 =	sor.u32 $0x302000, s2;
	s25 =	sor.u32 $0x3000, s2;
	[dreg:$0xc] =	wrdreg s6  }
0x12: {  	s14 =	sadd.s32 s3, s8;
	s4 =	sadd.s32 s5, s8;
	[dreg:$0x13] =	wrdreg s19  }
0x13: {  	s6 =	sadd.s32 s5, s9;
	s19 =	sadd.s32 s5, s18;
	[dreg:$0xe] =	wrdreg s4  }
0x14: {  	s22 =	sadd.s32 s3, s20;
	s23 =	sadd.s32 s5, s21;
	[dreg:$0x10] =	wrdreg s6  }
0x15: {  	s26 =	sadd.s32 s0, s25;
	s7 =	sadd.s32 s5, s25;
	[dreg:$0x15] =	wrdreg s22  }
0x16: {  	s8 =	sor.u32 $0x103000, s2;
	s9 =	sor.u32 $0x203000, s2;
	[dreg:$0x18] =	wrdreg s23  }
0x17: {  	s18 =	sor.u32 $0x4000, s2;
	s4 =	sadd.s32 s5, s10;
	[dreg:$0x1c] =	wrdreg s26  }
0x18: {  	s22 =	sadd.s32 s3, s25;
	[dreg:$0x1d] =	wrdreg s7;
	s23 =	sadd.s32 s3, s8  }
0x19: {  	s10 =	sor.u32 $0x303000, s2;
	s26 =	sadd.s32 s3, s18;
	s7 =	sadd.s32 s0, s18  }
0x1a: {  	[dreg:$0x12] =	wrdreg s4;
	s4 =	sadd.s32 s5, s20;
	s20 =	sadd.s32 s3, s21  }
0x1b: {  	s21 =	sadd.s32 s3, s24;
	s25 =	sadd.s32 s3, s10;
	[smem:$0x7D3] =	sst s7  }
0x1c: {  	[dreg:$0x16] =	wrdreg s4;
	s4 =	sadd.s32 s5, s24;
	s24 =	sadd.s32 s3, s9  }
0x1d: {  	[dreg:$0x1a] =	wrdreg s4;
	s4 =	sadd.s32 s5, s8;
	s8 =	sor.u32 $0x104000, s2  }
0x1e: {  	[dreg:$0x1f] =	wrdreg s4;
	s4 =	sadd.s32 s5, s9;
	s29 =	sadd.s32 s3, s8  }
0x1f: {  	s9 =	sor.u32 $0x204000, s2;
	s6 =	sadd.s32 s5, s8;
	[smem:$0x7D1] =	sst s4  }
0x20: {  	s4 =	sadd.s32 s5, s10;
	[smem:$0x7D5] =	sst s6;
	s30 =	sadd.s32 s3, s9  }
0x21: {  	s10 =	sor.u32 $0x304000, s2;
	[smem:$0x7D2] =	sst s4;
	s4 =	sadd.s32 s5, s18  }
0x22: {  	s31 =	sadd.s32 s3, s10;
	s6 =	sadd.s32 s5, s10;
	[smem:$0x7D4] =	sst s4  }
0x23: {  	s18 =	sor.u32 $0x5000, s2;
	s4 =	sadd.s32 s5, s9;
	[smem:$0x7D7] =	sst s6  }
0x24: {  	s7 =	sadd.s32 s3, s18;
	s8 =	sadd.s32 s0, s18;
	[smem:$0x7D6] =	sst s4  }
0x25: {  	s9 =	sor.u32 $0x105000, s2;
	s6 =	sor.u32 $0x305000, s2;
	[smem:$0x7D8] =	sst s7  }
0x26: {  	[smem:$0x7D9] =	sst s8;
	s7 =	sadd.s32 s5, s18;
	s10 =	sadd.s32 s3, s9  }
0x27: {  	s18 =	sor.u32 $0x205000, s2;
	s4 =	sadd.s32 s5, s9;
	[smem:$0x7DA] =	sst s10  }
0x28: {  	[smem:$0x7DB] =	sst s4;
	s9 =	sadd.s32 s3, s18;
	s18 =	sadd.s32 s5, s18  }
0x29: {  	s8 =	sor.u32 $0x6000, s2;
	s4 =	sadd.s32 s5, s6;
	[smem:$0x7DC] =	sst s18  }
0x2a: {  	s28 =	sadd.s32 s3, s8;
	s10 =	sadd.s32 s0, s8;
	[smem:$0x7DD] =	sst s4  }
0x2b: {  	s8 =	sadd.s32 s5, s8;
	[smem:$0x7DE] =	sst s10;
	s10 =	sor.u32 $0x106000, s2  }
0x2c: {  	[smem:$0x7DF] =	sst s8;
	s8 =	sadd.s32 s3, s10  }
0x2d: {  	s4 =	sor.u32 $0x206000, s2;
	[smem:$0x7E0] =	sst s8  }
0x2e: {  	s8 =	sadd.s32 s5, s10;
	s10 =	sadd.s32 s3, s4;
	s4 =	sadd.s32 s5, s4  }
0x2f: {  	s18 =	sadd.s32 s3, s6;
	[smem:$0x7E2] =	sst s4;
	s4 =	sor.u32 $0x306000, s2  }
0x30: {  	s6 =	sadd.s32 s0, s2;
	[smem:$0x7E1] =	sst s10;
	s10 =	sadd.s32 s3, s4  }
0x31: {  	[smem:$0x7E3] =	sst s10;
	s10 =	sadd.s32 s5, s4;
	s4 =	sor.u32 $0x7000, s2  }
0x32: {  	[smem:$0x7E4] =	sst s6;
	s0 =	sadd.s32 s0, s4  }
0x33: {  	[smem:$0x7E5] =	sst s0;
	s0 =	smov.u32 s7;
	s7 =	sadd.s32 s3, s4  }
0x34: {  	s6 =	sor.u32 $0x107000, s2;
	s4 =	sadd.s32 s5, s4;
	[smem:$0x7E6] =	sst s7  }
0x35: {  	[smem:$0x7E7] =	sst s4;
	s7 =	sadd.s32 s3, s6  }
0x36: {  	[smem:$0x7E8] =	sst s7;
	s7 =	sadd.s32 s5, s6;
	s6 =	sadd.s32 s3, s2  }
0x37: {  	[smem:$0x7E9] =	sst s6;
	s6 =	sadd.s32 s5, s2  }
0x38: {  	s4 =	sor.u32 $0x207000, s2;
	[smem:$0x7EA] =	sst s6  }
0x39: {  	s6 =	sor.u32 $0x307000, s2;
	s2 =	smov.u32 s8;
	s8 =	sadd.s32 s3, s4  }
0x3a: {  	s4 =	sadd.s32 s5, s4;
	[smem:$0x7EB] =	sst s8  }
0x3b: {  	[smem:$0x7EC] =	sst s4;
	s5 =	sadd.s32 s5, s6  }
0x3c: {  	[smem:$0x7ED] =	sst s5  }
0x3d: {  	_ =	strace $0x8000004D;
	[dreg:$0x4] =	wrdreg s11  }
0x3e: {  	[dreg:$0x6] =	wrdreg s12  }
0x3f: {  	[dreg:$0x8] =	wrdreg s13  }
0x40: {  	[dreg:$0xb] =	wrdreg s14  }
0x41: {  	[dreg:$0xd] =	wrdreg s15  }
0x42: {  	[dreg:$0xf] =	wrdreg s16  }
0x43: {  	[dreg:$0x11] =	wrdreg s17  }
0x44: {  	[dreg:$0x14] =	wrdreg s19  }
0x45: {  	[dreg:$0x17] =	wrdreg s20  }
0x46: {  	[dreg:$0x19] =	wrdreg s21  }
0x47: {  	[dreg:$0x1b] =	wrdreg s22  }
0x48: {  	[dreg:$0x1e] =	wrdreg s23  }
0x49: {  	[smem:$0x7F0] =	sst s24  }
0x4a: {  	[smem:$0x7F1] =	sst s25  }
0x4b: {  	[smem:$0x7F2] =	sst s26  }
0x4c: {  	[smem:$0x7F3] =	sst s29  }
0x4d: {  	[smem:$0x7F4] =	sst s30  }
0x4e: {  	[smem:$0x7F5] =	sst s31  }
0x4f: {  	[smem:$0x7F6] =	sst s0  }
0x50: {  	[smem:$0x7F7] =	sst s9  }
0x51: {  	[smem:$0x7F8] =	sst s18  }
0x52: {  	[smem:$0x7F9] =	sst s28  }
0x53: {  	[smem:$0x7FA] =	sst s2  }
0x54: {  	s8 =	sld [smem:$0x7EE]  }
0x55: {  	s3 =	sadd.s32 s3, s6;
	[smem:$0x7FB] =	sst s10  }
0x56: {  	s4 =	smov.u32 s3;
	[smem:$0x7FC] =	sst s7  }
0x57: {  	[smem:$0x7FD] =	sst s4;
	s6 =	smax.u32 s8, $0x1  }
0x58: {  	s8 =	simm.s32 $0x0;
	[smem:$0x7EF] =	sst s6  }
.LBB2_1:
0x59: {  	s0 =	sld [smem:$0x7E4];
	_ =	sdelay $0x2  }
0x5a: {  	[tilespmem:s1], [sflag:$0x1] =	stream.linear.gather [hbm4b:s0+s1], $0x8000, $0x38;
	[tilespmem:$0x18000] =	vst v63  }
0x5b: {  	s0 =	sld [smem:$0x7E9];
	_ =	sdelay $0x1  }
0x5c: {  	[smem:$0x7D0] =	sst s8;
	s6 =	simm.s32 $0x8000  }
0x5d: {  	s7 =	simm.s32 $0x10;
	s8 =	simm.s32 $0x8100;
	s10 =	sadd.s32 $0x0, s0  }
.LBB2_2:
0x5e: {  	[tilespmem:s6], [sflag:$0x2] =	stream.linear.gather [hbm4b:s10+s1], $0x80, $0x38;
	[tilespmem:$0x18000] =	vst v63  }
0x5f: {  	s10 =	smov.u32 s7;
	s6 =	smov.u32 s8;
	p0 =	sne.s32 s7, $0xFF0  }
.Ltmp0:
0x60: {  	s7 =	sadd.s32 $0x10, s7;
	(pc) =	sbr.rel @p0 .LBB2_2-.Ltmp0, $2  }
0x61: {  	_ =	sdelay $0x2  }
0x62: {  	s8 =	sadd.s32 $0x100, s8;
	s10 =	sadd.s32 s10, s0  }
0x63: {  	[tilespmem:s6], [sflag:$0x2] =	stream.linear.gather [hbm4b:s10+s1], $0x80, $0x38;
	[tilespmem:$0x18000] =	vst v63  }
0x64: {  	s11 =	rddreg [dreg:$0x3]  }
0x65: {  	s0 =	sld [smem:$0x7D8]  }
0x66: {  	s2 =	sld [smem:$0x7E0]  }
0x67: {  	s6 =	simm.s32 $0x8080;
	s7 =	simm.s32 $0x10;
	s3 =	sld [smem:$0x7E3]  }
0x68: {  	s8 =	simm.s32 $0x8180;
	s4 =	sld [smem:$0x7E8];
	s10 =	sadd.s32 $0x0, s11  }
.LBB2_4:
0x69: {  	[tilespmem:s6], [sflag:$0x3] =	stream.linear.gather [hbm4b:s10+s1], $0x80, $0x38;
	[tilespmem:$0x18000] =	vst v63  }
0x6a: {  	s10 =	smov.u32 s7;
	s6 =	smov.u32 s8;
	p0 =	sne.s32 s7, $0xFF0  }
.Ltmp1:
0x6b: {  	s7 =	sadd.s32 $0x10, s7;
	(pc) =	sbr.rel @p0 .LBB2_4-.Ltmp1, $2  }
0x6c: {  	_ =	sdelay $0x2  }
0x6d: {  	s8 =	sadd.s32 $0x100, s8;
	s10 =	sadd.s32 s10, s11  }
0x6e: {  	[tilespmem:s6], [sflag:$0x3] =	stream.linear.gather [hbm4b:s10+s1], $0x80, $0x38;
	[tilespmem:$0x18000] =	vst v63  }
0x6f: {  	s5 =	simm.s32 $0x1  }
0x70: {  	_ =	swait.ge [sflag:s5], $0x8000  }
0x71: {  	[sflag:s5] =	ssyncset.done $0x0  }
0x72: {  	s19 =	simm.s32 $0x2;
	[sflag:s5] =	ssyncadd.s32 $0xFFFF8000  }
0x73: {  	_ =	swait.ge [sflag:s19], $0x8000  }
0x74: {  	[sflag:s19] =	ssyncset.done $0x0  }
0x75: {  	s7 =	simm.s32 $0x40;
	[sflag:s19] =	ssyncadd.s32 $0xFFFF8000  }
0x76: {  	v0 =	vld [tilespmem:s7+$0x30]  }
0x77: {  	v1 =	vld [tilespmem:s7+$0xFFFFFFD0]  }
0x78: {  	v2 =	vld [tilespmem:s7+$0xFFFFFFE0]  }
0x79: {  	v3 =	vld [tilespmem:s7+$0xFFFFFFF0]  }
0x7a: {  	v4 =	vld [tilespmem:s7+$0x0]  }
0x7b: {  	v63 =	vld [tilespmem:s7+$0x10]  }
0x7c: {  	v5 =	vld [tilespmem:s7+$0x20]  }
0x7d: {  	s6 =	simm.s32 $0x8070;
	v6 =	vld [tilespmem:s7+$0xFFFFFFC0]  }
0x7e: {  	[tilespmem:s6+$0x0] =	vst.add.f32.msk $0xffff, v0  }
0x7f: {  	[tilespmem:s6+$0xFFFFFFA0] =	vst.add.f32.msk $0xffff, v1  }
0x80: {  	[tilespmem:s6+$0xFFFFFFB0] =	vst.add.f32.msk $0xffff, v2  }
0x81: {  	[tilespmem:s6+$0xFFFFFFC0] =	vst.add.f32.msk $0xffff, v3  }
0x82: {  	[tilespmem:s6+$0xFFFFFFD0] =	vst.add.f32.msk $0xffff, v4  }
0x83: {  	[tilespmem:s6+$0xFFFFFF90] =	vst.add.f32.msk $0xffff, v6  }
0x84: {  	[tilespmem:s6+$0xFFFFFFE0] =	vst.add.f32.msk $0xffff, v63  }
0x85: {  	[tilespmem:s6+$0xFFFFFFF0] =	vst.add.f32.msk $0xffff, v5  }
0x86: {  	s8 =	simm.s32 $0xC0;
	s7 =	simm.s32 $0x0;
	s11 =	rddreg [dreg:$0x4]  }
.LBB2_6:
0x87: {  	v0 =	vld [tilespmem:s8+$0x30];
	s7 =	sadd.s32 $0x80, s7  }
0x88: {  	v1 =	vld [tilespmem:s8+$0xFFFFFFD0];
	p0 =	slt.u32 s7, $0x7F80  }
0x89: {  	v2 =	vld [tilespmem:s8+$0xFFFFFFE0]  }
0x8a: {  	v3 =	vld [tilespmem:s8+$0xFFFFFFF0]  }
0x8b: {  	s6 =	sadd.s32 $0x100, s6;
	v4 =	vld [tilespmem:s8+$0x0]  }
0x8c: {  	[tilespmem:s6+$0x0] =	vst.add.f32.msk $0xffff, v0  }
0x8d: {  	v0 =	vld [tilespmem:s8+$0x10]  }
0x8e: {  	v5 =	vld [tilespmem:s8+$0x20]  }
0x8f: {  	v6 =	vld [tilespmem:s8+$0xFFFFFFC0]  }
0x90: {  	[tilespmem:s6+$0xFFFFFFA0] =	vst.add.f32.msk $0xffff, v1  }
0x91: {  	[tilespmem:s6+$0xFFFFFFB0] =	vst.add.f32.msk $0xffff, v2  }
.Ltmp2:
0x92: {  	[tilespmem:s6+$0xFFFFFFC0] =	vst.add.f32.msk $0xffff, v3;
	(pc) =	sbr.rel @p0 .LBB2_6-.Ltmp2, $4  }
0x93: {  	[tilespmem:s6+$0xFFFFFFD0] =	vst.add.f32.msk $0xffff, v4  }
0x94: {  	[tilespmem:s6+$0xFFFFFF90] =	vst.add.f32.msk $0xffff, v6  }
0x95: {  	[tilespmem:s6+$0xFFFFFFE0] =	vst.add.f32.msk $0xffff, v0  }
0x96: {  	s8 =	sadd.s32 $0x80, s8;
	[tilespmem:s6+$0xFFFFFFF0] =	vst.add.f32.msk $0xffff, v5  }
0x97: {  	s5 =	sld [smem:$0x7EA];
	_ =	sdelay $0x1  }
0x98: {  	s6 =	simm.s32 $0x8000  }
0x99: {  	s7 =	simm.s32 $0x10;
	s8 =	simm.s32 $0x8100;
	s10 =	sadd.s32 $0x0, s5  }
.LBB2_8:
0x9a: {  	[hbm4b:s10+s1] =	stream.linear.scatter [tilespmem:s6], [sflag:$0x4], $0x80, $0x38;
	[tilespmem:$0x18000] =	vst v63  }
0x9b: {  	s10 =	smov.u32 s7;
	s6 =	smov.u32 s8;
	p0 =	sne.s32 s7, $0xFF0  }
.Ltmp3:
0x9c: {  	s7 =	sadd.s32 $0x10, s7;
	(pc) =	sbr.rel @p0 .LBB2_8-.Ltmp3, $2  }
0x9d: {  	_ =	sdelay $0x2  }
0x9e: {  	s8 =	sadd.s32 $0x100, s8;
	s10 =	sadd.s32 s10, s5  }
0x9f: {  	[hbm4b:s10+s1] =	stream.linear.scatter [tilespmem:s6], [sflag:$0x4], $0x80, $0x38;
	[tilespmem:$0x18000] =	vst v63  }
0xa0: {  	s5 =	simm.s32 $0x4  }
0xa1: {  	_ =	swait.ge [sflag:s5], $0x8000  }
0xa2: {  	s6 =	simm.s32 $0x8000;
	s7 =	simm.s32 $0x10;
	[sflag:s5] =	ssyncset.done $0x0  }
0xa3: {  	s10 =	sadd.s32 $0x0, s11;
	s8 =	simm.s32 $0x8100;
	[sflag:s5] =	ssyncadd.s32 $0xFFFF8000  }
.LBB2_10:
0xa4: {  	[tilespmem:s6], [sflag:$0x2] =	stream.linear.gather [hbm4b:s10+s1], $0x80, $0x38;
	[tilespmem:$0x18000] =	vst v63  }
0xa5: {  	s10 =	smov.u32 s7;
	s6 =	smov.u32 s8;
	p0 =	sne.s32 s7, $0xFF0  }
.Ltmp4:
0xa6: {  	s7 =	sadd.s32 $0x10, s7;
	(pc) =	sbr.rel @p0 .LBB2_10-.Ltmp4, $2  }
0xa7: {  	_ =	sdelay $0x2  }
0xa8: {  	s8 =	sadd.s32 $0x100, s8;
	s10 =	sadd.s32 s10, s11  }
0xa9: {  	[tilespmem:s6], [sflag:$0x2] =	stream.linear.gather [hbm4b:s10+s1], $0x80, $0x38;
	[tilespmem:$0x18000] =	vst v63  }
0xaa: {  	s5 =	simm.s32 $0x3  }
0xab: {  	_ =	swait.ge [sflag:s5], $0x8000  }
0xac: {  	[sflag:s5] =	ssyncset.done $0x0  }
0xad: {  	s7 =	simm.s32 $0x40;
	[sflag:s5] =	ssyncadd.s32 $0xFFFF8000  }
0xae: {  	v0 =	vld [tilespmem:s7+$0x30]  }
0xaf: {  	v1 =	vld [tilespmem:s7+$0xFFFFFFD0]  }
0xb0: {  	v2 =	vld [tilespmem:s7+$0xFFFFFFE0]  }
0xb1: {  	v3 =	vld [tilespmem:s7+$0xFFFFFFF0]  }
0xb2: {  	v4 =	vld [tilespmem:s7+$0x0]  }
0xb3: {  	v63 =	vld [tilespmem:s7+$0x10]  }
0xb4: {  	v5 =	vld [tilespmem:s7+$0x20]  }
0xb5: {  	s6 =	simm.s32 $0x80F0;
	v6 =	vld [tilespmem:s7+$0xFFFFFFC0]  }
0xb6: {  	[tilespmem:s6+$0x0] =	vst.add.f32.msk $0xffff, v0  }
0xb7: {  	[tilespmem:s6+$0xFFFFFFA0] =	vst.add.f32.msk $0xffff, v1  }
0xb8: {  	[tilespmem:s6+$0xFFFFFFB0] =	vst.add.f32.msk $0xffff, v2  }
0xb9: {  	[tilespmem:s6+$0xFFFFFFC0] =	vst.add.f32.msk $0xffff, v3  }
0xba: {  	[tilespmem:s6+$0xFFFFFFD0] =	vst.add.f32.msk $0xffff, v4  }
0xbb: {  	[tilespmem:s6+$0xFFFFFF90] =	vst.add.f32.msk $0xffff, v6  }
0xbc: {  	[tilespmem:s6+$0xFFFFFFE0] =	vst.add.f32.msk $0xffff, v63  }
0xbd: {  	[tilespmem:s6+$0xFFFFFFF0] =	vst.add.f32.msk $0xffff, v5  }
0xbe: {  	s8 =	simm.s32 $0xC0;
	s7 =	simm.s32 $0x0;
	s5 =	sld [smem:$0x7FD]  }
.LBB2_12:
0xbf: {  	v0 =	vld [tilespmem:s8+$0x30];
	s7 =	sadd.s32 $0x80, s7  }
0xc0: {  	v1 =	vld [tilespmem:s8+$0xFFFFFFD0];
	p0 =	slt.u32 s7, $0x7F80  }
0xc1: {  	v2 =	vld [tilespmem:s8+$0xFFFFFFE0]  }
0xc2: {  	v3 =	vld [tilespmem:s8+$0xFFFFFFF0]  }
0xc3: {  	s6 =	sadd.s32 $0x100, s6;
	v4 =	vld [tilespmem:s8+$0x0]  }
0xc4: {  	[tilespmem:s6+$0x0] =	vst.add.f32.msk $0xffff, v0  }
0xc5: {  	v0 =	vld [tilespmem:s8+$0x10]  }
0xc6: {  	v5 =	vld [tilespmem:s8+$0x20]  }
0xc7: {  	v6 =	vld [tilespmem:s8+$0xFFFFFFC0]  }
0xc8: {  	[tilespmem:s6+$0xFFFFFFA0] =	vst.add.f32.msk $0xffff, v1  }
0xc9: {  	[tilespmem:s6+$0xFFFFFFB0] =	vst.add.f32.msk $0xffff, v2  }
.Ltmp5:
0xca: {  	[tilespmem:s6+$0xFFFFFFC0] =	vst.add.f32.msk $0xffff, v3;
	(pc) =	sbr.rel @p0 .LBB2_12-.Ltmp5, $4  }
0xcb: {  	[tilespmem:s6+$0xFFFFFFD0] =	vst.add.f32.msk $0xffff, v4  }
0xcc: {  	[tilespmem:s6+$0xFFFFFF90] =	vst.add.f32.msk $0xffff, v6  }
0xcd: {  	[tilespmem:s6+$0xFFFFFFE0] =	vst.add.f32.msk $0xffff, v0  }
0xce: {  	s8 =	sadd.s32 $0x80, s8;
	[tilespmem:s6+$0xFFFFFFF0] =	vst.add.f32.msk $0xffff, v5  }
0xcf: {  	s6 =	simm.s32 $0x8080;
	s12 =	rddreg [dreg:$0x5]  }
0xd0: {  	s7 =	simm.s32 $0x10;
	s8 =	simm.s32 $0x8180;
	s10 =	sadd.s32 $0x0, s12  }
.LBB2_14:
0xd1: {  	[hbm4b:s10+s1] =	stream.linear.scatter [tilespmem:s6], [sflag:$0x5], $0x80, $0x38;
	[tilespmem:$0x18000] =	vst v63  }
0xd2: {  	s10 =	smov.u32 s7;
	s6 =	smov.u32 s8;
	p0 =	sne.s32 s7, $0xFF0  }
.Ltmp6:
0xd3: {  	s7 =	sadd.s32 $0x10, s7;
	(pc) =	sbr.rel @p0 .LBB2_14-.Ltmp6, $2  }
0xd4: {  	_ =	sdelay $0x2  }
0xd5: {  	s8 =	sadd.s32 $0x100, s8;
	s10 =	sadd.s32 s10, s12  }
0xd6: {  	[hbm4b:s10+s1] =	stream.linear.scatter [tilespmem:s6], [sflag:$0x5], $0x80, $0x38;
	[tilespmem:$0x18000] =	vst v63  }
0xd7: {  	s19 =	simm.s32 $0x5  }
0xd8: {  	s6 =	simm.s32 $0x8080;
	_ =	swait.ge [sflag:s19], $0x8000  }
0xd9: {  	s7 =	simm.s32 $0x10;
	[sflag:s19] =	ssyncset.done $0x0;
	s12 =	rddreg [dreg:$0x6]  }
0xda: {  	s8 =	simm.s32 $0x8180;
	[sflag:s19] =	ssyncadd.s32 $0xFFFF8000;
	s10 =	sadd.s32 $0x0, s12  }
.LBB2_16:
0xdb: {  	[tilespmem:s6], [sflag:$0x3] =	stream.linear.gather [hbm4b:s10+s1], $0x80, $0x38;
	[tilespmem:$0x18000] =	vst v63  }
0xdc: {  	s10 =	smov.u32 s7;
	s6 =	smov.u32 s8;
	p0 =	sne.s32 s7, $0xFF0  }
.Ltmp7:
0xdd: {  	s7 =	sadd.s32 $0x10, s7;
	(pc) =	sbr.rel @p0 .LBB2_16-.Ltmp7, $2  }
0xde: {  	_ =	sdelay $0x2  }
0xdf: {  	s8 =	sadd.s32 $0x100, s8;
	s10 =	sadd.s32 s10, s12  }
0xe0: {  	[tilespmem:s6], [sflag:$0x3] =	stream.linear.gather [hbm4b:s10+s1], $0x80, $0x38;
	[tilespmem:$0x18000] =	vst v63  }
0xe1: {  	s19 =	simm.s32 $0x2  }
0xe2: {  	_ =	swait.ge [sflag:s19], $0x8000  }
0xe3: {  	[sflag:s19] =	ssyncset.done $0x0  }
0xe4: {  	s7 =	simm.s32 $0x40;
	[sflag:s19] =	ssyncadd.s32 $0xFFFF8000  }
0xe5: {  	v0 =	vld [tilespmem:s7+$0x30]  }
0xe6: {  	v1 =	vld [tilespmem:s7+$0xFFFFFFD0]  }
0xe7: {  	v2 =	vld [tilespmem:s7+$0xFFFFFFE0]  }
0xe8: {  	v3 =	vld [tilespmem:s7+$0xFFFFFFF0]  }
0xe9: {  	v4 =	vld [tilespmem:s7+$0x0]  }
0xea: {  	v63 =	vld [tilespmem:s7+$0x10]  }
0xeb: {  	v5 =	vld [tilespmem:s7+$0x20]  }
0xec: {  	s6 =	simm.s32 $0x8070;
	v6 =	vld [tilespmem:s7+$0xFFFFFFC0]  }
0xed: {  	[tilespmem:s6+$0x0] =	vst.add.f32.msk $0xffff, v0  }
0xee: {  	[tilespmem:s6+$0xFFFFFFA0] =	vst.add.f32.msk $0xffff, v1  }
0xef: {  	[tilespmem:s6+$0xFFFFFFB0] =	vst.add.f32.msk $0xffff, v2  }
0xf0: {  	[tilespmem:s6+$0xFFFFFFC0] =	vst.add.f32.msk $0xffff, v3  }
0xf1: {  	[tilespmem:s6+$0xFFFFFFD0] =	vst.add.f32.msk $0xffff, v4  }
0xf2: {  	[tilespmem:s6+$0xFFFFFF90] =	vst.add.f32.msk $0xffff, v6  }
0xf3: {  	[tilespmem:s6+$0xFFFFFFE0] =	vst.add.f32.msk $0xffff, v63  }
0xf4: {  	s8 =	simm.s32 $0xC0;
	s7 =	simm.s32 $0x0;
	[tilespmem:s6+$0xFFFFFFF0] =	vst.add.f32.msk $0xffff, v5  }
.LBB2_18:
0xf5: {  	v0 =	vld [tilespmem:s8+$0x30];
	s7 =	sadd.s32 $0x80, s7  }
0xf6: {  	v1 =	vld [tilespmem:s8+$0xFFFFFFD0];
	p0 =	slt.u32 s7, $0x7F80  }
0xf7: {  	v2 =	vld [tilespmem:s8+$0xFFFFFFE0]  }
0xf8: {  	v3 =	vld [tilespmem:s8+$0xFFFFFFF0]  }
0xf9: {  	s6 =	sadd.s32 $0x100, s6;
	v4 =	vld [tilespmem:s8+$0x0]  }
0xfa: {  	[tilespmem:s6+$0x0] =	vst.add.f32.msk $0xffff, v0  }
0xfb: {  	v0 =	vld [tilespmem:s8+$0x10]  }
0xfc: {  	v5 =	vld [tilespmem:s8+$0x20]  }
0xfd: {  	v6 =	vld [tilespmem:s8+$0xFFFFFFC0]  }
0xfe: {  	[tilespmem:s6+$0xFFFFFFA0] =	vst.add.f32.msk $0xffff, v1  }
0xff: {  	[tilespmem:s6+$0xFFFFFFB0] =	vst.add.f32.msk $0xffff, v2  }
.Ltmp8:
0x100: {  	[tilespmem:s6+$0xFFFFFFC0] =	vst.add.f32.msk $0xffff, v3;
	(pc) =	sbr.rel @p0 .LBB2_18-.Ltmp8, $4  }
0x101: {  	[tilespmem:s6+$0xFFFFFFD0] =	vst.add.f32.msk $0xffff, v4  }
0x102: {  	[tilespmem:s6+$0xFFFFFF90] =	vst.add.f32.msk $0xffff, v6  }
0x103: {  	[tilespmem:s6+$0xFFFFFFE0] =	vst.add.f32.msk $0xffff, v0  }
0x104: {  	s8 =	sadd.s32 $0x80, s8;
	[tilespmem:s6+$0xFFFFFFF0] =	vst.add.f32.msk $0xffff, v5  }
0x105: {  	s6 =	simm.s32 $0x8000;
	s13 =	rddreg [dreg:$0x7]  }
0x106: {  	s7 =	simm.s32 $0x10;
	s8 =	simm.s32 $0x8100;
	s10 =	sadd.s32 $0x0, s13  }
.LBB2_20:
0x107: {  	[hbm4b:s10+s1] =	stream.linear.scatter [tilespmem:s6], [sflag:$0x4], $0x80, $0x38;
	[tilespmem:$0x18000] =	vst v63  }
0x108: {  	s10 =	smov.u32 s7;
	s6 =	smov.u32 s8;
	p0 =	sne.s32 s7, $0xFF0  }
.Ltmp9:
0x109: {  	s7 =	sadd.s32 $0x10, s7;
	(pc) =	sbr.rel @p0 .LBB2_20-.Ltmp9, $2  }
0x10a: {  	_ =	sdelay $0x2  }
0x10b: {  	s8 =	sadd.s32 $0x100, s8;
	s10 =	sadd.s32 s10, s13  }
0x10c: {  	[hbm4b:s10+s1] =	stream.linear.scatter [tilespmem:s6], [sflag:$0x4], $0x80, $0x38;
	[tilespmem:$0x18000] =	vst v63  }
0x10d: {  	s19 =	simm.s32 $0x4  }
0x10e: {  	s6 =	simm.s32 $0x8000;
	_ =	swait.ge [sflag:s19], $0x8000  }
0x10f: {  	s7 =	simm.s32 $0x10;
	[sflag:s19] =	ssyncset.done $0x0;
	s13 =	rddreg [dreg:$0x8]  }
0x110: {  	s8 =	simm.s32 $0x8100;
	[sflag:s19] =	ssyncadd.s32 $0xFFFF8000;
	s10 =	sadd.s32 $0x0, s13  }
.LBB2_22:
0x111: {  	[tilespmem:s6], [sflag:$0x2] =	stream.linear.gather [hbm4b:s10+s1], $0x80, $0x38;
	[tilespmem:$0x18000] =	vst v63  }
0x112: {  	s10 =	smov.u32 s7;
	s6 =	smov.u32 s8;
	p0 =	sne.s32 s7, $0xFF0  }
.Ltmp10:
0x113: {  	s7 =	sadd.s32 $0x10, s7;
	(pc) =	sbr.rel @p0 .LBB2_22-.Ltmp10, $2  }
0x114: {  	_ =	sdelay $0x2  }
0x115: {  	s8 =	sadd.s32 $0x100, s8;
	s10 =	sadd.s32 s10, s13  }
0x116: {  	[tilespmem:s6], [sflag:$0x2] =	stream.linear.gather [hbm4b:s10+s1], $0x80, $0x38;
	[tilespmem:$0x18000] =	vst v63  }
0x117: {  	s19 =	simm.s32 $0x3  }
0x118: {  	_ =	swait.ge [sflag:s19], $0x8000  }
0x119: {  	[sflag:s19] =	ssyncset.done $0x0  }
0x11a: {  	s7 =	simm.s32 $0x40;
	[sflag:s19] =	ssyncadd.s32 $0xFFFF8000  }
0x11b: {  	v0 =	vld [tilespmem:s7+$0x30]  }
0x11c: {  	v1 =	vld [tilespmem:s7+$0xFFFFFFD0]  }
0x11d: {  	v2 =	vld [tilespmem:s7+$0xFFFFFFE0]  }
0x11e: {  	v3 =	vld [tilespmem:s7+$0xFFFFFFF0]  }
0x11f: {  	v4 =	vld [tilespmem:s7+$0x0]  }
0x120: {  	v63 =	vld [tilespmem:s7+$0x10]  }
0x121: {  	v5 =	vld [tilespmem:s7+$0x20]  }
0x122: {  	s6 =	simm.s32 $0x80F0;
	v6 =	vld [tilespmem:s7+$0xFFFFFFC0]  }
0x123: {  	[tilespmem:s6+$0x0] =	vst.add.f32.msk $0xffff, v0  }
0x124: {  	[tilespmem:s6+$0xFFFFFFA0] =	vst.add.f32.msk $0xffff, v1  }
0x125: {  	[tilespmem:s6+$0xFFFFFFB0] =	vst.add.f32.msk $0xffff, v2  }
0x126: {  	[tilespmem:s6+$0xFFFFFFC0] =	vst.add.f32.msk $0xffff, v3  }
0x127: {  	[tilespmem:s6+$0xFFFFFFD0] =	vst.add.f32.msk $0xffff, v4  }
0x128: {  	[tilespmem:s6+$0xFFFFFF90] =	vst.add.f32.msk $0xffff, v6  }
0x129: {  	[tilespmem:s6+$0xFFFFFFE0] =	vst.add.f32.msk $0xffff, v63  }
0x12a: {  	s8 =	simm.s32 $0xC0;
	s7 =	simm.s32 $0x0;
	[tilespmem:s6+$0xFFFFFFF0] =	vst.add.f32.msk $0xffff, v5  }
.LBB2_24:
0x12b: {  	v0 =	vld [tilespmem:s8+$0x30];
	s7 =	sadd.s32 $0x80, s7  }
0x12c: {  	v1 =	vld [tilespmem:s8+$0xFFFFFFD0];
	p0 =	slt.u32 s7, $0x7F80  }
0x12d: {  	v2 =	vld [tilespmem:s8+$0xFFFFFFE0]  }
0x12e: {  	v3 =	vld [tilespmem:s8+$0xFFFFFFF0]  }
0x12f: {  	s6 =	sadd.s32 $0x100, s6;
	v4 =	vld [tilespmem:s8+$0x0]  }
0x130: {  	[tilespmem:s6+$0x0] =	vst.add.f32.msk $0xffff, v0  }
0x131: {  	v0 =	vld [tilespmem:s8+$0x10]  }
0x132: {  	v5 =	vld [tilespmem:s8+$0x20]  }
0x133: {  	v6 =	vld [tilespmem:s8+$0xFFFFFFC0]  }
0x134: {  	[tilespmem:s6+$0xFFFFFFA0] =	vst.add.f32.msk $0xffff, v1  }
0x135: {  	[tilespmem:s6+$0xFFFFFFB0] =	vst.add.f32.msk $0xffff, v2  }
.Ltmp11:
0x136: {  	[tilespmem:s6+$0xFFFFFFC0] =	vst.add.f32.msk $0xffff, v3;
	(pc) =	sbr.rel @p0 .LBB2_24-.Ltmp11, $4  }
0x137: {  	[tilespmem:s6+$0xFFFFFFD0] =	vst.add.f32.msk $0xffff, v4  }
0x138: {  	[tilespmem:s6+$0xFFFFFF90] =	vst.add.f32.msk $0xffff, v6  }
0x139: {  	[tilespmem:s6+$0xFFFFFFE0] =	vst.add.f32.msk $0xffff, v0  }
0x13a: {  	s8 =	sadd.s32 $0x80, s8;
	[tilespmem:s6+$0xFFFFFFF0] =	vst.add.f32.msk $0xffff, v5  }
0x13b: {  	s6 =	simm.s32 $0x8080;
	s14 =	rddreg [dreg:$0x9]  }
0x13c: {  	s7 =	simm.s32 $0x10;
	s8 =	simm.s32 $0x8180;
	s10 =	sadd.s32 $0x0, s14  }
.LBB2_26:
0x13d: {  	[hbm4b:s10+s1] =	stream.linear.scatter [tilespmem:s6], [sflag:$0x5], $0x80, $0x38;
	[tilespmem:$0x18000] =	vst v63  }
0x13e: {  	s10 =	smov.u32 s7;
	s6 =	smov.u32 s8;
	p0 =	sne.s32 s7, $0xFF0  }
.Ltmp12:
0x13f: {  	s7 =	sadd.s32 $0x10, s7;
	(pc) =	sbr.rel @p0 .LBB2_26-.Ltmp12, $2  }
0x140: {  	_ =	sdelay $0x2  }
0x141: {  	s8 =	sadd.s32 $0x100, s8;
	s10 =	sadd.s32 s10, s14  }
0x142: {  	[hbm4b:s10+s1] =	stream.linear.scatter [tilespmem:s6], [sflag:$0x5], $0x80, $0x38;
	[tilespmem:$0x18000] =	vst v63  }
0x143: {  	s17 =	simm.s32 $0x0;
	s7 =	rddreg [dreg:$0xa];
	s19 =	simm.s32 $0x5  }
0x144: {  	[tilespmem:s17], [sflag:$0x1] =	stream.linear.gather [hbm4b:s7+s17], $0x8000, $0x38;
	[tilespmem:$0x18000] =	vst v63  }
0x145: {  	s6 =	simm.s32 $0x8080;
	_ =	swait.ge [sflag:s19], $0x8000  }
0x146: {  	s8 =	simm.s32 $0x8180;
	[sflag:s19] =	ssyncset.done $0x0;
	s14 =	rddreg [dreg:$0xb]  }
0x147: {  	s7 =	simm.s32 $0x10;
	[sflag:s19] =	ssyncadd.s32 $0xFFFF8000;
	s10 =	sadd.s32 $0x0, s14  }
.LBB2_28:
0x148: {  	[tilespmem:s6], [sflag:$0x3] =	stream.linear.gather [hbm4b:s10+s1], $0x80, $0x38;
	[tilespmem:$0x18000] =	vst v63  }
0x149: {  	s10 =	smov.u32 s7;
	s6 =	smov.u32 s8;
	p0 =	sne.s32 s7, $0xFF0  }
.Ltmp13:
0x14a: {  	s7 =	sadd.s32 $0x10, s7;
	(pc) =	sbr.rel @p0 .LBB2_28-.Ltmp13, $2  }
0x14b: {  	_ =	sdelay $0x2  }
0x14c: {  	s8 =	sadd.s32 $0x100, s8;
	s10 =	sadd.s32 s10, s14  }
0x14d: {  	[tilespmem:s6], [sflag:$0x3] =	stream.linear.gather [hbm4b:s10+s1], $0x80, $0x38;
	[tilespmem:$0x18000] =	vst v63  }
0x14e: {  	s17 =	simm.s32 $0x1  }
0x14f: {  	_ =	swait.ge [sflag:s17], $0x8000  }
0x150: {  	[sflag:s17] =	ssyncset.done $0x0  }
0x151: {  	s19 =	simm.s32 $0x2;
	[sflag:s17] =	ssyncadd.s32 $0xFFFF8000  }
0x152: {  	_ =	swait.ge [sflag:s19], $0x8000  }
0x153: {  	[sflag:s19] =	ssyncset.done $0x0  }
0x154: {  	s7 =	simm.s32 $0x40;
	[sflag:s19] =	ssyncadd.s32 $0xFFFF8000  }
0x155: {  	v0 =	vld [tilespmem:s7+$0x30]  }
0x156: {  	v1 =	vld [tilespmem:s7+$0xFFFFFFD0]  }
0x157: {  	v2 =	vld [tilespmem:s7+$0xFFFFFFE0]  }
0x158: {  	v3 =	vld [tilespmem:s7+$0xFFFFFFF0]  }
0x159: {  	v4 =	vld [tilespmem:s7+$0x0]  }
0x15a: {  	v63 =	vld [tilespmem:s7+$0x10]  }
0x15b: {  	v5 =	vld [tilespmem:s7+$0x20]  }
0x15c: {  	s6 =	simm.s32 $0x8070;
	v6 =	vld [tilespmem:s7+$0xFFFFFFC0]  }
0x15d: {  	[tilespmem:s6+$0x0] =	vst.add.f32.msk $0xffff, v0  }
0x15e: {  	[tilespmem:s6+$0xFFFFFFA0] =	vst.add.f32.msk $0xffff, v1  }
0x15f: {  	[tilespmem:s6+$0xFFFFFFB0] =	vst.add.f32.msk $0xffff, v2  }
0x160: {  	[tilespmem:s6+$0xFFFFFFC0] =	vst.add.f32.msk $0xffff, v3  }
0x161: {  	[tilespmem:s6+$0xFFFFFFD0] =	vst.add.f32.msk $0xffff, v4  }
0x162: {  	[tilespmem:s6+$0xFFFFFF90] =	vst.add.f32.msk $0xffff, v6  }
0x163: {  	[tilespmem:s6+$0xFFFFFFE0] =	vst.add.f32.msk $0xffff, v63  }
0x164: {  	s8 =	simm.s32 $0xC0;
	s7 =	simm.s32 $0x0;
	[tilespmem:s6+$0xFFFFFFF0] =	vst.add.f32.msk $0xffff, v5  }
.LBB2_30:
0x165: {  	v0 =	vld [tilespmem:s8+$0x30];
	s7 =	sadd.s32 $0x80, s7  }
0x166: {  	v1 =	vld [tilespmem:s8+$0xFFFFFFD0];
	p0 =	slt.u32 s7, $0x7F80  }
0x167: {  	v2 =	vld [tilespmem:s8+$0xFFFFFFE0]  }
0x168: {  	v3 =	vld [tilespmem:s8+$0xFFFFFFF0]  }
0x169: {  	s6 =	sadd.s32 $0x100, s6;
	v4 =	vld [tilespmem:s8+$0x0]  }
0x16a: {  	[tilespmem:s6+$0x0] =	vst.add.f32.msk $0xffff, v0  }
0x16b: {  	v0 =	vld [tilespmem:s8+$0x10]  }
0x16c: {  	v5 =	vld [tilespmem:s8+$0x20]  }
0x16d: {  	v6 =	vld [tilespmem:s8+$0xFFFFFFC0]  }
0x16e: {  	[tilespmem:s6+$0xFFFFFFA0] =	vst.add.f32.msk $0xffff, v1  }
0x16f: {  	[tilespmem:s6+$0xFFFFFFB0] =	vst.add.f32.msk $0xffff, v2  }
.Ltmp14:
0x170: {  	[tilespmem:s6+$0xFFFFFFC0] =	vst.add.f32.msk $0xffff, v3;
	(pc) =	sbr.rel @p0 .LBB2_30-.Ltmp14, $4  }
0x171: {  	[tilespmem:s6+$0xFFFFFFD0] =	vst.add.f32.msk $0xffff, v4  }
0x172: {  	[tilespmem:s6+$0xFFFFFF90] =	vst.add.f32.msk $0xffff, v6  }
0x173: {  	[tilespmem:s6+$0xFFFFFFE0] =	vst.add.f32.msk $0xffff, v0  }
0x174: {  	s8 =	sadd.s32 $0x80, s8;
	[tilespmem:s6+$0xFFFFFFF0] =	vst.add.f32.msk $0xffff, v5  }
0x175: {  	s6 =	simm.s32 $0x8000;
	s15 =	rddreg [dreg:$0xc]  }
0x176: {  	s7 =	simm.s32 $0x10;
	s8 =	simm.s32 $0x8100;
	s10 =	sadd.s32 $0x0, s15  }
.LBB2_32:
0x177: {  	[hbm4b:s10+s1] =	stream.linear.scatter [tilespmem:s6], [sflag:$0x4], $0x80, $0x38;
	[tilespmem:$0x18000] =	vst v63  }
0x178: {  	s10 =	smov.u32 s7;
	s6 =	smov.u32 s8;
	p0 =	sne.s32 s7, $0xFF0  }
.Ltmp15:
0x179: {  	s7 =	sadd.s32 $0x10, s7;
	(pc) =	sbr.rel @p0 .LBB2_32-.Ltmp15, $2  }
0x17a: {  	_ =	sdelay $0x2  }
0x17b: {  	s8 =	sadd.s32 $0x100, s8;
	s10 =	sadd.s32 s10, s15  }
0x17c: {  	[hbm4b:s10+s1] =	stream.linear.scatter [tilespmem:s6], [sflag:$0x4], $0x80, $0x38;
	[tilespmem:$0x18000] =	vst v63  }
0x17d: {  	s19 =	simm.s32 $0x4  }
0x17e: {  	s6 =	simm.s32 $0x8000;
	_ =	swait.ge [sflag:s19], $0x8000  }
0x17f: {  	s7 =	simm.s32 $0x10;
	[sflag:s19] =	ssyncset.done $0x0;
	s15 =	rddreg [dreg:$0xd]  }
0x180: {  	s8 =	simm.s32 $0x8100;
	[sflag:s19] =	ssyncadd.s32 $0xFFFF8000;
	s10 =	sadd.s32 $0x0, s15  }
.LBB2_34:
0x181: {  	[tilespmem:s6], [sflag:$0x2] =	stream.linear.gather [hbm4b:s10+s1], $0x80, $0x38;
	[tilespmem:$0x18000] =	vst v63  }
0x182: {  	s10 =	smov.u32 s7;
	s6 =	smov.u32 s8;
	p0 =	sne.s32 s7, $0xFF0  }
.Ltmp16:
0x183: {  	s7 =	sadd.s32 $0x10, s7;
	(pc) =	sbr.rel @p0 .LBB2_34-.Ltmp16, $2  }
0x184: {  	_ =	sdelay $0x2  }
0x185: {  	s8 =	sadd.s32 $0x100, s8;
	s10 =	sadd.s32 s10, s15  }
0x186: {  	[tilespmem:s6], [sflag:$0x2] =	stream.linear.gather [hbm4b:s10+s1], $0x80, $0x38;
	[tilespmem:$0x18000] =	vst v63  }
0x187: {  	s19 =	simm.s32 $0x3  }
0x188: {  	_ =	swait.ge [sflag:s19], $0x8000  }
0x189: {  	[sflag:s19] =	ssyncset.done $0x0  }
0x18a: {  	s7 =	simm.s32 $0x40;
	[sflag:s19] =	ssyncadd.s32 $0xFFFF8000  }
0x18b: {  	v0 =	vld [tilespmem:s7+$0x30]  }
0x18c: {  	v1 =	vld [tilespmem:s7+$0xFFFFFFD0]  }
0x18d: {  	v2 =	vld [tilespmem:s7+$0xFFFFFFE0]  }
0x18e: {  	v3 =	vld [tilespmem:s7+$0xFFFFFFF0]  }
0x18f: {  	v4 =	vld [tilespmem:s7+$0x0]  }
0x190: {  	v63 =	vld [tilespmem:s7+$0x10]  }
0x191: {  	v5 =	vld [tilespmem:s7+$0x20]  }
0x192: {  	s6 =	simm.s32 $0x80F0;
	v6 =	vld [tilespmem:s7+$0xFFFFFFC0]  }
0x193: {  	[tilespmem:s6+$0x0] =	vst.add.f32.msk $0xffff, v0  }
0x194: {  	[tilespmem:s6+$0xFFFFFFA0] =	vst.add.f32.msk $0xffff, v1  }
0x195: {  	[tilespmem:s6+$0xFFFFFFB0] =	vst.add.f32.msk $0xffff, v2  }
0x196: {  	[tilespmem:s6+$0xFFFFFFC0] =	vst.add.f32.msk $0xffff, v3  }
0x197: {  	[tilespmem:s6+$0xFFFFFFD0] =	vst.add.f32.msk $0xffff, v4  }
0x198: {  	[tilespmem:s6+$0xFFFFFF90] =	vst.add.f32.msk $0xffff, v6  }
0x199: {  	[tilespmem:s6+$0xFFFFFFE0] =	vst.add.f32.msk $0xffff, v63  }
0x19a: {  	s8 =	simm.s32 $0xC0;
	s7 =	simm.s32 $0x0;
	[tilespmem:s6+$0xFFFFFFF0] =	vst.add.f32.msk $0xffff, v5  }
.LBB2_36:
0x19b: {  	v0 =	vld [tilespmem:s8+$0x30];
	s7 =	sadd.s32 $0x80, s7  }
0x19c: {  	v1 =	vld [tilespmem:s8+$0xFFFFFFD0];
	p0 =	slt.u32 s7, $0x7F80  }
0x19d: {  	v2 =	vld [tilespmem:s8+$0xFFFFFFE0]  }
0x19e: {  	v3 =	vld [tilespmem:s8+$0xFFFFFFF0]  }
0x19f: {  	s6 =	sadd.s32 $0x100, s6;
	v4 =	vld [tilespmem:s8+$0x0]  }
0x1a0: {  	[tilespmem:s6+$0x0] =	vst.add.f32.msk $0xffff, v0  }
0x1a1: {  	v0 =	vld [tilespmem:s8+$0x10]  }
0x1a2: {  	v5 =	vld [tilespmem:s8+$0x20]  }
0x1a3: {  	v6 =	vld [tilespmem:s8+$0xFFFFFFC0]  }
0x1a4: {  	[tilespmem:s6+$0xFFFFFFA0] =	vst.add.f32.msk $0xffff, v1  }
0x1a5: {  	[tilespmem:s6+$0xFFFFFFB0] =	vst.add.f32.msk $0xffff, v2  }
.Ltmp17:
0x1a6: {  	[tilespmem:s6+$0xFFFFFFC0] =	vst.add.f32.msk $0xffff, v3;
	(pc) =	sbr.rel @p0 .LBB2_36-.Ltmp17, $4  }
0x1a7: {  	[tilespmem:s6+$0xFFFFFFD0] =	vst.add.f32.msk $0xffff, v4  }
0x1a8: {  	[tilespmem:s6+$0xFFFFFF90] =	vst.add.f32.msk $0xffff, v6  }
0x1a9: {  	[tilespmem:s6+$0xFFFFFFE0] =	vst.add.f32.msk $0xffff, v0  }
0x1aa: {  	s8 =	sadd.s32 $0x80, s8;
	[tilespmem:s6+$0xFFFFFFF0] =	vst.add.f32.msk $0xffff, v5  }
0x1ab: {  	s6 =	simm.s32 $0x8080;
	s16 =	rddreg [dreg:$0xe]  }
0x1ac: {  	s7 =	simm.s32 $0x10;
	s8 =	simm.s32 $0x8180;
	s10 =	sadd.s32 $0x0, s16  }
.LBB2_38:
0x1ad: {  	[hbm4b:s10+s1] =	stream.linear.scatter [tilespmem:s6], [sflag:$0x5], $0x80, $0x38;
	[tilespmem:$0x18000] =	vst v63  }
0x1ae: {  	s10 =	smov.u32 s7;
	s6 =	smov.u32 s8;
	p0 =	sne.s32 s7, $0xFF0  }
.Ltmp18:
0x1af: {  	s7 =	sadd.s32 $0x10, s7;
	(pc) =	sbr.rel @p0 .LBB2_38-.Ltmp18, $2  }
0x1b0: {  	_ =	sdelay $0x2  }
0x1b1: {  	s8 =	sadd.s32 $0x100, s8;
	s10 =	sadd.s32 s10, s16  }
0x1b2: {  	[hbm4b:s10+s1] =	stream.linear.scatter [tilespmem:s6], [sflag:$0x5], $0x80, $0x38;
	[tilespmem:$0x18000] =	vst v63  }
0x1b3: {  	s19 =	simm.s32 $0x5  }
0x1b4: {  	s6 =	simm.s32 $0x8080;
	_ =	swait.ge [sflag:s19], $0x8000  }
0x1b5: {  	s7 =	simm.s32 $0x10;
	[sflag:s19] =	ssyncset.done $0x0;
	s16 =	rddreg [dreg:$0xf]  }
0x1b6: {  	s8 =	simm.s32 $0x8180;
	[sflag:s19] =	ssyncadd.s32 $0xFFFF8000;
	s10 =	sadd.s32 $0x0, s16  }
.LBB2_40:
0x1b7: {  	[tilespmem:s6], [sflag:$0x3] =	stream.linear.gather [hbm4b:s10+s1], $0x80, $0x38;
	[tilespmem:$0x18000] =	vst v63  }
0x1b8: {  	s10 =	smov.u32 s7;
	s6 =	smov.u32 s8;
	p0 =	sne.s32 s7, $0xFF0  }
.Ltmp19:
0x1b9: {  	s7 =	sadd.s32 $0x10, s7;
	(pc) =	sbr.rel @p0 .LBB2_40-.Ltmp19, $2  }
0x1ba: {  	_ =	sdelay $0x2  }
0x1bb: {  	s8 =	sadd.s32 $0x100, s8;
	s10 =	sadd.s32 s10, s16  }
0x1bc: {  	[tilespmem:s6], [sflag:$0x3] =	stream.linear.gather [hbm4b:s10+s1], $0x80, $0x38;
	[tilespmem:$0x18000] =	vst v63  }
0x1bd: {  	s19 =	simm.s32 $0x2  }
0x1be: {  	_ =	swait.ge [sflag:s19], $0x8000  }
0x1bf: {  	[sflag:s19] =	ssyncset.done $0x0  }
0x1c0: {  	s7 =	simm.s32 $0x40;
	[sflag:s19] =	ssyncadd.s32 $0xFFFF8000  }
0x1c1: {  	v0 =	vld [tilespmem:s7+$0x30]  }
0x1c2: {  	v1 =	vld [tilespmem:s7+$0xFFFFFFD0]  }
0x1c3: {  	v2 =	vld [tilespmem:s7+$0xFFFFFFE0]  }
0x1c4: {  	v3 =	vld [tilespmem:s7+$0xFFFFFFF0]  }
0x1c5: {  	v4 =	vld [tilespmem:s7+$0x0]  }
0x1c6: {  	v63 =	vld [tilespmem:s7+$0x10]  }
0x1c7: {  	v5 =	vld [tilespmem:s7+$0x20]  }
0x1c8: {  	s6 =	simm.s32 $0x8070;
	v6 =	vld [tilespmem:s7+$0xFFFFFFC0]  }
0x1c9: {  	[tilespmem:s6+$0x0] =	vst.add.f32.msk $0xffff, v0  }
0x1ca: {  	[tilespmem:s6+$0xFFFFFFA0] =	vst.add.f32.msk $0xffff, v1  }
0x1cb: {  	[tilespmem:s6+$0xFFFFFFB0] =	vst.add.f32.msk $0xffff, v2  }
0x1cc: {  	[tilespmem:s6+$0xFFFFFFC0] =	vst.add.f32.msk $0xffff, v3  }
0x1cd: {  	[tilespmem:s6+$0xFFFFFFD0] =	vst.add.f32.msk $0xffff, v4  }
0x1ce: {  	[tilespmem:s6+$0xFFFFFF90] =	vst.add.f32.msk $0xffff, v6  }
0x1cf: {  	[tilespmem:s6+$0xFFFFFFE0] =	vst.add.f32.msk $0xffff, v63  }
0x1d0: {  	s8 =	simm.s32 $0xC0;
	s7 =	simm.s32 $0x0;
	[tilespmem:s6+$0xFFFFFFF0] =	vst.add.f32.msk $0xffff, v5  }
.LBB2_42:
0x1d1: {  	v0 =	vld [tilespmem:s8+$0x30];
	s7 =	sadd.s32 $0x80, s7  }
0x1d2: {  	v1 =	vld [tilespmem:s8+$0xFFFFFFD0];
	p0 =	slt.u32 s7, $0x7F80  }
0x1d3: {  	v2 =	vld [tilespmem:s8+$0xFFFFFFE0]  }
0x1d4: {  	v3 =	vld [tilespmem:s8+$0xFFFFFFF0]  }
0x1d5: {  	s6 =	sadd.s32 $0x100, s6;
	v4 =	vld [tilespmem:s8+$0x0]  }
0x1d6: {  	[tilespmem:s6+$0x0] =	vst.add.f32.msk $0xffff, v0  }
0x1d7: {  	v0 =	vld [tilespmem:s8+$0x10]  }
0x1d8: {  	v5 =	vld [tilespmem:s8+$0x20]  }
0x1d9: {  	v6 =	vld [tilespmem:s8+$0xFFFFFFC0]  }
0x1da: {  	[tilespmem:s6+$0xFFFFFFA0] =	vst.add.f32.msk $0xffff, v1  }
0x1db: {  	[tilespmem:s6+$0xFFFFFFB0] =	vst.add.f32.msk $0xffff, v2  }
.Ltmp20:
0x1dc: {  	[tilespmem:s6+$0xFFFFFFC0] =	vst.add.f32.msk $0xffff, v3;
	(pc) =	sbr.rel @p0 .LBB2_42-.Ltmp20, $4  }
0x1dd: {  	[tilespmem:s6+$0xFFFFFFD0] =	vst.add.f32.msk $0xffff, v4  }
0x1de: {  	[tilespmem:s6+$0xFFFFFF90] =	vst.add.f32.msk $0xffff, v6  }
0x1df: {  	[tilespmem:s6+$0xFFFFFFE0] =	vst.add.f32.msk $0xffff, v0  }
0x1e0: {  	s8 =	sadd.s32 $0x80, s8;
	[tilespmem:s6+$0xFFFFFFF0] =	vst.add.f32.msk $0xffff, v5  }
0x1e1: {  	s6 =	simm.s32 $0x8000;
	s17 =	rddreg [dreg:$0x10]  }
0x1e2: {  	s7 =	simm.s32 $0x10;
	s8 =	simm.s32 $0x8100;
	s10 =	sadd.s32 $0x0, s17  }
.LBB2_44:
0x1e3: {  	[hbm4b:s10+s1] =	stream.linear.scatter [tilespmem:s6], [sflag:$0x4], $0x80, $0x38;
	[tilespmem:$0x18000] =	vst v63  }
0x1e4: {  	s10 =	smov.u32 s7;
	s6 =	smov.u32 s8;
	p0 =	sne.s32 s7, $0xFF0  }
.Ltmp21:
0x1e5: {  	s7 =	sadd.s32 $0x10, s7;
	(pc) =	sbr.rel @p0 .LBB2_44-.Ltmp21, $2  }
0x1e6: {  	_ =	sdelay $0x2  }
0x1e7: {  	s8 =	sadd.s32 $0x100, s8;
	s10 =	sadd.s32 s10, s17  }
0x1e8: {  	[hbm4b:s10+s1] =	stream.linear.scatter [tilespmem:s6], [sflag:$0x4], $0x80, $0x38;
	[tilespmem:$0x18000] =	vst v63  }
0x1e9: {  	s19 =	simm.s32 $0x4  }
0x1ea: {  	s6 =	simm.s32 $0x8000;
	_ =	swait.ge [sflag:s19], $0x8000  }
0x1eb: {  	s7 =	simm.s32 $0x10;
	[sflag:s19] =	ssyncset.done $0x0;
	s17 =	rddreg [dreg:$0x11]  }
0x1ec: {  	s8 =	simm.s32 $0x8100;
	[sflag:s19] =	ssyncadd.s32 $0xFFFF8000;
	s10 =	sadd.s32 $0x0, s17  }
.LBB2_46:
0x1ed: {  	[tilespmem:s6], [sflag:$0x2] =	stream.linear.gather [hbm4b:s10+s1], $0x80, $0x38;
	[tilespmem:$0x18000] =	vst v63  }
0x1ee: {  	s10 =	smov.u32 s7;
	s6 =	smov.u32 s8;
	p0 =	sne.s32 s7, $0xFF0  }
.Ltmp22:
0x1ef: {  	s7 =	sadd.s32 $0x10, s7;
	(pc) =	sbr.rel @p0 .LBB2_46-.Ltmp22, $2  }
0x1f0: {  	_ =	sdelay $0x2  }
0x1f1: {  	s8 =	sadd.s32 $0x100, s8;
	s10 =	sadd.s32 s10, s17  }
0x1f2: {  	[tilespmem:s6], [sflag:$0x2] =	stream.linear.gather [hbm4b:s10+s1], $0x80, $0x38;
	[tilespmem:$0x18000] =	vst v63  }
0x1f3: {  	s19 =	simm.s32 $0x3  }
0x1f4: {  	_ =	swait.ge [sflag:s19], $0x8000  }
0x1f5: {  	[sflag:s19] =	ssyncset.done $0x0  }
0x1f6: {  	s7 =	simm.s32 $0x40;
	[sflag:s19] =	ssyncadd.s32 $0xFFFF8000  }
0x1f7: {  	v0 =	vld [tilespmem:s7+$0x30]  }
0x1f8: {  	v1 =	vld [tilespmem:s7+$0xFFFFFFD0]  }
0x1f9: {  	v2 =	vld [tilespmem:s7+$0xFFFFFFE0]  }
0x1fa: {  	v3 =	vld [tilespmem:s7+$0xFFFFFFF0]  }
0x1fb: {  	v4 =	vld [tilespmem:s7+$0x0]  }
0x1fc: {  	v63 =	vld [tilespmem:s7+$0x10]  }
0x1fd: {  	v5 =	vld [tilespmem:s7+$0x20]  }
0x1fe: {  	s6 =	simm.s32 $0x80F0;
	v6 =	vld [tilespmem:s7+$0xFFFFFFC0]  }
0x1ff: {  	[tilespmem:s6+$0x0] =	vst.add.f32.msk $0xffff, v0  }
0x200: {  	[tilespmem:s6+$0xFFFFFFA0] =	vst.add.f32.msk $0xffff, v1  }
0x201: {  	[tilespmem:s6+$0xFFFFFFB0] =	vst.add.f32.msk $0xffff, v2  }
0x202: {  	[tilespmem:s6+$0xFFFFFFC0] =	vst.add.f32.msk $0xffff, v3  }
0x203: {  	[tilespmem:s6+$0xFFFFFFD0] =	vst.add.f32.msk $0xffff, v4  }
0x204: {  	[tilespmem:s6+$0xFFFFFF90] =	vst.add.f32.msk $0xffff, v6  }
0x205: {  	[tilespmem:s6+$0xFFFFFFE0] =	vst.add.f32.msk $0xffff, v63  }
0x206: {  	s8 =	simm.s32 $0xC0;
	s7 =	simm.s32 $0x0;
	[tilespmem:s6+$0xFFFFFFF0] =	vst.add.f32.msk $0xffff, v5  }
.LBB2_48:
0x207: {  	v0 =	vld [tilespmem:s8+$0x30];
	s7 =	sadd.s32 $0x80, s7  }
0x208: {  	v1 =	vld [tilespmem:s8+$0xFFFFFFD0];
	p0 =	slt.u32 s7, $0x7F80  }
0x209: {  	v2 =	vld [tilespmem:s8+$0xFFFFFFE0]  }
0x20a: {  	v3 =	vld [tilespmem:s8+$0xFFFFFFF0]  }
0x20b: {  	s6 =	sadd.s32 $0x100, s6;
	v4 =	vld [tilespmem:s8+$0x0]  }
0x20c: {  	[tilespmem:s6+$0x0] =	vst.add.f32.msk $0xffff, v0  }
0x20d: {  	v0 =	vld [tilespmem:s8+$0x10]  }
0x20e: {  	v5 =	vld [tilespmem:s8+$0x20]  }
0x20f: {  	v6 =	vld [tilespmem:s8+$0xFFFFFFC0]  }
0x210: {  	[tilespmem:s6+$0xFFFFFFA0] =	vst.add.f32.msk $0xffff, v1  }
0x211: {  	[tilespmem:s6+$0xFFFFFFB0] =	vst.add.f32.msk $0xffff, v2  }
.Ltmp23:
0x212: {  	[tilespmem:s6+$0xFFFFFFC0] =	vst.add.f32.msk $0xffff, v3;
	(pc) =	sbr.rel @p0 .LBB2_48-.Ltmp23, $4  }
0x213: {  	[tilespmem:s6+$0xFFFFFFD0] =	vst.add.f32.msk $0xffff, v4  }
0x214: {  	[tilespmem:s6+$0xFFFFFF90] =	vst.add.f32.msk $0xffff, v6  }
0x215: {  	[tilespmem:s6+$0xFFFFFFE0] =	vst.add.f32.msk $0xffff, v0  }
0x216: {  	s8 =	sadd.s32 $0x80, s8;
	[tilespmem:s6+$0xFFFFFFF0] =	vst.add.f32.msk $0xffff, v5  }
0x217: {  	s6 =	simm.s32 $0x8080;
	s19 =	rddreg [dreg:$0x12]  }
0x218: {  	s7 =	simm.s32 $0x10;
	s8 =	simm.s32 $0x8180;
	s10 =	sadd.s32 $0x0, s19  }
.LBB2_50:
0x219: {  	[hbm4b:s10+s1] =	stream.linear.scatter [tilespmem:s6], [sflag:$0x5], $0x80, $0x38;
	[tilespmem:$0x18000] =	vst v63  }
0x21a: {  	s10 =	smov.u32 s7;
	s6 =	smov.u32 s8;
	p0 =	sne.s32 s7, $0xFF0  }
.Ltmp24:
0x21b: {  	s7 =	sadd.s32 $0x10, s7;
	(pc) =	sbr.rel @p0 .LBB2_50-.Ltmp24, $2  }
0x21c: {  	_ =	sdelay $0x2  }
0x21d: {  	s8 =	sadd.s32 $0x100, s8;
	s10 =	sadd.s32 s10, s19  }
0x21e: {  	[hbm4b:s10+s1] =	stream.linear.scatter [tilespmem:s6], [sflag:$0x5], $0x80, $0x38;
	[tilespmem:$0x18000] =	vst v63  }
0x21f: {  	s17 =	simm.s32 $0x0;
	s7 =	rddreg [dreg:$0x13];
	s19 =	simm.s32 $0x5  }
0x220: {  	[tilespmem:s17], [sflag:$0x1] =	stream.linear.gather [hbm4b:s7+s17], $0x8000, $0x38;
	[tilespmem:$0x18000] =	vst v63  }
0x221: {  	_ =	swait.ge [sflag:s19], $0x8000  }
0x222: {  	[sflag:s19] =	ssyncset.done $0x0  }
0x223: {  	s6 =	simm.s32 $0x8080;
	[sflag:s19] =	ssyncadd.s32 $0xFFFF8000;
	s19 =	rddreg [dreg:$0x15]  }
0x224: {  	s8 =	simm.s32 $0x8180;
	s7 =	simm.s32 $0x10;
	s10 =	sadd.s32 $0x0, s19  }
.LBB2_52:
0x225: {  	[tilespmem:s6], [sflag:$0x3] =	stream.linear.gather [hbm4b:s10+s1], $0x80, $0x38;
	[tilespmem:$0x18000] =	vst v63  }
0x226: {  	s10 =	smov.u32 s7;
	s6 =	smov.u32 s8;
	p0 =	sne.s32 s7, $0xFF0  }
.Ltmp25:
0x227: {  	s7 =	sadd.s32 $0x10, s7;
	(pc) =	sbr.rel @p0 .LBB2_52-.Ltmp25, $2  }
0x228: {  	_ =	sdelay $0x2  }
0x229: {  	s8 =	sadd.s32 $0x100, s8;
	s10 =	sadd.s32 s10, s19  }
0x22a: {  	[tilespmem:s6], [sflag:$0x3] =	stream.linear.gather [hbm4b:s10+s1], $0x80, $0x38;
	[tilespmem:$0x18000] =	vst v63  }
0x22b: {  	s17 =	simm.s32 $0x1  }
0x22c: {  	_ =	swait.ge [sflag:s17], $0x8000  }
0x22d: {  	[sflag:s17] =	ssyncset.done $0x0  }
0x22e: {  	s19 =	simm.s32 $0x2;
	[sflag:s17] =	ssyncadd.s32 $0xFFFF8000  }
0x22f: {  	_ =	swait.ge [sflag:s19], $0x8000  }
0x230: {  	[sflag:s19] =	ssyncset.done $0x0  }
0x231: {  	s7 =	simm.s32 $0x40;
	[sflag:s19] =	ssyncadd.s32 $0xFFFF8000  }
0x232: {  	v0 =	vld [tilespmem:s7+$0x30]  }
0x233: {  	v1 =	vld [tilespmem:s7+$0xFFFFFFD0]  }
0x234: {  	v2 =	vld [tilespmem:s7+$0xFFFFFFE0]  }
0x235: {  	v3 =	vld [tilespmem:s7+$0xFFFFFFF0]  }
0x236: {  	v4 =	vld [tilespmem:s7+$0x0]  }
0x237: {  	v63 =	vld [tilespmem:s7+$0x10]  }
0x238: {  	v5 =	vld [tilespmem:s7+$0x20]  }
0x239: {  	s6 =	simm.s32 $0x8070;
	v6 =	vld [tilespmem:s7+$0xFFFFFFC0]  }
0x23a: {  	[tilespmem:s6+$0x0] =	vst.add.f32.msk $0xffff, v0  }
0x23b: {  	[tilespmem:s6+$0xFFFFFFA0] =	vst.add.f32.msk $0xffff, v1  }
0x23c: {  	[tilespmem:s6+$0xFFFFFFB0] =	vst.add.f32.msk $0xffff, v2  }
0x23d: {  	[tilespmem:s6+$0xFFFFFFC0] =	vst.add.f32.msk $0xffff, v3  }
0x23e: {  	[tilespmem:s6+$0xFFFFFFD0] =	vst.add.f32.msk $0xffff, v4  }
0x23f: {  	[tilespmem:s6+$0xFFFFFF90] =	vst.add.f32.msk $0xffff, v6  }
0x240: {  	[tilespmem:s6+$0xFFFFFFE0] =	vst.add.f32.msk $0xffff, v63  }
0x241: {  	[tilespmem:s6+$0xFFFFFFF0] =	vst.add.f32.msk $0xffff, v5  }
0x242: {  	s8 =	simm.s32 $0xC0;
	s7 =	simm.s32 $0x0;
	s19 =	rddreg [dreg:$0x14]  }
.LBB2_54:
0x243: {  	v0 =	vld [tilespmem:s8+$0x30];
	s7 =	sadd.s32 $0x80, s7  }
0x244: {  	v1 =	vld [tilespmem:s8+$0xFFFFFFD0];
	p0 =	slt.u32 s7, $0x7F80  }
0x245: {  	v2 =	vld [tilespmem:s8+$0xFFFFFFE0]  }
0x246: {  	v3 =	vld [tilespmem:s8+$0xFFFFFFF0]  }
0x247: {  	s6 =	sadd.s32 $0x100, s6;
	v4 =	vld [tilespmem:s8+$0x0]  }
0x248: {  	[tilespmem:s6+$0x0] =	vst.add.f32.msk $0xffff, v0  }
0x249: {  	v0 =	vld [tilespmem:s8+$0x10]  }
0x24a: {  	v5 =	vld [tilespmem:s8+$0x20]  }
0x24b: {  	v6 =	vld [tilespmem:s8+$0xFFFFFFC0]  }
0x24c: {  	[tilespmem:s6+$0xFFFFFFA0] =	vst.add.f32.msk $0xffff, v1  }
0x24d: {  	[tilespmem:s6+$0xFFFFFFB0] =	vst.add.f32.msk $0xffff, v2  }
.Ltmp26:
0x24e: {  	[tilespmem:s6+$0xFFFFFFC0] =	vst.add.f32.msk $0xffff, v3;
	(pc) =	sbr.rel @p0 .LBB2_54-.Ltmp26, $4  }
0x24f: {  	[tilespmem:s6+$0xFFFFFFD0] =	vst.add.f32.msk $0xffff, v4  }
0x250: {  	[tilespmem:s6+$0xFFFFFF90] =	vst.add.f32.msk $0xffff, v6  }
0x251: {  	[tilespmem:s6+$0xFFFFFFE0] =	vst.add.f32.msk $0xffff, v0  }
0x252: {  	s8 =	sadd.s32 $0x80, s8;
	[tilespmem:s6+$0xFFFFFFF0] =	vst.add.f32.msk $0xffff, v5  }
0x253: {  	s6 =	simm.s32 $0x8000  }
0x254: {  	s7 =	simm.s32 $0x10;
	s10 =	sadd.s32 $0x0, s19;
	s8 =	simm.s32 $0x8100  }
.LBB2_56:
0x255: {  	[hbm4b:s10+s1] =	stream.linear.scatter [tilespmem:s6], [sflag:$0x4], $0x80, $0x38;
	[tilespmem:$0x18000] =	vst v63  }
0x256: {  	s10 =	smov.u32 s7;
	s6 =	smov.u32 s8;
	p0 =	sne.s32 s7, $0xFF0  }
.Ltmp27:
0x257: {  	s7 =	sadd.s32 $0x10, s7;
	(pc) =	sbr.rel @p0 .LBB2_56-.Ltmp27, $2  }
0x258: {  	_ =	sdelay $0x2  }
0x259: {  	s8 =	sadd.s32 $0x100, s8;
	s10 =	sadd.s32 s10, s19  }
0x25a: {  	[hbm4b:s10+s1] =	stream.linear.scatter [tilespmem:s6], [sflag:$0x4], $0x80, $0x38;
	[tilespmem:$0x18000] =	vst v63  }
0x25b: {  	s19 =	simm.s32 $0x4  }
0x25c: {  	_ =	swait.ge [sflag:s19], $0x8000  }
0x25d: {  	s6 =	simm.s32 $0x8000;
	s7 =	simm.s32 $0x10;
	[sflag:s19] =	ssyncset.done $0x0  }
0x25e: {  	s10 =	sadd.s32 $0x0, s20;
	s8 =	simm.s32 $0x8100;
	[sflag:s19] =	ssyncadd.s32 $0xFFFF8000  }
.LBB2_58:
0x25f: {  	[tilespmem:s6], [sflag:$0x2] =	stream.linear.gather [hbm4b:s10+s1], $0x80, $0x38;
	[tilespmem:$0x18000] =	vst v63  }
0x260: {  	s10 =	smov.u32 s7;
	s6 =	smov.u32 s8;
	p0 =	sne.s32 s7, $0xFF0  }
.Ltmp28:
0x261: {  	s7 =	sadd.s32 $0x10, s7;
	(pc) =	sbr.rel @p0 .LBB2_58-.Ltmp28, $2  }
0x262: {  	_ =	sdelay $0x2  }
0x263: {  	s8 =	sadd.s32 $0x100, s8;
	s10 =	sadd.s32 s10, s20  }
0x264: {  	[tilespmem:s6], [sflag:$0x2] =	stream.linear.gather [hbm4b:s10+s1], $0x80, $0x38;
	[tilespmem:$0x18000] =	vst v63  }
0x265: {  	s20 =	simm.s32 $0x3  }
0x266: {  	_ =	swait.ge [sflag:s20], $0x8000  }
0x267: {  	[sflag:s20] =	ssyncset.done $0x0  }
0x268: {  	s7 =	simm.s32 $0x40;
	[sflag:s20] =	ssyncadd.s32 $0xFFFF8000  }
0x269: {  	v0 =	vld [tilespmem:s7+$0x30]  }
0x26a: {  	v1 =	vld [tilespmem:s7+$0xFFFFFFD0]  }
0x26b: {  	v2 =	vld [tilespmem:s7+$0xFFFFFFE0]  }
0x26c: {  	v3 =	vld [tilespmem:s7+$0xFFFFFFF0]  }
0x26d: {  	v4 =	vld [tilespmem:s7+$0x0]  }
0x26e: {  	v63 =	vld [tilespmem:s7+$0x10]  }
0x26f: {  	v5 =	vld [tilespmem:s7+$0x20]  }
0x270: {  	s6 =	simm.s32 $0x80F0;
	v6 =	vld [tilespmem:s7+$0xFFFFFFC0]  }
0x271: {  	[tilespmem:s6+$0x0] =	vst.add.f32.msk $0xffff, v0  }
0x272: {  	[tilespmem:s6+$0xFFFFFFA0] =	vst.add.f32.msk $0xffff, v1  }
0x273: {  	[tilespmem:s6+$0xFFFFFFB0] =	vst.add.f32.msk $0xffff, v2  }
0x274: {  	[tilespmem:s6+$0xFFFFFFC0] =	vst.add.f32.msk $0xffff, v3  }
0x275: {  	[tilespmem:s6+$0xFFFFFFD0] =	vst.add.f32.msk $0xffff, v4  }
0x276: {  	[tilespmem:s6+$0xFFFFFF90] =	vst.add.f32.msk $0xffff, v6  }
0x277: {  	[tilespmem:s6+$0xFFFFFFE0] =	vst.add.f32.msk $0xffff, v63  }
0x278: {  	s8 =	simm.s32 $0xC0;
	s7 =	simm.s32 $0x0;
	[tilespmem:s6+$0xFFFFFFF0] =	vst.add.f32.msk $0xffff, v5  }
.LBB2_60:
0x279: {  	v0 =	vld [tilespmem:s8+$0x30];
	s7 =	sadd.s32 $0x80, s7  }
0x27a: {  	v1 =	vld [tilespmem:s8+$0xFFFFFFD0];
	p0 =	slt.u32 s7, $0x7F80  }
0x27b: {  	v2 =	vld [tilespmem:s8+$0xFFFFFFE0]  }
0x27c: {  	v3 =	vld [tilespmem:s8+$0xFFFFFFF0]  }
0x27d: {  	s6 =	sadd.s32 $0x100, s6;
	v4 =	vld [tilespmem:s8+$0x0]  }
0x27e: {  	[tilespmem:s6+$0x0] =	vst.add.f32.msk $0xffff, v0  }
0x27f: {  	v0 =	vld [tilespmem:s8+$0x10]  }
0x280: {  	v5 =	vld [tilespmem:s8+$0x20]  }
0x281: {  	v6 =	vld [tilespmem:s8+$0xFFFFFFC0]  }
0x282: {  	[tilespmem:s6+$0xFFFFFFA0] =	vst.add.f32.msk $0xffff, v1  }
0x283: {  	[tilespmem:s6+$0xFFFFFFB0] =	vst.add.f32.msk $0xffff, v2  }
.Ltmp29:
0x284: {  	[tilespmem:s6+$0xFFFFFFC0] =	vst.add.f32.msk $0xffff, v3;
	(pc) =	sbr.rel @p0 .LBB2_60-.Ltmp29, $4  }
0x285: {  	[tilespmem:s6+$0xFFFFFFD0] =	vst.add.f32.msk $0xffff, v4  }
0x286: {  	[tilespmem:s6+$0xFFFFFF90] =	vst.add.f32.msk $0xffff, v6  }
0x287: {  	[tilespmem:s6+$0xFFFFFFE0] =	vst.add.f32.msk $0xffff, v0  }
0x288: {  	s8 =	sadd.s32 $0x80, s8;
	[tilespmem:s6+$0xFFFFFFF0] =	vst.add.f32.msk $0xffff, v5  }
0x289: {  	s6 =	simm.s32 $0x8080;
	s20 =	rddreg [dreg:$0x16]  }
0x28a: {  	s7 =	simm.s32 $0x10;
	s8 =	simm.s32 $0x8180;
	s10 =	sadd.s32 $0x0, s20  }
.LBB2_62:
0x28b: {  	[hbm4b:s10+s1] =	stream.linear.scatter [tilespmem:s6], [sflag:$0x5], $0x80, $0x38;
	[tilespmem:$0x18000] =	vst v63  }
0x28c: {  	s10 =	smov.u32 s7;
	s6 =	smov.u32 s8;
	p0 =	sne.s32 s7, $0xFF0  }
.Ltmp30:
0x28d: {  	s7 =	sadd.s32 $0x10, s7;
	(pc) =	sbr.rel @p0 .LBB2_62-.Ltmp30, $2  }
0x28e: {  	_ =	sdelay $0x2  }
0x28f: {  	s8 =	sadd.s32 $0x100, s8;
	s10 =	sadd.s32 s10, s20  }
0x290: {  	[hbm4b:s10+s1] =	stream.linear.scatter [tilespmem:s6], [sflag:$0x5], $0x80, $0x38;
	[tilespmem:$0x18000] =	vst v63  }
0x291: {  	s20 =	simm.s32 $0x5  }
0x292: {  	_ =	swait.ge [sflag:s20], $0x8000  }
0x293: {  	s6 =	simm.s32 $0x8080;
	s7 =	simm.s32 $0x10;
	[sflag:s20] =	ssyncset.done $0x0  }
0x294: {  	s10 =	sadd.s32 $0x0, s21;
	s8 =	simm.s32 $0x8180;
	[sflag:s20] =	ssyncadd.s32 $0xFFFF8000  }
.LBB2_64:
0x295: {  	[tilespmem:s6], [sflag:$0x3] =	stream.linear.gather [hbm4b:s10+s1], $0x80, $0x38;
	[tilespmem:$0x18000] =	vst v63  }
0x296: {  	s10 =	smov.u32 s7;
	s6 =	smov.u32 s8;
	p0 =	sne.s32 s7, $0xFF0  }
.Ltmp31:
0x297: {  	s7 =	sadd.s32 $0x10, s7;
	(pc) =	sbr.rel @p0 .LBB2_64-.Ltmp31, $2  }
0x298: {  	_ =	sdelay $0x2  }
0x299: {  	s8 =	sadd.s32 $0x100, s8;
	s10 =	sadd.s32 s10, s21  }
0x29a: {  	[tilespmem:s6], [sflag:$0x3] =	stream.linear.gather [hbm4b:s10+s1], $0x80, $0x38;
	[tilespmem:$0x18000] =	vst v63  }
0x29b: {  	s21 =	simm.s32 $0x2  }
0x29c: {  	_ =	swait.ge [sflag:s21], $0x8000  }
0x29d: {  	[sflag:s21] =	ssyncset.done $0x0  }
0x29e: {  	s7 =	simm.s32 $0x40;
	[sflag:s21] =	ssyncadd.s32 $0xFFFF8000  }
0x29f: {  	v0 =	vld [tilespmem:s7+$0x30]  }
0x2a0: {  	v1 =	vld [tilespmem:s7+$0xFFFFFFD0]  }
0x2a1: {  	v2 =	vld [tilespmem:s7+$0xFFFFFFE0]  }
0x2a2: {  	v3 =	vld [tilespmem:s7+$0xFFFFFFF0]  }
0x2a3: {  	v4 =	vld [tilespmem:s7+$0x0]  }
0x2a4: {  	v63 =	vld [tilespmem:s7+$0x10]  }
0x2a5: {  	v5 =	vld [tilespmem:s7+$0x20]  }
0x2a6: {  	s6 =	simm.s32 $0x8070;
	v6 =	vld [tilespmem:s7+$0xFFFFFFC0]  }
0x2a7: {  	[tilespmem:s6+$0x0] =	vst.add.f32.msk $0xffff, v0  }
0x2a8: {  	[tilespmem:s6+$0xFFFFFFA0] =	vst.add.f32.msk $0xffff, v1  }
0x2a9: {  	[tilespmem:s6+$0xFFFFFFB0] =	vst.add.f32.msk $0xffff, v2  }
0x2aa: {  	[tilespmem:s6+$0xFFFFFFC0] =	vst.add.f32.msk $0xffff, v3  }
0x2ab: {  	[tilespmem:s6+$0xFFFFFFD0] =	vst.add.f32.msk $0xffff, v4  }
0x2ac: {  	[tilespmem:s6+$0xFFFFFF90] =	vst.add.f32.msk $0xffff, v6  }
0x2ad: {  	[tilespmem:s6+$0xFFFFFFE0] =	vst.add.f32.msk $0xffff, v63  }
0x2ae: {  	[tilespmem:s6+$0xFFFFFFF0] =	vst.add.f32.msk $0xffff, v5  }
0x2af: {  	s8 =	simm.s32 $0xC0;
	s7 =	simm.s32 $0x0;
	s20 =	rddreg [dreg:$0x17]  }
.LBB2_66:
0x2b0: {  	v0 =	vld [tilespmem:s8+$0x30];
	s7 =	sadd.s32 $0x80, s7  }
0x2b1: {  	v1 =	vld [tilespmem:s8+$0xFFFFFFD0];
	p0 =	slt.u32 s7, $0x7F80  }
0x2b2: {  	v2 =	vld [tilespmem:s8+$0xFFFFFFE0]  }
0x2b3: {  	v3 =	vld [tilespmem:s8+$0xFFFFFFF0]  }
0x2b4: {  	s6 =	sadd.s32 $0x100, s6;
	v4 =	vld [tilespmem:s8+$0x0]  }
0x2b5: {  	[tilespmem:s6+$0x0] =	vst.add.f32.msk $0xffff, v0  }
0x2b6: {  	v0 =	vld [tilespmem:s8+$0x10]  }
0x2b7: {  	v5 =	vld [tilespmem:s8+$0x20]  }
0x2b8: {  	v6 =	vld [tilespmem:s8+$0xFFFFFFC0]  }
0x2b9: {  	[tilespmem:s6+$0xFFFFFFA0] =	vst.add.f32.msk $0xffff, v1  }
0x2ba: {  	[tilespmem:s6+$0xFFFFFFB0] =	vst.add.f32.msk $0xffff, v2  }
.Ltmp32:
0x2bb: {  	[tilespmem:s6+$0xFFFFFFC0] =	vst.add.f32.msk $0xffff, v3;
	(pc) =	sbr.rel @p0 .LBB2_66-.Ltmp32, $4  }
0x2bc: {  	[tilespmem:s6+$0xFFFFFFD0] =	vst.add.f32.msk $0xffff, v4  }
0x2bd: {  	[tilespmem:s6+$0xFFFFFF90] =	vst.add.f32.msk $0xffff, v6  }
0x2be: {  	[tilespmem:s6+$0xFFFFFFE0] =	vst.add.f32.msk $0xffff, v0  }
0x2bf: {  	s8 =	sadd.s32 $0x80, s8;
	[tilespmem:s6+$0xFFFFFFF0] =	vst.add.f32.msk $0xffff, v5  }
0x2c0: {  	s6 =	simm.s32 $0x8000;
	s21 =	rddreg [dreg:$0x18]  }
0x2c1: {  	s7 =	simm.s32 $0x10;
	s8 =	simm.s32 $0x8100;
	s10 =	sadd.s32 $0x0, s21  }
.LBB2_68:
0x2c2: {  	[hbm4b:s10+s1] =	stream.linear.scatter [tilespmem:s6], [sflag:$0x4], $0x80, $0x38;
	[tilespmem:$0x18000] =	vst v63  }
0x2c3: {  	s10 =	smov.u32 s7;
	s6 =	smov.u32 s8;
	p0 =	sne.s32 s7, $0xFF0  }
.Ltmp33:
0x2c4: {  	s7 =	sadd.s32 $0x10, s7;
	(pc) =	sbr.rel @p0 .LBB2_68-.Ltmp33, $2  }
0x2c5: {  	_ =	sdelay $0x2  }
0x2c6: {  	s8 =	sadd.s32 $0x100, s8;
	s10 =	sadd.s32 s10, s21  }
0x2c7: {  	[hbm4b:s10+s1] =	stream.linear.scatter [tilespmem:s6], [sflag:$0x4], $0x80, $0x38;
	[tilespmem:$0x18000] =	vst v63  }
0x2c8: {  	s21 =	simm.s32 $0x4  }
0x2c9: {  	_ =	swait.ge [sflag:s21], $0x8000  }
0x2ca: {  	s6 =	simm.s32 $0x8000;
	s7 =	simm.s32 $0x10;
	[sflag:s21] =	ssyncset.done $0x0  }
0x2cb: {  	s10 =	sadd.s32 $0x0, s22;
	s8 =	simm.s32 $0x8100;
	[sflag:s21] =	ssyncadd.s32 $0xFFFF8000  }
.LBB2_70:
0x2cc: {  	[tilespmem:s6], [sflag:$0x2] =	stream.linear.gather [hbm4b:s10+s1], $0x80, $0x38;
	[tilespmem:$0x18000] =	vst v63  }
0x2cd: {  	s10 =	smov.u32 s7;
	s6 =	smov.u32 s8;
	p0 =	sne.s32 s7, $0xFF0  }
.Ltmp34:
0x2ce: {  	s7 =	sadd.s32 $0x10, s7;
	(pc) =	sbr.rel @p0 .LBB2_70-.Ltmp34, $2  }
0x2cf: {  	_ =	sdelay $0x2  }
0x2d0: {  	s8 =	sadd.s32 $0x100, s8;
	s10 =	sadd.s32 s10, s22  }
0x2d1: {  	[tilespmem:s6], [sflag:$0x2] =	stream.linear.gather [hbm4b:s10+s1], $0x80, $0x38;
	[tilespmem:$0x18000] =	vst v63  }
0x2d2: {  	s22 =	simm.s32 $0x3  }
0x2d3: {  	_ =	swait.ge [sflag:s22], $0x8000  }
0x2d4: {  	[sflag:s22] =	ssyncset.done $0x0  }
0x2d5: {  	s7 =	simm.s32 $0x40;
	[sflag:s22] =	ssyncadd.s32 $0xFFFF8000  }
0x2d6: {  	v0 =	vld [tilespmem:s7+$0x30]  }
0x2d7: {  	v1 =	vld [tilespmem:s7+$0xFFFFFFD0]  }
0x2d8: {  	v2 =	vld [tilespmem:s7+$0xFFFFFFE0]  }
0x2d9: {  	v3 =	vld [tilespmem:s7+$0xFFFFFFF0]  }
0x2da: {  	v4 =	vld [tilespmem:s7+$0x0]  }
0x2db: {  	v63 =	vld [tilespmem:s7+$0x10]  }
0x2dc: {  	v5 =	vld [tilespmem:s7+$0x20]  }
0x2dd: {  	s6 =	simm.s32 $0x80F0;
	v6 =	vld [tilespmem:s7+$0xFFFFFFC0]  }
0x2de: {  	[tilespmem:s6+$0x0] =	vst.add.f32.msk $0xffff, v0  }
0x2df: {  	[tilespmem:s6+$0xFFFFFFA0] =	vst.add.f32.msk $0xffff, v1  }
0x2e0: {  	[tilespmem:s6+$0xFFFFFFB0] =	vst.add.f32.msk $0xffff, v2  }
0x2e1: {  	[tilespmem:s6+$0xFFFFFFC0] =	vst.add.f32.msk $0xffff, v3  }
0x2e2: {  	[tilespmem:s6+$0xFFFFFFD0] =	vst.add.f32.msk $0xffff, v4  }
0x2e3: {  	[tilespmem:s6+$0xFFFFFF90] =	vst.add.f32.msk $0xffff, v6  }
0x2e4: {  	[tilespmem:s6+$0xFFFFFFE0] =	vst.add.f32.msk $0xffff, v63  }
0x2e5: {  	[tilespmem:s6+$0xFFFFFFF0] =	vst.add.f32.msk $0xffff, v5  }
0x2e6: {  	s8 =	simm.s32 $0xC0;
	s7 =	simm.s32 $0x0;
	s21 =	rddreg [dreg:$0x19]  }
.LBB2_72:
0x2e7: {  	v0 =	vld [tilespmem:s8+$0x30];
	s7 =	sadd.s32 $0x80, s7  }
0x2e8: {  	v1 =	vld [tilespmem:s8+$0xFFFFFFD0];
	p0 =	slt.u32 s7, $0x7F80  }
0x2e9: {  	v2 =	vld [tilespmem:s8+$0xFFFFFFE0]  }
0x2ea: {  	v3 =	vld [tilespmem:s8+$0xFFFFFFF0]  }
0x2eb: {  	s6 =	sadd.s32 $0x100, s6;
	v4 =	vld [tilespmem:s8+$0x0]  }
0x2ec: {  	[tilespmem:s6+$0x0] =	vst.add.f32.msk $0xffff, v0  }
0x2ed: {  	v0 =	vld [tilespmem:s8+$0x10]  }
0x2ee: {  	v5 =	vld [tilespmem:s8+$0x20]  }
0x2ef: {  	v6 =	vld [tilespmem:s8+$0xFFFFFFC0]  }
0x2f0: {  	[tilespmem:s6+$0xFFFFFFA0] =	vst.add.f32.msk $0xffff, v1  }
0x2f1: {  	[tilespmem:s6+$0xFFFFFFB0] =	vst.add.f32.msk $0xffff, v2  }
.Ltmp35:
0x2f2: {  	[tilespmem:s6+$0xFFFFFFC0] =	vst.add.f32.msk $0xffff, v3;
	(pc) =	sbr.rel @p0 .LBB2_72-.Ltmp35, $4  }
0x2f3: {  	[tilespmem:s6+$0xFFFFFFD0] =	vst.add.f32.msk $0xffff, v4  }
0x2f4: {  	[tilespmem:s6+$0xFFFFFF90] =	vst.add.f32.msk $0xffff, v6  }
0x2f5: {  	[tilespmem:s6+$0xFFFFFFE0] =	vst.add.f32.msk $0xffff, v0  }
0x2f6: {  	s8 =	sadd.s32 $0x80, s8;
	[tilespmem:s6+$0xFFFFFFF0] =	vst.add.f32.msk $0xffff, v5  }
0x2f7: {  	s6 =	simm.s32 $0x8080;
	s22 =	rddreg [dreg:$0x1a]  }
0x2f8: {  	s7 =	simm.s32 $0x10;
	s8 =	simm.s32 $0x8180;
	s10 =	sadd.s32 $0x0, s22  }
.LBB2_74:
0x2f9: {  	[hbm4b:s10+s1] =	stream.linear.scatter [tilespmem:s6], [sflag:$0x5], $0x80, $0x38;
	[tilespmem:$0x18000] =	vst v63  }
0x2fa: {  	s10 =	smov.u32 s7;
	s6 =	smov.u32 s8;
	p0 =	sne.s32 s7, $0xFF0  }
.Ltmp36:
0x2fb: {  	s7 =	sadd.s32 $0x10, s7;
	(pc) =	sbr.rel @p0 .LBB2_74-.Ltmp36, $2  }
0x2fc: {  	_ =	sdelay $0x2  }
0x2fd: {  	s8 =	sadd.s32 $0x100, s8;
	s10 =	sadd.s32 s10, s22  }
0x2fe: {  	[hbm4b:s10+s1] =	stream.linear.scatter [tilespmem:s6], [sflag:$0x5], $0x80, $0x38;
	[tilespmem:$0x18000] =	vst v63  }
0x2ff: {  	s19 =	simm.s32 $0x0;
	s7 =	rddreg [dreg:$0x1c];
	s22 =	simm.s32 $0x5  }
0x300: {  	[tilespmem:s19], [sflag:$0x1] =	stream.linear.gather [hbm4b:s7+s19], $0x8000, $0x38;
	[tilespmem:$0x18000] =	vst v63  }
0x301: {  	_ =	swait.ge [sflag:s22], $0x8000  }
0x302: {  	s6 =	simm.s32 $0x8080;
	s10 =	sadd.s32 $0x0, s23;
	[sflag:s22] =	ssyncset.done $0x0  }
0x303: {  	s8 =	simm.s32 $0x8180;
	s7 =	simm.s32 $0x10;
	[sflag:s22] =	ssyncadd.s32 $0xFFFF8000  }
.LBB2_76:
0x304: {  	[tilespmem:s6], [sflag:$0x3] =	stream.linear.gather [hbm4b:s10+s1], $0x80, $0x38;
	[tilespmem:$0x18000] =	vst v63  }
0x305: {  	s10 =	smov.u32 s7;
	s6 =	smov.u32 s8;
	p0 =	sne.s32 s7, $0xFF0  }
.Ltmp37:
0x306: {  	s7 =	sadd.s32 $0x10, s7;
	(pc) =	sbr.rel @p0 .LBB2_76-.Ltmp37, $2  }
0x307: {  	_ =	sdelay $0x2  }
0x308: {  	s8 =	sadd.s32 $0x100, s8;
	s10 =	sadd.s32 s10, s23  }
0x309: {  	[tilespmem:s6], [sflag:$0x3] =	stream.linear.gather [hbm4b:s10+s1], $0x80, $0x38;
	[tilespmem:$0x18000] =	vst v63  }
0x30a: {  	s22 =	simm.s32 $0x1  }
0x30b: {  	_ =	swait.ge [sflag:s22], $0x8000  }
0x30c: {  	[sflag:s22] =	ssyncset.done $0x0  }
0x30d: {  	s23 =	simm.s32 $0x2;
	[sflag:s22] =	ssyncadd.s32 $0xFFFF8000  }
0x30e: {  	_ =	swait.ge [sflag:s23], $0x8000  }
0x30f: {  	[sflag:s23] =	ssyncset.done $0x0  }
0x310: {  	s7 =	simm.s32 $0x40;
	[sflag:s23] =	ssyncadd.s32 $0xFFFF8000  }
0x311: {  	v0 =	vld [tilespmem:s7+$0x30]  }
0x312: {  	v1 =	vld [tilespmem:s7+$0xFFFFFFD0]  }
0x313: {  	v2 =	vld [tilespmem:s7+$0xFFFFFFE0]  }
0x314: {  	v3 =	vld [tilespmem:s7+$0xFFFFFFF0]  }
0x315: {  	v4 =	vld [tilespmem:s7+$0x0]  }
0x316: {  	v63 =	vld [tilespmem:s7+$0x10]  }
0x317: {  	v5 =	vld [tilespmem:s7+$0x20]  }
0x318: {  	s6 =	simm.s32 $0x8070;
	v6 =	vld [tilespmem:s7+$0xFFFFFFC0]  }
0x319: {  	[tilespmem:s6+$0x0] =	vst.add.f32.msk $0xffff, v0  }
0x31a: {  	[tilespmem:s6+$0xFFFFFFA0] =	vst.add.f32.msk $0xffff, v1  }
0x31b: {  	[tilespmem:s6+$0xFFFFFFB0] =	vst.add.f32.msk $0xffff, v2  }
0x31c: {  	[tilespmem:s6+$0xFFFFFFC0] =	vst.add.f32.msk $0xffff, v3  }
0x31d: {  	[tilespmem:s6+$0xFFFFFFD0] =	vst.add.f32.msk $0xffff, v4  }
0x31e: {  	[tilespmem:s6+$0xFFFFFF90] =	vst.add.f32.msk $0xffff, v6  }
0x31f: {  	[tilespmem:s6+$0xFFFFFFE0] =	vst.add.f32.msk $0xffff, v63  }
0x320: {  	[tilespmem:s6+$0xFFFFFFF0] =	vst.add.f32.msk $0xffff, v5  }
0x321: {  	s8 =	simm.s32 $0xC0;
	s7 =	simm.s32 $0x0;
	s22 =	rddreg [dreg:$0x1b]  }
.LBB2_78:
0x322: {  	v0 =	vld [tilespmem:s8+$0x30];
	s7 =	sadd.s32 $0x80, s7  }
0x323: {  	v1 =	vld [tilespmem:s8+$0xFFFFFFD0];
	p0 =	slt.u32 s7, $0x7F80  }
0x324: {  	v2 =	vld [tilespmem:s8+$0xFFFFFFE0]  }
0x325: {  	v3 =	vld [tilespmem:s8+$0xFFFFFFF0]  }
0x326: {  	s6 =	sadd.s32 $0x100, s6;
	v4 =	vld [tilespmem:s8+$0x0]  }
0x327: {  	[tilespmem:s6+$0x0] =	vst.add.f32.msk $0xffff, v0  }
0x328: {  	v0 =	vld [tilespmem:s8+$0x10]  }
0x329: {  	v5 =	vld [tilespmem:s8+$0x20]  }
0x32a: {  	v6 =	vld [tilespmem:s8+$0xFFFFFFC0]  }
0x32b: {  	[tilespmem:s6+$0xFFFFFFA0] =	vst.add.f32.msk $0xffff, v1  }
0x32c: {  	[tilespmem:s6+$0xFFFFFFB0] =	vst.add.f32.msk $0xffff, v2  }
.Ltmp38:
0x32d: {  	[tilespmem:s6+$0xFFFFFFC0] =	vst.add.f32.msk $0xffff, v3;
	(pc) =	sbr.rel @p0 .LBB2_78-.Ltmp38, $4  }
0x32e: {  	[tilespmem:s6+$0xFFFFFFD0] =	vst.add.f32.msk $0xffff, v4  }
0x32f: {  	[tilespmem:s6+$0xFFFFFF90] =	vst.add.f32.msk $0xffff, v6  }
0x330: {  	[tilespmem:s6+$0xFFFFFFE0] =	vst.add.f32.msk $0xffff, v0  }
0x331: {  	s8 =	sadd.s32 $0x80, s8;
	[tilespmem:s6+$0xFFFFFFF0] =	vst.add.f32.msk $0xffff, v5  }
0x332: {  	s6 =	simm.s32 $0x8000;
	s23 =	rddreg [dreg:$0x1d]  }
0x333: {  	s7 =	simm.s32 $0x10;
	s8 =	simm.s32 $0x8100;
	s10 =	sadd.s32 $0x0, s23  }
.LBB2_80:
0x334: {  	[hbm4b:s10+s1] =	stream.linear.scatter [tilespmem:s6], [sflag:$0x4], $0x80, $0x38;
	[tilespmem:$0x18000] =	vst v63  }
0x335: {  	s10 =	smov.u32 s7;
	s6 =	smov.u32 s8;
	p0 =	sne.s32 s7, $0xFF0  }
.Ltmp39:
0x336: {  	s7 =	sadd.s32 $0x10, s7;
	(pc) =	sbr.rel @p0 .LBB2_80-.Ltmp39, $2  }
0x337: {  	_ =	sdelay $0x2  }
0x338: {  	s8 =	sadd.s32 $0x100, s8;
	s10 =	sadd.s32 s10, s23  }
0x339: {  	[hbm4b:s10+s1] =	stream.linear.scatter [tilespmem:s6], [sflag:$0x4], $0x80, $0x38;
	[tilespmem:$0x18000] =	vst v63  }
0x33a: {  	s23 =	simm.s32 $0x4  }
0x33b: {  	_ =	swait.ge [sflag:s23], $0x8000  }
0x33c: {  	s6 =	simm.s32 $0x8000;
	s7 =	simm.s32 $0x10;
	[sflag:s23] =	ssyncset.done $0x0  }
0x33d: {  	s10 =	sadd.s32 $0x0, s24;
	s8 =	simm.s32 $0x8100;
	[sflag:s23] =	ssyncadd.s32 $0xFFFF8000  }
.LBB2_82:
0x33e: {  	[tilespmem:s6], [sflag:$0x2] =	stream.linear.gather [hbm4b:s10+s1], $0x80, $0x38;
	[tilespmem:$0x18000] =	vst v63  }
0x33f: {  	s10 =	smov.u32 s7;
	s6 =	smov.u32 s8;
	p0 =	sne.s32 s7, $0xFF0  }
.Ltmp40:
0x340: {  	s7 =	sadd.s32 $0x10, s7;
	(pc) =	sbr.rel @p0 .LBB2_82-.Ltmp40, $2  }
0x341: {  	_ =	sdelay $0x2  }
0x342: {  	s8 =	sadd.s32 $0x100, s8;
	s10 =	sadd.s32 s10, s24  }
0x343: {  	[tilespmem:s6], [sflag:$0x2] =	stream.linear.gather [hbm4b:s10+s1], $0x80, $0x38;
	[tilespmem:$0x18000] =	vst v63  }
0x344: {  	s24 =	simm.s32 $0x3  }
0x345: {  	_ =	swait.ge [sflag:s24], $0x8000  }
0x346: {  	[sflag:s24] =	ssyncset.done $0x0  }
0x347: {  	s7 =	simm.s32 $0x40;
	[sflag:s24] =	ssyncadd.s32 $0xFFFF8000  }
0x348: {  	v0 =	vld [tilespmem:s7+$0x30]  }
0x349: {  	v1 =	vld [tilespmem:s7+$0xFFFFFFD0]  }
0x34a: {  	v2 =	vld [tilespmem:s7+$0xFFFFFFE0]  }
0x34b: {  	v3 =	vld [tilespmem:s7+$0xFFFFFFF0]  }
0x34c: {  	v4 =	vld [tilespmem:s7+$0x0]  }
0x34d: {  	v63 =	vld [tilespmem:s7+$0x10]  }
0x34e: {  	v5 =	vld [tilespmem:s7+$0x20]  }
0x34f: {  	s6 =	simm.s32 $0x80F0;
	v6 =	vld [tilespmem:s7+$0xFFFFFFC0]  }
0x350: {  	[tilespmem:s6+$0x0] =	vst.add.f32.msk $0xffff, v0  }
0x351: {  	[tilespmem:s6+$0xFFFFFFA0] =	vst.add.f32.msk $0xffff, v1  }
0x352: {  	[tilespmem:s6+$0xFFFFFFB0] =	vst.add.f32.msk $0xffff, v2  }
0x353: {  	[tilespmem:s6+$0xFFFFFFC0] =	vst.add.f32.msk $0xffff, v3  }
0x354: {  	[tilespmem:s6+$0xFFFFFFD0] =	vst.add.f32.msk $0xffff, v4  }
0x355: {  	[tilespmem:s6+$0xFFFFFF90] =	vst.add.f32.msk $0xffff, v6  }
0x356: {  	[tilespmem:s6+$0xFFFFFFE0] =	vst.add.f32.msk $0xffff, v63  }
0x357: {  	[tilespmem:s6+$0xFFFFFFF0] =	vst.add.f32.msk $0xffff, v5  }
0x358: {  	s8 =	simm.s32 $0xC0;
	s7 =	simm.s32 $0x0;
	s23 =	rddreg [dreg:$0x1e]  }
.LBB2_84:
0x359: {  	v0 =	vld [tilespmem:s8+$0x30];
	s7 =	sadd.s32 $0x80, s7  }
0x35a: {  	v1 =	vld [tilespmem:s8+$0xFFFFFFD0];
	p0 =	slt.u32 s7, $0x7F80  }
0x35b: {  	v2 =	vld [tilespmem:s8+$0xFFFFFFE0]  }
0x35c: {  	v3 =	vld [tilespmem:s8+$0xFFFFFFF0]  }
0x35d: {  	s6 =	sadd.s32 $0x100, s6;
	v4 =	vld [tilespmem:s8+$0x0]  }
0x35e: {  	[tilespmem:s6+$0x0] =	vst.add.f32.msk $0xffff, v0  }
0x35f: {  	v0 =	vld [tilespmem:s8+$0x10]  }
0x360: {  	v5 =	vld [tilespmem:s8+$0x20]  }
0x361: {  	v6 =	vld [tilespmem:s8+$0xFFFFFFC0]  }
0x362: {  	[tilespmem:s6+$0xFFFFFFA0] =	vst.add.f32.msk $0xffff, v1  }
0x363: {  	[tilespmem:s6+$0xFFFFFFB0] =	vst.add.f32.msk $0xffff, v2  }
.Ltmp41:
0x364: {  	[tilespmem:s6+$0xFFFFFFC0] =	vst.add.f32.msk $0xffff, v3;
	(pc) =	sbr.rel @p0 .LBB2_84-.Ltmp41, $4  }
0x365: {  	[tilespmem:s6+$0xFFFFFFD0] =	vst.add.f32.msk $0xffff, v4  }
0x366: {  	[tilespmem:s6+$0xFFFFFF90] =	vst.add.f32.msk $0xffff, v6  }
0x367: {  	[tilespmem:s6+$0xFFFFFFE0] =	vst.add.f32.msk $0xffff, v0  }
0x368: {  	s8 =	sadd.s32 $0x80, s8;
	[tilespmem:s6+$0xFFFFFFF0] =	vst.add.f32.msk $0xffff, v5  }
0x369: {  	s6 =	simm.s32 $0x8080;
	s24 =	rddreg [dreg:$0x1f]  }
0x36a: {  	s7 =	simm.s32 $0x10;
	s8 =	simm.s32 $0x8180;
	s10 =	sadd.s32 $0x0, s24  }
.LBB2_86:
0x36b: {  	[hbm4b:s10+s1] =	stream.linear.scatter [tilespmem:s6], [sflag:$0x5], $0x80, $0x38;
	[tilespmem:$0x18000] =	vst v63  }
0x36c: {  	s10 =	smov.u32 s7;
	s6 =	smov.u32 s8;
	p0 =	sne.s32 s7, $0xFF0  }
.Ltmp42:
0x36d: {  	s7 =	sadd.s32 $0x10, s7;
	(pc) =	sbr.rel @p0 .LBB2_86-.Ltmp42, $2  }
0x36e: {  	_ =	sdelay $0x2  }
0x36f: {  	s8 =	sadd.s32 $0x100, s8;
	s10 =	sadd.s32 s10, s24  }
0x370: {  	[hbm4b:s10+s1] =	stream.linear.scatter [tilespmem:s6], [sflag:$0x5], $0x80, $0x38;
	[tilespmem:$0x18000] =	vst v63  }
0x371: {  	s24 =	simm.s32 $0x5  }
0x372: {  	_ =	swait.ge [sflag:s24], $0x8000  }
0x373: {  	s6 =	simm.s32 $0x8080;
	s7 =	simm.s32 $0x10;
	[sflag:s24] =	ssyncset.done $0x0  }
0x374: {  	s10 =	sadd.s32 $0x0, s25;
	s8 =	simm.s32 $0x8180;
	[sflag:s24] =	ssyncadd.s32 $0xFFFF8000  }
.LBB2_88:
0x375: {  	[tilespmem:s6], [sflag:$0x3] =	stream.linear.gather [hbm4b:s10+s1], $0x80, $0x38;
	[tilespmem:$0x18000] =	vst v63  }
0x376: {  	s10 =	smov.u32 s7;
	s6 =	smov.u32 s8;
	p0 =	sne.s32 s7, $0xFF0  }
.Ltmp43:
0x377: {  	s7 =	sadd.s32 $0x10, s7;
	(pc) =	sbr.rel @p0 .LBB2_88-.Ltmp43, $2  }
0x378: {  	_ =	sdelay $0x2  }
0x379: {  	s8 =	sadd.s32 $0x100, s8;
	s10 =	sadd.s32 s10, s25  }
0x37a: {  	[tilespmem:s6], [sflag:$0x3] =	stream.linear.gather [hbm4b:s10+s1], $0x80, $0x38;
	[tilespmem:$0x18000] =	vst v63  }
0x37b: {  	s25 =	simm.s32 $0x2  }
0x37c: {  	_ =	swait.ge [sflag:s25], $0x8000  }
0x37d: {  	[sflag:s25] =	ssyncset.done $0x0  }
0x37e: {  	s7 =	simm.s32 $0x40;
	[sflag:s25] =	ssyncadd.s32 $0xFFFF8000  }
0x37f: {  	v0 =	vld [tilespmem:s7+$0x30]  }
0x380: {  	v1 =	vld [tilespmem:s7+$0xFFFFFFD0]  }
0x381: {  	v2 =	vld [tilespmem:s7+$0xFFFFFFE0]  }
0x382: {  	v3 =	vld [tilespmem:s7+$0xFFFFFFF0]  }
0x383: {  	v4 =	vld [tilespmem:s7+$0x0]  }
0x384: {  	v63 =	vld [tilespmem:s7+$0x10]  }
0x385: {  	v5 =	vld [tilespmem:s7+$0x20]  }
0x386: {  	s6 =	simm.s32 $0x8070;
	v6 =	vld [tilespmem:s7+$0xFFFFFFC0]  }
0x387: {  	[tilespmem:s6+$0x0] =	vst.add.f32.msk $0xffff, v0  }
0x388: {  	[tilespmem:s6+$0xFFFFFFA0] =	vst.add.f32.msk $0xffff, v1  }
0x389: {  	[tilespmem:s6+$0xFFFFFFB0] =	vst.add.f32.msk $0xffff, v2  }
0x38a: {  	[tilespmem:s6+$0xFFFFFFC0] =	vst.add.f32.msk $0xffff, v3  }
0x38b: {  	[tilespmem:s6+$0xFFFFFFD0] =	vst.add.f32.msk $0xffff, v4  }
0x38c: {  	[tilespmem:s6+$0xFFFFFF90] =	vst.add.f32.msk $0xffff, v6  }
0x38d: {  	[tilespmem:s6+$0xFFFFFFE0] =	vst.add.f32.msk $0xffff, v63  }
0x38e: {  	[tilespmem:s6+$0xFFFFFFF0] =	vst.add.f32.msk $0xffff, v5  }
0x38f: {  	s8 =	simm.s32 $0xC0;
	s7 =	simm.s32 $0x0;
	s24 =	sld [smem:$0x7F0]  }
.LBB2_90:
0x390: {  	v0 =	vld [tilespmem:s8+$0x30];
	s7 =	sadd.s32 $0x80, s7  }
0x391: {  	v1 =	vld [tilespmem:s8+$0xFFFFFFD0];
	p0 =	slt.u32 s7, $0x7F80  }
0x392: {  	v2 =	vld [tilespmem:s8+$0xFFFFFFE0]  }
0x393: {  	v3 =	vld [tilespmem:s8+$0xFFFFFFF0]  }
0x394: {  	s6 =	sadd.s32 $0x100, s6;
	v4 =	vld [tilespmem:s8+$0x0]  }
0x395: {  	[tilespmem:s6+$0x0] =	vst.add.f32.msk $0xffff, v0  }
0x396: {  	v0 =	vld [tilespmem:s8+$0x10]  }
0x397: {  	v5 =	vld [tilespmem:s8+$0x20]  }
0x398: {  	v6 =	vld [tilespmem:s8+$0xFFFFFFC0]  }
0x399: {  	[tilespmem:s6+$0xFFFFFFA0] =	vst.add.f32.msk $0xffff, v1  }
0x39a: {  	[tilespmem:s6+$0xFFFFFFB0] =	vst.add.f32.msk $0xffff, v2  }
.Ltmp44:
0x39b: {  	[tilespmem:s6+$0xFFFFFFC0] =	vst.add.f32.msk $0xffff, v3;
	(pc) =	sbr.rel @p0 .LBB2_90-.Ltmp44, $4  }
0x39c: {  	[tilespmem:s6+$0xFFFFFFD0] =	vst.add.f32.msk $0xffff, v4  }
0x39d: {  	[tilespmem:s6+$0xFFFFFF90] =	vst.add.f32.msk $0xffff, v6  }
0x39e: {  	[tilespmem:s6+$0xFFFFFFE0] =	vst.add.f32.msk $0xffff, v0  }
0x39f: {  	s8 =	sadd.s32 $0x80, s8;
	[tilespmem:s6+$0xFFFFFFF0] =	vst.add.f32.msk $0xffff, v5  }
0x3a0: {  	s25 =	sld [smem:$0x7D1];
	_ =	sdelay $0x1  }
0x3a1: {  	s6 =	simm.s32 $0x8000  }
0x3a2: {  	s7 =	simm.s32 $0x10;
	s8 =	simm.s32 $0x8100;
	s10 =	sadd.s32 $0x0, s25  }
.LBB2_92:
0x3a3: {  	[hbm4b:s10+s1] =	stream.linear.scatter [tilespmem:s6], [sflag:$0x4], $0x80, $0x38;
	[tilespmem:$0x18000] =	vst v63  }
0x3a4: {  	s10 =	smov.u32 s7;
	s6 =	smov.u32 s8;
	p0 =	sne.s32 s7, $0xFF0  }
.Ltmp45:
0x3a5: {  	s7 =	sadd.s32 $0x10, s7;
	(pc) =	sbr.rel @p0 .LBB2_92-.Ltmp45, $2  }
0x3a6: {  	_ =	sdelay $0x2  }
0x3a7: {  	s8 =	sadd.s32 $0x100, s8;
	s10 =	sadd.s32 s10, s25  }
0x3a8: {  	[hbm4b:s10+s1] =	stream.linear.scatter [tilespmem:s6], [sflag:$0x4], $0x80, $0x38;
	[tilespmem:$0x18000] =	vst v63  }
0x3a9: {  	s25 =	simm.s32 $0x4  }
0x3aa: {  	_ =	swait.ge [sflag:s25], $0x8000  }
0x3ab: {  	s6 =	simm.s32 $0x8000;
	s7 =	simm.s32 $0x10;
	[sflag:s25] =	ssyncset.done $0x0  }
0x3ac: {  	s10 =	sadd.s32 $0x0, s26;
	s8 =	simm.s32 $0x8100;
	[sflag:s25] =	ssyncadd.s32 $0xFFFF8000  }
.LBB2_94:
0x3ad: {  	[tilespmem:s6], [sflag:$0x2] =	stream.linear.gather [hbm4b:s10+s1], $0x80, $0x38;
	[tilespmem:$0x18000] =	vst v63  }
0x3ae: {  	s10 =	smov.u32 s7;
	s6 =	smov.u32 s8;
	p0 =	sne.s32 s7, $0xFF0  }
.Ltmp46:
0x3af: {  	s7 =	sadd.s32 $0x10, s7;
	(pc) =	sbr.rel @p0 .LBB2_94-.Ltmp46, $2  }
0x3b0: {  	_ =	sdelay $0x2  }
0x3b1: {  	s8 =	sadd.s32 $0x100, s8;
	s10 =	sadd.s32 s10, s26  }
0x3b2: {  	[tilespmem:s6], [sflag:$0x2] =	stream.linear.gather [hbm4b:s10+s1], $0x80, $0x38;
	[tilespmem:$0x18000] =	vst v63  }
0x3b3: {  	s26 =	simm.s32 $0x3  }
0x3b4: {  	_ =	swait.ge [sflag:s26], $0x8000  }
0x3b5: {  	[sflag:s26] =	ssyncset.done $0x0  }
0x3b6: {  	s7 =	simm.s32 $0x40;
	[sflag:s26] =	ssyncadd.s32 $0xFFFF8000  }
0x3b7: {  	v0 =	vld [tilespmem:s7+$0x30]  }
0x3b8: {  	v1 =	vld [tilespmem:s7+$0xFFFFFFD0]  }
0x3b9: {  	v2 =	vld [tilespmem:s7+$0xFFFFFFE0]  }
0x3ba: {  	v3 =	vld [tilespmem:s7+$0xFFFFFFF0]  }
0x3bb: {  	v4 =	vld [tilespmem:s7+$0x0]  }
0x3bc: {  	v63 =	vld [tilespmem:s7+$0x10]  }
0x3bd: {  	v5 =	vld [tilespmem:s7+$0x20]  }
0x3be: {  	s6 =	simm.s32 $0x80F0;
	v6 =	vld [tilespmem:s7+$0xFFFFFFC0]  }
0x3bf: {  	[tilespmem:s6+$0x0] =	vst.add.f32.msk $0xffff, v0  }
0x3c0: {  	[tilespmem:s6+$0xFFFFFFA0] =	vst.add.f32.msk $0xffff, v1  }
0x3c1: {  	[tilespmem:s6+$0xFFFFFFB0] =	vst.add.f32.msk $0xffff, v2  }
0x3c2: {  	[tilespmem:s6+$0xFFFFFFC0] =	vst.add.f32.msk $0xffff, v3  }
0x3c3: {  	[tilespmem:s6+$0xFFFFFFD0] =	vst.add.f32.msk $0xffff, v4  }
0x3c4: {  	[tilespmem:s6+$0xFFFFFF90] =	vst.add.f32.msk $0xffff, v6  }
0x3c5: {  	[tilespmem:s6+$0xFFFFFFE0] =	vst.add.f32.msk $0xffff, v63  }
0x3c6: {  	[tilespmem:s6+$0xFFFFFFF0] =	vst.add.f32.msk $0xffff, v5  }
0x3c7: {  	s8 =	simm.s32 $0xC0;
	s7 =	simm.s32 $0x0;
	s25 =	sld [smem:$0x7F1]  }
.LBB2_96:
0x3c8: {  	v0 =	vld [tilespmem:s8+$0x30];
	s7 =	sadd.s32 $0x80, s7  }
0x3c9: {  	v1 =	vld [tilespmem:s8+$0xFFFFFFD0];
	p0 =	slt.u32 s7, $0x7F80  }
0x3ca: {  	v2 =	vld [tilespmem:s8+$0xFFFFFFE0]  }
0x3cb: {  	v3 =	vld [tilespmem:s8+$0xFFFFFFF0]  }
0x3cc: {  	s6 =	sadd.s32 $0x100, s6;
	v4 =	vld [tilespmem:s8+$0x0]  }
0x3cd: {  	[tilespmem:s6+$0x0] =	vst.add.f32.msk $0xffff, v0  }
0x3ce: {  	v0 =	vld [tilespmem:s8+$0x10]  }
0x3cf: {  	v5 =	vld [tilespmem:s8+$0x20]  }
0x3d0: {  	v6 =	vld [tilespmem:s8+$0xFFFFFFC0]  }
0x3d1: {  	[tilespmem:s6+$0xFFFFFFA0] =	vst.add.f32.msk $0xffff, v1  }
0x3d2: {  	[tilespmem:s6+$0xFFFFFFB0] =	vst.add.f32.msk $0xffff, v2  }
.Ltmp47:
0x3d3: {  	[tilespmem:s6+$0xFFFFFFC0] =	vst.add.f32.msk $0xffff, v3;
	(pc) =	sbr.rel @p0 .LBB2_96-.Ltmp47, $4  }
0x3d4: {  	[tilespmem:s6+$0xFFFFFFD0] =	vst.add.f32.msk $0xffff, v4  }
0x3d5: {  	[tilespmem:s6+$0xFFFFFF90] =	vst.add.f32.msk $0xffff, v6  }
0x3d6: {  	[tilespmem:s6+$0xFFFFFFE0] =	vst.add.f32.msk $0xffff, v0  }
0x3d7: {  	s8 =	sadd.s32 $0x80, s8;
	[tilespmem:s6+$0xFFFFFFF0] =	vst.add.f32.msk $0xffff, v5  }
0x3d8: {  	s26 =	sld [smem:$0x7D2];
	_ =	sdelay $0x1  }
0x3d9: {  	s6 =	simm.s32 $0x8080  }
0x3da: {  	s7 =	simm.s32 $0x10;
	s8 =	simm.s32 $0x8180;
	s10 =	sadd.s32 $0x0, s26  }
.LBB2_98:
0x3db: {  	[hbm4b:s10+s1] =	stream.linear.scatter [tilespmem:s6], [sflag:$0x5], $0x80, $0x38;
	[tilespmem:$0x18000] =	vst v63  }
0x3dc: {  	s10 =	smov.u32 s7;
	s6 =	smov.u32 s8;
	p0 =	sne.s32 s7, $0xFF0  }
.Ltmp48:
0x3dd: {  	s7 =	sadd.s32 $0x10, s7;
	(pc) =	sbr.rel @p0 .LBB2_98-.Ltmp48, $2  }
0x3de: {  	_ =	sdelay $0x2  }
0x3df: {  	s8 =	sadd.s32 $0x100, s8;
	s10 =	sadd.s32 s10, s26  }
0x3e0: {  	s7 =	sld [smem:$0x7D3]  }
0x3e1: {  	[hbm4b:s10+s1] =	stream.linear.scatter [tilespmem:s6], [sflag:$0x5], $0x80, $0x38;
	[tilespmem:$0x18000] =	vst v63  }
0x3e2: {  	s19 =	simm.s32 $0x0;
	s26 =	simm.s32 $0x5  }
0x3e3: {  	[tilespmem:s19], [sflag:$0x1] =	stream.linear.gather [hbm4b:s7+s19], $0x8000, $0x38;
	[tilespmem:$0x18000] =	vst v63  }
0x3e4: {  	_ =	swait.ge [sflag:s26], $0x8000  }
0x3e5: {  	s6 =	simm.s32 $0x8080;
	s10 =	sadd.s32 $0x0, s29;
	[sflag:s26] =	ssyncset.done $0x0  }
0x3e6: {  	s8 =	simm.s32 $0x8180;
	s7 =	simm.s32 $0x10;
	[sflag:s26] =	ssyncadd.s32 $0xFFFF8000  }
.LBB2_100:
0x3e7: {  	[tilespmem:s6], [sflag:$0x3] =	stream.linear.gather [hbm4b:s10+s1], $0x80, $0x38;
	[tilespmem:$0x18000] =	vst v63  }
0x3e8: {  	s10 =	smov.u32 s7;
	s6 =	smov.u32 s8;
	p0 =	sne.s32 s7, $0xFF0  }
.Ltmp49:
0x3e9: {  	s7 =	sadd.s32 $0x10, s7;
	(pc) =	sbr.rel @p0 .LBB2_100-.Ltmp49, $2  }
0x3ea: {  	_ =	sdelay $0x2  }
0x3eb: {  	s8 =	sadd.s32 $0x100, s8;
	s10 =	sadd.s32 s10, s29  }
0x3ec: {  	[tilespmem:s6], [sflag:$0x3] =	stream.linear.gather [hbm4b:s10+s1], $0x80, $0x38;
	[tilespmem:$0x18000] =	vst v63  }
0x3ed: {  	s26 =	simm.s32 $0x1  }
0x3ee: {  	_ =	swait.ge [sflag:s26], $0x8000  }
0x3ef: {  	[sflag:s26] =	ssyncset.done $0x0  }
0x3f0: {  	s29 =	simm.s32 $0x2;
	[sflag:s26] =	ssyncadd.s32 $0xFFFF8000  }
0x3f1: {  	_ =	swait.ge [sflag:s29], $0x8000  }
0x3f2: {  	[sflag:s29] =	ssyncset.done $0x0  }
0x3f3: {  	s7 =	simm.s32 $0x40;
	[sflag:s29] =	ssyncadd.s32 $0xFFFF8000  }
0x3f4: {  	v0 =	vld [tilespmem:s7+$0x30]  }
0x3f5: {  	v1 =	vld [tilespmem:s7+$0xFFFFFFD0]  }
0x3f6: {  	v2 =	vld [tilespmem:s7+$0xFFFFFFE0]  }
0x3f7: {  	v3 =	vld [tilespmem:s7+$0xFFFFFFF0]  }
0x3f8: {  	v4 =	vld [tilespmem:s7+$0x0]  }
0x3f9: {  	v63 =	vld [tilespmem:s7+$0x10]  }
0x3fa: {  	v5 =	vld [tilespmem:s7+$0x20]  }
0x3fb: {  	s6 =	simm.s32 $0x8070;
	v6 =	vld [tilespmem:s7+$0xFFFFFFC0]  }
0x3fc: {  	[tilespmem:s6+$0x0] =	vst.add.f32.msk $0xffff, v0  }
0x3fd: {  	[tilespmem:s6+$0xFFFFFFA0] =	vst.add.f32.msk $0xffff, v1  }
0x3fe: {  	[tilespmem:s6+$0xFFFFFFB0] =	vst.add.f32.msk $0xffff, v2  }
0x3ff: {  	[tilespmem:s6+$0xFFFFFFC0] =	vst.add.f32.msk $0xffff, v3  }
0x400: {  	[tilespmem:s6+$0xFFFFFFD0] =	vst.add.f32.msk $0xffff, v4  }
0x401: {  	[tilespmem:s6+$0xFFFFFF90] =	vst.add.f32.msk $0xffff, v6  }
0x402: {  	[tilespmem:s6+$0xFFFFFFE0] =	vst.add.f32.msk $0xffff, v63  }
0x403: {  	[tilespmem:s6+$0xFFFFFFF0] =	vst.add.f32.msk $0xffff, v5  }
0x404: {  	s8 =	simm.s32 $0xC0;
	s7 =	simm.s32 $0x0;
	s26 =	sld [smem:$0x7F2]  }
.LBB2_102:
0x405: {  	v0 =	vld [tilespmem:s8+$0x30];
	s7 =	sadd.s32 $0x80, s7  }
0x406: {  	v1 =	vld [tilespmem:s8+$0xFFFFFFD0];
	p0 =	slt.u32 s7, $0x7F80  }
0x407: {  	v2 =	vld [tilespmem:s8+$0xFFFFFFE0]  }
0x408: {  	v3 =	vld [tilespmem:s8+$0xFFFFFFF0]  }
0x409: {  	s6 =	sadd.s32 $0x100, s6;
	v4 =	vld [tilespmem:s8+$0x0]  }
0x40a: {  	[tilespmem:s6+$0x0] =	vst.add.f32.msk $0xffff, v0  }
0x40b: {  	v0 =	vld [tilespmem:s8+$0x10]  }
0x40c: {  	v5 =	vld [tilespmem:s8+$0x20]  }
0x40d: {  	v6 =	vld [tilespmem:s8+$0xFFFFFFC0]  }
0x40e: {  	[tilespmem:s6+$0xFFFFFFA0] =	vst.add.f32.msk $0xffff, v1  }
0x40f: {  	[tilespmem:s6+$0xFFFFFFB0] =	vst.add.f32.msk $0xffff, v2  }
.Ltmp50:
0x410: {  	[tilespmem:s6+$0xFFFFFFC0] =	vst.add.f32.msk $0xffff, v3;
	(pc) =	sbr.rel @p0 .LBB2_102-.Ltmp50, $4  }
0x411: {  	[tilespmem:s6+$0xFFFFFFD0] =	vst.add.f32.msk $0xffff, v4  }
0x412: {  	[tilespmem:s6+$0xFFFFFF90] =	vst.add.f32.msk $0xffff, v6  }
0x413: {  	[tilespmem:s6+$0xFFFFFFE0] =	vst.add.f32.msk $0xffff, v0  }
0x414: {  	s8 =	sadd.s32 $0x80, s8;
	[tilespmem:s6+$0xFFFFFFF0] =	vst.add.f32.msk $0xffff, v5  }
0x415: {  	s29 =	sld [smem:$0x7D4];
	_ =	sdelay $0x1  }
0x416: {  	s6 =	simm.s32 $0x8000  }
0x417: {  	s7 =	simm.s32 $0x10;
	s8 =	simm.s32 $0x8100;
	s10 =	sadd.s32 $0x0, s29  }
.LBB2_104:
0x418: {  	[hbm4b:s10+s1] =	stream.linear.scatter [tilespmem:s6], [sflag:$0x4], $0x80, $0x38;
	[tilespmem:$0x18000] =	vst v63  }
0x419: {  	s10 =	smov.u32 s7;
	s6 =	smov.u32 s8;
	p0 =	sne.s32 s7, $0xFF0  }
.Ltmp51:
0x41a: {  	s7 =	sadd.s32 $0x10, s7;
	(pc) =	sbr.rel @p0 .LBB2_104-.Ltmp51, $2  }
0x41b: {  	_ =	sdelay $0x2  }
0x41c: {  	s8 =	sadd.s32 $0x100, s8;
	s10 =	sadd.s32 s10, s29  }
0x41d: {  	[hbm4b:s10+s1] =	stream.linear.scatter [tilespmem:s6], [sflag:$0x4], $0x80, $0x38;
	[tilespmem:$0x18000] =	vst v63  }
0x41e: {  	s29 =	simm.s32 $0x4  }
0x41f: {  	_ =	swait.ge [sflag:s29], $0x8000  }
0x420: {  	s6 =	simm.s32 $0x8000;
	s7 =	simm.s32 $0x10;
	[sflag:s29] =	ssyncset.done $0x0  }
0x421: {  	s10 =	sadd.s32 $0x0, s30;
	s8 =	simm.s32 $0x8100;
	[sflag:s29] =	ssyncadd.s32 $0xFFFF8000  }
.LBB2_106:
0x422: {  	[tilespmem:s6], [sflag:$0x2] =	stream.linear.gather [hbm4b:s10+s1], $0x80, $0x38;
	[tilespmem:$0x18000] =	vst v63  }
0x423: {  	s10 =	smov.u32 s7;
	s6 =	smov.u32 s8;
	p0 =	sne.s32 s7, $0xFF0  }
.Ltmp52:
0x424: {  	s7 =	sadd.s32 $0x10, s7;
	(pc) =	sbr.rel @p0 .LBB2_106-.Ltmp52, $2  }
0x425: {  	_ =	sdelay $0x2  }
0x426: {  	s8 =	sadd.s32 $0x100, s8;
	s10 =	sadd.s32 s10, s30  }
0x427: {  	[tilespmem:s6], [sflag:$0x2] =	stream.linear.gather [hbm4b:s10+s1], $0x80, $0x38;
	[tilespmem:$0x18000] =	vst v63  }
0x428: {  	s30 =	simm.s32 $0x3  }
0x429: {  	_ =	swait.ge [sflag:s30], $0x8000  }
0x42a: {  	[sflag:s30] =	ssyncset.done $0x0  }
0x42b: {  	s7 =	simm.s32 $0x40;
	[sflag:s30] =	ssyncadd.s32 $0xFFFF8000  }
0x42c: {  	v0 =	vld [tilespmem:s7+$0x30]  }
0x42d: {  	v1 =	vld [tilespmem:s7+$0xFFFFFFD0]  }
0x42e: {  	v2 =	vld [tilespmem:s7+$0xFFFFFFE0]  }
0x42f: {  	v3 =	vld [tilespmem:s7+$0xFFFFFFF0]  }
0x430: {  	v4 =	vld [tilespmem:s7+$0x0]  }
0x431: {  	v63 =	vld [tilespmem:s7+$0x10]  }
0x432: {  	v5 =	vld [tilespmem:s7+$0x20]  }
0x433: {  	s6 =	simm.s32 $0x80F0;
	v6 =	vld [tilespmem:s7+$0xFFFFFFC0]  }
0x434: {  	[tilespmem:s6+$0x0] =	vst.add.f32.msk $0xffff, v0  }
0x435: {  	[tilespmem:s6+$0xFFFFFFA0] =	vst.add.f32.msk $0xffff, v1  }
0x436: {  	[tilespmem:s6+$0xFFFFFFB0] =	vst.add.f32.msk $0xffff, v2  }
0x437: {  	[tilespmem:s6+$0xFFFFFFC0] =	vst.add.f32.msk $0xffff, v3  }
0x438: {  	[tilespmem:s6+$0xFFFFFFD0] =	vst.add.f32.msk $0xffff, v4  }
0x439: {  	[tilespmem:s6+$0xFFFFFF90] =	vst.add.f32.msk $0xffff, v6  }
0x43a: {  	[tilespmem:s6+$0xFFFFFFE0] =	vst.add.f32.msk $0xffff, v63  }
0x43b: {  	[tilespmem:s6+$0xFFFFFFF0] =	vst.add.f32.msk $0xffff, v5  }
0x43c: {  	s8 =	simm.s32 $0xC0;
	s7 =	simm.s32 $0x0;
	s29 =	sld [smem:$0x7F3]  }
.LBB2_108:
0x43d: {  	v0 =	vld [tilespmem:s8+$0x30];
	s7 =	sadd.s32 $0x80, s7  }
0x43e: {  	v1 =	vld [tilespmem:s8+$0xFFFFFFD0];
	p0 =	slt.u32 s7, $0x7F80  }
0x43f: {  	v2 =	vld [tilespmem:s8+$0xFFFFFFE0]  }
0x440: {  	v3 =	vld [tilespmem:s8+$0xFFFFFFF0]  }
0x441: {  	s6 =	sadd.s32 $0x100, s6;
	v4 =	vld [tilespmem:s8+$0x0]  }
0x442: {  	[tilespmem:s6+$0x0] =	vst.add.f32.msk $0xffff, v0  }
0x443: {  	v0 =	vld [tilespmem:s8+$0x10]  }
0x444: {  	v5 =	vld [tilespmem:s8+$0x20]  }
0x445: {  	v6 =	vld [tilespmem:s8+$0xFFFFFFC0]  }
0x446: {  	[tilespmem:s6+$0xFFFFFFA0] =	vst.add.f32.msk $0xffff, v1  }
0x447: {  	[tilespmem:s6+$0xFFFFFFB0] =	vst.add.f32.msk $0xffff, v2  }
.Ltmp53:
0x448: {  	[tilespmem:s6+$0xFFFFFFC0] =	vst.add.f32.msk $0xffff, v3;
	(pc) =	sbr.rel @p0 .LBB2_108-.Ltmp53, $4  }
0x449: {  	[tilespmem:s6+$0xFFFFFFD0] =	vst.add.f32.msk $0xffff, v4  }
0x44a: {  	[tilespmem:s6+$0xFFFFFF90] =	vst.add.f32.msk $0xffff, v6  }
0x44b: {  	[tilespmem:s6+$0xFFFFFFE0] =	vst.add.f32.msk $0xffff, v0  }
0x44c: {  	s8 =	sadd.s32 $0x80, s8;
	[tilespmem:s6+$0xFFFFFFF0] =	vst.add.f32.msk $0xffff, v5  }
0x44d: {  	s30 =	sld [smem:$0x7D5];
	_ =	sdelay $0x1  }
0x44e: {  	s6 =	simm.s32 $0x8080  }
0x44f: {  	s7 =	simm.s32 $0x10;
	s8 =	simm.s32 $0x8180;
	s10 =	sadd.s32 $0x0, s30  }
.LBB2_110:
0x450: {  	[hbm4b:s10+s1] =	stream.linear.scatter [tilespmem:s6], [sflag:$0x5], $0x80, $0x38;
	[tilespmem:$0x18000] =	vst v63  }
0x451: {  	s10 =	smov.u32 s7;
	s6 =	smov.u32 s8;
	p0 =	sne.s32 s7, $0xFF0  }
.Ltmp54:
0x452: {  	s7 =	sadd.s32 $0x10, s7;
	(pc) =	sbr.rel @p0 .LBB2_110-.Ltmp54, $2  }
0x453: {  	_ =	sdelay $0x2  }
0x454: {  	s8 =	sadd.s32 $0x100, s8;
	s10 =	sadd.s32 s10, s30  }
0x455: {  	[hbm4b:s10+s1] =	stream.linear.scatter [tilespmem:s6], [sflag:$0x5], $0x80, $0x38;
	[tilespmem:$0x18000] =	vst v63  }
0x456: {  	s30 =	simm.s32 $0x5  }
0x457: {  	_ =	swait.ge [sflag:s30], $0x8000  }
0x458: {  	s6 =	simm.s32 $0x8080;
	s7 =	simm.s32 $0x10;
	[sflag:s30] =	ssyncset.done $0x0  }
0x459: {  	s10 =	sadd.s32 $0x0, s31;
	s8 =	simm.s32 $0x8180;
	[sflag:s30] =	ssyncadd.s32 $0xFFFF8000  }
.LBB2_112:
0x45a: {  	[tilespmem:s6], [sflag:$0x3] =	stream.linear.gather [hbm4b:s10+s1], $0x80, $0x38;
	[tilespmem:$0x18000] =	vst v63  }
0x45b: {  	s10 =	smov.u32 s7;
	s6 =	smov.u32 s8;
	p0 =	sne.s32 s7, $0xFF0  }
.Ltmp55:
0x45c: {  	s7 =	sadd.s32 $0x10, s7;
	(pc) =	sbr.rel @p0 .LBB2_112-.Ltmp55, $2  }
0x45d: {  	_ =	sdelay $0x2  }
0x45e: {  	s8 =	sadd.s32 $0x100, s8;
	s10 =	sadd.s32 s10, s31  }
0x45f: {  	[tilespmem:s6], [sflag:$0x3] =	stream.linear.gather [hbm4b:s10+s1], $0x80, $0x38;
	[tilespmem:$0x18000] =	vst v63  }
0x460: {  	s31 =	simm.s32 $0x2  }
0x461: {  	_ =	swait.ge [sflag:s31], $0x8000  }
0x462: {  	[sflag:s31] =	ssyncset.done $0x0  }
0x463: {  	s7 =	simm.s32 $0x40;
	[sflag:s31] =	ssyncadd.s32 $0xFFFF8000  }
0x464: {  	v0 =	vld [tilespmem:s7+$0x30]  }
0x465: {  	v1 =	vld [tilespmem:s7+$0xFFFFFFD0]  }
0x466: {  	v2 =	vld [tilespmem:s7+$0xFFFFFFE0]  }
0x467: {  	v3 =	vld [tilespmem:s7+$0xFFFFFFF0]  }
0x468: {  	v4 =	vld [tilespmem:s7+$0x0]  }
0x469: {  	v63 =	vld [tilespmem:s7+$0x10]  }
0x46a: {  	v5 =	vld [tilespmem:s7+$0x20]  }
0x46b: {  	s6 =	simm.s32 $0x8070;
	v6 =	vld [tilespmem:s7+$0xFFFFFFC0]  }
0x46c: {  	[tilespmem:s6+$0x0] =	vst.add.f32.msk $0xffff, v0  }
0x46d: {  	[tilespmem:s6+$0xFFFFFFA0] =	vst.add.f32.msk $0xffff, v1  }
0x46e: {  	[tilespmem:s6+$0xFFFFFFB0] =	vst.add.f32.msk $0xffff, v2  }
0x46f: {  	[tilespmem:s6+$0xFFFFFFC0] =	vst.add.f32.msk $0xffff, v3  }
0x470: {  	[tilespmem:s6+$0xFFFFFFD0] =	vst.add.f32.msk $0xffff, v4  }
0x471: {  	[tilespmem:s6+$0xFFFFFF90] =	vst.add.f32.msk $0xffff, v6  }
0x472: {  	[tilespmem:s6+$0xFFFFFFE0] =	vst.add.f32.msk $0xffff, v63  }
0x473: {  	[tilespmem:s6+$0xFFFFFFF0] =	vst.add.f32.msk $0xffff, v5  }
0x474: {  	s8 =	simm.s32 $0xC0;
	s7 =	simm.s32 $0x0;
	s30 =	sld [smem:$0x7F4]  }
.LBB2_114:
0x475: {  	v0 =	vld [tilespmem:s8+$0x30];
	s7 =	sadd.s32 $0x80, s7  }
0x476: {  	v1 =	vld [tilespmem:s8+$0xFFFFFFD0];
	p0 =	slt.u32 s7, $0x7F80  }
0x477: {  	v2 =	vld [tilespmem:s8+$0xFFFFFFE0]  }
0x478: {  	v3 =	vld [tilespmem:s8+$0xFFFFFFF0]  }
0x479: {  	s6 =	sadd.s32 $0x100, s6;
	v4 =	vld [tilespmem:s8+$0x0]  }
0x47a: {  	[tilespmem:s6+$0x0] =	vst.add.f32.msk $0xffff, v0  }
0x47b: {  	v0 =	vld [tilespmem:s8+$0x10]  }
0x47c: {  	v5 =	vld [tilespmem:s8+$0x20]  }
0x47d: {  	v6 =	vld [tilespmem:s8+$0xFFFFFFC0]  }
0x47e: {  	[tilespmem:s6+$0xFFFFFFA0] =	vst.add.f32.msk $0xffff, v1  }
0x47f: {  	[tilespmem:s6+$0xFFFFFFB0] =	vst.add.f32.msk $0xffff, v2  }
.Ltmp56:
0x480: {  	[tilespmem:s6+$0xFFFFFFC0] =	vst.add.f32.msk $0xffff, v3;
	(pc) =	sbr.rel @p0 .LBB2_114-.Ltmp56, $4  }
0x481: {  	[tilespmem:s6+$0xFFFFFFD0] =	vst.add.f32.msk $0xffff, v4  }
0x482: {  	[tilespmem:s6+$0xFFFFFF90] =	vst.add.f32.msk $0xffff, v6  }
0x483: {  	[tilespmem:s6+$0xFFFFFFE0] =	vst.add.f32.msk $0xffff, v0  }
0x484: {  	s8 =	sadd.s32 $0x80, s8;
	[tilespmem:s6+$0xFFFFFFF0] =	vst.add.f32.msk $0xffff, v5  }
0x485: {  	s31 =	sld [smem:$0x7D6];
	_ =	sdelay $0x1  }
0x486: {  	s6 =	simm.s32 $0x8000  }
0x487: {  	s7 =	simm.s32 $0x10;
	s8 =	simm.s32 $0x8100;
	s10 =	sadd.s32 $0x0, s31  }
.LBB2_116:
0x488: {  	[hbm4b:s10+s1] =	stream.linear.scatter [tilespmem:s6], [sflag:$0x4], $0x80, $0x38;
	[tilespmem:$0x18000] =	vst v63  }
0x489: {  	s10 =	smov.u32 s7;
	s6 =	smov.u32 s8;
	p0 =	sne.s32 s7, $0xFF0  }
.Ltmp57:
0x48a: {  	s7 =	sadd.s32 $0x10, s7;
	(pc) =	sbr.rel @p0 .LBB2_116-.Ltmp57, $2  }
0x48b: {  	_ =	sdelay $0x2  }
0x48c: {  	s8 =	sadd.s32 $0x100, s8;
	s10 =	sadd.s32 s10, s31  }
0x48d: {  	[hbm4b:s10+s1] =	stream.linear.scatter [tilespmem:s6], [sflag:$0x4], $0x80, $0x38;
	[tilespmem:$0x18000] =	vst v63  }
0x48e: {  	s31 =	simm.s32 $0x4  }
0x48f: {  	_ =	swait.ge [sflag:s31], $0x8000  }
0x490: {  	s6 =	simm.s32 $0x8000;
	s7 =	simm.s32 $0x10;
	[sflag:s31] =	ssyncset.done $0x0  }
0x491: {  	s10 =	sadd.s32 $0x0, s0;
	s8 =	simm.s32 $0x8100;
	[sflag:s31] =	ssyncadd.s32 $0xFFFF8000  }
.LBB2_118:
0x492: {  	[tilespmem:s6], [sflag:$0x2] =	stream.linear.gather [hbm4b:s10+s1], $0x80, $0x38;
	[tilespmem:$0x18000] =	vst v63  }
0x493: {  	s10 =	smov.u32 s7;
	s6 =	smov.u32 s8;
	p0 =	sne.s32 s7, $0xFF0  }
.Ltmp58:
0x494: {  	s7 =	sadd.s32 $0x10, s7;
	(pc) =	sbr.rel @p0 .LBB2_118-.Ltmp58, $2  }
0x495: {  	_ =	sdelay $0x2  }
0x496: {  	s8 =	sadd.s32 $0x100, s8;
	s10 =	sadd.s32 s10, s0  }
0x497: {  	[tilespmem:s6], [sflag:$0x2] =	stream.linear.gather [hbm4b:s10+s1], $0x80, $0x38;
	[tilespmem:$0x18000] =	vst v63  }
0x498: {  	s0 =	simm.s32 $0x3  }
0x499: {  	_ =	swait.ge [sflag:s0], $0x8000  }
0x49a: {  	[sflag:s0] =	ssyncset.done $0x0  }
0x49b: {  	s7 =	simm.s32 $0x40;
	[sflag:s0] =	ssyncadd.s32 $0xFFFF8000  }
0x49c: {  	v0 =	vld [tilespmem:s7+$0x30]  }
0x49d: {  	v1 =	vld [tilespmem:s7+$0xFFFFFFD0]  }
0x49e: {  	v2 =	vld [tilespmem:s7+$0xFFFFFFE0]  }
0x49f: {  	v3 =	vld [tilespmem:s7+$0xFFFFFFF0]  }
0x4a0: {  	v4 =	vld [tilespmem:s7+$0x0]  }
0x4a1: {  	v63 =	vld [tilespmem:s7+$0x10]  }
0x4a2: {  	v5 =	vld [tilespmem:s7+$0x20]  }
0x4a3: {  	s6 =	simm.s32 $0x80F0;
	v6 =	vld [tilespmem:s7+$0xFFFFFFC0]  }
0x4a4: {  	[tilespmem:s6+$0x0] =	vst.add.f32.msk $0xffff, v0  }
0x4a5: {  	[tilespmem:s6+$0xFFFFFFA0] =	vst.add.f32.msk $0xffff, v1  }
0x4a6: {  	[tilespmem:s6+$0xFFFFFFB0] =	vst.add.f32.msk $0xffff, v2  }
0x4a7: {  	[tilespmem:s6+$0xFFFFFFC0] =	vst.add.f32.msk $0xffff, v3  }
0x4a8: {  	[tilespmem:s6+$0xFFFFFFD0] =	vst.add.f32.msk $0xffff, v4  }
0x4a9: {  	[tilespmem:s6+$0xFFFFFF90] =	vst.add.f32.msk $0xffff, v6  }
0x4aa: {  	[tilespmem:s6+$0xFFFFFFE0] =	vst.add.f32.msk $0xffff, v63  }
0x4ab: {  	[tilespmem:s6+$0xFFFFFFF0] =	vst.add.f32.msk $0xffff, v5  }
0x4ac: {  	s8 =	simm.s32 $0xC0;
	s7 =	simm.s32 $0x0;
	s31 =	sld [smem:$0x7F5]  }
.LBB2_120:
0x4ad: {  	v0 =	vld [tilespmem:s8+$0x30];
	s7 =	sadd.s32 $0x80, s7  }
0x4ae: {  	v1 =	vld [tilespmem:s8+$0xFFFFFFD0];
	p0 =	slt.u32 s7, $0x7F80  }
0x4af: {  	v2 =	vld [tilespmem:s8+$0xFFFFFFE0]  }
0x4b0: {  	v3 =	vld [tilespmem:s8+$0xFFFFFFF0]  }
0x4b1: {  	s6 =	sadd.s32 $0x100, s6;
	v4 =	vld [tilespmem:s8+$0x0]  }
0x4b2: {  	[tilespmem:s6+$0x0] =	vst.add.f32.msk $0xffff, v0  }
0x4b3: {  	v0 =	vld [tilespmem:s8+$0x10]  }
0x4b4: {  	v5 =	vld [tilespmem:s8+$0x20]  }
0x4b5: {  	v6 =	vld [tilespmem:s8+$0xFFFFFFC0]  }
0x4b6: {  	[tilespmem:s6+$0xFFFFFFA0] =	vst.add.f32.msk $0xffff, v1  }
0x4b7: {  	[tilespmem:s6+$0xFFFFFFB0] =	vst.add.f32.msk $0xffff, v2  }
.Ltmp59:
0x4b8: {  	[tilespmem:s6+$0xFFFFFFC0] =	vst.add.f32.msk $0xffff, v3;
	(pc) =	sbr.rel @p0 .LBB2_120-.Ltmp59, $4  }
0x4b9: {  	[tilespmem:s6+$0xFFFFFFD0] =	vst.add.f32.msk $0xffff, v4  }
0x4ba: {  	[tilespmem:s6+$0xFFFFFF90] =	vst.add.f32.msk $0xffff, v6  }
0x4bb: {  	[tilespmem:s6+$0xFFFFFFE0] =	vst.add.f32.msk $0xffff, v0  }
0x4bc: {  	s8 =	sadd.s32 $0x80, s8;
	[tilespmem:s6+$0xFFFFFFF0] =	vst.add.f32.msk $0xffff, v5  }
0x4bd: {  	s0 =	sld [smem:$0x7D7];
	_ =	sdelay $0x1  }
0x4be: {  	s6 =	simm.s32 $0x8080  }
0x4bf: {  	s7 =	simm.s32 $0x10;
	s8 =	simm.s32 $0x8180;
	s10 =	sadd.s32 $0x0, s0  }
.LBB2_122:
0x4c0: {  	[hbm4b:s10+s1] =	stream.linear.scatter [tilespmem:s6], [sflag:$0x5], $0x80, $0x38;
	[tilespmem:$0x18000] =	vst v63  }
0x4c1: {  	s10 =	smov.u32 s7;
	s6 =	smov.u32 s8;
	p0 =	sne.s32 s7, $0xFF0  }
.Ltmp60:
0x4c2: {  	s7 =	sadd.s32 $0x10, s7;
	(pc) =	sbr.rel @p0 .LBB2_122-.Ltmp60, $2  }
0x4c3: {  	_ =	sdelay $0x2  }
0x4c4: {  	s8 =	sadd.s32 $0x100, s8;
	s10 =	sadd.s32 s10, s0  }
0x4c5: {  	s0 =	sld [smem:$0x7D9]  }
0x4c6: {  	[hbm4b:s10+s1] =	stream.linear.scatter [tilespmem:s6], [sflag:$0x5], $0x80, $0x38;
	[tilespmem:$0x18000] =	vst v63  }
0x4c7: {  	s17 =	simm.s32 $0x0;
	s19 =	simm.s32 $0x5  }
0x4c8: {  	[tilespmem:s17], [sflag:$0x1] =	stream.linear.gather [hbm4b:s0+s17], $0x8000, $0x38;
	[tilespmem:$0x18000] =	vst v63  }
0x4c9: {  	_ =	swait.ge [sflag:s19], $0x8000  }
0x4ca: {  	s0 =	sld [smem:$0x7DA];
	_ =	sdelay $0x1  }
0x4cb: {  	s6 =	simm.s32 $0x8080;
	s7 =	simm.s32 $0x10;
	[sflag:s19] =	ssyncset.done $0x0  }
0x4cc: {  	s8 =	simm.s32 $0x8180;
	[sflag:s19] =	ssyncadd.s32 $0xFFFF8000;
	s10 =	sadd.s32 $0x0, s0  }
.LBB2_124:
0x4cd: {  	[tilespmem:s6], [sflag:$0x3] =	stream.linear.gather [hbm4b:s10+s1], $0x80, $0x38;
	[tilespmem:$0x18000] =	vst v63  }
0x4ce: {  	s10 =	smov.u32 s7;
	s6 =	smov.u32 s8;
	p0 =	sne.s32 s7, $0xFF0  }
.Ltmp61:
0x4cf: {  	s7 =	sadd.s32 $0x10, s7;
	(pc) =	sbr.rel @p0 .LBB2_124-.Ltmp61, $2  }
0x4d0: {  	_ =	sdelay $0x2  }
0x4d1: {  	s8 =	sadd.s32 $0x100, s8;
	s10 =	sadd.s32 s10, s0  }
0x4d2: {  	[tilespmem:s6], [sflag:$0x3] =	stream.linear.gather [hbm4b:s10+s1], $0x80, $0x38;
	[tilespmem:$0x18000] =	vst v63  }
0x4d3: {  	s0 =	simm.s32 $0x1  }
0x4d4: {  	_ =	swait.ge [sflag:s0], $0x8000  }
0x4d5: {  	[sflag:s0] =	ssyncset.done $0x0  }
0x4d6: {  	s19 =	simm.s32 $0x2;
	[sflag:s0] =	ssyncadd.s32 $0xFFFF8000  }
0x4d7: {  	_ =	swait.ge [sflag:s19], $0x8000  }
0x4d8: {  	[sflag:s19] =	ssyncset.done $0x0  }
0x4d9: {  	s7 =	simm.s32 $0x40;
	[sflag:s19] =	ssyncadd.s32 $0xFFFF8000  }
0x4da: {  	v0 =	vld [tilespmem:s7+$0x30]  }
0x4db: {  	v1 =	vld [tilespmem:s7+$0xFFFFFFD0]  }
0x4dc: {  	v2 =	vld [tilespmem:s7+$0xFFFFFFE0]  }
0x4dd: {  	v3 =	vld [tilespmem:s7+$0xFFFFFFF0]  }
0x4de: {  	v4 =	vld [tilespmem:s7+$0x0]  }
0x4df: {  	v63 =	vld [tilespmem:s7+$0x10]  }
0x4e0: {  	v5 =	vld [tilespmem:s7+$0x20]  }
0x4e1: {  	s6 =	simm.s32 $0x8070;
	v6 =	vld [tilespmem:s7+$0xFFFFFFC0]  }
0x4e2: {  	[tilespmem:s6+$0x0] =	vst.add.f32.msk $0xffff, v0  }
0x4e3: {  	[tilespmem:s6+$0xFFFFFFA0] =	vst.add.f32.msk $0xffff, v1  }
0x4e4: {  	[tilespmem:s6+$0xFFFFFFB0] =	vst.add.f32.msk $0xffff, v2  }
0x4e5: {  	[tilespmem:s6+$0xFFFFFFC0] =	vst.add.f32.msk $0xffff, v3  }
0x4e6: {  	[tilespmem:s6+$0xFFFFFFD0] =	vst.add.f32.msk $0xffff, v4  }
0x4e7: {  	[tilespmem:s6+$0xFFFFFF90] =	vst.add.f32.msk $0xffff, v6  }
0x4e8: {  	[tilespmem:s6+$0xFFFFFFE0] =	vst.add.f32.msk $0xffff, v63  }
0x4e9: {  	[tilespmem:s6+$0xFFFFFFF0] =	vst.add.f32.msk $0xffff, v5  }
0x4ea: {  	s8 =	simm.s32 $0xC0;
	s7 =	simm.s32 $0x0;
	s0 =	sld [smem:$0x7F6]  }
.LBB2_126:
0x4eb: {  	v0 =	vld [tilespmem:s8+$0x30];
	s7 =	sadd.s32 $0x80, s7  }
0x4ec: {  	v1 =	vld [tilespmem:s8+$0xFFFFFFD0];
	p0 =	slt.u32 s7, $0x7F80  }
0x4ed: {  	v2 =	vld [tilespmem:s8+$0xFFFFFFE0]  }
0x4ee: {  	v3 =	vld [tilespmem:s8+$0xFFFFFFF0]  }
0x4ef: {  	s6 =	sadd.s32 $0x100, s6;
	v4 =	vld [tilespmem:s8+$0x0]  }
0x4f0: {  	[tilespmem:s6+$0x0] =	vst.add.f32.msk $0xffff, v0  }
0x4f1: {  	v0 =	vld [tilespmem:s8+$0x10]  }
0x4f2: {  	v5 =	vld [tilespmem:s8+$0x20]  }
0x4f3: {  	v6 =	vld [tilespmem:s8+$0xFFFFFFC0]  }
0x4f4: {  	[tilespmem:s6+$0xFFFFFFA0] =	vst.add.f32.msk $0xffff, v1  }
0x4f5: {  	[tilespmem:s6+$0xFFFFFFB0] =	vst.add.f32.msk $0xffff, v2  }
.Ltmp62:
0x4f6: {  	[tilespmem:s6+$0xFFFFFFC0] =	vst.add.f32.msk $0xffff, v3;
	(pc) =	sbr.rel @p0 .LBB2_126-.Ltmp62, $4  }
0x4f7: {  	[tilespmem:s6+$0xFFFFFFD0] =	vst.add.f32.msk $0xffff, v4  }
0x4f8: {  	[tilespmem:s6+$0xFFFFFF90] =	vst.add.f32.msk $0xffff, v6  }
0x4f9: {  	[tilespmem:s6+$0xFFFFFFE0] =	vst.add.f32.msk $0xffff, v0  }
0x4fa: {  	s8 =	sadd.s32 $0x80, s8;
	[tilespmem:s6+$0xFFFFFFF0] =	vst.add.f32.msk $0xffff, v5  }
0x4fb: {  	s6 =	simm.s32 $0x8000  }
0x4fc: {  	s7 =	simm.s32 $0x10;
	s10 =	sadd.s32 $0x0, s0;
	s8 =	simm.s32 $0x8100  }
.LBB2_128:
0x4fd: {  	[hbm4b:s10+s1] =	stream.linear.scatter [tilespmem:s6], [sflag:$0x4], $0x80, $0x38;
	[tilespmem:$0x18000] =	vst v63  }
0x4fe: {  	s10 =	smov.u32 s7;
	s6 =	smov.u32 s8;
	p0 =	sne.s32 s7, $0xFF0  }
.Ltmp63:
0x4ff: {  	s7 =	sadd.s32 $0x10, s7;
	(pc) =	sbr.rel @p0 .LBB2_128-.Ltmp63, $2  }
0x500: {  	_ =	sdelay $0x2  }
0x501: {  	s8 =	sadd.s32 $0x100, s8;
	s10 =	sadd.s32 s10, s0  }
0x502: {  	[hbm4b:s10+s1] =	stream.linear.scatter [tilespmem:s6], [sflag:$0x4], $0x80, $0x38;
	[tilespmem:$0x18000] =	vst v63  }
0x503: {  	s19 =	simm.s32 $0x4  }
0x504: {  	_ =	swait.ge [sflag:s19], $0x8000  }
0x505: {  	s6 =	simm.s32 $0x8000;
	s7 =	simm.s32 $0x10;
	[sflag:s19] =	ssyncset.done $0x0  }
0x506: {  	s10 =	sadd.s32 $0x0, s9;
	s8 =	simm.s32 $0x8100;
	[sflag:s19] =	ssyncadd.s32 $0xFFFF8000  }
.LBB2_130:
0x507: {  	[tilespmem:s6], [sflag:$0x2] =	stream.linear.gather [hbm4b:s10+s1], $0x80, $0x38;
	[tilespmem:$0x18000] =	vst v63  }
0x508: {  	s10 =	smov.u32 s7;
	s6 =	smov.u32 s8;
	p0 =	sne.s32 s7, $0xFF0  }
.Ltmp64:
0x509: {  	s7 =	sadd.s32 $0x10, s7;
	(pc) =	sbr.rel @p0 .LBB2_130-.Ltmp64, $2  }
0x50a: {  	_ =	sdelay $0x2  }
0x50b: {  	s8 =	sadd.s32 $0x100, s8;
	s10 =	sadd.s32 s10, s9  }
0x50c: {  	[tilespmem:s6], [sflag:$0x2] =	stream.linear.gather [hbm4b:s10+s1], $0x80, $0x38;
	[tilespmem:$0x18000] =	vst v63  }
0x50d: {  	s19 =	simm.s32 $0x3  }
0x50e: {  	_ =	swait.ge [sflag:s19], $0x8000  }
0x50f: {  	[sflag:s19] =	ssyncset.done $0x0  }
0x510: {  	s7 =	simm.s32 $0x40;
	[sflag:s19] =	ssyncadd.s32 $0xFFFF8000  }
0x511: {  	v0 =	vld [tilespmem:s7+$0x30]  }
0x512: {  	v1 =	vld [tilespmem:s7+$0xFFFFFFD0]  }
0x513: {  	v2 =	vld [tilespmem:s7+$0xFFFFFFE0]  }
0x514: {  	v3 =	vld [tilespmem:s7+$0xFFFFFFF0]  }
0x515: {  	v4 =	vld [tilespmem:s7+$0x0]  }
0x516: {  	v63 =	vld [tilespmem:s7+$0x10]  }
0x517: {  	v5 =	vld [tilespmem:s7+$0x20]  }
0x518: {  	s6 =	simm.s32 $0x80F0;
	v6 =	vld [tilespmem:s7+$0xFFFFFFC0]  }
0x519: {  	[tilespmem:s6+$0x0] =	vst.add.f32.msk $0xffff, v0  }
0x51a: {  	[tilespmem:s6+$0xFFFFFFA0] =	vst.add.f32.msk $0xffff, v1  }
0x51b: {  	[tilespmem:s6+$0xFFFFFFB0] =	vst.add.f32.msk $0xffff, v2  }
0x51c: {  	[tilespmem:s6+$0xFFFFFFC0] =	vst.add.f32.msk $0xffff, v3  }
0x51d: {  	[tilespmem:s6+$0xFFFFFFD0] =	vst.add.f32.msk $0xffff, v4  }
0x51e: {  	[tilespmem:s6+$0xFFFFFF90] =	vst.add.f32.msk $0xffff, v6  }
0x51f: {  	[tilespmem:s6+$0xFFFFFFE0] =	vst.add.f32.msk $0xffff, v63  }
0x520: {  	s8 =	simm.s32 $0xC0;
	s7 =	simm.s32 $0x0;
	[tilespmem:s6+$0xFFFFFFF0] =	vst.add.f32.msk $0xffff, v5  }
.LBB2_132:
0x521: {  	v0 =	vld [tilespmem:s8+$0x30];
	s7 =	sadd.s32 $0x80, s7  }
0x522: {  	v1 =	vld [tilespmem:s8+$0xFFFFFFD0];
	p0 =	slt.u32 s7, $0x7F80  }
0x523: {  	v2 =	vld [tilespmem:s8+$0xFFFFFFE0]  }
0x524: {  	v3 =	vld [tilespmem:s8+$0xFFFFFFF0]  }
0x525: {  	s6 =	sadd.s32 $0x100, s6;
	v4 =	vld [tilespmem:s8+$0x0]  }
0x526: {  	[tilespmem:s6+$0x0] =	vst.add.f32.msk $0xffff, v0  }
0x527: {  	v0 =	vld [tilespmem:s8+$0x10]  }
0x528: {  	v5 =	vld [tilespmem:s8+$0x20]  }
0x529: {  	v6 =	vld [tilespmem:s8+$0xFFFFFFC0]  }
0x52a: {  	[tilespmem:s6+$0xFFFFFFA0] =	vst.add.f32.msk $0xffff, v1  }
0x52b: {  	[tilespmem:s6+$0xFFFFFFB0] =	vst.add.f32.msk $0xffff, v2  }
.Ltmp65:
0x52c: {  	[tilespmem:s6+$0xFFFFFFC0] =	vst.add.f32.msk $0xffff, v3;
	(pc) =	sbr.rel @p0 .LBB2_132-.Ltmp65, $4  }
0x52d: {  	[tilespmem:s6+$0xFFFFFFD0] =	vst.add.f32.msk $0xffff, v4  }
0x52e: {  	[tilespmem:s6+$0xFFFFFF90] =	vst.add.f32.msk $0xffff, v6  }
0x52f: {  	[tilespmem:s6+$0xFFFFFFE0] =	vst.add.f32.msk $0xffff, v0  }
0x530: {  	s8 =	sadd.s32 $0x80, s8;
	[tilespmem:s6+$0xFFFFFFF0] =	vst.add.f32.msk $0xffff, v5  }
0x531: {  	s9 =	sld [smem:$0x7DB];
	_ =	sdelay $0x1  }
0x532: {  	s6 =	simm.s32 $0x8080  }
0x533: {  	s7 =	simm.s32 $0x10;
	s8 =	simm.s32 $0x8180;
	s10 =	sadd.s32 $0x0, s9  }
.LBB2_134:
0x534: {  	[hbm4b:s10+s1] =	stream.linear.scatter [tilespmem:s6], [sflag:$0x5], $0x80, $0x38;
	[tilespmem:$0x18000] =	vst v63  }
0x535: {  	s10 =	smov.u32 s7;
	s6 =	smov.u32 s8;
	p0 =	sne.s32 s7, $0xFF0  }
.Ltmp66:
0x536: {  	s7 =	sadd.s32 $0x10, s7;
	(pc) =	sbr.rel @p0 .LBB2_134-.Ltmp66, $2  }
0x537: {  	_ =	sdelay $0x2  }
0x538: {  	s8 =	sadd.s32 $0x100, s8;
	s10 =	sadd.s32 s10, s9  }
0x539: {  	[hbm4b:s10+s1] =	stream.linear.scatter [tilespmem:s6], [sflag:$0x5], $0x80, $0x38;
	[tilespmem:$0x18000] =	vst v63  }
0x53a: {  	s19 =	simm.s32 $0x5  }
0x53b: {  	_ =	swait.ge [sflag:s19], $0x8000  }
0x53c: {  	s6 =	simm.s32 $0x8080;
	s7 =	simm.s32 $0x10;
	[sflag:s19] =	ssyncset.done $0x0  }
0x53d: {  	s10 =	sadd.s32 $0x0, s18;
	s8 =	simm.s32 $0x8180;
	[sflag:s19] =	ssyncadd.s32 $0xFFFF8000  }
.LBB2_136:
0x53e: {  	[tilespmem:s6], [sflag:$0x3] =	stream.linear.gather [hbm4b:s10+s1], $0x80, $0x38;
	[tilespmem:$0x18000] =	vst v63  }
0x53f: {  	s10 =	smov.u32 s7;
	s6 =	smov.u32 s8;
	p0 =	sne.s32 s7, $0xFF0  }
.Ltmp67:
0x540: {  	s7 =	sadd.s32 $0x10, s7;
	(pc) =	sbr.rel @p0 .LBB2_136-.Ltmp67, $2  }
0x541: {  	_ =	sdelay $0x2  }
0x542: {  	s8 =	sadd.s32 $0x100, s8;
	s10 =	sadd.s32 s10, s18  }
0x543: {  	[tilespmem:s6], [sflag:$0x3] =	stream.linear.gather [hbm4b:s10+s1], $0x80, $0x38;
	[tilespmem:$0x18000] =	vst v63  }
0x544: {  	s19 =	simm.s32 $0x2  }
0x545: {  	_ =	swait.ge [sflag:s19], $0x8000  }
0x546: {  	[sflag:s19] =	ssyncset.done $0x0  }
0x547: {  	s7 =	simm.s32 $0x40;
	[sflag:s19] =	ssyncadd.s32 $0xFFFF8000  }
0x548: {  	v0 =	vld [tilespmem:s7+$0x30]  }
0x549: {  	v1 =	vld [tilespmem:s7+$0xFFFFFFD0]  }
0x54a: {  	v2 =	vld [tilespmem:s7+$0xFFFFFFE0]  }
0x54b: {  	v3 =	vld [tilespmem:s7+$0xFFFFFFF0]  }
0x54c: {  	v4 =	vld [tilespmem:s7+$0x0]  }
0x54d: {  	v63 =	vld [tilespmem:s7+$0x10]  }
0x54e: {  	v5 =	vld [tilespmem:s7+$0x20]  }
0x54f: {  	s6 =	simm.s32 $0x8070;
	v6 =	vld [tilespmem:s7+$0xFFFFFFC0]  }
0x550: {  	[tilespmem:s6+$0x0] =	vst.add.f32.msk $0xffff, v0  }
0x551: {  	[tilespmem:s6+$0xFFFFFFA0] =	vst.add.f32.msk $0xffff, v1  }
0x552: {  	[tilespmem:s6+$0xFFFFFFB0] =	vst.add.f32.msk $0xffff, v2  }
0x553: {  	[tilespmem:s6+$0xFFFFFFC0] =	vst.add.f32.msk $0xffff, v3  }
0x554: {  	[tilespmem:s6+$0xFFFFFFD0] =	vst.add.f32.msk $0xffff, v4  }
0x555: {  	[tilespmem:s6+$0xFFFFFF90] =	vst.add.f32.msk $0xffff, v6  }
0x556: {  	[tilespmem:s6+$0xFFFFFFE0] =	vst.add.f32.msk $0xffff, v63  }
0x557: {  	[tilespmem:s6+$0xFFFFFFF0] =	vst.add.f32.msk $0xffff, v5  }
0x558: {  	s8 =	simm.s32 $0xC0;
	s7 =	simm.s32 $0x0;
	s9 =	sld [smem:$0x7F7]  }
.LBB2_138:
0x559: {  	v0 =	vld [tilespmem:s8+$0x30];
	s7 =	sadd.s32 $0x80, s7  }
0x55a: {  	v1 =	vld [tilespmem:s8+$0xFFFFFFD0];
	p0 =	slt.u32 s7, $0x7F80  }
0x55b: {  	v2 =	vld [tilespmem:s8+$0xFFFFFFE0]  }
0x55c: {  	v3 =	vld [tilespmem:s8+$0xFFFFFFF0]  }
0x55d: {  	s6 =	sadd.s32 $0x100, s6;
	v4 =	vld [tilespmem:s8+$0x0]  }
0x55e: {  	[tilespmem:s6+$0x0] =	vst.add.f32.msk $0xffff, v0  }
0x55f: {  	v0 =	vld [tilespmem:s8+$0x10]  }
0x560: {  	v5 =	vld [tilespmem:s8+$0x20]  }
0x561: {  	v6 =	vld [tilespmem:s8+$0xFFFFFFC0]  }
0x562: {  	[tilespmem:s6+$0xFFFFFFA0] =	vst.add.f32.msk $0xffff, v1  }
0x563: {  	[tilespmem:s6+$0xFFFFFFB0] =	vst.add.f32.msk $0xffff, v2  }
.Ltmp68:
0x564: {  	[tilespmem:s6+$0xFFFFFFC0] =	vst.add.f32.msk $0xffff, v3;
	(pc) =	sbr.rel @p0 .LBB2_138-.Ltmp68, $4  }
0x565: {  	[tilespmem:s6+$0xFFFFFFD0] =	vst.add.f32.msk $0xffff, v4  }
0x566: {  	[tilespmem:s6+$0xFFFFFF90] =	vst.add.f32.msk $0xffff, v6  }
0x567: {  	[tilespmem:s6+$0xFFFFFFE0] =	vst.add.f32.msk $0xffff, v0  }
0x568: {  	s8 =	sadd.s32 $0x80, s8;
	[tilespmem:s6+$0xFFFFFFF0] =	vst.add.f32.msk $0xffff, v5  }
0x569: {  	s18 =	sld [smem:$0x7DC];
	_ =	sdelay $0x1  }
0x56a: {  	s6 =	simm.s32 $0x8000  }
0x56b: {  	s7 =	simm.s32 $0x10;
	s8 =	simm.s32 $0x8100;
	s10 =	sadd.s32 $0x0, s18  }
.LBB2_140:
0x56c: {  	[hbm4b:s10+s1] =	stream.linear.scatter [tilespmem:s6], [sflag:$0x4], $0x80, $0x38;
	[tilespmem:$0x18000] =	vst v63  }
0x56d: {  	s10 =	smov.u32 s7;
	s6 =	smov.u32 s8;
	p0 =	sne.s32 s7, $0xFF0  }
.Ltmp69:
0x56e: {  	s7 =	sadd.s32 $0x10, s7;
	(pc) =	sbr.rel @p0 .LBB2_140-.Ltmp69, $2  }
0x56f: {  	_ =	sdelay $0x2  }
0x570: {  	s8 =	sadd.s32 $0x100, s8;
	s10 =	sadd.s32 s10, s18  }
0x571: {  	[hbm4b:s10+s1] =	stream.linear.scatter [tilespmem:s6], [sflag:$0x4], $0x80, $0x38;
	[tilespmem:$0x18000] =	vst v63  }
0x572: {  	s19 =	simm.s32 $0x4  }
0x573: {  	_ =	swait.ge [sflag:s19], $0x8000  }
0x574: {  	s6 =	simm.s32 $0x8000;
	s7 =	simm.s32 $0x10;
	[sflag:s19] =	ssyncset.done $0x0  }
0x575: {  	s10 =	sadd.s32 $0x0, s28;
	s8 =	simm.s32 $0x8100;
	[sflag:s19] =	ssyncadd.s32 $0xFFFF8000  }
.LBB2_142:
0x576: {  	[tilespmem:s6], [sflag:$0x2] =	stream.linear.gather [hbm4b:s10+s1], $0x80, $0x38;
	[tilespmem:$0x18000] =	vst v63  }
0x577: {  	s10 =	smov.u32 s7;
	s6 =	smov.u32 s8;
	p0 =	sne.s32 s7, $0xFF0  }
.Ltmp70:
0x578: {  	s7 =	sadd.s32 $0x10, s7;
	(pc) =	sbr.rel @p0 .LBB2_142-.Ltmp70, $2  }
0x579: {  	_ =	sdelay $0x2  }
0x57a: {  	s8 =	sadd.s32 $0x100, s8;
	s10 =	sadd.s32 s10, s28  }
0x57b: {  	[tilespmem:s6], [sflag:$0x2] =	stream.linear.gather [hbm4b:s10+s1], $0x80, $0x38;
	[tilespmem:$0x18000] =	vst v63  }
0x57c: {  	s28 =	simm.s32 $0x3  }
0x57d: {  	_ =	swait.ge [sflag:s28], $0x8000  }
0x57e: {  	[sflag:s28] =	ssyncset.done $0x0  }
0x57f: {  	s7 =	simm.s32 $0x40;
	[sflag:s28] =	ssyncadd.s32 $0xFFFF8000  }
0x580: {  	v0 =	vld [tilespmem:s7+$0x30]  }
0x581: {  	v1 =	vld [tilespmem:s7+$0xFFFFFFD0]  }
0x582: {  	v2 =	vld [tilespmem:s7+$0xFFFFFFE0]  }
0x583: {  	v3 =	vld [tilespmem:s7+$0xFFFFFFF0]  }
0x584: {  	v4 =	vld [tilespmem:s7+$0x0]  }
0x585: {  	v63 =	vld [tilespmem:s7+$0x10]  }
0x586: {  	v5 =	vld [tilespmem:s7+$0x20]  }
0x587: {  	s6 =	simm.s32 $0x80F0;
	v6 =	vld [tilespmem:s7+$0xFFFFFFC0]  }
0x588: {  	[tilespmem:s6+$0x0] =	vst.add.f32.msk $0xffff, v0  }
0x589: {  	[tilespmem:s6+$0xFFFFFFA0] =	vst.add.f32.msk $0xffff, v1  }
0x58a: {  	[tilespmem:s6+$0xFFFFFFB0] =	vst.add.f32.msk $0xffff, v2  }
0x58b: {  	[tilespmem:s6+$0xFFFFFFC0] =	vst.add.f32.msk $0xffff, v3  }
0x58c: {  	[tilespmem:s6+$0xFFFFFFD0] =	vst.add.f32.msk $0xffff, v4  }
0x58d: {  	[tilespmem:s6+$0xFFFFFF90] =	vst.add.f32.msk $0xffff, v6  }
0x58e: {  	[tilespmem:s6+$0xFFFFFFE0] =	vst.add.f32.msk $0xffff, v63  }
0x58f: {  	[tilespmem:s6+$0xFFFFFFF0] =	vst.add.f32.msk $0xffff, v5  }
0x590: {  	s8 =	simm.s32 $0xC0;
	s7 =	simm.s32 $0x0;
	s18 =	sld [smem:$0x7F8]  }
.LBB2_144:
0x591: {  	v0 =	vld [tilespmem:s8+$0x30];
	s7 =	sadd.s32 $0x80, s7  }
0x592: {  	v1 =	vld [tilespmem:s8+$0xFFFFFFD0];
	p0 =	slt.u32 s7, $0x7F80  }
0x593: {  	v2 =	vld [tilespmem:s8+$0xFFFFFFE0]  }
0x594: {  	v3 =	vld [tilespmem:s8+$0xFFFFFFF0]  }
0x595: {  	s6 =	sadd.s32 $0x100, s6;
	v4 =	vld [tilespmem:s8+$0x0]  }
0x596: {  	[tilespmem:s6+$0x0] =	vst.add.f32.msk $0xffff, v0  }
0x597: {  	v0 =	vld [tilespmem:s8+$0x10]  }
0x598: {  	v5 =	vld [tilespmem:s8+$0x20]  }
0x599: {  	v6 =	vld [tilespmem:s8+$0xFFFFFFC0]  }
0x59a: {  	[tilespmem:s6+$0xFFFFFFA0] =	vst.add.f32.msk $0xffff, v1  }
0x59b: {  	[tilespmem:s6+$0xFFFFFFB0] =	vst.add.f32.msk $0xffff, v2  }
.Ltmp71:
0x59c: {  	[tilespmem:s6+$0xFFFFFFC0] =	vst.add.f32.msk $0xffff, v3;
	(pc) =	sbr.rel @p0 .LBB2_144-.Ltmp71, $4  }
0x59d: {  	[tilespmem:s6+$0xFFFFFFD0] =	vst.add.f32.msk $0xffff, v4  }
0x59e: {  	[tilespmem:s6+$0xFFFFFF90] =	vst.add.f32.msk $0xffff, v6  }
0x59f: {  	[tilespmem:s6+$0xFFFFFFE0] =	vst.add.f32.msk $0xffff, v0  }
0x5a0: {  	s8 =	sadd.s32 $0x80, s8;
	[tilespmem:s6+$0xFFFFFFF0] =	vst.add.f32.msk $0xffff, v5  }
0x5a1: {  	s28 =	sld [smem:$0x7DD];
	_ =	sdelay $0x1  }
0x5a2: {  	s6 =	simm.s32 $0x8080  }
0x5a3: {  	s7 =	simm.s32 $0x10;
	s8 =	simm.s32 $0x8180;
	s10 =	sadd.s32 $0x0, s28  }
.LBB2_146:
0x5a4: {  	[hbm4b:s10+s1] =	stream.linear.scatter [tilespmem:s6], [sflag:$0x5], $0x80, $0x38;
	[tilespmem:$0x18000] =	vst v63  }
0x5a5: {  	s10 =	smov.u32 s7;
	s6 =	smov.u32 s8;
	p0 =	sne.s32 s7, $0xFF0  }
.Ltmp72:
0x5a6: {  	s7 =	sadd.s32 $0x10, s7;
	(pc) =	sbr.rel @p0 .LBB2_146-.Ltmp72, $2  }
0x5a7: {  	_ =	sdelay $0x2  }
0x5a8: {  	s8 =	sadd.s32 $0x100, s8;
	s10 =	sadd.s32 s10, s28  }
0x5a9: {  	s7 =	sld [smem:$0x7DE]  }
0x5aa: {  	[hbm4b:s10+s1] =	stream.linear.scatter [tilespmem:s6], [sflag:$0x5], $0x80, $0x38;
	[tilespmem:$0x18000] =	vst v63  }
0x5ab: {  	s19 =	simm.s32 $0x0;
	s28 =	simm.s32 $0x5  }
0x5ac: {  	[tilespmem:s19], [sflag:$0x1] =	stream.linear.gather [hbm4b:s7+s19], $0x8000, $0x38;
	[tilespmem:$0x18000] =	vst v63  }
0x5ad: {  	_ =	swait.ge [sflag:s28], $0x8000  }
0x5ae: {  	s6 =	simm.s32 $0x8080;
	s10 =	sadd.s32 $0x0, s2;
	[sflag:s28] =	ssyncset.done $0x0  }
0x5af: {  	s8 =	simm.s32 $0x8180;
	s7 =	simm.s32 $0x10;
	[sflag:s28] =	ssyncadd.s32 $0xFFFF8000  }
.LBB2_148:
0x5b0: {  	[tilespmem:s6], [sflag:$0x3] =	stream.linear.gather [hbm4b:s10+s1], $0x80, $0x38;
	[tilespmem:$0x18000] =	vst v63  }
0x5b1: {  	s10 =	smov.u32 s7;
	s6 =	smov.u32 s8;
	p0 =	sne.s32 s7, $0xFF0  }
.Ltmp73:
0x5b2: {  	s7 =	sadd.s32 $0x10, s7;
	(pc) =	sbr.rel @p0 .LBB2_148-.Ltmp73, $2  }
0x5b3: {  	_ =	sdelay $0x2  }
0x5b4: {  	s8 =	sadd.s32 $0x100, s8;
	s10 =	sadd.s32 s10, s2  }
0x5b5: {  	[tilespmem:s6], [sflag:$0x3] =	stream.linear.gather [hbm4b:s10+s1], $0x80, $0x38;
	[tilespmem:$0x18000] =	vst v63  }
0x5b6: {  	s2 =	simm.s32 $0x1  }
0x5b7: {  	_ =	swait.ge [sflag:s2], $0x8000  }
0x5b8: {  	[sflag:s2] =	ssyncset.done $0x0  }
0x5b9: {  	s19 =	simm.s32 $0x2;
	[sflag:s2] =	ssyncadd.s32 $0xFFFF8000  }
0x5ba: {  	_ =	swait.ge [sflag:s19], $0x8000  }
0x5bb: {  	[sflag:s19] =	ssyncset.done $0x0  }
0x5bc: {  	s7 =	simm.s32 $0x40;
	[sflag:s19] =	ssyncadd.s32 $0xFFFF8000  }
0x5bd: {  	v0 =	vld [tilespmem:s7+$0x30]  }
0x5be: {  	v1 =	vld [tilespmem:s7+$0xFFFFFFD0]  }
0x5bf: {  	v2 =	vld [tilespmem:s7+$0xFFFFFFE0]  }
0x5c0: {  	v3 =	vld [tilespmem:s7+$0xFFFFFFF0]  }
0x5c1: {  	v4 =	vld [tilespmem:s7+$0x0]  }
0x5c2: {  	v63 =	vld [tilespmem:s7+$0x10]  }
0x5c3: {  	v5 =	vld [tilespmem:s7+$0x20]  }
0x5c4: {  	s6 =	simm.s32 $0x8070;
	v6 =	vld [tilespmem:s7+$0xFFFFFFC0]  }
0x5c5: {  	[tilespmem:s6+$0x0] =	vst.add.f32.msk $0xffff, v0  }
0x5c6: {  	[tilespmem:s6+$0xFFFFFFA0] =	vst.add.f32.msk $0xffff, v1  }
0x5c7: {  	[tilespmem:s6+$0xFFFFFFB0] =	vst.add.f32.msk $0xffff, v2  }
0x5c8: {  	[tilespmem:s6+$0xFFFFFFC0] =	vst.add.f32.msk $0xffff, v3  }
0x5c9: {  	[tilespmem:s6+$0xFFFFFFD0] =	vst.add.f32.msk $0xffff, v4  }
0x5ca: {  	[tilespmem:s6+$0xFFFFFF90] =	vst.add.f32.msk $0xffff, v6  }
0x5cb: {  	[tilespmem:s6+$0xFFFFFFE0] =	vst.add.f32.msk $0xffff, v63  }
0x5cc: {  	[tilespmem:s6+$0xFFFFFFF0] =	vst.add.f32.msk $0xffff, v5  }
0x5cd: {  	s8 =	simm.s32 $0xC0;
	s7 =	simm.s32 $0x0;
	s28 =	sld [smem:$0x7F9]  }
.LBB2_150:
0x5ce: {  	v0 =	vld [tilespmem:s8+$0x30];
	s7 =	sadd.s32 $0x80, s7  }
0x5cf: {  	v1 =	vld [tilespmem:s8+$0xFFFFFFD0];
	p0 =	slt.u32 s7, $0x7F80  }
0x5d0: {  	v2 =	vld [tilespmem:s8+$0xFFFFFFE0]  }
0x5d1: {  	v3 =	vld [tilespmem:s8+$0xFFFFFFF0]  }
0x5d2: {  	s6 =	sadd.s32 $0x100, s6;
	v4 =	vld [tilespmem:s8+$0x0]  }
0x5d3: {  	[tilespmem:s6+$0x0] =	vst.add.f32.msk $0xffff, v0  }
0x5d4: {  	v0 =	vld [tilespmem:s8+$0x10]  }
0x5d5: {  	v5 =	vld [tilespmem:s8+$0x20]  }
0x5d6: {  	v6 =	vld [tilespmem:s8+$0xFFFFFFC0]  }
0x5d7: {  	[tilespmem:s6+$0xFFFFFFA0] =	vst.add.f32.msk $0xffff, v1  }
0x5d8: {  	[tilespmem:s6+$0xFFFFFFB0] =	vst.add.f32.msk $0xffff, v2  }
.Ltmp74:
0x5d9: {  	[tilespmem:s6+$0xFFFFFFC0] =	vst.add.f32.msk $0xffff, v3;
	(pc) =	sbr.rel @p0 .LBB2_150-.Ltmp74, $4  }
0x5da: {  	[tilespmem:s6+$0xFFFFFFD0] =	vst.add.f32.msk $0xffff, v4  }
0x5db: {  	[tilespmem:s6+$0xFFFFFF90] =	vst.add.f32.msk $0xffff, v6  }
0x5dc: {  	[tilespmem:s6+$0xFFFFFFE0] =	vst.add.f32.msk $0xffff, v0  }
0x5dd: {  	s8 =	sadd.s32 $0x80, s8;
	[tilespmem:s6+$0xFFFFFFF0] =	vst.add.f32.msk $0xffff, v5  }
0x5de: {  	s2 =	sld [smem:$0x7DF];
	_ =	sdelay $0x1  }
0x5df: {  	s6 =	simm.s32 $0x8000  }
0x5e0: {  	s7 =	simm.s32 $0x10;
	s8 =	simm.s32 $0x8100;
	s10 =	sadd.s32 $0x0, s2  }
.LBB2_152:
0x5e1: {  	[hbm4b:s10+s1] =	stream.linear.scatter [tilespmem:s6], [sflag:$0x4], $0x80, $0x38;
	[tilespmem:$0x18000] =	vst v63  }
0x5e2: {  	s10 =	smov.u32 s7;
	s6 =	smov.u32 s8;
	p0 =	sne.s32 s7, $0xFF0  }
.Ltmp75:
0x5e3: {  	s7 =	sadd.s32 $0x10, s7;
	(pc) =	sbr.rel @p0 .LBB2_152-.Ltmp75, $2  }
0x5e4: {  	_ =	sdelay $0x2  }
0x5e5: {  	s8 =	sadd.s32 $0x100, s8;
	s10 =	sadd.s32 s10, s2  }
0x5e6: {  	[hbm4b:s10+s1] =	stream.linear.scatter [tilespmem:s6], [sflag:$0x4], $0x80, $0x38;
	[tilespmem:$0x18000] =	vst v63  }
0x5e7: {  	s2 =	simm.s32 $0x4  }
0x5e8: {  	_ =	swait.ge [sflag:s2], $0x8000  }
0x5e9: {  	[sflag:s2] =	ssyncset.done $0x0  }
0x5ea: {  	[sflag:s2] =	ssyncadd.s32 $0xFFFF8000;
	s2 =	sld [smem:$0x7E1];
	_ =	sdelay $0x1  }
0x5eb: {  	s6 =	simm.s32 $0x8000  }
0x5ec: {  	s7 =	simm.s32 $0x10;
	s8 =	simm.s32 $0x8100;
	s10 =	sadd.s32 $0x0, s2  }
.LBB2_154:
0x5ed: {  	[tilespmem:s6], [sflag:$0x2] =	stream.linear.gather [hbm4b:s10+s1], $0x80, $0x38;
	[tilespmem:$0x18000] =	vst v63  }
0x5ee: {  	s10 =	smov.u32 s7;
	s6 =	smov.u32 s8;
	p0 =	sne.s32 s7, $0xFF0  }
.Ltmp76:
0x5ef: {  	s7 =	sadd.s32 $0x10, s7;
	(pc) =	sbr.rel @p0 .LBB2_154-.Ltmp76, $2  }
0x5f0: {  	_ =	sdelay $0x2  }
0x5f1: {  	s8 =	sadd.s32 $0x100, s8;
	s10 =	sadd.s32 s10, s2  }
0x5f2: {  	[tilespmem:s6], [sflag:$0x2] =	stream.linear.gather [hbm4b:s10+s1], $0x80, $0x38;
	[tilespmem:$0x18000] =	vst v63  }
0x5f3: {  	s2 =	simm.s32 $0x3  }
0x5f4: {  	_ =	swait.ge [sflag:s2], $0x8000  }
0x5f5: {  	[sflag:s2] =	ssyncset.done $0x0  }
0x5f6: {  	s7 =	simm.s32 $0x40;
	[sflag:s2] =	ssyncadd.s32 $0xFFFF8000  }
0x5f7: {  	v0 =	vld [tilespmem:s7+$0x30]  }
0x5f8: {  	v1 =	vld [tilespmem:s7+$0xFFFFFFD0]  }
0x5f9: {  	v2 =	vld [tilespmem:s7+$0xFFFFFFE0]  }
0x5fa: {  	v3 =	vld [tilespmem:s7+$0xFFFFFFF0]  }
0x5fb: {  	v4 =	vld [tilespmem:s7+$0x0]  }
0x5fc: {  	v63 =	vld [tilespmem:s7+$0x10]  }
0x5fd: {  	v5 =	vld [tilespmem:s7+$0x20]  }
0x5fe: {  	s6 =	simm.s32 $0x80F0;
	v6 =	vld [tilespmem:s7+$0xFFFFFFC0]  }
0x5ff: {  	[tilespmem:s6+$0x0] =	vst.add.f32.msk $0xffff, v0  }
0x600: {  	[tilespmem:s6+$0xFFFFFFA0] =	vst.add.f32.msk $0xffff, v1  }
0x601: {  	[tilespmem:s6+$0xFFFFFFB0] =	vst.add.f32.msk $0xffff, v2  }
0x602: {  	[tilespmem:s6+$0xFFFFFFC0] =	vst.add.f32.msk $0xffff, v3  }
0x603: {  	[tilespmem:s6+$0xFFFFFFD0] =	vst.add.f32.msk $0xffff, v4  }
0x604: {  	[tilespmem:s6+$0xFFFFFF90] =	vst.add.f32.msk $0xffff, v6  }
0x605: {  	[tilespmem:s6+$0xFFFFFFE0] =	vst.add.f32.msk $0xffff, v63  }
0x606: {  	[tilespmem:s6+$0xFFFFFFF0] =	vst.add.f32.msk $0xffff, v5  }
0x607: {  	s8 =	simm.s32 $0xC0;
	s7 =	simm.s32 $0x0;
	s2 =	sld [smem:$0x7FA]  }
.LBB2_156:
0x608: {  	v0 =	vld [tilespmem:s8+$0x30];
	s7 =	sadd.s32 $0x80, s7  }
0x609: {  	v1 =	vld [tilespmem:s8+$0xFFFFFFD0];
	p0 =	slt.u32 s7, $0x7F80  }
0x60a: {  	v2 =	vld [tilespmem:s8+$0xFFFFFFE0]  }
0x60b: {  	v3 =	vld [tilespmem:s8+$0xFFFFFFF0]  }
0x60c: {  	s6 =	sadd.s32 $0x100, s6;
	v4 =	vld [tilespmem:s8+$0x0]  }
0x60d: {  	[tilespmem:s6+$0x0] =	vst.add.f32.msk $0xffff, v0  }
0x60e: {  	v0 =	vld [tilespmem:s8+$0x10]  }
0x60f: {  	v5 =	vld [tilespmem:s8+$0x20]  }
0x610: {  	v6 =	vld [tilespmem:s8+$0xFFFFFFC0]  }
0x611: {  	[tilespmem:s6+$0xFFFFFFA0] =	vst.add.f32.msk $0xffff, v1  }
0x612: {  	[tilespmem:s6+$0xFFFFFFB0] =	vst.add.f32.msk $0xffff, v2  }
.Ltmp77:
0x613: {  	[tilespmem:s6+$0xFFFFFFC0] =	vst.add.f32.msk $0xffff, v3;
	(pc) =	sbr.rel @p0 .LBB2_156-.Ltmp77, $4  }
0x614: {  	[tilespmem:s6+$0xFFFFFFD0] =	vst.add.f32.msk $0xffff, v4  }
0x615: {  	[tilespmem:s6+$0xFFFFFF90] =	vst.add.f32.msk $0xffff, v6  }
0x616: {  	[tilespmem:s6+$0xFFFFFFE0] =	vst.add.f32.msk $0xffff, v0  }
0x617: {  	s8 =	sadd.s32 $0x80, s8;
	[tilespmem:s6+$0xFFFFFFF0] =	vst.add.f32.msk $0xffff, v5  }
0x618: {  	s6 =	simm.s32 $0x8080  }
0x619: {  	s7 =	simm.s32 $0x10;
	s10 =	sadd.s32 $0x0, s2;
	s8 =	simm.s32 $0x8180  }
.LBB2_158:
0x61a: {  	[hbm4b:s10+s1] =	stream.linear.scatter [tilespmem:s6], [sflag:$0x5], $0x80, $0x38;
	[tilespmem:$0x18000] =	vst v63  }
0x61b: {  	s10 =	smov.u32 s7;
	s6 =	smov.u32 s8;
	p0 =	sne.s32 s7, $0xFF0  }
.Ltmp78:
0x61c: {  	s7 =	sadd.s32 $0x10, s7;
	(pc) =	sbr.rel @p0 .LBB2_158-.Ltmp78, $2  }
0x61d: {  	_ =	sdelay $0x2  }
0x61e: {  	s8 =	sadd.s32 $0x100, s8;
	s10 =	sadd.s32 s10, s2  }
0x61f: {  	[hbm4b:s10+s1] =	stream.linear.scatter [tilespmem:s6], [sflag:$0x5], $0x80, $0x38;
	[tilespmem:$0x18000] =	vst v63  }
0x620: {  	s19 =	simm.s32 $0x5  }
0x621: {  	_ =	swait.ge [sflag:s19], $0x8000  }
0x622: {  	s6 =	simm.s32 $0x8080;
	s7 =	simm.s32 $0x10;
	[sflag:s19] =	ssyncset.done $0x0  }
0x623: {  	s10 =	sadd.s32 $0x0, s3;
	s8 =	simm.s32 $0x8180;
	[sflag:s19] =	ssyncadd.s32 $0xFFFF8000  }
.LBB2_160:
0x624: {  	[tilespmem:s6], [sflag:$0x3] =	stream.linear.gather [hbm4b:s10+s1], $0x80, $0x38;
	[tilespmem:$0x18000] =	vst v63  }
0x625: {  	s10 =	smov.u32 s7;
	s6 =	smov.u32 s8;
	p0 =	sne.s32 s7, $0xFF0  }
.Ltmp79:
0x626: {  	s7 =	sadd.s32 $0x10, s7;
	(pc) =	sbr.rel @p0 .LBB2_160-.Ltmp79, $2  }
0x627: {  	_ =	sdelay $0x2  }
0x628: {  	s8 =	sadd.s32 $0x100, s8;
	s10 =	sadd.s32 s10, s3  }
0x629: {  	[tilespmem:s6], [sflag:$0x3] =	stream.linear.gather [hbm4b:s10+s1], $0x80, $0x38;
	[tilespmem:$0x18000] =	vst v63  }
0x62a: {  	s3 =	simm.s32 $0x2  }
0x62b: {  	_ =	swait.ge [sflag:s3], $0x8000  }
0x62c: {  	[sflag:s3] =	ssyncset.done $0x0  }
0x62d: {  	s7 =	simm.s32 $0x40;
	[sflag:s3] =	ssyncadd.s32 $0xFFFF8000  }
0x62e: {  	v0 =	vld [tilespmem:s7+$0x30]  }
0x62f: {  	v1 =	vld [tilespmem:s7+$0xFFFFFFD0]  }
0x630: {  	v2 =	vld [tilespmem:s7+$0xFFFFFFE0]  }
0x631: {  	v3 =	vld [tilespmem:s7+$0xFFFFFFF0]  }
0x632: {  	v4 =	vld [tilespmem:s7+$0x0]  }
0x633: {  	v63 =	vld [tilespmem:s7+$0x10]  }
0x634: {  	v5 =	vld [tilespmem:s7+$0x20]  }
0x635: {  	s6 =	simm.s32 $0x8070;
	v6 =	vld [tilespmem:s7+$0xFFFFFFC0]  }
0x636: {  	[tilespmem:s6+$0x0] =	vst.add.f32.msk $0xffff, v0  }
0x637: {  	[tilespmem:s6+$0xFFFFFFA0] =	vst.add.f32.msk $0xffff, v1  }
0x638: {  	[tilespmem:s6+$0xFFFFFFB0] =	vst.add.f32.msk $0xffff, v2  }
0x639: {  	[tilespmem:s6+$0xFFFFFFC0] =	vst.add.f32.msk $0xffff, v3  }
0x63a: {  	[tilespmem:s6+$0xFFFFFFD0] =	vst.add.f32.msk $0xffff, v4  }
0x63b: {  	[tilespmem:s6+$0xFFFFFF90] =	vst.add.f32.msk $0xffff, v6  }
0x63c: {  	[tilespmem:s6+$0xFFFFFFE0] =	vst.add.f32.msk $0xffff, v63  }
0x63d: {  	s8 =	simm.s32 $0xC0;
	s7 =	simm.s32 $0x0;
	[tilespmem:s6+$0xFFFFFFF0] =	vst.add.f32.msk $0xffff, v5  }
.LBB2_162:
0x63e: {  	v0 =	vld [tilespmem:s8+$0x30];
	s7 =	sadd.s32 $0x80, s7  }
0x63f: {  	v1 =	vld [tilespmem:s8+$0xFFFFFFD0];
	p0 =	slt.u32 s7, $0x7F80  }
0x640: {  	v2 =	vld [tilespmem:s8+$0xFFFFFFE0]  }
0x641: {  	v3 =	vld [tilespmem:s8+$0xFFFFFFF0]  }
0x642: {  	s6 =	sadd.s32 $0x100, s6;
	v4 =	vld [tilespmem:s8+$0x0]  }
0x643: {  	[tilespmem:s6+$0x0] =	vst.add.f32.msk $0xffff, v0  }
0x644: {  	v0 =	vld [tilespmem:s8+$0x10]  }
0x645: {  	v5 =	vld [tilespmem:s8+$0x20]  }
0x646: {  	v6 =	vld [tilespmem:s8+$0xFFFFFFC0]  }
0x647: {  	[tilespmem:s6+$0xFFFFFFA0] =	vst.add.f32.msk $0xffff, v1  }
0x648: {  	[tilespmem:s6+$0xFFFFFFB0] =	vst.add.f32.msk $0xffff, v2  }
.Ltmp80:
0x649: {  	[tilespmem:s6+$0xFFFFFFC0] =	vst.add.f32.msk $0xffff, v3;
	(pc) =	sbr.rel @p0 .LBB2_162-.Ltmp80, $4  }
0x64a: {  	[tilespmem:s6+$0xFFFFFFD0] =	vst.add.f32.msk $0xffff, v4  }
0x64b: {  	[tilespmem:s6+$0xFFFFFF90] =	vst.add.f32.msk $0xffff, v6  }
0x64c: {  	[tilespmem:s6+$0xFFFFFFE0] =	vst.add.f32.msk $0xffff, v0  }
0x64d: {  	s8 =	sadd.s32 $0x80, s8;
	[tilespmem:s6+$0xFFFFFFF0] =	vst.add.f32.msk $0xffff, v5  }
0x64e: {  	s3 =	sld [smem:$0x7E2];
	_ =	sdelay $0x1  }
0x64f: {  	s6 =	simm.s32 $0x8000  }
0x650: {  	s7 =	simm.s32 $0x10;
	s8 =	simm.s32 $0x8100;
	s10 =	sadd.s32 $0x0, s3  }
.LBB2_164:
0x651: {  	[hbm4b:s10+s1] =	stream.linear.scatter [tilespmem:s6], [sflag:$0x4], $0x80, $0x38;
	[tilespmem:$0x18000] =	vst v63  }
0x652: {  	s10 =	smov.u32 s7;
	s6 =	smov.u32 s8;
	p0 =	sne.s32 s7, $0xFF0  }
.Ltmp81:
0x653: {  	s7 =	sadd.s32 $0x10, s7;
	(pc) =	sbr.rel @p0 .LBB2_164-.Ltmp81, $2  }
0x654: {  	_ =	sdelay $0x2  }
0x655: {  	s8 =	sadd.s32 $0x100, s8;
	s10 =	sadd.s32 s10, s3  }
0x656: {  	[hbm4b:s10+s1] =	stream.linear.scatter [tilespmem:s6], [sflag:$0x4], $0x80, $0x38;
	[tilespmem:$0x18000] =	vst v63  }
0x657: {  	s3 =	simm.s32 $0x4  }
0x658: {  	_ =	swait.ge [sflag:s3], $0x8000  }
0x659: {  	[sflag:s3] =	ssyncset.done $0x0  }
0x65a: {  	[sflag:s3] =	ssyncadd.s32 $0xFFFF8000;
	s3 =	sld [smem:$0x7E6];
	_ =	sdelay $0x1  }
0x65b: {  	s6 =	simm.s32 $0x8000  }
0x65c: {  	s7 =	simm.s32 $0x10;
	s8 =	simm.s32 $0x8100;
	s10 =	sadd.s32 $0x0, s3  }
.LBB2_166:
0x65d: {  	[tilespmem:s6], [sflag:$0x2] =	stream.linear.gather [hbm4b:s10+s1], $0x80, $0x38;
	[tilespmem:$0x18000] =	vst v63  }
0x65e: {  	s10 =	smov.u32 s7;
	s6 =	smov.u32 s8;
	p0 =	sne.s32 s7, $0xFF0  }
.Ltmp82:
0x65f: {  	s7 =	sadd.s32 $0x10, s7;
	(pc) =	sbr.rel @p0 .LBB2_166-.Ltmp82, $2  }
0x660: {  	_ =	sdelay $0x2  }
0x661: {  	s8 =	sadd.s32 $0x100, s8;
	s10 =	sadd.s32 s10, s3  }
0x662: {  	[tilespmem:s6], [sflag:$0x2] =	stream.linear.gather [hbm4b:s10+s1], $0x80, $0x38;
	[tilespmem:$0x18000] =	vst v63  }
0x663: {  	s3 =	simm.s32 $0x3  }
0x664: {  	_ =	swait.ge [sflag:s3], $0x8000  }
0x665: {  	[sflag:s3] =	ssyncset.done $0x0  }
0x666: {  	s7 =	simm.s32 $0x40;
	[sflag:s3] =	ssyncadd.s32 $0xFFFF8000  }
0x667: {  	v0 =	vld [tilespmem:s7+$0x30]  }
0x668: {  	v1 =	vld [tilespmem:s7+$0xFFFFFFD0]  }
0x669: {  	v2 =	vld [tilespmem:s7+$0xFFFFFFE0]  }
0x66a: {  	v3 =	vld [tilespmem:s7+$0xFFFFFFF0]  }
0x66b: {  	v4 =	vld [tilespmem:s7+$0x0]  }
0x66c: {  	v63 =	vld [tilespmem:s7+$0x10]  }
0x66d: {  	v5 =	vld [tilespmem:s7+$0x20]  }
0x66e: {  	s6 =	simm.s32 $0x80F0;
	v6 =	vld [tilespmem:s7+$0xFFFFFFC0]  }
0x66f: {  	[tilespmem:s6+$0x0] =	vst.add.f32.msk $0xffff, v0  }
0x670: {  	[tilespmem:s6+$0xFFFFFFA0] =	vst.add.f32.msk $0xffff, v1  }
0x671: {  	[tilespmem:s6+$0xFFFFFFB0] =	vst.add.f32.msk $0xffff, v2  }
0x672: {  	[tilespmem:s6+$0xFFFFFFC0] =	vst.add.f32.msk $0xffff, v3  }
0x673: {  	[tilespmem:s6+$0xFFFFFFD0] =	vst.add.f32.msk $0xffff, v4  }
0x674: {  	[tilespmem:s6+$0xFFFFFF90] =	vst.add.f32.msk $0xffff, v6  }
0x675: {  	[tilespmem:s6+$0xFFFFFFE0] =	vst.add.f32.msk $0xffff, v63  }
0x676: {  	[tilespmem:s6+$0xFFFFFFF0] =	vst.add.f32.msk $0xffff, v5  }
0x677: {  	s8 =	simm.s32 $0xC0;
	s7 =	simm.s32 $0x0;
	s3 =	sld [smem:$0x7FB]  }
.LBB2_168:
0x678: {  	v0 =	vld [tilespmem:s8+$0x30];
	s7 =	sadd.s32 $0x80, s7  }
0x679: {  	v1 =	vld [tilespmem:s8+$0xFFFFFFD0];
	p0 =	slt.u32 s7, $0x7F80  }
0x67a: {  	v2 =	vld [tilespmem:s8+$0xFFFFFFE0]  }
0x67b: {  	v3 =	vld [tilespmem:s8+$0xFFFFFFF0]  }
0x67c: {  	s6 =	sadd.s32 $0x100, s6;
	v4 =	vld [tilespmem:s8+$0x0]  }
0x67d: {  	[tilespmem:s6+$0x0] =	vst.add.f32.msk $0xffff, v0  }
0x67e: {  	v0 =	vld [tilespmem:s8+$0x10]  }
0x67f: {  	v5 =	vld [tilespmem:s8+$0x20]  }
0x680: {  	v6 =	vld [tilespmem:s8+$0xFFFFFFC0]  }
0x681: {  	[tilespmem:s6+$0xFFFFFFA0] =	vst.add.f32.msk $0xffff, v1  }
0x682: {  	[tilespmem:s6+$0xFFFFFFB0] =	vst.add.f32.msk $0xffff, v2  }
.Ltmp83:
0x683: {  	[tilespmem:s6+$0xFFFFFFC0] =	vst.add.f32.msk $0xffff, v3;
	(pc) =	sbr.rel @p0 .LBB2_168-.Ltmp83, $4  }
0x684: {  	[tilespmem:s6+$0xFFFFFFD0] =	vst.add.f32.msk $0xffff, v4  }
0x685: {  	[tilespmem:s6+$0xFFFFFF90] =	vst.add.f32.msk $0xffff, v6  }
0x686: {  	[tilespmem:s6+$0xFFFFFFE0] =	vst.add.f32.msk $0xffff, v0  }
0x687: {  	s8 =	sadd.s32 $0x80, s8;
	[tilespmem:s6+$0xFFFFFFF0] =	vst.add.f32.msk $0xffff, v5  }
0x688: {  	s6 =	simm.s32 $0x8080  }
0x689: {  	s7 =	simm.s32 $0x10;
	s10 =	sadd.s32 $0x0, s3;
	s8 =	simm.s32 $0x8180  }
.LBB2_170:
0x68a: {  	[hbm4b:s10+s1] =	stream.linear.scatter [tilespmem:s6], [sflag:$0x5], $0x80, $0x38;
	[tilespmem:$0x18000] =	vst v63  }
0x68b: {  	s10 =	smov.u32 s7;
	s6 =	smov.u32 s8;
	p0 =	sne.s32 s7, $0xFF0  }
.Ltmp84:
0x68c: {  	s7 =	sadd.s32 $0x10, s7;
	(pc) =	sbr.rel @p0 .LBB2_170-.Ltmp84, $2  }
0x68d: {  	_ =	sdelay $0x2  }
0x68e: {  	s8 =	sadd.s32 $0x100, s8;
	s10 =	sadd.s32 s10, s3  }
0x68f: {  	s7 =	sld [smem:$0x7E5]  }
0x690: {  	[hbm4b:s10+s1] =	stream.linear.scatter [tilespmem:s6], [sflag:$0x5], $0x80, $0x38;
	[tilespmem:$0x18000] =	vst v63  }
0x691: {  	s17 =	simm.s32 $0x0;
	s19 =	simm.s32 $0x5  }
0x692: {  	[tilespmem:s17], [sflag:$0x1] =	stream.linear.gather [hbm4b:s7+s17], $0x8000, $0x38;
	[tilespmem:$0x18000] =	vst v63  }
0x693: {  	_ =	swait.ge [sflag:s19], $0x8000  }
0x694: {  	s6 =	simm.s32 $0x8080;
	s10 =	sadd.s32 $0x0, s4;
	[sflag:s19] =	ssyncset.done $0x0  }
0x695: {  	s8 =	simm.s32 $0x8180;
	s7 =	simm.s32 $0x10;
	[sflag:s19] =	ssyncadd.s32 $0xFFFF8000  }
.LBB2_172:
0x696: {  	[tilespmem:s6], [sflag:$0x3] =	stream.linear.gather [hbm4b:s10+s1], $0x80, $0x38;
	[tilespmem:$0x18000] =	vst v63  }
0x697: {  	s10 =	smov.u32 s7;
	s6 =	smov.u32 s8;
	p0 =	sne.s32 s7, $0xFF0  }
.Ltmp85:
0x698: {  	s7 =	sadd.s32 $0x10, s7;
	(pc) =	sbr.rel @p0 .LBB2_172-.Ltmp85, $2  }
0x699: {  	_ =	sdelay $0x2  }
0x69a: {  	s8 =	sadd.s32 $0x100, s8;
	s10 =	sadd.s32 s10, s4  }
0x69b: {  	[tilespmem:s6], [sflag:$0x3] =	stream.linear.gather [hbm4b:s10+s1], $0x80, $0x38;
	[tilespmem:$0x18000] =	vst v63  }
0x69c: {  	s4 =	simm.s32 $0x1  }
0x69d: {  	_ =	swait.ge [sflag:s4], $0x8000  }
0x69e: {  	[sflag:s4] =	ssyncset.done $0x0  }
0x69f: {  	s19 =	simm.s32 $0x2;
	[sflag:s4] =	ssyncadd.s32 $0xFFFF8000  }
0x6a0: {  	_ =	swait.ge [sflag:s19], $0x8000  }
0x6a1: {  	[sflag:s19] =	ssyncset.done $0x0  }
0x6a2: {  	s7 =	simm.s32 $0x40;
	[sflag:s19] =	ssyncadd.s32 $0xFFFF8000  }
0x6a3: {  	v0 =	vld [tilespmem:s7+$0x30]  }
0x6a4: {  	v1 =	vld [tilespmem:s7+$0xFFFFFFD0]  }
0x6a5: {  	v2 =	vld [tilespmem:s7+$0xFFFFFFE0]  }
0x6a6: {  	v3 =	vld [tilespmem:s7+$0xFFFFFFF0]  }
0x6a7: {  	v4 =	vld [tilespmem:s7+$0x0]  }
0x6a8: {  	v63 =	vld [tilespmem:s7+$0x10]  }
0x6a9: {  	v5 =	vld [tilespmem:s7+$0x20]  }
0x6aa: {  	s6 =	simm.s32 $0x8070;
	v6 =	vld [tilespmem:s7+$0xFFFFFFC0]  }
0x6ab: {  	[tilespmem:s6+$0x0] =	vst.add.f32.msk $0xffff, v0  }
0x6ac: {  	[tilespmem:s6+$0xFFFFFFA0] =	vst.add.f32.msk $0xffff, v1  }
0x6ad: {  	[tilespmem:s6+$0xFFFFFFB0] =	vst.add.f32.msk $0xffff, v2  }
0x6ae: {  	[tilespmem:s6+$0xFFFFFFC0] =	vst.add.f32.msk $0xffff, v3  }
0x6af: {  	[tilespmem:s6+$0xFFFFFFD0] =	vst.add.f32.msk $0xffff, v4  }
0x6b0: {  	[tilespmem:s6+$0xFFFFFF90] =	vst.add.f32.msk $0xffff, v6  }
0x6b1: {  	[tilespmem:s6+$0xFFFFFFE0] =	vst.add.f32.msk $0xffff, v63  }
0x6b2: {  	s8 =	simm.s32 $0xC0;
	s7 =	simm.s32 $0x0;
	[tilespmem:s6+$0xFFFFFFF0] =	vst.add.f32.msk $0xffff, v5  }
.LBB2_174:
0x6b3: {  	v0 =	vld [tilespmem:s8+$0x30];
	s7 =	sadd.s32 $0x80, s7  }
0x6b4: {  	v1 =	vld [tilespmem:s8+$0xFFFFFFD0];
	p0 =	slt.u32 s7, $0x7F80  }
0x6b5: {  	v2 =	vld [tilespmem:s8+$0xFFFFFFE0]  }
0x6b6: {  	v3 =	vld [tilespmem:s8+$0xFFFFFFF0]  }
0x6b7: {  	s6 =	sadd.s32 $0x100, s6;
	v4 =	vld [tilespmem:s8+$0x0]  }
0x6b8: {  	[tilespmem:s6+$0x0] =	vst.add.f32.msk $0xffff, v0  }
0x6b9: {  	v0 =	vld [tilespmem:s8+$0x10]  }
0x6ba: {  	v5 =	vld [tilespmem:s8+$0x20]  }
0x6bb: {  	v6 =	vld [tilespmem:s8+$0xFFFFFFC0]  }
0x6bc: {  	[tilespmem:s6+$0xFFFFFFA0] =	vst.add.f32.msk $0xffff, v1  }
0x6bd: {  	[tilespmem:s6+$0xFFFFFFB0] =	vst.add.f32.msk $0xffff, v2  }
.Ltmp86:
0x6be: {  	[tilespmem:s6+$0xFFFFFFC0] =	vst.add.f32.msk $0xffff, v3;
	(pc) =	sbr.rel @p0 .LBB2_174-.Ltmp86, $4  }
0x6bf: {  	[tilespmem:s6+$0xFFFFFFD0] =	vst.add.f32.msk $0xffff, v4  }
0x6c0: {  	[tilespmem:s6+$0xFFFFFF90] =	vst.add.f32.msk $0xffff, v6  }
0x6c1: {  	[tilespmem:s6+$0xFFFFFFE0] =	vst.add.f32.msk $0xffff, v0  }
0x6c2: {  	s8 =	sadd.s32 $0x80, s8;
	[tilespmem:s6+$0xFFFFFFF0] =	vst.add.f32.msk $0xffff, v5  }
0x6c3: {  	s4 =	sld [smem:$0x7E7];
	_ =	sdelay $0x1  }
0x6c4: {  	s6 =	simm.s32 $0x8000  }
0x6c5: {  	s7 =	simm.s32 $0x10;
	s8 =	simm.s32 $0x8100;
	s10 =	sadd.s32 $0x0, s4  }
.LBB2_176:
0x6c6: {  	[hbm4b:s10+s1] =	stream.linear.scatter [tilespmem:s6], [sflag:$0x4], $0x80, $0x38;
	[tilespmem:$0x18000] =	vst v63  }
0x6c7: {  	s10 =	smov.u32 s7;
	s6 =	smov.u32 s8;
	p0 =	sne.s32 s7, $0xFF0  }
.Ltmp87:
0x6c8: {  	s7 =	sadd.s32 $0x10, s7;
	(pc) =	sbr.rel @p0 .LBB2_176-.Ltmp87, $2  }
0x6c9: {  	_ =	sdelay $0x2  }
0x6ca: {  	s8 =	sadd.s32 $0x100, s8;
	s10 =	sadd.s32 s10, s4  }
0x6cb: {  	[hbm4b:s10+s1] =	stream.linear.scatter [tilespmem:s6], [sflag:$0x4], $0x80, $0x38;
	[tilespmem:$0x18000] =	vst v63  }
0x6cc: {  	s4 =	simm.s32 $0x4  }
0x6cd: {  	_ =	swait.ge [sflag:s4], $0x8000  }
0x6ce: {  	[sflag:s4] =	ssyncset.done $0x0  }
0x6cf: {  	[sflag:s4] =	ssyncadd.s32 $0xFFFF8000;
	s4 =	sld [smem:$0x7EB];
	_ =	sdelay $0x1  }
0x6d0: {  	s6 =	simm.s32 $0x8000  }
0x6d1: {  	s7 =	simm.s32 $0x10;
	s8 =	simm.s32 $0x8100;
	s10 =	sadd.s32 $0x0, s4  }
.LBB2_178:
0x6d2: {  	[tilespmem:s6], [sflag:$0x2] =	stream.linear.gather [hbm4b:s10+s1], $0x80, $0x38;
	[tilespmem:$0x18000] =	vst v63  }
0x6d3: {  	s10 =	smov.u32 s7;
	s6 =	smov.u32 s8;
	p0 =	sne.s32 s7, $0xFF0  }
.Ltmp88:
0x6d4: {  	s7 =	sadd.s32 $0x10, s7;
	(pc) =	sbr.rel @p0 .LBB2_178-.Ltmp88, $2  }
0x6d5: {  	_ =	sdelay $0x2  }
0x6d6: {  	s8 =	sadd.s32 $0x100, s8;
	s10 =	sadd.s32 s10, s4  }
0x6d7: {  	[tilespmem:s6], [sflag:$0x2] =	stream.linear.gather [hbm4b:s10+s1], $0x80, $0x38;
	[tilespmem:$0x18000] =	vst v63  }
0x6d8: {  	s4 =	simm.s32 $0x3  }
0x6d9: {  	_ =	swait.ge [sflag:s4], $0x8000  }
0x6da: {  	[sflag:s4] =	ssyncset.done $0x0  }
0x6db: {  	s7 =	simm.s32 $0x40;
	[sflag:s4] =	ssyncadd.s32 $0xFFFF8000  }
0x6dc: {  	v0 =	vld [tilespmem:s7+$0x30]  }
0x6dd: {  	v1 =	vld [tilespmem:s7+$0xFFFFFFD0]  }
0x6de: {  	v2 =	vld [tilespmem:s7+$0xFFFFFFE0]  }
0x6df: {  	v3 =	vld [tilespmem:s7+$0xFFFFFFF0]  }
0x6e0: {  	v4 =	vld [tilespmem:s7+$0x0]  }
0x6e1: {  	v63 =	vld [tilespmem:s7+$0x10]  }
0x6e2: {  	v5 =	vld [tilespmem:s7+$0x20]  }
0x6e3: {  	s6 =	simm.s32 $0x80F0;
	v6 =	vld [tilespmem:s7+$0xFFFFFFC0]  }
0x6e4: {  	[tilespmem:s6+$0x0] =	vst.add.f32.msk $0xffff, v0  }
0x6e5: {  	[tilespmem:s6+$0xFFFFFFA0] =	vst.add.f32.msk $0xffff, v1  }
0x6e6: {  	[tilespmem:s6+$0xFFFFFFB0] =	vst.add.f32.msk $0xffff, v2  }
0x6e7: {  	[tilespmem:s6+$0xFFFFFFC0] =	vst.add.f32.msk $0xffff, v3  }
0x6e8: {  	[tilespmem:s6+$0xFFFFFFD0] =	vst.add.f32.msk $0xffff, v4  }
0x6e9: {  	[tilespmem:s6+$0xFFFFFF90] =	vst.add.f32.msk $0xffff, v6  }
0x6ea: {  	[tilespmem:s6+$0xFFFFFFE0] =	vst.add.f32.msk $0xffff, v63  }
0x6eb: {  	[tilespmem:s6+$0xFFFFFFF0] =	vst.add.f32.msk $0xffff, v5  }
0x6ec: {  	s8 =	simm.s32 $0xC0;
	s7 =	simm.s32 $0x0;
	s4 =	sld [smem:$0x7FC]  }
.LBB2_180:
0x6ed: {  	v0 =	vld [tilespmem:s8+$0x30];
	s7 =	sadd.s32 $0x80, s7  }
0x6ee: {  	v1 =	vld [tilespmem:s8+$0xFFFFFFD0];
	p0 =	slt.u32 s7, $0x7F80  }
0x6ef: {  	v2 =	vld [tilespmem:s8+$0xFFFFFFE0]  }
0x6f0: {  	v3 =	vld [tilespmem:s8+$0xFFFFFFF0]  }
0x6f1: {  	s6 =	sadd.s32 $0x100, s6;
	v4 =	vld [tilespmem:s8+$0x0]  }
0x6f2: {  	[tilespmem:s6+$0x0] =	vst.add.f32.msk $0xffff, v0  }
0x6f3: {  	v0 =	vld [tilespmem:s8+$0x10]  }
0x6f4: {  	v5 =	vld [tilespmem:s8+$0x20]  }
0x6f5: {  	v6 =	vld [tilespmem:s8+$0xFFFFFFC0]  }
0x6f6: {  	[tilespmem:s6+$0xFFFFFFA0] =	vst.add.f32.msk $0xffff, v1  }
0x6f7: {  	[tilespmem:s6+$0xFFFFFFB0] =	vst.add.f32.msk $0xffff, v2  }
.Ltmp89:
0x6f8: {  	[tilespmem:s6+$0xFFFFFFC0] =	vst.add.f32.msk $0xffff, v3;
	(pc) =	sbr.rel @p0 .LBB2_180-.Ltmp89, $4  }
0x6f9: {  	[tilespmem:s6+$0xFFFFFFD0] =	vst.add.f32.msk $0xffff, v4  }
0x6fa: {  	[tilespmem:s6+$0xFFFFFF90] =	vst.add.f32.msk $0xffff, v6  }
0x6fb: {  	[tilespmem:s6+$0xFFFFFFE0] =	vst.add.f32.msk $0xffff, v0  }
0x6fc: {  	s8 =	sadd.s32 $0x80, s8;
	[tilespmem:s6+$0xFFFFFFF0] =	vst.add.f32.msk $0xffff, v5  }
0x6fd: {  	s6 =	simm.s32 $0x8080  }
0x6fe: {  	s7 =	simm.s32 $0x10;
	s10 =	sadd.s32 $0x0, s4;
	s8 =	simm.s32 $0x8180  }
.LBB2_182:
0x6ff: {  	[hbm4b:s10+s1] =	stream.linear.scatter [tilespmem:s6], [sflag:$0x5], $0x80, $0x38;
	[tilespmem:$0x18000] =	vst v63  }
0x700: {  	s10 =	smov.u32 s7;
	s6 =	smov.u32 s8;
	p0 =	sne.s32 s7, $0xFF0  }
.Ltmp90:
0x701: {  	s7 =	sadd.s32 $0x10, s7;
	(pc) =	sbr.rel @p0 .LBB2_182-.Ltmp90, $2  }
0x702: {  	_ =	sdelay $0x2  }
0x703: {  	s8 =	sadd.s32 $0x100, s8;
	s10 =	sadd.s32 s10, s4  }
0x704: {  	[hbm4b:s10+s1] =	stream.linear.scatter [tilespmem:s6], [sflag:$0x5], $0x80, $0x38;
	[tilespmem:$0x18000] =	vst v63  }
0x705: {  	s19 =	simm.s32 $0x5  }
0x706: {  	_ =	swait.ge [sflag:s19], $0x8000  }
0x707: {  	s6 =	simm.s32 $0x8080;
	s7 =	simm.s32 $0x10;
	[sflag:s19] =	ssyncset.done $0x0  }
0x708: {  	s10 =	sadd.s32 $0x0, s5;
	s8 =	simm.s32 $0x8180;
	[sflag:s19] =	ssyncadd.s32 $0xFFFF8000  }
.LBB2_184:
0x709: {  	[tilespmem:s6], [sflag:$0x3] =	stream.linear.gather [hbm4b:s10+s1], $0x80, $0x38;
	[tilespmem:$0x18000] =	vst v63  }
0x70a: {  	s10 =	smov.u32 s7;
	s6 =	smov.u32 s8;
	p0 =	sne.s32 s7, $0xFF0  }
.Ltmp91:
0x70b: {  	s7 =	sadd.s32 $0x10, s7;
	(pc) =	sbr.rel @p0 .LBB2_184-.Ltmp91, $2  }
0x70c: {  	_ =	sdelay $0x2  }
0x70d: {  	s8 =	sadd.s32 $0x100, s8;
	s10 =	sadd.s32 s10, s5  }
0x70e: {  	[tilespmem:s6], [sflag:$0x3] =	stream.linear.gather [hbm4b:s10+s1], $0x80, $0x38;
	[tilespmem:$0x18000] =	vst v63  }
0x70f: {  	s19 =	simm.s32 $0x2  }
0x710: {  	_ =	swait.ge [sflag:s19], $0x8000  }
0x711: {  	[sflag:s19] =	ssyncset.done $0x0  }
0x712: {  	s7 =	simm.s32 $0x40;
	[sflag:s19] =	ssyncadd.s32 $0xFFFF8000  }
0x713: {  	v0 =	vld [tilespmem:s7+$0x30]  }
0x714: {  	v1 =	vld [tilespmem:s7+$0xFFFFFFD0]  }
0x715: {  	v2 =	vld [tilespmem:s7+$0xFFFFFFE0]  }
0x716: {  	v3 =	vld [tilespmem:s7+$0xFFFFFFF0]  }
0x717: {  	v4 =	vld [tilespmem:s7+$0x0]  }
0x718: {  	v63 =	vld [tilespmem:s7+$0x10]  }
0x719: {  	v5 =	vld [tilespmem:s7+$0x20]  }
0x71a: {  	s6 =	simm.s32 $0x8070;
	v6 =	vld [tilespmem:s7+$0xFFFFFFC0]  }
0x71b: {  	[tilespmem:s6+$0x0] =	vst.add.f32.msk $0xffff, v0  }
0x71c: {  	[tilespmem:s6+$0xFFFFFFA0] =	vst.add.f32.msk $0xffff, v1  }
0x71d: {  	[tilespmem:s6+$0xFFFFFFB0] =	vst.add.f32.msk $0xffff, v2  }
0x71e: {  	[tilespmem:s6+$0xFFFFFFC0] =	vst.add.f32.msk $0xffff, v3  }
0x71f: {  	[tilespmem:s6+$0xFFFFFFD0] =	vst.add.f32.msk $0xffff, v4  }
0x720: {  	[tilespmem:s6+$0xFFFFFF90] =	vst.add.f32.msk $0xffff, v6  }
0x721: {  	[tilespmem:s6+$0xFFFFFFE0] =	vst.add.f32.msk $0xffff, v63  }
0x722: {  	s8 =	simm.s32 $0xC0;
	s7 =	simm.s32 $0x0;
	[tilespmem:s6+$0xFFFFFFF0] =	vst.add.f32.msk $0xffff, v5  }
.LBB2_186:
0x723: {  	v0 =	vld [tilespmem:s8+$0x30];
	s7 =	sadd.s32 $0x80, s7  }
0x724: {  	v1 =	vld [tilespmem:s8+$0xFFFFFFD0];
	p0 =	slt.u32 s7, $0x7F80  }
0x725: {  	v2 =	vld [tilespmem:s8+$0xFFFFFFE0]  }
0x726: {  	v3 =	vld [tilespmem:s8+$0xFFFFFFF0]  }
0x727: {  	s6 =	sadd.s32 $0x100, s6;
	v4 =	vld [tilespmem:s8+$0x0]  }
0x728: {  	[tilespmem:s6+$0x0] =	vst.add.f32.msk $0xffff, v0  }
0x729: {  	v0 =	vld [tilespmem:s8+$0x10]  }
0x72a: {  	v5 =	vld [tilespmem:s8+$0x20]  }
0x72b: {  	v6 =	vld [tilespmem:s8+$0xFFFFFFC0]  }
0x72c: {  	[tilespmem:s6+$0xFFFFFFA0] =	vst.add.f32.msk $0xffff, v1  }
0x72d: {  	[tilespmem:s6+$0xFFFFFFB0] =	vst.add.f32.msk $0xffff, v2  }
.Ltmp92:
0x72e: {  	[tilespmem:s6+$0xFFFFFFC0] =	vst.add.f32.msk $0xffff, v3;
	(pc) =	sbr.rel @p0 .LBB2_186-.Ltmp92, $4  }
0x72f: {  	[tilespmem:s6+$0xFFFFFFD0] =	vst.add.f32.msk $0xffff, v4  }
0x730: {  	[tilespmem:s6+$0xFFFFFF90] =	vst.add.f32.msk $0xffff, v6  }
0x731: {  	[tilespmem:s6+$0xFFFFFFE0] =	vst.add.f32.msk $0xffff, v0  }
0x732: {  	s8 =	sadd.s32 $0x80, s8;
	[tilespmem:s6+$0xFFFFFFF0] =	vst.add.f32.msk $0xffff, v5  }
0x733: {  	s11 =	sld [smem:$0x7EC];
	_ =	sdelay $0x1  }
0x734: {  	s6 =	simm.s32 $0x8000  }
0x735: {  	s7 =	simm.s32 $0x10;
	s8 =	simm.s32 $0x8100;
	s10 =	sadd.s32 $0x0, s11  }
.LBB2_188:
0x736: {  	[hbm4b:s10+s1] =	stream.linear.scatter [tilespmem:s6], [sflag:$0x4], $0x80, $0x38;
	[tilespmem:$0x18000] =	vst v63  }
0x737: {  	s10 =	smov.u32 s7;
	s6 =	smov.u32 s8;
	p0 =	sne.s32 s7, $0xFF0  }
.Ltmp93:
0x738: {  	s7 =	sadd.s32 $0x10, s7;
	(pc) =	sbr.rel @p0 .LBB2_188-.Ltmp93, $2  }
0x739: {  	_ =	sdelay $0x2  }
0x73a: {  	s8 =	sadd.s32 $0x100, s8;
	s10 =	sadd.s32 s10, s11  }
0x73b: {  	[hbm4b:s10+s1] =	stream.linear.scatter [tilespmem:s6], [sflag:$0x4], $0x80, $0x38;
	[tilespmem:$0x18000] =	vst v63  }
0x73c: {  	s19 =	simm.s32 $0x3  }
0x73d: {  	_ =	swait.ge [sflag:s19], $0x8000  }
0x73e: {  	[sflag:s19] =	ssyncset.done $0x0  }
0x73f: {  	s7 =	simm.s32 $0x40;
	[sflag:s19] =	ssyncadd.s32 $0xFFFF8000  }
0x740: {  	v0 =	vld [tilespmem:s7+$0x30]  }
0x741: {  	v1 =	vld [tilespmem:s7+$0xFFFFFFD0]  }
0x742: {  	v2 =	vld [tilespmem:s7+$0xFFFFFFE0]  }
0x743: {  	v3 =	vld [tilespmem:s7+$0xFFFFFFF0]  }
0x744: {  	v4 =	vld [tilespmem:s7+$0x0]  }
0x745: {  	v63 =	vld [tilespmem:s7+$0x10]  }
0x746: {  	v5 =	vld [tilespmem:s7+$0x20]  }
0x747: {  	s6 =	simm.s32 $0x80F0;
	v6 =	vld [tilespmem:s7+$0xFFFFFFC0]  }
0x748: {  	[tilespmem:s6+$0x0] =	vst.add.f32.msk $0xffff, v0  }
0x749: {  	[tilespmem:s6+$0xFFFFFFA0] =	vst.add.f32.msk $0xffff, v1  }
0x74a: {  	[tilespmem:s6+$0xFFFFFFB0] =	vst.add.f32.msk $0xffff, v2  }
0x74b: {  	[tilespmem:s6+$0xFFFFFFC0] =	vst.add.f32.msk $0xffff, v3  }
0x74c: {  	[tilespmem:s6+$0xFFFFFFD0] =	vst.add.f32.msk $0xffff, v4  }
0x74d: {  	[tilespmem:s6+$0xFFFFFF90] =	vst.add.f32.msk $0xffff, v6  }
0x74e: {  	[tilespmem:s6+$0xFFFFFFE0] =	vst.add.f32.msk $0xffff, v63  }
0x74f: {  	s8 =	simm.s32 $0xC0;
	s7 =	simm.s32 $0x0;
	[tilespmem:s6+$0xFFFFFFF0] =	vst.add.f32.msk $0xffff, v5  }
.LBB2_190:
0x750: {  	v0 =	vld [tilespmem:s8+$0x30];
	s7 =	sadd.s32 $0x80, s7  }
0x751: {  	v1 =	vld [tilespmem:s8+$0xFFFFFFD0];
	p0 =	slt.u32 s7, $0x7F80  }
0x752: {  	v2 =	vld [tilespmem:s8+$0xFFFFFFE0]  }
0x753: {  	v3 =	vld [tilespmem:s8+$0xFFFFFFF0]  }
0x754: {  	s6 =	sadd.s32 $0x100, s6;
	v4 =	vld [tilespmem:s8+$0x0]  }
0x755: {  	[tilespmem:s6+$0x0] =	vst.add.f32.msk $0xffff, v0  }
0x756: {  	v0 =	vld [tilespmem:s8+$0x10]  }
0x757: {  	v5 =	vld [tilespmem:s8+$0x20]  }
0x758: {  	v6 =	vld [tilespmem:s8+$0xFFFFFFC0]  }
0x759: {  	[tilespmem:s6+$0xFFFFFFA0] =	vst.add.f32.msk $0xffff, v1  }
0x75a: {  	[tilespmem:s6+$0xFFFFFFB0] =	vst.add.f32.msk $0xffff, v2  }
.Ltmp94:
0x75b: {  	[tilespmem:s6+$0xFFFFFFC0] =	vst.add.f32.msk $0xffff, v3;
	(pc) =	sbr.rel @p0 .LBB2_190-.Ltmp94, $4  }
0x75c: {  	[tilespmem:s6+$0xFFFFFFD0] =	vst.add.f32.msk $0xffff, v4  }
0x75d: {  	[tilespmem:s6+$0xFFFFFF90] =	vst.add.f32.msk $0xffff, v6  }
0x75e: {  	[tilespmem:s6+$0xFFFFFFE0] =	vst.add.f32.msk $0xffff, v0  }
0x75f: {  	s8 =	sadd.s32 $0x80, s8;
	[tilespmem:s6+$0xFFFFFFF0] =	vst.add.f32.msk $0xffff, v5  }
0x760: {  	s11 =	sld [smem:$0x7ED];
	_ =	sdelay $0x1  }
0x761: {  	s6 =	simm.s32 $0x8080  }
0x762: {  	s7 =	simm.s32 $0x10;
	s8 =	simm.s32 $0x8180;
	s10 =	sadd.s32 $0x0, s11  }
.LBB2_192:
0x763: {  	[hbm4b:s10+s1] =	stream.linear.scatter [tilespmem:s6], [sflag:$0x5], $0x80, $0x38;
	[tilespmem:$0x18000] =	vst v63  }
0x764: {  	s10 =	smov.u32 s7;
	s6 =	smov.u32 s8;
	p0 =	sne.s32 s7, $0xFF0  }
.Ltmp95:
0x765: {  	s7 =	sadd.s32 $0x10, s7;
	(pc) =	sbr.rel @p0 .LBB2_192-.Ltmp95, $2  }
0x766: {  	_ =	sdelay $0x2  }
0x767: {  	s8 =	sadd.s32 $0x100, s8;
	s10 =	sadd.s32 s10, s11  }
0x768: {  	[hbm4b:s10+s1] =	stream.linear.scatter [tilespmem:s6], [sflag:$0x5], $0x80, $0x38;
	[tilespmem:$0x18000] =	vst v63  }
0x769: {  	s17 =	simm.s32 $0x4  }
0x76a: {  	_ =	swait.ge [sflag:s17], $0x8000  }
0x76b: {  	[sflag:s17] =	ssyncset.done $0x0  }
0x76c: {  	s7 =	simm.s32 $0x5;
	[sflag:s17] =	ssyncadd.s32 $0xFFFF8000  }
0x76d: {  	_ =	swait.ge [sflag:s7], $0x8000  }
0x76e: {  	s8 =	sld [smem:$0x7D0]  }
0x76f: {  	s19 =	sld [smem:$0x7EF];
	_ =	sdelay $0x1  }
0x770: {  	s8 =	sadd.s32 $0x1, s8  }
0x771: {  	p0 =	sne.s32 s8, s19  }
.Ltmp96:
0x772: {  	_ = 	snop;
	(pc) =	sbr.rel @p0 .LBB2_1-.Ltmp96, $3  }
0x773: {  	_ =	sdelay $0x1  }
0x774: {  	[sflag:s7] =	ssyncset.done $0x0  }
0x775: {  	[sflag:s7] =	ssyncadd.s32 $0xFFFF8000  }
0x776: {  	_ =	sfence.sel $0x180000  }
0x777: {  	[bflag:$0x0] =	sbarrier.arrive $0xFFFF  }
0x778: {  	_ =	strace $0x9000004D  }
0x779: {  	s0 =	stileid.u32;
	[bflag:$0x2] =	sbarrier.arrive $0xFFFF  }
0x77a: {  	p0 =	sne.s32 s0, $0x0;
	s0 =	rddreg [dreg:$0x2]  }
0x77b: {  	s0 =	sadd.s32 @!p0 $0x100000, s0  }
0x77c: {  	[sflag:s0] =	ssyncadd.tile.s32 @!p0 $0x1;
	_ =	shalt  }
.Lfunc_end2:
_tile_overlayer_lowered:
.L_overlay_start_2:
0x77d: {  	(tag) =	ssettag $0x2  }
0x77e: {  	s0 =	rddreg [dreg:$0x0];
	s2 =	stileid.u32  }
0x77f: {  	s1 =	rddreg [dreg:$0x1];
	p0 =	sne.s32 s2, $0x0  }
0x780: {  	s3 =	rddreg [dreg:$0x2];
	[bflag:$0x3] =	sbarrier.arrive $0xFFFF;
	s2 =	simm.s32 @!p0 $0x1C06  }
0x781: {  	[timem:s3], [sflag:s2] =	dma.local @!p0 [hbm:s0], s1  }
0x782: {  	s0 =	simm.s32 @!p0 $0x6  }
0x783: {  	_ =	swait.ge @!p0 [sflag:s0], s1  }
0x784: {  	s1 =	ssub.s32 @!p0 $0x0, s1;
	[sflag:s0] =	ssyncset.done @!p0 $0x0  }
0x785: {  	[sflag:s0] =	ssyncadd.s32 @!p0 s1  }
0x786: {  	[bflag:$0x3] =	sbarrier.arrive $0xFFFF  }
0x787: {  	_ =	shalt  }

// kernel: sparse-core-data-format-call.1.cloned.1.call-start
scs
called_computation.1_lowered:
.L_overlay_start_0:
0x0: {  	s2 =	sld [smem:$0x3FD9]  }
0x1: {  	s3 =	sld [smem:$0x3FFE];
	_ =	sdelay $0x1  }
0x2: {  	s1 =	srdreg.scid  }
0x3: {  	s0 =	sand.u32 $0x1, s1  }
0x4: {  	s19 =	sshll.u32 s0, $0xA;
	s2 =	sadd.s32 s3, s2  }
0x5: {  	s2 =	sadd.s32 s2, s19  }
0x6: {  	[smem:$0x3FC6] =	sst s2  }
0x7: {  	_ = 	snop  }
0x8: {  	s20 =	sld [smem:$0x3FC9]  }
0x9: {  	s4 =	sld [smem:$0x3FD0];
	(tm) =	ssettm $0x1  }
0xa: {  	s21 =	sld [smem:$0x3FFB];
	_ =	sdelay $0x3  }
0xb: {  	_ =	strace s21  }
0xc: {  	s2 =	sld [smem:$0x3FFC];
	_ =	sdelay $0x3  }
0xd: {  	_ =	strace s2  }
0xe: {  	s2 =	sld [smem:$0x3FFD];
	_ =	sdelay $0x3  }
0xf: {  	_ =	strace s2  }
0x10: {  	_ =	strace $0x8FFFFFFF  }
0x11: {  	s22 =	sld [smem:$0x3FDB];
	_ =	sdelay $0x1  }
0x12: {  	s5 =	simm.s32 $_scs_section_size  }
0x13: {  	s6 =	simm.s32 $_size__tile_overlayer_lowered;
	s7 =	simm.s32 $_tile_overlayer_lowered  }
0x14: {  	s8 =	simm.s32 $0x1BFF;
	s23 =	sshll.u32 s7, $0x1;
	s5 =	sadd.s32 s5, s22  }
0x15: {  	s24 =	simm.s32 $0x0;
	s6 =	sshll.u32 s6, $0x1;
	s7 =	sadd.s32 s23, s5  }
0x16: {  	[timem:s24], [sflag:s8] =	dma.local [hbm:s7], s6  }
0x17: {  	_ =	swait.ge [sflag:s8], s6  }
0x18: {  	s6 =	ssub.s32 $0x0, s6;
	[sflag:s8] =	ssyncset.done $0x0  }
0x19: {  	[sflag:s8] =	ssyncadd.s32 s6;
	_ =	sdelay $0x1  }
0x1a: {  	s25 =	simm.s32 $0x1B8B  }
0x1b: {  	_ =	swait.ge [sflag:s25], $0x1  }
0x1c: {  	[sflag:s25] =	ssyncset.done $0x0  }
0x1d: {  	[sflag:s25] =	ssyncadd.s32 $0xFFFFFFFF  }
0x1e: {  	s6 =	sld [smem:$0x0]  }
0x1f: {  	s7 =	sand.u32 $0xFFFFFFFE, s1  }
0x20: {  	p0 =	sne.s32 s1, s7  }
0x21: {  	s7 =	sshll.u32 @p0 s7, $0xE  }
0x22: {  	s7 =	sadd.s32 @p0 $0x11B8D, s7;
	s8 =	sshll.u32 @p0 s6, $0x11  }
0x23: {  	s7 =	sor.u32 @p0 s8, s7  }
0x24: {  	[sflag:s7] =	ssyncadd.remote.s32 @p0 $0x1;
	_ =	sdelay $0x1  }
0x25: {  	s7 =	simm.s32 @p0 $0x1B8D  }
0x26: {  	_ =	swait.eq @p0 [sflag:s7], $0x1  }
0x27: {  	[sflag:s7] =	ssyncadd.s32 @p0 $0xFFFFFFFF  }
0x28: {  	s8 =	sshll.u32 @!p0 s1, $0xE  }
0x29: {  	s8 =	sor.u32 @!p0 $0x4000, s8;
	s7 =	simm.s32 @!p0 $0x1B8D  }
0x2a: {  	s6 =	sshll.u32 @!p0 s6, $0x11;
	s8 =	sadd.s32 @!p0 $0x11B8D, s8;
	_ =	swait.eq @!p0 [sflag:s7], $0x1  }
0x2b: {  	s6 =	sor.u32 @!p0 s6, s8;
	[sflag:s7] =	ssyncadd.s32 @!p0 $0xFFFFFFFF  }
0x2c: {  	s26 =	simm.s32 $0x1B8E;
	[sflag:s6] =	ssyncadd.remote.s32 @!p0 $0x1  }
0x2d: {  	s27 =	simm.s32 $execute0_lowered;
	[smem:$0x3FD2] =	sst s26  }
0x2e: {  	s6 =	sshll.u32 s27, $0x1;
	_ =	strace $0x80000049;
	[dreg:$0x1] =	wrdreg $0xFFFFFFFF  }
0x2f: {  	s28 =	simm.s32 $_size_execute0_lowered;
	s5 =	sadd.s32 s5, s6;
	[dreg:$0x0] =	wrdreg $0x0  }
0x30: {  	s6 =	sshll.u32 s28, $0x1;
	[dreg:$0x2] =	wrdreg s5  }
0x31: {  	[dreg:$0x3] =	wrdreg s6  }
0x32: {  	[dreg:$0x4] =	wrdreg $0xC0  }
0x33: {  	_ =	task [dreg:s24], $0x5FFFF  }
0x34: {  	[dreg:$0x1] =	wrdreg $0xFFFFFFFF  }
0x35: {  	[dreg:$0x0] =	wrdreg $0x60  }
0x36: {  	[dreg:$0x2] =	wrdreg s20  }
0x37: {  	[dreg:$0x3] =	wrdreg s4  }
0x38: {  	[dreg:$0x4] =	wrdreg $0xA  }
0x39: {  	_ =	task.clear_ibuf [dreg:s24], $0x5FFFF;
	_ =	strace $0x90000049  }
0x3a: {  	s29 =	simm.s32 $0xA;
	_ =	strace $0x8000004B  }
0x3b: {  	_ =	swait.ge [sflag:s29], $0x1  }
0x3c: {  	[sflag:s29] =	ssyncadd.s32 $0xFFFFFFFF  }
0x3d: {  	_ =	strace $0x9000004B  }
0x3e: {  	_ =	sfence  }
0x3f: {  	s30 =	sld [smem:$0x0];
	_ =	sdelay $0x2  }
0x40: {  	s31 =	sshll.u32 s1, $0xD;
	s1 =	sshrl.u32 s1, $0x2  }
0x41: {  	s4 =	sand.u32 $0x4000, s31;
	s1 =	sadd.s32 s1, s30  }
0x42: {  	s0 =	sor.u32 s4, s0;
	s1 =	sshll.u32 s1, $0x11  }
0x43: {  	s0 =	sor.u32 s1, s0  }
0x44: {  	s0 =	sadd.s32 $0x8F2B, s0  }
0x45: {  	[sflag:s0] =	ssyncadd.remote.s32 $0x1  }
0x46: {  	_ =	sfence.sel $0xFFFF  }
0x47: {  	[dreg:$0x0] =	wrdreg $0xFFFFFFFF;
	(pc) =	sbr.abs _section_cstart, $3  }
0x48: {  	[dreg:$0x1] =	wrdreg $0xFFFFFFFF  }
0x49: {  	_ =	task.clear_ibuf [dreg:s24], $0x2FFFF;
	_ =	strace $0x9FFFFFFF  }
0x4a: {  	(tm) =	ssettm $0x7FFFFFFF  }
0x4b: {  	_ =	shalt  }
tec
execute0_lowered:
.L_overlay_start_1:
0x0: {  	(tag) =	ssettag $0x1  }
0x1: {  	s0 =	srdreg.scid  }
0x2: {  	s1 =	sshll.u32 s0, $0x4  }
0x3: {  	s2 =	rddreg [dreg:$0x0];
	s0 =	stileid.u32;
	s1 =	sand.u32 $0x10, s1  }
0x4: {  	s4 =	rddreg [dreg:$0x1];
	s1 =	sor.u32 s0, s1  }
0x5: {  	s7 =	simm.s32 $0x1;
	s8 =	simm.s32 $0x2;
	s3 =	sshll.u32 s1, $0x1  }
0x6: {  	s9 =	simm.s32 $0x0;
	s12 =	simm.s32 $0x0;
	s6 =	ssub.s32 $0x1000, s3  }
.Ltmp0:
0x7: {  	s11 =	simm.s32 $0x0;
	s5 =	sand.u32 $0x3E, s6;
	(pc) =	sbr.rel .LBB1_1-.Ltmp0, $4  }
0x8: {  	s1 =	rddreg [dreg:$0x2];
	_ =	strace $0x8000004A;
	p0 =	sne.s32 s5, $0x0  }
0x9: {  	s6 =	sshrl.u32 s6, $0x6;
	s5 =	simm.s32 $0x1;
	s7 =	simm.s32 @!p0 $0x0  }
0xa: {  	s10 =	smov.u32 s3;
	[sflag:s5] =	ssyncpa.u1 $0x0;
	s6 =	sadd.s32 s7, s6  }
0xb: {  	[sflag:s8] =	ssyncpa.u1 $0x0;
	s8 =	simm.s32 $0x0;
	s7 =	sadd.s32 $0x1, s6  }
.LBB1_9:
0xc: {  	s14 =	sadd.s32 $0x40, s10  }
0xd: {  	p1 =	sgt.s32 s14, $0xFFF  }
0xe: {  	s14 =	smov.u32 @p1 s3;
	p1 =	sne.s32 s11, s7  }
.Ltmp1:
0xf: {  	p0 =	slt.u32 s11, $0x2;
	(pc) =	sbr.rel @!p1 .LBB1_10-.Ltmp1, $4  }
0x10: {  	s13 =	simm.s32 @!p0 $0x2  }
0x11: {  	s15 =	sadd.s32 $0x1, s11;
	_ =	swait.ge @!p0 [sflag:s13], $0x4000  }
0x12: {  	s12 =	smov.u32 s10;
	s9 =	sadd.s32 $0x4000, s9;
	[sflag:s13] =	ssyncset.done @!p0 $0x0  }
0x13: {  	s11 =	smov.u32 s15;
	s10 =	smov.u32 s14;
	[sflag:s13] =	ssyncadd.s32 @!p0 $0xFFFFC000  }
.LBB1_1:
0x14: {  	p0 =	sge.u32 s11, s6  }
0x15: {  	s13 =	sxor.u32 @!p0 $0xFFFFFFFF, s11  }
0x16: {  	s31 =	sadd.s32 $0xFFFFFFFF, s11;
	s14 =	sshll.u32 @!p0 s10, $0xA;
	s13 =	sshll.u32 @!p0 s13, $0xE  }
0x17: {  	s15 =	simm.s32 @!p0 $0x0;
	s14 =	sadd.s32 @!p0 s2, s14;
	s13 =	sand.u32 @!p0 $0x4000, s13  }
0x18: {  	[tilespmem:s13], [sflag:$0x1] =	stream.linear.gather @!p0 [hbm4b:s14+s15], $0x4000, $0x38;
	[tilespmem:$0x10000] =	vst v63  }
0x19: {  	p0 =	sge.u32 s31, s6  }
.Ltmp2:
0x1a: {  	_ = 	snop;
	(pc) =	sbr.rel @p0 .LBB1_9-.Ltmp2, $1  }
0x1b: {  	_ =	sdelay $0x3  }
0x1c: {  	s13 =	sshll.u32 s9, $0x2  }
0x1d: {  	_ =	swait.ge [sflag:s5], $0x4000;
	s14 =	sshll.u32 s11, $0xE;
	s16 =	simm.s32 $0x0  }
0x1e: {  	p1 =	por $0x1, $0x1;
	s13 =	sand.u32 $0x10000, s13;
	[sflag:s5] =	ssyncset.done $0x0  }
0x1f: {  	s14 =	sand.u32 $0x4000, s14;
	s15 =	sshrl.u32 s13, $0x2;
	[sflag:s5] =	ssyncadd.s32 $0xFFFFC000  }
0x20: {  	s13 =	sor.u32 $0x8000, s14;
	s14 =	sadd.s32 $0x8040, s15;
	s15 =	sadd.s32 $0x40, s15  }
.LBB1_3:
0x21: {  	s16 =	sshll.u32 s16, $0x2  }
0x22: {  	p0 =	por p1, p1;
	s17 =	sshra.s32 s16, $0x2  }
0x23: {  	s18 =	simm.s32 $0x0;
	s16 =	sadd.s32 s17, s14;
	s17 =	sadd.s32 s17, s15  }
.LBB1_4:
0x24: {  	v0 =	vmov s17;
	_ =	sdelay $0x3  }
0x25: {  	s20 =	simm.s32 $0x0  }
0x26: {  	v6 =	vld.idx.msk [tilespmem:v0+s20+$0x30 ss:$0x1], $0xffff  }
0x27: {  	v7 =	vld.idx.msk [tilespmem:v0+s20+$0xFFFFFFC0 ss:$0x1], $0xffff  }
0x28: {  	v5 =	vld.idx.msk [tilespmem:v0+s20+$0xFFFFFFD0 ss:$0x1], $0xffff  }
0x29: {  	v4 =	vld.idx.msk [tilespmem:v0+s20+$0xFFFFFFE0 ss:$0x1], $0xffff  }
0x2a: {  	v3 =	vld.idx.msk [tilespmem:v0+s20+$0xFFFFFFF0 ss:$0x1], $0xffff  }
0x2b: {  	v1 =	vld.idx.msk [tilespmem:v0+s20+$0x0 ss:$0x1], $0xffff  }
0x2c: {  	v2 =	vld.idx.msk [tilespmem:v0+s20+$0x10 ss:$0x1], $0xffff;
	[tilespmem:s16+$0x30] =	vst v6  }
0x2d: {  	s19 =	simm.s32 $0x80;
	s21 =	simm.s32 $0x400;
	[tilespmem:s16+$0xFFFFFFC0] =	vst v7;
	v6 =	vld.idx.msk [tilespmem:v0+s20+$0x20 ss:$0x1], $0xffff;
	s20 =	smov.u32 s16  }
.LBB1_5:
0x2e: {  	p1 =	sne.s32 s21, $0xE00;
	v7 =	vld.idx.msk [tilespmem:v0+s19+$0x30 ss:$0x1], $0xffff;
	[tilespmem:s20+$0xFFFFFFD0] =	vst v5  }
0x2f: {  	v8 =	vld.idx.msk [tilespmem:v0+s19+$0xFFFFFFC0 ss:$0x1], $0xffff;
	[tilespmem:s20+$0xFFFFFFE0] =	vst v4  }
0x30: {  	v5 =	vld.idx.msk [tilespmem:v0+s19+$0xFFFFFFD0 ss:$0x1], $0xffff;
	[tilespmem:s20+$0xFFFFFFF0] =	vst v3  }
.Ltmp3:
0x31: {  	v4 =	vld.idx.msk [tilespmem:v0+s19+$0xFFFFFFE0 ss:$0x1], $0xffff;
	[tilespmem:s20+$0x0] =	vst v1;
	(pc) =	sbr.rel @p1 .LBB1_5-.Ltmp3, $4  }
0x32: {  	v3 =	vld.idx.msk [tilespmem:v0+s19+$0xFFFFFFF0 ss:$0x1], $0xffff;
	[tilespmem:s20+$0x10] =	vst v2  }
0x33: {  	v1 =	vld.idx.msk [tilespmem:v0+s19+$0x0 ss:$0x1], $0xffff;
	[tilespmem:s20+$0x20] =	vst v6;
	s20 =	sadd.s32 $0x400, s20  }
0x34: {  	v2 =	vld.idx.msk [tilespmem:v0+s19+$0x10 ss:$0x1], $0xffff;
	[tilespmem:s20+$0x30] =	vst v7  }
0x35: {  	[tilespmem:s20+$0xFFFFFFC0] =	vst v8;
	v6 =	vld.idx.msk [tilespmem:v0+s19+$0x20 ss:$0x1], $0xffff;
	s19 =	sshra.s32 s21, $0x2;
	s21 =	sadd.s32 $0x200, s21  }
0x36: {  	_ =	sdelay $0x2  }
0x37: {  	[tilespmem:s20+$0xFFFFFFD0] =	vst v5  }
0x38: {  	v56 =	vld.idx.msk [tilespmem:v0+s19+$0x30 ss:$0x1], $0xffff;
	[tilespmem:s20+$0xFFFFFFE0] =	vst v4  }
0x39: {  	v57 =	vld.idx.msk [tilespmem:v0+s19+$0xFFFFFFC0 ss:$0x1], $0xffff;
	[tilespmem:s20+$0xFFFFFFF0] =	vst v3  }
0x3a: {  	v58 =	vld.idx.msk [tilespmem:v0+s19+$0xFFFFFFD0 ss:$0x1], $0xffff;
	[tilespmem:s20+$0x0] =	vst v1  }
0x3b: {  	v59 =	vld.idx.msk [tilespmem:v0+s19+$0xFFFFFFE0 ss:$0x1], $0xffff;
	[tilespmem:s20+$0x10] =	vst v2  }
0x3c: {  	v60 =	vld.idx.msk [tilespmem:v0+s19+$0xFFFFFFF0 ss:$0x1], $0xffff;
	s31 =	sadd.s32 $0x400, s20;
	[tilespmem:s20+$0x20] =	vst v6  }
0x3d: {  	v61 =	vld.idx.msk [tilespmem:v0+s19+$0x0 ss:$0x1], $0xffff;
	[tilespmem:s31+$0x30] =	vst v56  }
0x3e: {  	v62 =	vld.idx.msk [tilespmem:v0+s19+$0x10 ss:$0x1], $0xffff;
	s18 =	sadd.s32 $0x1, s18;
	[tilespmem:s31+$0xFFFFFFC0] =	vst v57  }
0x3f: {  	v63 =	vld.idx.msk [tilespmem:v0+s19+$0x20 ss:$0x1], $0xffff;
	p1 =	sne.s32 s18, $0x8;
	[tilespmem:s31+$0xFFFFFFD0] =	vst v58  }
.Ltmp4:
0x40: {  	[tilespmem:s31+$0xFFFFFFE0] =	vst v59;
	(pc) =	sbr.rel @p1 .LBB1_4-.Ltmp4, $4  }
0x41: {  	[tilespmem:s31+$0xFFFFFFF0] =	vst v60  }
0x42: {  	[tilespmem:s31+$0x0] =	vst v61  }
0x43: {  	[tilespmem:s31+$0x10] =	vst v62  }
0x44: {  	s16 =	sadd.s32 $0x80, s16;
	s17 =	sadd.s32 $0x400, s17;
	[tilespmem:s31+$0x20] =	vst v63  }
.Ltmp5:
0x45: {  	(pc) =	sbr.rel @p0 .LBB1_3-.Ltmp5, $2  }
0x46: {  	_ =	sdelay $0x2  }
0x47: {  	s16 =	simm.s32 $0x2000;
	p1 =	por $0x0, $0x0  }
.Ltmp6:
0x48: {  	(pc) =	sbr.rel .LBB1_9-.Ltmp6, $4  }
0x49: {  	_ = 	snop  }
0x4a: {  	s12 =	sshll.u32 s12, $0xA  }
0x4b: {  	s12 =	sadd.s32 s4, s12  }
0x4c: {  	[hbm4b:s12+s8] =	stream.linear.scatter [tilespmem:s13], [sflag:$0x2], $0x4000, $0x38;
	[tilespmem:$0x10000] =	vst v63  }
.LBB1_10:
0x4d: {  	_ =	sfence.sel $0x180000  }
0x4e: {  	s2 =	simm.s32 $0x1;
	[bflag:$0x0] =	sbarrier.arrive $0xFFFF  }
0x4f: {  	s31 =	simm.s32 $0x2;
	[sflag:s2] =	ssyncpa.u1 $0x1  }
0x50: {  	[sflag:s31] =	ssyncpa.u1 $0x1  }
0x51: {  	p0 =	sne.s32 s0, $0x0;
	_ =	strace $0x9000004A  }
0x52: {  	s0 =	sadd.s32 @!p0 $0x100000, s1;
	[bflag:$0x2] =	sbarrier.arrive $0xFFFF  }
0x53: {  	[sflag:s0] =	ssyncadd.tile.s32 @!p0 $0x1;
	_ =	shalt  }
.Lfunc_end1:
_tile_overlayer_lowered:
.L_overlay_start_2:
0x54: {  	(tag) =	ssettag $0x2  }
0x55: {  	s0 =	rddreg [dreg:$0x0];
	s2 =	stileid.u32  }
0x56: {  	s1 =	rddreg [dreg:$0x1];
	p0 =	sne.s32 s2, $0x0  }
0x57: {  	s3 =	rddreg [dreg:$0x2];
	[bflag:$0x3] =	sbarrier.arrive $0xFFFF;
	s2 =	simm.s32 @!p0 $0x1C01  }
0x58: {  	[timem:s3], [sflag:s2] =	dma.local @!p0 [hbm:s0], s1  }
0x59: {  	s0 =	simm.s32 @!p0 $0x1  }
0x5a: {  	_ =	swait.ge @!p0 [sflag:s0], s1  }
0x5b: {  	s1 =	ssub.s32 @!p0 $0x0, s1;
	[sflag:s0] =	ssyncset.done @!p0 $0x0  }
0x5c: {  	[sflag:s0] =	ssyncadd.s32 @!p0 s1  }
0x5d: {  	[bflag:$0x3] =	sbarrier.arrive $0xFFFF  }
0x5e: {  	_ =	shalt  }

// kernel: sparse-core-data-format-call.cloned.1.call-start
scs
called_computation_lowered:
.L_overlay_start_0:
0x0: {  	s2 =	sld [smem:$0x3FD9]  }
0x1: {  	s3 =	sld [smem:$0x3FFE];
	_ =	sdelay $0x1  }
0x2: {  	s1 =	srdreg.scid  }
0x3: {  	s0 =	sand.u32 $0x1, s1  }
0x4: {  	s18 =	sshll.u32 s0, $0xA;
	s2 =	sadd.s32 s3, s2  }
0x5: {  	s2 =	sadd.s32 s2, s18  }
0x6: {  	[smem:$0x3FC6] =	sst s2  }
0x7: {  	_ = 	snop  }
0x8: {  	s2 =	sld [smem:$0x3FC8];
	(tm) =	ssettm $0x1  }
0x9: {  	s19 =	sld [smem:$0x3FFB];
	_ =	sdelay $0x3  }
0xa: {  	_ =	strace s19  }
0xb: {  	s3 =	sld [smem:$0x3FFC];
	_ =	sdelay $0x3  }
0xc: {  	_ =	strace s3  }
0xd: {  	s3 =	sld [smem:$0x3FFD];
	_ =	sdelay $0x3  }
0xe: {  	_ =	strace s3  }
0xf: {  	_ =	strace $0x8FFFFFFF  }
0x10: {  	s20 =	sld [smem:$0x3FDB];
	_ =	sdelay $0x1  }
0x11: {  	s4 =	simm.s32 $_scs_section_size  }
0x12: {  	s5 =	simm.s32 $_size__tile_overlayer_lowered;
	s6 =	simm.s32 $_tile_overlayer_lowered  }
0x13: {  	s23 =	simm.s32 $0x1BFF;
	s22 =	sshll.u32 s6, $0x1;
	s3 =	sadd.s32 s4, s20  }
0x14: {  	s7 =	simm.s32 $0x0;
	s21 =	sshll.u32 s5, $0x1;
	s5 =	sadd.s32 s22, s3  }
0x15: {  	[timem:s7], [sflag:s23] =	dma.local [hbm:s5], s21  }
0x16: {  	_ =	swait.ge [sflag:s23], s21  }
0x17: {  	s4 =	ssub.s32 $0x0, s21;
	[sflag:s23] =	ssyncset.done $0x0  }
0x18: {  	[sflag:s23] =	ssyncadd.s32 s4;
	_ =	sdelay $0x1  }
0x19: {  	s24 =	simm.s32 $0x1B8B  }
0x1a: {  	_ =	swait.ge [sflag:s24], $0x1  }
0x1b: {  	[sflag:s24] =	ssyncset.done $0x0  }
0x1c: {  	s26 =	simm.s32 $0x1B8E;
	s25 =	sld [smem:$0x3FFE];
	[sflag:s24] =	ssyncadd.s32 $0xFFFFFFFF  }
0x1d: {  	s27 =	simm.s32 $execute0_lowered;
	[smem:$0x3FD2] =	sst s26  }
0x1e: {  	s5 =	sshll.u32 s27, $0x1;
	_ =	strace $0x80000046;
	[dreg:$0x1] =	wrdreg $0xFFFFFFFF  }
0x1f: {  	s28 =	simm.s32 $_size_execute0_lowered;
	s3 =	sadd.s32 s3, s5;
	[dreg:$0x0] =	wrdreg $0x0  }
0x20: {  	s5 =	sshll.u32 s28, $0x1;
	[dreg:$0x2] =	wrdreg s3  }
0x21: {  	[dreg:$0x3] =	wrdreg s5  }
0x22: {  	[dreg:$0x4] =	wrdreg $0xC0  }
0x23: {  	_ =	task [dreg:s7], $0x5FFFF  }
0x24: {  	[dreg:$0x1] =	wrdreg $0xFFFFFFFF  }
0x25: {  	[dreg:$0x0] =	wrdreg $0x60  }
0x26: {  	[dreg:$0x2] =	wrdreg s2  }
0x27: {  	[dreg:$0x3] =	wrdreg s25  }
0x28: {  	[dreg:$0x4] =	wrdreg $0x9  }
0x29: {  	_ =	task.clear_ibuf [dreg:s7], $0x5FFFF;
	_ =	strace $0x90000046  }
0x2a: {  	s29 =	simm.s32 $0x9;
	_ =	strace $0x80000048  }
0x2b: {  	_ =	swait.ge [sflag:s29], $0x1  }
0x2c: {  	[sflag:s29] =	ssyncadd.s32 $0xFFFFFFFF  }
0x2d: {  	_ =	strace $0x90000048  }
0x2e: {  	_ =	sfence  }
0x2f: {  	s30 =	sld [smem:$0x0];
	_ =	sdelay $0x2  }
0x30: {  	s31 =	sshll.u32 s1, $0xD;
	s1 =	sshrl.u32 s1, $0x2  }
0x31: {  	s3 =	sand.u32 $0x4000, s31;
	s1 =	sadd.s32 s1, s30  }
0x32: {  	s0 =	sor.u32 s3, s0;
	s1 =	sshll.u32 s1, $0x11  }
0x33: {  	s0 =	sor.u32 s1, s0  }
0x34: {  	s0 =	sadd.s32 $0x8F2B, s0  }
0x35: {  	[sflag:s0] =	ssyncadd.remote.s32 $0x1  }
0x36: {  	_ =	sfence.sel $0xFFFF  }
0x37: {  	[dreg:$0x0] =	wrdreg $0xFFFFFFFF;
	(pc) =	sbr.abs _section_cstart, $3  }
0x38: {  	[dreg:$0x1] =	wrdreg $0xFFFFFFFF  }
0x39: {  	_ =	task.clear_ibuf [dreg:s7], $0x2FFFF;
	_ =	strace $0x9FFFFFFF  }
0x3a: {  	(tm) =	ssettm $0x7FFFFFFF  }
0x3b: {  	_ =	shalt  }
tec
execute0_lowered:
.L_overlay_start_1:
0x0: {  	(tag) =	ssettag $0x1  }
0x1: {  	s0 =	srdreg.scid  }
0x2: {  	s1 =	sshll.u32 s0, $0x4  }
0x3: {  	s2 =	rddreg [dreg:$0x0];
	s0 =	stileid.u32;
	s1 =	sand.u32 $0x10, s1  }
0x4: {  	s4 =	rddreg [dreg:$0x1];
	s7 =	simm.s32 $0x1;
	s1 =	sor.u32 s0, s1  }
0x5: {  	s8 =	simm.s32 $0x2;
	s9 =	simm.s32 $0x0;
	s3 =	sshll.u32 s1, $0x1  }
0x6: {  	s12 =	simm.s32 $0x0;
	s11 =	simm.s32 $0x0;
	s6 =	ssub.s32 $0x400, s3  }
.Ltmp0:
0x7: {  	s4 =	sadd.s32 $0xC00, s4;
	s5 =	sand.u32 $0x3E, s6;
	(pc) =	sbr.rel .LBB1_1-.Ltmp0, $4  }
0x8: {  	s1 =	rddreg [dreg:$0x2];
	_ =	strace $0x80000047;
	p0 =	sne.s32 s5, $0x0  }
0x9: {  	s6 =	sshrl.u32 s6, $0x6;
	s5 =	simm.s32 $0x1;
	s7 =	simm.s32 @!p0 $0x0  }
0xa: {  	s10 =	smov.u32 s3;
	[sflag:s5] =	ssyncpa.u1 $0x0;
	s6 =	sadd.s32 s7, s6  }
0xb: {  	[sflag:s8] =	ssyncpa.u1 $0x0;
	s8 =	simm.s32 $0x0;
	s7 =	sadd.s32 $0x1, s6  }
.LBB1_9:
0xc: {  	s14 =	sadd.s32 $0x40, s10  }
0xd: {  	p1 =	sgt.s32 s14, $0x3FF  }
0xe: {  	s14 =	smov.u32 @p1 s3;
	p1 =	sne.s32 s11, s7  }
.Ltmp1:
0xf: {  	p0 =	slt.u32 s11, $0x2;
	(pc) =	sbr.rel @!p1 .LBB1_10-.Ltmp1, $4  }
0x10: {  	s13 =	simm.s32 @!p0 $0x2  }
0x11: {  	s15 =	sadd.s32 $0x1, s11;
	_ =	swait.ge @!p0 [sflag:s13], $0x4000  }
0x12: {  	s12 =	smov.u32 s10;
	s9 =	sadd.s32 $0x4000, s9;
	[sflag:s13] =	ssyncset.done @!p0 $0x0  }
0x13: {  	s11 =	smov.u32 s15;
	s10 =	smov.u32 s14;
	[sflag:s13] =	ssyncadd.s32 @!p0 $0xFFFFC000  }
.LBB1_1:
0x14: {  	p0 =	sge.u32 s11, s6  }
0x15: {  	s13 =	sxor.u32 @!p0 $0xFFFFFFFF, s11  }
0x16: {  	s31 =	sadd.s32 $0xFFFFFFFF, s11;
	s14 =	sshll.u32 @!p0 s10, $0xA;
	s13 =	sshll.u32 @!p0 s13, $0xE  }
0x17: {  	s15 =	simm.s32 @!p0 $0x0;
	s14 =	sadd.s32 @!p0 s2, s14;
	s13 =	sand.u32 @!p0 $0x4000, s13  }
0x18: {  	[tilespmem:s13], [sflag:$0x1] =	stream.linear.gather @!p0 [hbm4b:s14+s15], $0x4000, $0x38;
	[tilespmem:$0x10000] =	vst v63  }
0x19: {  	p0 =	sge.u32 s31, s6  }
.Ltmp2:
0x1a: {  	_ = 	snop;
	(pc) =	sbr.rel @p0 .LBB1_9-.Ltmp2, $1  }
0x1b: {  	_ =	sdelay $0x3  }
0x1c: {  	s13 =	sshll.u32 s9, $0x2  }
0x1d: {  	_ =	swait.ge [sflag:s5], $0x4000;
	s14 =	sshll.u32 s11, $0xE;
	s16 =	simm.s32 $0x0  }
0x1e: {  	p1 =	por $0x1, $0x1;
	s13 =	sand.u32 $0x10000, s13;
	[sflag:s5] =	ssyncset.done $0x0  }
0x1f: {  	s14 =	sand.u32 $0x4000, s14;
	s15 =	sshrl.u32 s13, $0x2;
	[sflag:s5] =	ssyncadd.s32 $0xFFFFC000  }
0x20: {  	s13 =	sor.u32 $0x8000, s14;
	s14 =	sadd.s32 $0x8040, s15;
	s15 =	sadd.s32 $0x40, s15  }
.LBB1_3:
0x21: {  	s16 =	sshll.u32 s16, $0x2  }
0x22: {  	p0 =	por p1, p1;
	s17 =	sshra.s32 s16, $0x2  }
0x23: {  	s18 =	simm.s32 $0x0;
	s16 =	sadd.s32 s17, s14;
	s17 =	sadd.s32 s17, s15  }
.LBB1_4:
0x24: {  	v0 =	vmov s17;
	_ =	sdelay $0x3  }
0x25: {  	s20 =	simm.s32 $0x0  }
0x26: {  	v6 =	vld.idx.msk [tilespmem:v0+s20+$0x30 ss:$0x1], $0xffff  }
0x27: {  	v7 =	vld.idx.msk [tilespmem:v0+s20+$0xFFFFFFC0 ss:$0x1], $0xffff  }
0x28: {  	v5 =	vld.idx.msk [tilespmem:v0+s20+$0xFFFFFFD0 ss:$0x1], $0xffff  }
0x29: {  	v4 =	vld.idx.msk [tilespmem:v0+s20+$0xFFFFFFE0 ss:$0x1], $0xffff  }
0x2a: {  	v3 =	vld.idx.msk [tilespmem:v0+s20+$0xFFFFFFF0 ss:$0x1], $0xffff  }
0x2b: {  	v1 =	vld.idx.msk [tilespmem:v0+s20+$0x0 ss:$0x1], $0xffff  }
0x2c: {  	v2 =	vld.idx.msk [tilespmem:v0+s20+$0x10 ss:$0x1], $0xffff;
	[tilespmem:s16+$0x30] =	vst v6  }
0x2d: {  	s19 =	simm.s32 $0x80;
	s21 =	simm.s32 $0x400;
	[tilespmem:s16+$0xFFFFFFC0] =	vst v7;
	v6 =	vld.idx.msk [tilespmem:v0+s20+$0x20 ss:$0x1], $0xffff;
	s20 =	smov.u32 s16  }
.LBB1_5:
0x2e: {  	p1 =	sne.s32 s21, $0xE00;
	v7 =	vld.idx.msk [tilespmem:v0+s19+$0x30 ss:$0x1], $0xffff;
	[tilespmem:s20+$0xFFFFFFD0] =	vst v5  }
0x2f: {  	v8 =	vld.idx.msk [tilespmem:v0+s19+$0xFFFFFFC0 ss:$0x1], $0xffff;
	[tilespmem:s20+$0xFFFFFFE0] =	vst v4  }
0x30: {  	v5 =	vld.idx.msk [tilespmem:v0+s19+$0xFFFFFFD0 ss:$0x1], $0xffff;
	[tilespmem:s20+$0xFFFFFFF0] =	vst v3  }
.Ltmp3:
0x31: {  	v4 =	vld.idx.msk [tilespmem:v0+s19+$0xFFFFFFE0 ss:$0x1], $0xffff;
	[tilespmem:s20+$0x0] =	vst v1;
	(pc) =	sbr.rel @p1 .LBB1_5-.Ltmp3, $4  }
0x32: {  	v3 =	vld.idx.msk [tilespmem:v0+s19+$0xFFFFFFF0 ss:$0x1], $0xffff;
	[tilespmem:s20+$0x10] =	vst v2  }
0x33: {  	v1 =	vld.idx.msk [tilespmem:v0+s19+$0x0 ss:$0x1], $0xffff;
	[tilespmem:s20+$0x20] =	vst v6;
	s20 =	sadd.s32 $0x400, s20  }
0x34: {  	v2 =	vld.idx.msk [tilespmem:v0+s19+$0x10 ss:$0x1], $0xffff;
	[tilespmem:s20+$0x30] =	vst v7  }
0x35: {  	[tilespmem:s20+$0xFFFFFFC0] =	vst v8;
	v6 =	vld.idx.msk [tilespmem:v0+s19+$0x20 ss:$0x1], $0xffff;
	s19 =	sshra.s32 s21, $0x2;
	s21 =	sadd.s32 $0x200, s21  }
0x36: {  	_ =	sdelay $0x2  }
0x37: {  	[tilespmem:s20+$0xFFFFFFD0] =	vst v5  }
0x38: {  	v56 =	vld.idx.msk [tilespmem:v0+s19+$0x30 ss:$0x1], $0xffff;
	[tilespmem:s20+$0xFFFFFFE0] =	vst v4  }
0x39: {  	v57 =	vld.idx.msk [tilespmem:v0+s19+$0xFFFFFFC0 ss:$0x1], $0xffff;
	[tilespmem:s20+$0xFFFFFFF0] =	vst v3  }
0x3a: {  	v58 =	vld.idx.msk [tilespmem:v0+s19+$0xFFFFFFD0 ss:$0x1], $0xffff;
	[tilespmem:s20+$0x0] =	vst v1  }
0x3b: {  	v59 =	vld.idx.msk [tilespmem:v0+s19+$0xFFFFFFE0 ss:$0x1], $0xffff;
	[tilespmem:s20+$0x10] =	vst v2  }
0x3c: {  	v60 =	vld.idx.msk [tilespmem:v0+s19+$0xFFFFFFF0 ss:$0x1], $0xffff;
	s31 =	sadd.s32 $0x400, s20;
	[tilespmem:s20+$0x20] =	vst v6  }
0x3d: {  	v61 =	vld.idx.msk [tilespmem:v0+s19+$0x0 ss:$0x1], $0xffff;
	[tilespmem:s31+$0x30] =	vst v56  }
0x3e: {  	v62 =	vld.idx.msk [tilespmem:v0+s19+$0x10 ss:$0x1], $0xffff;
	s18 =	sadd.s32 $0x1, s18;
	[tilespmem:s31+$0xFFFFFFC0] =	vst v57  }
0x3f: {  	v63 =	vld.idx.msk [tilespmem:v0+s19+$0x20 ss:$0x1], $0xffff;
	p1 =	sne.s32 s18, $0x8;
	[tilespmem:s31+$0xFFFFFFD0] =	vst v58  }
.Ltmp4:
0x40: {  	[tilespmem:s31+$0xFFFFFFE0] =	vst v59;
	(pc) =	sbr.rel @p1 .LBB1_4-.Ltmp4, $4  }
0x41: {  	[tilespmem:s31+$0xFFFFFFF0] =	vst v60  }
0x42: {  	[tilespmem:s31+$0x0] =	vst v61  }
0x43: {  	[tilespmem:s31+$0x10] =	vst v62  }
0x44: {  	s16 =	sadd.s32 $0x80, s16;
	s17 =	sadd.s32 $0x400, s17;
	[tilespmem:s31+$0x20] =	vst v63  }
.Ltmp5:
0x45: {  	(pc) =	sbr.rel @p0 .LBB1_3-.Ltmp5, $2  }
0x46: {  	_ =	sdelay $0x2  }
0x47: {  	s16 =	simm.s32 $0x2000;
	p1 =	por $0x0, $0x0  }
.Ltmp6:
0x48: {  	(pc) =	sbr.rel .LBB1_9-.Ltmp6, $4  }
0x49: {  	_ = 	snop  }
0x4a: {  	s12 =	sshll.u32 s12, $0xA  }
0x4b: {  	s12 =	sadd.s32 s4, s12  }
0x4c: {  	[hbm4b:s12+s8] =	stream.linear.scatter [tilespmem:s13], [sflag:$0x2], $0x4000, $0x38;
	[tilespmem:$0x10000] =	vst v63  }
.LBB1_10:
0x4d: {  	_ =	sfence.sel $0x180000  }
0x4e: {  	s2 =	simm.s32 $0x1;
	[bflag:$0x0] =	sbarrier.arrive $0xFFFF  }
0x4f: {  	s31 =	simm.s32 $0x2;
	[sflag:s2] =	ssyncpa.u1 $0x1  }
0x50: {  	[sflag:s31] =	ssyncpa.u1 $0x1  }
0x51: {  	p0 =	sne.s32 s0, $0x0;
	_ =	strace $0x90000047  }
0x52: {  	s0 =	sadd.s32 @!p0 $0x100000, s1;
	[bflag:$0x2] =	sbarrier.arrive $0xFFFF  }
0x53: {  	[sflag:s0] =	ssyncadd.tile.s32 @!p0 $0x1;
	_ =	shalt  }
.Lfunc_end1:
_tile_overlayer_lowered:
.L_overlay_start_2:
0x54: {  	(tag) =	ssettag $0x2  }
0x55: {  	s0 =	rddreg [dreg:$0x0];
	s2 =	stileid.u32  }
0x56: {  	s1 =	rddreg [dreg:$0x1];
	p0 =	sne.s32 s2, $0x0  }
0x57: {  	s3 =	rddreg [dreg:$0x2];
	[bflag:$0x3] =	sbarrier.arrive $0xFFFF;
	s2 =	simm.s32 @!p0 $0x1C01  }
0x58: {  	[timem:s3], [sflag:s2] =	dma.local @!p0 [hbm:s0], s1  }
0x59: {  	s0 =	simm.s32 @!p0 $0x1  }
0x5a: {  	_ =	swait.ge @!p0 [sflag:s0], s1  }
0x5b: {  	s1 =	ssub.s32 @!p0 $0x0, s1;
	[sflag:s0] =	ssyncset.done @!p0 $0x0  }
0x5c: {  	[sflag:s0] =	ssyncadd.s32 @!p0 s1  }
0x5d: {  	[bflag:$0x3] =	sbarrier.arrive $0xFFFF  }
0x5e: {  	_ =	shalt  }

</sc_bundles>
